<compile_context>
chip_gen: v7x
topology: tpu7x:2x2x1
jax: 0.10.2.dev20260603
libtpu: 0.0.44.dev20260713+nightly
codegen_flags: <defaults>
</compile_context>

<pallas_src>
import functools

import jax
import jax.numpy as jnp
from jax import lax
from jax.experimental import pallas as pl
from jax.experimental.pallas import tpu as pltpu, tpu_sc as plsc

N = 50000
E = 1600000
D = 16
ROW = 128
RPG = 10
GRP = RPG * ROW
NGRP = E // GRP
NW = 32
NB = 5000
EPS_LN = 1e-5

NSL = 2
ESL = E // NSL
NGRP_SL = ESL // GRP
_GRP_BASE = NGRP_SL // NW
_GRP_EXTRA = NGRP_SL % NW
_NPAIR = (_GRP_BASE + 2) // 2
_NROWS_TILE = N // 16

RPG_S = 2
GRP_S = RPG_S * ROW
NGRP_S_SL = ESL // GRP_S
_NW_S = NW // NSL
_GRP_S_BASE = NGRP_S_SL // _NW_S
_GRP_S_EXTRA = NGRP_S_SL % _NW_S
_NPAIR_S = (_GRP_S_BASE + 2) // 2


def _layer(X, W, b, g, be, act):
    Z = jnp.dot(X, W, preferred_element_type=jnp.float32) + b
    mu = jnp.mean(Z, axis=-1, keepdims=True)
    Zc = Z - mu
    var = jnp.mean(Zc * Zc, axis=-1, keepdims=True)
    Y = Zc * lax.rsqrt(var + EPS_LN) * g + be
    if act == 'silu':
        Y = Y * jax.nn.sigmoid(Y)
    elif act == 'tanh':
        Y = jnp.tanh(Y)
    return Y


def _enc_body(x_ref, W1, b1, g1, be1, W2, b2, g2, be2, o_ref):
    X = x_ref[...]
    A = _layer(X, W1[...], b1[...], g1[...], be1[...], 'silu')
    o_ref[...] = _layer(A, W2[...], b2[...], g2[...], be2[...], 'silu')


def _run_enc(x, p, interpret=False):
    (W1, b1, g1, be1), (W2, b2, g2, be2) = p
    params = [W1, b1.reshape(1, -1), g1.reshape(1, -1), be1.reshape(1, -1),
              W2, b2.reshape(1, -1), g2.reshape(1, -1), be2.reshape(1, -1)]
    in_specs = [pl.BlockSpec((NB, x.shape[1]), lambda i: (i, 0))]
    in_specs += [pl.BlockSpec(w.shape, lambda i: (0, 0)) for w in params]
    return pl.pallas_call(
        _enc_body,
        grid=(N // NB,),
        in_specs=in_specs,
        out_specs=pl.BlockSpec((NB, D), lambda i: (i, 0)),
        out_shape=jax.ShapeDtypeStruct((N, D), jnp.float32),
        interpret=interpret,
    )(x, *params)


def _gather_body(sl_ofs, h_hbm, s2d_hbm, e2d_hbm, hs_hbm, he_hbm, *refs):
    (idx_sa, idx_ea, idx_sb, idx_eb, buf_sa, buf_ea, buf_sb, buf_eb,
     sem_ia, sem_ib, sem_ga, sem_gb, sem_wa, sem_wb) = refs
    c = lax.axis_index("c")
    s = lax.axis_index("s")
    w = s * 2 + c
    g0 = w * _GRP_BASE + jnp.minimum(w, _GRP_EXTRA)
    cnt = _GRP_BASE + jnp.where(w < _GRP_EXTRA, 1, 0)

    def idx_cp(g, idx_s, idx_e, sem):
        a = pltpu.make_async_copy(
            s2d_hbm.at[pl.ds(RPG * (sl_ofs + g), RPG)], idx_s, sem)
        b = pltpu.make_async_copy(
            e2d_hbm.at[pl.ds(RPG * (sl_ofs + g), RPG)], idx_e, sem)
        return a, b

    def gath(idx_s, idx_e, buf_s, buf_e, sem):
        return ([pltpu.make_async_copy(h_hbm.at[idx_s.at[j]],
                                       buf_s.at[pl.ds(j * ROW, ROW)], sem)
                 for j in range(RPG)] +
                [pltpu.make_async_copy(h_hbm.at[idx_e.at[j]],
                                       buf_e.at[pl.ds(j * ROW, ROW)], sem)
                 for j in range(RPG)])

    def wb(g, buf_s, buf_e, sem):
        a = pltpu.make_async_copy(buf_s, hs_hbm.at[pl.ds(GRP * g, GRP)], sem)
        b = pltpu.make_async_copy(buf_e, he_hbm.at[pl.ds(GRP * g, GRP)], sem)
        return a, b

    @pl.when(cnt > 0)
    def _():
        for cp in idx_cp(g0, idx_sa, idx_ea, sem_ia):
            cp.start()

    def body(p, carry):
        ga = g0 + 2 * p
        gb = ga + 1
        na = 2 * p
        nb = 2 * p + 1

        @pl.when(nb < cnt)
        def _():
            for cp in idx_cp(gb, idx_sb, idx_eb, sem_ib):
                cp.start()

        @pl.when(na < cnt)
        def _():
            for cp in idx_cp(ga, idx_sa, idx_ea, sem_ia):
                cp.wait()

            @pl.when(p > 0)
            def _():
                for cp in wb(ga, buf_sa, buf_ea, sem_wa):
                    cp.wait()
            for cp in gath(idx_sa, idx_ea, buf_sa, buf_ea, sem_ga):
                cp.start()

        @pl.when(na < cnt)
        def _():
            for cp in gath(idx_sa, idx_ea, buf_sa, buf_ea, sem_ga):
                cp.wait()
            for cp in wb(ga, buf_sa, buf_ea, sem_wa):
                cp.start()

        @pl.when(na + 2 < cnt)
        def _():
            for cp in idx_cp(ga + 2, idx_sa, idx_ea, sem_ia):
                cp.start()

        @pl.when(nb < cnt)
        def _():
            for cp in idx_cp(gb, idx_sb, idx_eb, sem_ib):
                cp.wait()

            @pl.when(p > 0)
            def _():
                for cp in wb(gb, buf_sb, buf_eb, sem_wb):
                    cp.wait()
            for cp in gath(idx_sb, idx_eb, buf_sb, buf_eb, sem_gb):
                cp.start()
            for cp in gath(idx_sb, idx_eb, buf_sb, buf_eb, sem_gb):
                cp.wait()
            for cp in wb(gb, buf_sb, buf_eb, sem_wb):
                cp.start()

        return carry

    lax.fori_loop(0, _NPAIR, body, 0)

    @pl.when(cnt > 0)
    def _():
        for cp in wb(g0, buf_sa, buf_ea, sem_wa):
            cp.wait()

    @pl.when(cnt > 1)
    def _():
        for cp in wb(g0 + 1, buf_sb, buf_eb, sem_wb):
            cp.wait()


def _run_gather(h, s2d, e2d, sl):
    mesh = plsc.VectorSubcoreMesh(core_axis_name="c", subcore_axis_name="s")
    fn = pl.kernel(
        functools.partial(_gather_body, sl * NGRP_SL),
        out_type=(jax.ShapeDtypeStruct((ESL, D), jnp.float32),
                  jax.ShapeDtypeStruct((ESL, D), jnp.float32)),
        mesh=mesh,
        scratch_types=[
            pltpu.VMEM((RPG, ROW), jnp.int32),
            pltpu.VMEM((RPG, ROW), jnp.int32),
            pltpu.VMEM((RPG, ROW), jnp.int32),
            pltpu.VMEM((RPG, ROW), jnp.int32),
            pltpu.VMEM((GRP, D), jnp.float32),
            pltpu.VMEM((GRP, D), jnp.float32),
            pltpu.VMEM((GRP, D), jnp.float32),
            pltpu.VMEM((GRP, D), jnp.float32),
            pltpu.SemaphoreType.DMA,
            pltpu.SemaphoreType.DMA,
            pltpu.SemaphoreType.DMA,
            pltpu.SemaphoreType.DMA,
            pltpu.SemaphoreType.DMA,
            pltpu.SemaphoreType.DMA,
        ],
        compiler_params=pltpu.CompilerParams(use_tc_tiling_on_sc=False),
    )
    return fn(h, s2d, e2d)


EBR = 2000


def _edge_body(hs_ref, he_ref, W1a, W1b, b1, g1, be1, W2e, b2, g2, be2,
               B32, B17, P16, m16, s16, o_ref):
    Z = (jnp.dot(hs_ref[...], W1a[...], preferred_element_type=jnp.float32)
         + jnp.dot(he_ref[...], W1b[...], preferred_element_type=jnp.float32)
         + b1[...])
    mu = jnp.dot(Z, B32[...], preferred_element_type=jnp.float32)
    d = Z - mu
    var = jnp.dot(d * d, B32[...], preferred_element_type=jnp.float32)
    A = d * lax.rsqrt(var + EPS_LN) * g1[...] + be1[...]
    A = A * jax.nn.sigmoid(A)
    Z2 = jnp.dot(A, W2e[...], preferred_element_type=jnp.float32) + b2[...]
    mu2 = jnp.dot(Z2, B17[...], preferred_element_type=jnp.float32)
    d2 = Z2 - mu2
    var2 = jnp.dot(d2 * d2, B17[...], preferred_element_type=jnp.float32)
    Y = d2 * lax.rsqrt(var2 + EPS_LN) * g2[...] + be2[...]
    Y = Y * jax.nn.sigmoid(Y)
    expw = jnp.exp(jnp.dot(Y, P16[...], preferred_element_type=jnp.float32))
    o_ref[...] = (Y * m16[...] + s16[...]) * expw


def _edge_setup(p):
    (W1, b1, g1, be1), (W2, b2, g2, be2) = p
    I8 = jnp.eye(8, dtype=jnp.float32)
    pos = jnp.arange(32)
    W2p = jnp.pad(W2, ((0, 0), (0, 15)))
    seg17 = jnp.where(pos < 17, 1.0 / 17.0, 0.0)[:, None] * jnp.ones((1, 32))
    p16 = jnp.where(pos == 16, 1.0, 0.0)[:, None] * jnp.ones((1, 32))
    pad17 = lambda v: jnp.pad(v, (0, 15))
    return [
        jnp.kron(I8, W1[:D]), jnp.kron(I8, W1[D:]),
        jnp.tile(b1, 8).reshape(1, -1), jnp.tile(g1, 8).reshape(1, -1),
        jnp.tile(be1, 8).reshape(1, -1),
        jnp.kron(I8, W2p),
        jnp.tile(pad17(b2), 8).reshape(1, -1),
        jnp.tile(pad17(g2), 8).reshape(1, -1),
        jnp.tile(pad17(be2), 8).reshape(1, -1),
        jnp.kron(I8, jnp.full((32, 32), 1.0 / 32.0)),
        jnp.kron(I8, seg17),
        jnp.kron(I8, p16),
        jnp.tile(jnp.where(pos < D, 1.0, 0.0), 8).reshape(1, -1),
        jnp.tile(jnp.where(pos == D, 1.0, 0.0), 8).reshape(1, -1),
    ]


def _run_edge(hs_pk, he_pk, params, interpret=False):
    in_specs = [pl.BlockSpec((EBR, 128), lambda i: (i, 0)),
                pl.BlockSpec((EBR, 128), lambda i: (i, 0))]
    in_specs += [pl.BlockSpec(w.shape, lambda i: (0,) * w.ndim) for w in params]
    n_pk = hs_pk.shape[0]
    return pl.pallas_call(
        _edge_body,
        grid=(n_pk // EBR,),
        in_specs=in_specs,
        out_specs=pl.BlockSpec((EBR, 256), lambda i: (i, 0)),
        out_shape=jax.ShapeDtypeStruct((n_pk, 256), jnp.float32),
        interpret=interpret,
    )(hs_pk, he_pk, *params)


def _scatter_body(ew0_hbm, ew1_hbm, e2d_hbm, zeros_hbm, acc_hbm, *refs):
    (idx_a, idx_b, buf_a, buf_b, sem_a, sem_b, sem_z, acc) = refs
    c = lax.axis_index("c")
    s = lax.axis_index("s")
    w = s * 2 + c

    zcp = pltpu.make_async_copy(
        zeros_hbm.at[pl.ds(s * _NROWS_TILE, _NROWS_TILE)],
        acc.at[pl.ds(s * _NROWS_TILE, _NROWS_TILE)], sem_z)
    zcp.start()
    zcp.wait()
    plsc.subcore_barrier()

    def drain(ew_hbm, w_eff, sl):
        g0 = w_eff * _GRP_S_BASE + jnp.minimum(w_eff, _GRP_S_EXTRA)
        cnt = _GRP_S_BASE + jnp.where(w_eff < _GRP_S_EXTRA, 1, 0)
        idx_base = sl * NGRP_S_SL

        def fetch(g, idx, buf, sem):
            return (pltpu.make_async_copy(
                        ew_hbm.at[pl.ds(GRP_S * g, GRP_S)], buf, sem),
                    pltpu.make_async_copy(
                        e2d_hbm.at[pl.ds(RPG_S * (idx_base + g), RPG_S)],
                        idx, sem))

        def scat(idx, buf):
            for j in range(RPG_S):
                pltpu.sync_copy(buf.at[pl.ds(j * ROW, ROW)],
                                acc.at[idx.at[j]], add=True)

        for cp in fetch(g0, idx_a, buf_a, sem_a):
            cp.start()

        def body(p, carry):
            ga = g0 + 2 * p
            gb = ga + 1

            @pl.when(2 * p < cnt)
            def _():
                for cp in fetch(ga, idx_a, buf_a, sem_a):
                    cp.wait()

                @pl.when(2 * p + 1 < cnt)
                def _():
                    for cp in fetch(gb, idx_b, buf_b, sem_b):
                        cp.start()
                scat(idx_a, buf_a)

                @pl.when(2 * p + 2 < cnt)
                def _():
                    for cp in fetch(ga + 2, idx_a, buf_a, sem_a):
                        cp.start()

            @pl.when(2 * p + 1 < cnt)
            def _():
                for cp in fetch(gb, idx_b, buf_b, sem_b):
                    cp.wait()
                scat(idx_b, buf_b)
            return carry

        lax.fori_loop(0, _NPAIR_S, body, 0)

    @pl.when(w < _NW_S)
    def _():
        drain(ew0_hbm, w, 0)

    @pl.when(w >= _NW_S)
    def _():
        drain(ew1_hbm, w - _NW_S, 1)

    plsc.subcore_barrier()
    pltpu.sync_copy(acc.at[pl.ds(s * _NROWS_TILE, _NROWS_TILE)],
                    acc_hbm.at[c, pl.ds(s * _NROWS_TILE, _NROWS_TILE)])


def _run_scatter(ew0, ew1, e2d, zeros):
    mesh = plsc.VectorSubcoreMesh(core_axis_name="c", subcore_axis_name="s")
    fn = pl.kernel(
        _scatter_body,
        out_type=jax.ShapeDtypeStruct((2, N, 32), jnp.float32),
        mesh=mesh,
        scratch_types=[
            pltpu.VMEM((RPG_S, ROW), jnp.int32),
            pltpu.VMEM((RPG_S, ROW), jnp.int32),
            pltpu.VMEM((GRP_S, 32), jnp.float32),
            pltpu.VMEM((GRP_S, 32), jnp.float32),
            pltpu.SemaphoreType.DMA,
            pltpu.SemaphoreType.DMA,
            pltpu.SemaphoreType.DMA,
            pltpu.VMEM_SHARED((N, 32), jnp.float32),
        ],
        compiler_params=pltpu.CompilerParams(use_tc_tiling_on_sc=False),
    )
    return fn(ew0, ew1, e2d, zeros)


def _node_body(h_ref, acc_ref,
               Wn1a, Wn1b, bn1, gn1, ben1, Wn2, bn2, gn2, ben2,
               Wd1, bd1, gd1, bed1, Wd2, bd2, gd2, bed2, o_ref):
    accs = acc_ref[0] + acc_ref[1]
    agg = accs[:, :D] / (accs[:, D:D + 1] + 1e-16)
    Z = (jnp.dot(h_ref[...], Wn1a[...], preferred_element_type=jnp.float32)
         + jnp.dot(agg, Wn1b[...], preferred_element_type=jnp.float32)
         + bn1[...])
    mu = jnp.mean(Z, axis=-1, keepdims=True)
    Zc = Z - mu
    var = jnp.mean(Zc * Zc, axis=-1, keepdims=True)
    A = Zc * lax.rsqrt(var + EPS_LN) * gn1[...] + ben1[...]
    A = A * jax.nn.sigmoid(A)
    h3 = _layer(A, Wn2[...], bn2[...], gn2[...], ben2[...], 'silu')
    B1 = _layer(h3, Wd1[...], bd1[...], gd1[...], bed1[...], 'silu')
    T = _layer(B1, Wd2[...], bd2[...], gd2[...], bed2[...], 'tanh')
    nrm = jnp.sqrt(jnp.sum(T * T, axis=-1, keepdims=True)) + 1e-12
    o_ref[...] = T / nrm


def _run_node(h, acc, node_p, dec1_p, interpret=False):
    (Wn1, bn1, gn1, ben1), (Wn2, bn2, gn2, ben2) = node_p
    (Wd1, bd1, gd1, bed1), (Wd2, bd2, gd2, bed2) = dec1_p
    params = [Wn1[:D], Wn1[D:], bn1.reshape(1, -1), gn1.reshape(1, -1),
              ben1.reshape(1, -1), Wn2, bn2.reshape(1, -1), gn2.reshape(1, -1),
              ben2.reshape(1, -1),
              Wd1, bd1.reshape(1, -1), gd1.reshape(1, -1), bed1.reshape(1, -1),
              Wd2, bd2.reshape(1, -1), gd2.reshape(1, -1), bed2.reshape(1, -1)]
    in_specs = [pl.BlockSpec((NB, D), lambda i: (i, 0)),
                pl.BlockSpec((2, NB, 32), lambda i: (0, i, 0))]
    in_specs += [pl.BlockSpec(w.shape, lambda i: (0, 0)) for w in params]
    return pl.pallas_call(
        _node_body,
        grid=(N // NB,),
        in_specs=in_specs,
        out_specs=pl.BlockSpec((NB, 8), lambda i: (i, 0)),
        out_shape=jax.ShapeDtypeStruct((N, 8), jnp.float32),
        interpret=interpret,
    )(h, acc, *params)


def kernel(x, start, end, enc_p, net0_p, edge_p, node_p, dec0_p, dec1_p):
    del net0_p, dec0_p
    s2d = start.reshape(E // ROW, ROW)
    e2d = end.reshape(E // ROW, ROW)
    zeros = jnp.zeros((N, 32), jnp.float32)
    h = _run_enc(x, enc_p)
    eparams = _edge_setup(edge_p)
    hs0, he0 = _run_gather(h, s2d, e2d, 0)
    hs1, he1 = _run_gather(h, s2d, e2d, 1)
    ew0 = _run_edge(hs0.reshape(ESL // 8, 128), he0.reshape(ESL // 8, 128),
                    eparams)
    ew1 = _run_edge(hs1.reshape(ESL // 8, 128), he1.reshape(ESL // 8, 128),
                    eparams)
    acc = _run_scatter(ew0.reshape(ESL, 32), ew1.reshape(ESL, 32), e2d, zeros)
    return _run_node(h, acc, node_p, dec1_p)

# --- scband reference (transcript-rebuilt; emitter-appended) ---
"""Pipeline reference for scband-egg-net-82102594830787 (READ-ONLY COPY).

The authoritative reference and input builder live on the scoring server;
editing this copy changes nothing except your own understanding.
"""

import jax, jax.numpy as jnp
import numpy as np

N_NODES = 50000
N_EDGES = 1600000
IN_CH = 3
D = 16     # node_rep_dim
DE = 16    # edge_rep_dim
H = 32     # all hidden widths
PS = 8     # node_pspace_dim


def _make_mlp_params(key, sizes):
    ps = []
    for i in range(len(sizes) - 1):
        key, k1 = jax.random.split(key)
        W = jax.random.normal(k1, (sizes[i], sizes[i + 1]), dtype=jnp.float32) / np.sqrt(sizes[i])
        b = jnp.zeros((sizes[i + 1],), jnp.float32)
        g = jnp.ones((sizes[i + 1],), jnp.float32)
        be = jnp.zeros((sizes[i + 1],), jnp.float32)
        ps.append((W, b, g, be))
    return ps


def _run_mlp(x, params, out_act):
    n = len(params)
    for i, (W, b, g, be) in enumerate(params):
        x = x @ W + b
        mu = jnp.mean(x, axis=-1, keepdims=True)
        var = jnp.var(x, axis=-1, keepdims=True)
        x = (x - mu) / jnp.sqrt(var + 1e-5) * g + be  # LayerNorm
        if i < n - 1 or out_act == 'silu':
            x = jax.nn.silu(x)
        elif out_act == 'tanh':
            x = jnp.tanh(x)
    return x


def setup_inputs(seed: int = 0):
    key = jax.random.key(seed)
    ks = jax.random.split(key, 10)
    x = jax.random.normal(ks[0], (N_NODES, IN_CH), dtype=jnp.float32)
    start = jax.random.randint(ks[1], (N_EDGES,), 0, N_NODES, dtype=jnp.int32)
    end = jnp.sort(jax.random.randint(ks[2], (N_EDGES,), 0, N_NODES, dtype=jnp.int32))
    enc_p = _make_mlp_params(ks[3], [IN_CH, H, D])          # node_encoder
    net0_p = _make_mlp_params(ks[4], [D, H, D])             # node_network_0
    edge_p = _make_mlp_params(ks[5], [2 * D, H, DE + 1])    # edge_networks[0]
    node_p = _make_mlp_params(ks[6], [D + DE, H, D])        # node_networks[0]
    dec0_p = _make_mlp_params(ks[7], [D, H, PS])            # node_decoders[0]
    dec1_p = _make_mlp_params(ks[8], [D, H, PS])            # node_decoders[1]
    return {'x': x, 'start': start, 'end': end, 'enc_p': enc_p, 'net0_p': net0_p,
            'edge_p': edge_p, 'node_p': node_p, 'dec0_p': dec0_p, 'dec1_p': dec1_p}


def _forward(x, enc_p, net0_p, edge_p, node_p, dec0_p, dec1_p, start, end):
    N = x.shape[0]
    v = _run_mlp(x, enc_p, 'silu')
    h = _run_mlp(v, net0_p, 'silu')
    # node_decode at iter 0 (embedding_norm=True)
    emb0 = _run_mlp(h, dec0_p, 'tanh')
    emb0 = emb0 / (jnp.linalg.norm(emb0, axis=-1, keepdims=True) + 1e-12)
    # recycle_node_representation
    h = v
    # message_passing (n_iters=1, n_gnns_per_iter=1, j=0)
    e = jnp.concatenate([h[start], h[end]], axis=-1)
    e = _run_mlp(e, edge_p, 'silu')
    w = e[:, -1:]
    e = e[:, :-1]
    wmax = jax.ops.segment_max(w, end, num_segments=N)
    wmax = jnp.where(jnp.isfinite(wmax), wmax, 0.0)
    w = jnp.exp(w - jax.lax.stop_gradient(wmax)[end])
    denom = jax.ops.segment_sum(w, end, num_segments=N)
    w = w / (denom[end] + 1e-16)
    agg = jax.ops.segment_sum(e * w, end, num_segments=N)
    h = jnp.concatenate([h, agg], axis=-1)
    h = _run_mlp(h, node_p, 'silu')
    # final node_decode (i = -1)
    emb1 = _run_mlp(h, dec1_p, 'tanh')
    emb1 = emb1 / (jnp.linalg.norm(emb1, axis=-1, keepdims=True) + 1e-12)
    return emb1


def reference(x, start, end, enc_p, net0_p, edge_p, node_p, dec0_p, dec1_p):
    return _forward(x, enc_p, net0_p, edge_p, node_p, dec0_p, dec1_p, start, end)

if __name__ == "__main__":
    import jax
    _d = setup_inputs()
    print(jax.jit(kernel)(*tuple(_d.values())))

</pallas_src>

<mosaic_0001>
#map = affine_map<(d0, d1) -> (0, 0)>
module attributes {stable_mosaic.version = 14 : i64} {
  func.func @_gather_body(%arg0: i32, %arg1: i32, %arg2: memref<50000x16xf32, #tpu.memory_space<hbm>>, %arg3: memref<12500x128xi32, #tpu.memory_space<hbm>>, %arg4: memref<12500x128xi32, #tpu.memory_space<hbm>>, %arg5: memref<800000x16xf32, #tpu.memory_space<hbm>>, %arg6: memref<800000x16xf32, #tpu.memory_space<hbm>>, %arg7: memref<10x128xi32, #tpu.memory_space<vmem>>, %arg8: memref<10x128xi32, #tpu.memory_space<vmem>>, %arg9: memref<10x128xi32, #tpu.memory_space<vmem>>, %arg10: memref<10x128xi32, #tpu.memory_space<vmem>>, %arg11: memref<1280x16xf32, #tpu.memory_space<vmem>>, %arg12: memref<1280x16xf32, #tpu.memory_space<vmem>>, %arg13: memref<1280x16xf32, #tpu.memory_space<vmem>>, %arg14: memref<1280x16xf32, #tpu.memory_space<vmem>>, %arg15: memref<!tpu.dma_semaphore, #tpu.memory_space<semaphore_mem>>, %arg16: memref<!tpu.dma_semaphore, #tpu.memory_space<semaphore_mem>>, %arg17: memref<!tpu.dma_semaphore, #tpu.memory_space<semaphore_mem>>, %arg18: memref<!tpu.dma_semaphore, #tpu.memory_space<semaphore_mem>>, %arg19: memref<!tpu.dma_semaphore, #tpu.memory_space<semaphore_mem>>, %arg20: memref<!tpu.dma_semaphore, #tpu.memory_space<semaphore_mem>>) attributes {dimension_semantics = [#tpu.dimension_semantics<core_parallel>, #tpu.dimension_semantics<subcore_parallel>], iteration_bounds = array<i64: 2, 16>, scalar_prefetch = 0 : i64, scratch_operands = 14 : i64, tpu.core_type = #tpu.core_type<sc_vector_subcore>, window_params = [{transform_indices = #map}, {transform_indices = #map}, {transform_indices = #map}, {transform_indices = #map}, {transform_indices = #map}]} {
    %mul3A = arith.constant 2 : i32
    %mul3A_0 = arith.muli %arg1, %mul3A : i32
    %add3A = arith.addi %mul3A_0, %arg0 : i32
    %mul3A_1 = arith.constant 19 : i32
    %mul3A_2 = arith.muli %add3A, %mul3A_1 : i32
    %min3A = arith.constant 17 : i32
    %min3A_3 = arith.minsi %add3A, %min3A : i32
    %add3A_4 = arith.addi %mul3A_2, %min3A_3 : i32
    %lt3A = arith.constant 17 : i32
    %lt3A_5 = arith.cmpi slt, %add3A, %lt3A : i32
    %jit3A = arith.constant 1 : i32
    %jit3A_6 = arith.constant 0 : i32
    %select_n3A = arith.select %lt3A_5, %jit3A, %jit3A_6 : i32
    %add3A_7 = arith.constant 19 : i32
    %add3A_8 = arith.addi %add3A_7, %select_n3A : i32
    %gt3A = arith.constant 0 : i32
    %gt3A_9 = arith.cmpi sgt, %add3A_8, %gt3A : i32
    %convert_element_type3A = arith.extui %gt3A_9 : i1 to i32
    %cond3A = arith.constant 0 : i32
    %cond3A_10 = arith.cmpi ne, %convert_element_type3A, %cond3A : i32
    scf.if %cond3A_10 {
      %add3A_26 = arith.constant 625 : i32
      %add3A_27 = arith.addi %add3A_26, %add3A_4 : i32
      %mul3A_28 = arith.constant 10 : i32
      %mul3A_29 = arith.muli %mul3A_28, %add3A_27 : i32
      %add3A_30 = arith.constant 625 : i32
      %add3A_31 = arith.addi %add3A_30, %add3A_4 : i32
      %mul3A_32 = arith.constant 10 : i32
      %mul3A_33 = arith.muli %mul3A_32, %add3A_31 : i32
      %dma_start3A = arith.constant 0 : i32
      %dma_start3A_34 = tpu.memref_slice %arg3[%mul3A_29, %dma_start3A] : memref<12500x128xi32, #tpu.memory_space<hbm>> -> memref<10x128xi32, #tpu.memory_space<hbm>>
      %dma_start3A_35 = arith.constant 0 : i32
      %dma_start3A_36 = tpu.memref_slice %arg3[%mul3A_29, %dma_start3A_35] : memref<12500x128xi32, #tpu.memory_space<hbm>> -> memref<10x128xi32, #tpu.memory_space<hbm>>
      tpu.enqueue_dma source(%dma_start3A_36 : memref<10x128xi32, #tpu.memory_space<hbm>>) target(%arg7 : memref<10x128xi32, #tpu.memory_space<vmem>>) target_semaphore(%arg15 : memref<!tpu.dma_semaphore, #tpu.memory_space<semaphore_mem>>)
      %dma_start3A_37 = arith.constant 0 : i32
      %dma_start3A_38 = tpu.memref_slice %arg4[%mul3A_33, %dma_start3A_37] : memref<12500x128xi32, #tpu.memory_space<hbm>> -> memref<10x128xi32, #tpu.memory_space<hbm>>
      %dma_start3A_39 = arith.constant 0 : i32
      %dma_start3A_40 = tpu.memref_slice %arg4[%mul3A_33, %dma_start3A_39] : memref<12500x128xi32, #tpu.memory_space<hbm>> -> memref<10x128xi32, #tpu.memory_space<hbm>>
      tpu.enqueue_dma source(%dma_start3A_40 : memref<10x128xi32, #tpu.memory_space<hbm>>) target(%arg8 : memref<10x128xi32, #tpu.memory_space<vmem>>) target_semaphore(%arg15 : memref<!tpu.dma_semaphore, #tpu.memory_space<semaphore_mem>>)
    } else {
    }
    %scan3A = arith.constant 0 : i32
    %scan3A_11 = arith.constant 0 : i32
    %scan3A_12 = arith.constant 10 : i32
    %scan3A_13 = arith.addi %scan3A_11, %scan3A_12 : i32
    %scan3A_14 = arith.constant 1 : i32
    scf.for %scan3A_26 = %scan3A_11 to %scan3A_13 step %scan3A_14  : i32 {
      %mul3A_27 = arith.constant 2 : i32
      %mul3A_28 = arith.muli %mul3A_27, %scan3A_26 : i32
      %add3A_29 = arith.addi %add3A_4, %mul3A_28 : i32
      %add3A_30 = arith.constant 1 : i32
      %add3A_31 = arith.addi %add3A_29, %add3A_30 : i32
      %mul3A_32 = arith.constant 2 : i32
      %mul3A_33 = arith.muli %mul3A_32, %scan3A_26 : i32
      %mul3A_34 = arith.constant 2 : i32
      %mul3A_35 = arith.muli %mul3A_34, %scan3A_26 : i32
      %add3A_36 = arith.constant 1 : i32
      %add3A_37 = arith.addi %mul3A_35, %add3A_36 : i32
      %lt3A_38 = arith.cmpi slt, %add3A_37, %add3A_8 : i32
      %convert_element_type3A_39 = arith.extui %lt3A_38 : i1 to i32
      %cond3A_40 = arith.constant 0 : i32
      %cond3A_41 = arith.cmpi ne, %convert_element_type3A_39, %cond3A_40 : i32
      scf.if %cond3A_41 {
        %add3A_60 = arith.constant 625 : i32
        %add3A_61 = arith.addi %add3A_60, %add3A_31 : i32
        %mul3A_62 = arith.constant 10 : i32
        %mul3A_63 = arith.muli %mul3A_62, %add3A_61 : i32
        %add3A_64 = arith.constant 625 : i32
        %add3A_65 = arith.addi %add3A_64, %add3A_31 : i32
        %mul3A_66 = arith.constant 10 : i32
        %mul3A_67 = arith.muli %mul3A_66, %add3A_65 : i32
        %dma_start3A = arith.constant 0 : i32
        %dma_start3A_68 = tpu.memref_slice %arg3[%mul3A_63, %dma_start3A] : memref<12500x128xi32, #tpu.memory_space<hbm>> -> memref<10x128xi32, #tpu.memory_space<hbm>>
        %dma_start3A_69 = arith.constant 0 : i32
        %dma_start3A_70 = tpu.memref_slice %arg3[%mul3A_63, %dma_start3A_69] : memref<12500x128xi32, #tpu.memory_space<hbm>> -> memref<10x128xi32, #tpu.memory_space<hbm>>
        tpu.enqueue_dma source(%dma_start3A_70 : memref<10x128xi32, #tpu.memory_space<hbm>>) target(%arg9 : memref<10x128xi32, #tpu.memory_space<vmem>>) target_semaphore(%arg16 : memref<!tpu.dma_semaphore, #tpu.memory_space<semaphore_mem>>)
        %dma_start3A_71 = arith.constant 0 : i32
        %dma_start3A_72 = tpu.memref_slice %arg4[%mul3A_67, %dma_start3A_71] : memref<12500x128xi32, #tpu.memory_space<hbm>> -> memref<10x128xi32, #tpu.memory_space<hbm>>
        %dma_start3A_73 = arith.constant 0 : i32
        %dma_start3A_74 = tpu.memref_slice %arg4[%mul3A_67, %dma_start3A_73] : memref<12500x128xi32, #tpu.memory_space<hbm>> -> memref<10x128xi32, #tpu.memory_space<hbm>>
        tpu.enqueue_dma source(%dma_start3A_74 : memref<10x128xi32, #tpu.memory_space<hbm>>) target(%arg10 : memref<10x128xi32, #tpu.memory_space<vmem>>) target_semaphore(%arg16 : memref<!tpu.dma_semaphore, #tpu.memory_space<semaphore_mem>>)
      } else {
      }
      %lt3A_42 = arith.cmpi slt, %mul3A_33, %add3A_8 : i32
      %convert_element_type3A_43 = arith.extui %lt3A_42 : i1 to i32
      %cond3A_44 = arith.constant 0 : i32
      %cond3A_45 = arith.cmpi ne, %convert_element_type3A_43, %cond3A_44 : i32
      scf.if %cond3A_45 {
        %add3A_60 = arith.constant 625 : i32
        %add3A_61 = arith.addi %add3A_60, %add3A_29 : i32
        %mul3A_62 = arith.constant 10 : i32
        %mul3A_63 = arith.muli %mul3A_62, %add3A_61 : i32
        %add3A_64 = arith.constant 625 : i32
        %add3A_65 = arith.addi %add3A_64, %add3A_29 : i32
        %mul3A_66 = arith.constant 10 : i32
        %mul3A_67 = arith.muli %mul3A_66, %add3A_65 : i32
        %dma_wait3A = arith.constant 0 : i32
        %dma_wait3A_68 = tpu.memref_slice %arg3[%mul3A_63, %dma_wait3A] : memref<12500x128xi32, #tpu.memory_space<hbm>> -> memref<10x128xi32, #tpu.memory_space<hbm>>
        %dma_wait3A_69 = arith.constant 0 : i32
        %dma_wait3A_70 = tpu.memref_slice %arg3[%mul3A_63, %dma_wait3A_69] : memref<12500x128xi32, #tpu.memory_space<hbm>> -> memref<10x128xi32, #tpu.memory_space<hbm>>
        tpu.wait_dma2 semaphore(%arg15 : memref<!tpu.dma_semaphore, #tpu.memory_space<semaphore_mem>>) src(%dma_wait3A_70 : memref<10x128xi32, #tpu.memory_space<hbm>>) dst(%arg7 : memref<10x128xi32, #tpu.memory_space<vmem>>)
        %dma_wait3A_71 = arith.constant 0 : i32
        %dma_wait3A_72 = tpu.memref_slice %arg4[%mul3A_67, %dma_wait3A_71] : memref<12500x128xi32, #tpu.memory_space<hbm>> -> memref<10x128xi32, #tpu.memory_space<hbm>>
        %dma_wait3A_73 = arith.constant 0 : i32
        %dma_wait3A_74 = tpu.memref_slice %arg4[%mul3A_67, %dma_wait3A_73] : memref<12500x128xi32, #tpu.memory_space<hbm>> -> memref<10x128xi32, #tpu.memory_space<hbm>>
        tpu.wait_dma2 semaphore(%arg15 : memref<!tpu.dma_semaphore, #tpu.memory_space<semaphore_mem>>) src(%dma_wait3A_74 : memref<10x128xi32, #tpu.memory_space<hbm>>) dst(%arg8 : memref<10x128xi32, #tpu.memory_space<vmem>>)
        %gt3A_75 = arith.constant 0 : i32
        %gt3A_76 = arith.cmpi sgt, %scan3A_26, %gt3A_75 : i32
        %convert_element_type3A_77 = arith.extui %gt3A_76 : i1 to i32
        %cond3A_78 = arith.constant 0 : i32
        %cond3A_79 = arith.cmpi ne, %convert_element_type3A_77, %cond3A_78 : i32
        scf.if %cond3A_79 {
          %mul3A_279 = arith.constant 1280 : i32
          %mul3A_280 = arith.muli %mul3A_279, %add3A_29 : i32
          %mul3A_281 = arith.constant 1280 : i32
          %mul3A_282 = arith.muli %mul3A_281, %add3A_29 : i32
          %dma_wait3A_283 = arith.constant 0 : i32
          %dma_wait3A_284 = tpu.memref_slice %arg5[%mul3A_280, %dma_wait3A_283] : memref<800000x16xf32, #tpu.memory_space<hbm>> -> memref<1280x16xf32, #tpu.memory_space<hbm>>
          %dma_wait3A_285 = arith.constant 0 : i32
          %dma_wait3A_286 = tpu.memref_slice %arg5[%mul3A_280, %dma_wait3A_285] : memref<800000x16xf32, #tpu.memory_space<hbm>> -> memref<1280x16xf32, #tpu.memory_space<hbm>>
          tpu.wait_dma2 semaphore(%arg19 : memref<!tpu.dma_semaphore, #tpu.memory_space<semaphore_mem>>) src(%arg11 : memref<1280x16xf32, #tpu.memory_space<vmem>>) dst(%dma_wait3A_286 : memref<1280x16xf32, #tpu.memory_space<hbm>>)
          %dma_wait3A_287 = arith.constant 0 : i32
          %dma_wait3A_288 = tpu.memref_slice %arg6[%mul3A_282, %dma_wait3A_287] : memref<800000x16xf32, #tpu.memory_space<hbm>> -> memref<1280x16xf32, #tpu.memory_space<hbm>>
          %dma_wait3A_289 = arith.constant 0 : i32
          %dma_wait3A_290 = tpu.memref_slice %arg6[%mul3A_282, %dma_wait3A_289] : memref<800000x16xf32, #tpu.memory_space<hbm>> -> memref<1280x16xf32, #tpu.memory_space<hbm>>
          tpu.wait_dma2 semaphore(%arg19 : memref<!tpu.dma_semaphore, #tpu.memory_space<semaphore_mem>>) src(%arg12 : memref<1280x16xf32, #tpu.memory_space<vmem>>) dst(%dma_wait3A_290 : memref<1280x16xf32, #tpu.memory_space<hbm>>)
        } else {
        }
        %dma_start3A = arith.constant 0 : i32
        %dma_start3A_80 = arith.constant 0 : i32
        %dma_start3A_81 = arith.constant 0 : i32
        %dma_start3A_82 = tpu.memref_slice %arg11[%dma_start3A_80, %dma_start3A_81] : memref<1280x16xf32, #tpu.memory_space<vmem>> -> memref<128x16xf32, #tpu.memory_space<vmem>>
        %dma_start3A_83 = arith.constant 0 : i32
        %dma_start3A_84 = tpu.memref_slice %arg7[%dma_start3A, %dma_start3A_83] : memref<10x128xi32, #tpu.memory_space<vmem>> -> memref<1x128xi32, #tpu.memory_space<vmem>>
        %dma_start3A_85 = tpu.memref_squeeze %dma_start3A_84 : memref<1x128xi32, #tpu.memory_space<vmem>> -> memref<128xi32, #tpu.memory_space<vmem>>
        %dma_start3A_86 = arith.constant 0 : i32
        %dma_start3A_87 = arith.constant 0 : i32
        %dma_start3A_88 = tpu.memref_slice %arg2[%dma_start3A_86, %dma_start3A_87] : memref<50000x16xf32, #tpu.memory_space<hbm>> -> memref<50000x16xf32, #tpu.memory_space<hbm>>
        tpu.enqueue_indirect_dma source(%dma_start3A_88 : memref<50000x16xf32, #tpu.memory_space<hbm>>) target(%dma_start3A_82 : memref<128x16xf32, #tpu.memory_space<vmem>>) offsets(%dma_start3A_85 : memref<128xi32, #tpu.memory_space<vmem>>) semaphore(%arg17 : memref<!tpu.dma_semaphore, #tpu.memory_space<semaphore_mem>>)
        %dma_start3A_89 = arith.constant 1 : i32
        %dma_start3A_90 = arith.constant 128 : i32
        %dma_start3A_91 = arith.constant 0 : i32
        %dma_start3A_92 = tpu.memref_slice %arg11[%dma_start3A_90, %dma_start3A_91] : memref<1280x16xf32, #tpu.memory_space<vmem>> -> memref<128x16xf32, #tpu.memory_space<vmem>>
        %dma_start3A_93 = arith.constant 0 : i32
        %dma_start3A_94 = tpu.memref_slice %arg7[%dma_start3A_89, %dma_start3A_93] : memref<10x128xi32, #tpu.memory_space<vmem>> -> memref<1x128xi32, #tpu.memory_space<vmem>>
        %dma_start3A_95 = tpu.memref_squeeze %dma_start3A_94 : memref<1x128xi32, #tpu.memory_space<vmem>> -> memref<128xi32, #tpu.memory_space<vmem>>
        %dma_start3A_96 = arith.constant 0 : i32
        %dma_start3A_97 = arith.constant 0 : i32
        %dma_start3A_98 = tpu.memref_slice %arg2[%dma_start3A_96, %dma_start3A_97] : memref<50000x16xf32, #tpu.memory_space<hbm>> -> memref<50000x16xf32, #tpu.memory_space<hbm>>
        tpu.enqueue_indirect_dma source(%dma_start3A_98 : memref<50000x16xf32, #tpu.memory_space<hbm>>) target(%dma_start3A_92 : memref<128x16xf32, #tpu.memory_space<vmem>>) offsets(%dma_start3A_95 : memref<128xi32, #tpu.memory_space<vmem>>) semaphore(%arg17 : memref<!tpu.dma_semaphore, #tpu.memory_space<semaphore_mem>>)
        %dma_start3A_99 = arith.constant 2 : i32
        %dma_start3A_100 = arith.constant 256 : i32
        %dma_start3A_101 = arith.constant 0 : i32
        %dma_start3A_102 = tpu.memref_slice %arg11[%dma_start3A_100, %dma_start3A_101] : memref<1280x16xf32, #tpu.memory_space<vmem>> -> memref<128x16xf32, #tpu.memory_space<vmem>>
        %dma_start3A_103 = arith.constant 0 : i32
        %dma_start3A_104 = tpu.memref_slice %arg7[%dma_start3A_99, %dma_start3A_103] : memref<10x128xi32, #tpu.memory_space<vmem>> -> memref<1x128xi32, #tpu.memory_space<vmem>>
        %dma_start3A_105 = tpu.memref_squeeze %dma_start3A_104 : memref<1x128xi32, #tpu.memory_space<vmem>> -> memref<128xi32, #tpu.memory_space<vmem>>
        %dma_start3A_106 = arith.constant 0 : i32
        %dma_start3A_107 = arith.constant 0 : i32
        %dma_start3A_108 = tpu.memref_slice %arg2[%dma_start3A_106, %dma_start3A_107] : memref<50000x16xf32, #tpu.memory_space<hbm>> -> memref<50000x16xf32, #tpu.memory_space<hbm>>
        tpu.enqueue_indirect_dma source(%dma_start3A_108 : memref<50000x16xf32, #tpu.memory_space<hbm>>) target(%dma_start3A_102 : memref<128x16xf32, #tpu.memory_space<vmem>>) offsets(%dma_start3A_105 : memref<128xi32, #tpu.memory_space<vmem>>) semaphore(%arg17 : memref<!tpu.dma_semaphore, #tpu.memory_space<semaphore_mem>>)
        %dma_start3A_109 = arith.constant 3 : i32
        %dma_start3A_110 = arith.constant 384 : i32
        %dma_start3A_111 = arith.constant 0 : i32
        %dma_start3A_112 = tpu.memref_slice %arg11[%dma_start3A_110, %dma_start3A_111] : memref<1280x16xf32, #tpu.memory_space<vmem>> -> memref<128x16xf32, #tpu.memory_space<vmem>>
        %dma_start3A_113 = arith.constant 0 : i32
        %dma_start3A_114 = tpu.memref_slice %arg7[%dma_start3A_109, %dma_start3A_113] : memref<10x128xi32, #tpu.memory_space<vmem>> -> memref<1x128xi32, #tpu.memory_space<vmem>>
        %dma_start3A_115 = tpu.memref_squeeze %dma_start3A_114 : memref<1x128xi32, #tpu.memory_space<vmem>> -> memref<128xi32, #tpu.memory_space<vmem>>
        %dma_start3A_116 = arith.constant 0 : i32
        %dma_start3A_117 = arith.constant 0 : i32
        %dma_start3A_118 = tpu.memref_slice %arg2[%dma_start3A_116, %dma_start3A_117] : memref<50000x16xf32, #tpu.memory_space<hbm>> -> memref<50000x16xf32, #tpu.memory_space<hbm>>
        tpu.enqueue_indirect_dma source(%dma_start3A_118 : memref<50000x16xf32, #tpu.memory_space<hbm>>) target(%dma_start3A_112 : memref<128x16xf32, #tpu.memory_space<vmem>>) offsets(%dma_start3A_115 : memref<128xi32, #tpu.memory_space<vmem>>) semaphore(%arg17 : memref<!tpu.dma_semaphore, #tpu.memory_space<semaphore_mem>>)
        %dma_start3A_119 = arith.constant 4 : i32
        %dma_start3A_120 = arith.constant 512 : i32
        %dma_start3A_121 = arith.constant 0 : i32
        %dma_start3A_122 = tpu.memref_slice %arg11[%dma_start3A_120, %dma_start3A_121] : memref<1280x16xf32, #tpu.memory_space<vmem>> -> memref<128x16xf32, #tpu.memory_space<vmem>>
        %dma_start3A_123 = arith.constant 0 : i32
        %dma_start3A_124 = tpu.memref_slice %arg7[%dma_start3A_119, %dma_start3A_123] : memref<10x128xi32, #tpu.memory_space<vmem>> -> memref<1x128xi32, #tpu.memory_space<vmem>>
        %dma_start3A_125 = tpu.memref_squeeze %dma_start3A_124 : memref<1x128xi32, #tpu.memory_space<vmem>> -> memref<128xi32, #tpu.memory_space<vmem>>
        %dma_start3A_126 = arith.constant 0 : i32
        %dma_start3A_127 = arith.constant 0 : i32
        %dma_start3A_128 = tpu.memref_slice %arg2[%dma_start3A_126, %dma_start3A_127] : memref<50000x16xf32, #tpu.memory_space<hbm>> -> memref<50000x16xf32, #tpu.memory_space<hbm>>
        tpu.enqueue_indirect_dma source(%dma_start3A_128 : memref<50000x16xf32, #tpu.memory_space<hbm>>) target(%dma_start3A_122 : memref<128x16xf32, #tpu.memory_space<vmem>>) offsets(%dma_start3A_125 : memref<128xi32, #tpu.memory_space<vmem>>) semaphore(%arg17 : memref<!tpu.dma_semaphore, #tpu.memory_space<semaphore_mem>>)
        %dma_start3A_129 = arith.constant 5 : i32
        %dma_start3A_130 = arith.constant 640 : i32
        %dma_start3A_131 = arith.constant 0 : i32
        %dma_start3A_132 = tpu.memref_slice %arg11[%dma_start3A_130, %dma_start3A_131] : memref<1280x16xf32, #tpu.memory_space<vmem>> -> memref<128x16xf32, #tpu.memory_space<vmem>>
        %dma_start3A_133 = arith.constant 0 : i32
        %dma_start3A_134 = tpu.memref_slice %arg7[%dma_start3A_129, %dma_start3A_133] : memref<10x128xi32, #tpu.memory_space<vmem>> -> memref<1x128xi32, #tpu.memory_space<vmem>>
        %dma_start3A_135 = tpu.memref_squeeze %dma_start3A_134 : memref<1x128xi32, #tpu.memory_space<vmem>> -> memref<128xi32, #tpu.memory_space<vmem>>
        %dma_start3A_136 = arith.constant 0 : i32
        %dma_start3A_137 = arith.constant 0 : i32
        %dma_start3A_138 = tpu.memref_slice %arg2[%dma_start3A_136, %dma_start3A_137] : memref<50000x16xf32, #tpu.memory_space<hbm>> -> memref<50000x16xf32, #tpu.memory_space<hbm>>
        tpu.enqueue_indirect_dma source(%dma_start3A_138 : memref<50000x16xf32, #tpu.memory_space<hbm>>) target(%dma_start3A_132 : memref<128x16xf32, #tpu.memory_space<vmem>>) offsets(%dma_start3A_135 : memref<128xi32, #tpu.memory_space<vmem>>) semaphore(%arg17 : memref<!tpu.dma_semaphore, #tpu.memory_space<semaphore_mem>>)
        %dma_start3A_139 = arith.constant 6 : i32
        %dma_start3A_140 = arith.constant 768 : i32
        %dma_start3A_141 = arith.constant 0 : i32
        %dma_start3A_142 = tpu.memref_slice %arg11[%dma_start3A_140, %dma_start3A_141] : memref<1280x16xf32, #tpu.memory_space<vmem>> -> memref<128x16xf32, #tpu.memory_space<vmem>>
        %dma_start3A_143 = arith.constant 0 : i32
        %dma_start3A_144 = tpu.memref_slice %arg7[%dma_start3A_139, %dma_start3A_143] : memref<10x128xi32, #tpu.memory_space<vmem>> -> memref<1x128xi32, #tpu.memory_space<vmem>>
        %dma_start3A_145 = tpu.memref_squeeze %dma_start3A_144 : memref<1x128xi32, #tpu.memory_space<vmem>> -> memref<128xi32, #tpu.memory_space<vmem>>
        %dma_start3A_146 = arith.constant 0 : i32
        %dma_start3A_147 = arith.constant 0 : i32
        %dma_start3A_148 = tpu.memref_slice %arg2[%dma_start3A_146, %dma_start3A_147] : memref<50000x16xf32, #tpu.memory_space<hbm>> -> memref<50000x16xf32, #tpu.memory_space<hbm>>
        tpu.enqueue_indirect_dma source(%dma_start3A_148 : memref<50000x16xf32, #tpu.memory_space<hbm>>) target(%dma_start3A_142 : memref<128x16xf32, #tpu.memory_space<vmem>>) offsets(%dma_start3A_145 : memref<128xi32, #tpu.memory_space<vmem>>) semaphore(%arg17 : memref<!tpu.dma_semaphore, #tpu.memory_space<semaphore_mem>>)
        %dma_start3A_149 = arith.constant 7 : i32
        %dma_start3A_150 = arith.constant 896 : i32
        %dma_start3A_151 = arith.constant 0 : i32
        %dma_start3A_152 = tpu.memref_slice %arg11[%dma_start3A_150, %dma_start3A_151] : memref<1280x16xf32, #tpu.memory_space<vmem>> -> memref<128x16xf32, #tpu.memory_space<vmem>>
        %dma_start3A_153 = arith.constant 0 : i32
        %dma_start3A_154 = tpu.memref_slice %arg7[%dma_start3A_149, %dma_start3A_153] : memref<10x128xi32, #tpu.memory_space<vmem>> -> memref<1x128xi32, #tpu.memory_space<vmem>>
        %dma_start3A_155 = tpu.memref_squeeze %dma_start3A_154 : memref<1x128xi32, #tpu.memory_space<vmem>> -> memref<128xi32, #tpu.memory_space<vmem>>
        %dma_start3A_156 = arith.constant 0 : i32
        %dma_start3A_157 = arith.constant 0 : i32
        %dma_start3A_158 = tpu.memref_slice %arg2[%dma_start3A_156, %dma_start3A_157] : memref<50000x16xf32, #tpu.memory_space<hbm>> -> memref<50000x16xf32, #tpu.memory_space<hbm>>
        tpu.enqueue_indirect_dma source(%dma_start3A_158 : memref<50000x16xf32, #tpu.memory_space<hbm>>) target(%dma_start3A_152 : memref<128x16xf32, #tpu.memory_space<vmem>>) offsets(%dma_start3A_155 : memref<128xi32, #tpu.memory_space<vmem>>) semaphore(%arg17 : memref<!tpu.dma_semaphore, #tpu.memory_space<semaphore_mem>>)
        %dma_start3A_159 = arith.constant 8 : i32
        %dma_start3A_160 = arith.constant 1024 : i32
        %dma_start3A_161 = arith.constant 0 : i32
        %dma_start3A_162 = tpu.memref_slice %arg11[%dma_start3A_160, %dma_start3A_161] : memref<1280x16xf32, #tpu.memory_space<vmem>> -> memref<128x16xf32, #tpu.memory_space<vmem>>
        %dma_start3A_163 = arith.constant 0 : i32
        %dma_start3A_164 = tpu.memref_slice %arg7[%dma_start3A_159, %dma_start3A_163] : memref<10x128xi32, #tpu.memory_space<vmem>> -> memref<1x128xi32, #tpu.memory_space<vmem>>
        %dma_start3A_165 = tpu.memref_squeeze %dma_start3A_164 : memref<1x128xi32, #tpu.memory_space<vmem>> -> memref<128xi32, #tpu.memory_space<vmem>>
        %dma_start3A_166 = arith.constant 0 : i32
        %dma_start3A_167 = arith.constant 0 : i32
        %dma_start3A_168 = tpu.memref_slice %arg2[%dma_start3A_166, %dma_start3A_167] : memref<50000x16xf32, #tpu.memory_space<hbm>> -> memref<50000x16xf32, #tpu.memory_space<hbm>>
        tpu.enqueue_indirect_dma source(%dma_start3A_168 : memref<50000x16xf32, #tpu.memory_space<hbm>>) target(%dma_start3A_162 : memref<128x16xf32, #tpu.memory_space<vmem>>) offsets(%dma_start3A_165 : memref<128xi32, #tpu.memory_space<vmem>>) semaphore(%arg17 : memref<!tpu.dma_semaphore, #tpu.memory_space<semaphore_mem>>)
        %dma_start3A_169 = arith.constant 9 : i32
        %dma_start3A_170 = arith.constant 1152 : i32
        %dma_start3A_171 = arith.constant 0 : i32
        %dma_start3A_172 = tpu.memref_slice %arg11[%dma_start3A_170, %dma_start3A_171] : memref<1280x16xf32, #tpu.memory_space<vmem>> -> memref<128x16xf32, #tpu.memory_space<vmem>>
        %dma_start3A_173 = arith.constant 0 : i32
        %dma_start3A_174 = tpu.memref_slice %arg7[%dma_start3A_169, %dma_start3A_173] : memref<10x128xi32, #tpu.memory_space<vmem>> -> memref<1x128xi32, #tpu.memory_space<vmem>>
        %dma_start3A_175 = tpu.memref_squeeze %dma_start3A_174 : memref<1x128xi32, #tpu.memory_space<vmem>> -> memref<128xi32, #tpu.memory_space<vmem>>
        %dma_start3A_176 = arith.constant 0 : i32
        %dma_start3A_177 = arith.constant 0 : i32
        %dma_start3A_178 = tpu.memref_slice %arg2[%dma_start3A_176, %dma_start3A_177] : memref<50000x16xf32, #tpu.memory_space<hbm>> -> memref<50000x16xf32, #tpu.memory_space<hbm>>
        tpu.enqueue_indirect_dma source(%dma_start3A_178 : memref<50000x16xf32, #tpu.memory_space<hbm>>) target(%dma_start3A_172 : memref<128x16xf32, #tpu.memory_space<vmem>>) offsets(%dma_start3A_175 : memref<128xi32, #tpu.memory_space<vmem>>) semaphore(%arg17 : memref<!tpu.dma_semaphore, #tpu.memory_space<semaphore_mem>>)
        %dma_start3A_179 = arith.constant 0 : i32
        %dma_start3A_180 = arith.constant 0 : i32
        %dma_start3A_181 = arith.constant 0 : i32
        %dma_start3A_182 = tpu.memref_slice %arg12[%dma_start3A_180, %dma_start3A_181] : memref<1280x16xf32, #tpu.memory_space<vmem>> -> memref<128x16xf32, #tpu.memory_space<vmem>>
        %dma_start3A_183 = arith.constant 0 : i32
        %dma_start3A_184 = tpu.memref_slice %arg8[%dma_start3A_179, %dma_start3A_183] : memref<10x128xi32, #tpu.memory_space<vmem>> -> memref<1x128xi32, #tpu.memory_space<vmem>>
        %dma_start3A_185 = tpu.memref_squeeze %dma_start3A_184 : memref<1x128xi32, #tpu.memory_space<vmem>> -> memref<128xi32, #tpu.memory_space<vmem>>
        %dma_start3A_186 = arith.constant 0 : i32
        %dma_start3A_187 = arith.constant 0 : i32
        %dma_start3A_188 = tpu.memref_slice %arg2[%dma_start3A_186, %dma_start3A_187] : memref<50000x16xf32, #tpu.memory_space<hbm>> -> memref<50000x16xf32, #tpu.memory_space<hbm>>
        tpu.enqueue_indirect_dma source(%dma_start3A_188 : memref<50000x16xf32, #tpu.memory_space<hbm>>) target(%dma_start3A_182 : memref<128x16xf32, #tpu.memory_space<vmem>>) offsets(%dma_start3A_185 : memref<128xi32, #tpu.memory_space<vmem>>) semaphore(%arg17 : memref<!tpu.dma_semaphore, #tpu.memory_space<semaphore_mem>>)
        %dma_start3A_189 = arith.constant 1 : i32
        %dma_start3A_190 = arith.constant 128 : i32
        %dma_start3A_191 = arith.constant 0 : i32
        %dma_start3A_192 = tpu.memref_slice %arg12[%dma_start3A_190, %dma_start3A_191] : memref<1280x16xf32, #tpu.memory_space<vmem>> -> memref<128x16xf32, #tpu.memory_space<vmem>>
        %dma_start3A_193 = arith.constant 0 : i32
        %dma_start3A_194 = tpu.memref_slice %arg8[%dma_start3A_189, %dma_start3A_193] : memref<10x128xi32, #tpu.memory_space<vmem>> -> memref<1x128xi32, #tpu.memory_space<vmem>>
        %dma_start3A_195 = tpu.memref_squeeze %dma_start3A_194 : memref<1x128xi32, #tpu.memory_space<vmem>> -> memref<128xi32, #tpu.memory_space<vmem>>
        %dma_start3A_196 = arith.constant 0 : i32
        %dma_start3A_197 = arith.constant 0 : i32
        %dma_start3A_198 = tpu.memref_slice %arg2[%dma_start3A_196, %dma_start3A_197] : memref<50000x16xf32, #tpu.memory_space<hbm>> -> memref<50000x16xf32, #tpu.memory_space<hbm>>
        tpu.enqueue_indirect_dma source(%dma_start3A_198 : memref<50000x16xf32, #tpu.memory_space<hbm>>) target(%dma_start3A_192 : memref<128x16xf32, #tpu.memory_space<vmem>>) offsets(%dma_start3A_195 : memref<128xi32, #tpu.memory_space<vmem>>) semaphore(%arg17 : memref<!tpu.dma_semaphore, #tpu.memory_space<semaphore_mem>>)
        %dma_start3A_199 = arith.constant 2 : i32
        %dma_start3A_200 = arith.constant 256 : i32
        %dma_start3A_201 = arith.constant 0 : i32
        %dma_start3A_202 = tpu.memref_slice %arg12[%dma_start3A_200, %dma_start3A_201] : memref<1280x16xf32, #tpu.memory_space<vmem>> -> memref<128x16xf32, #tpu.memory_space<vmem>>
        %dma_start3A_203 = arith.constant 0 : i32
        %dma_start3A_204 = tpu.memref_slice %arg8[%dma_start3A_199, %dma_start3A_203] : memref<10x128xi32, #tpu.memory_space<vmem>> -> memref<1x128xi32, #tpu.memory_space<vmem>>
        %dma_start3A_205 = tpu.memref_squeeze %dma_start3A_204 : memref<1x128xi32, #tpu.memory_space<vmem>> -> memref<128xi32, #tpu.memory_space<vmem>>
        %dma_start3A_206 = arith.constant 0 : i32
        %dma_start3A_207 = arith.constant 0 : i32
        %dma_start3A_208 = tpu.memref_slice %arg2[%dma_start3A_206, %dma_start3A_207] : memref<50000x16xf32, #tpu.memory_space<hbm>> -> memref<50000x16xf32, #tpu.memory_space<hbm>>
        tpu.enqueue_indirect_dma source(%dma_start3A_208 : memref<50000x16xf32, #tpu.memory_space<hbm>>) target(%dma_start3A_202 : memref<128x16xf32, #tpu.memory_space<vmem>>) offsets(%dma_start3A_205 : memref<128xi32, #tpu.memory_space<vmem>>) semaphore(%arg17 : memref<!tpu.dma_semaphore, #tpu.memory_space<semaphore_mem>>)
        %dma_start3A_209 = arith.constant 3 : i32
        %dma_start3A_210 = arith.constant 384 : i32
        %dma_start3A_211 = arith.constant 0 : i32
        %dma_start3A_212 = tpu.memref_slice %arg12[%dma_start3A_210, %dma_start3A_211] : memref<1280x16xf32, #tpu.memory_space<vmem>> -> memref<128x16xf32, #tpu.memory_space<vmem>>
        %dma_start3A_213 = arith.constant 0 : i32
        %dma_start3A_214 = tpu.memref_slice %arg8[%dma_start3A_209, %dma_start3A_213] : memref<10x128xi32, #tpu.memory_space<vmem>> -> memref<1x128xi32, #tpu.memory_space<vmem>>
        %dma_start3A_215 = tpu.memref_squeeze %dma_start3A_214 : memref<1x128xi32, #tpu.memory_space<vmem>> -> memref<128xi32, #tpu.memory_space<vmem>>
        %dma_start3A_216 = arith.constant 0 : i32
        %dma_start3A_217 = arith.constant 0 : i32
        %dma_start3A_218 = tpu.memref_slice %arg2[%dma_start3A_216, %dma_start3A_217] : memref<50000x16xf32, #tpu.memory_space<hbm>> -> memref<50000x16xf32, #tpu.memory_space<hbm>>
        tpu.enqueue_indirect_dma source(%dma_start3A_218 : memref<50000x16xf32, #tpu.memory_space<hbm>>) target(%dma_start3A_212 : memref<128x16xf32, #tpu.memory_space<vmem>>) offsets(%dma_start3A_215 : memref<128xi32, #tpu.memory_space<vmem>>) semaphore(%arg17 : memref<!tpu.dma_semaphore, #tpu.memory_space<semaphore_mem>>)
        %dma_start3A_219 = arith.constant 4 : i32
        %dma_start3A_220 = arith.constant 512 : i32
        %dma_start3A_221 = arith.constant 0 : i32
        %dma_start3A_222 = tpu.memref_slice %arg12[%dma_start3A_220, %dma_start3A_221] : memref<1280x16xf32, #tpu.memory_space<vmem>> -> memref<128x16xf32, #tpu.memory_space<vmem>>
        %dma_start3A_223 = arith.constant 0 : i32
        %dma_start3A_224 = tpu.memref_slice %arg8[%dma_start3A_219, %dma_start3A_223] : memref<10x128xi32, #tpu.memory_space<vmem>> -> memref<1x128xi32, #tpu.memory_space<vmem>>
        %dma_start3A_225 = tpu.memref_squeeze %dma_start3A_224 : memref<1x128xi32, #tpu.memory_space<vmem>> -> memref<128xi32, #tpu.memory_space<vmem>>
        %dma_start3A_226 = arith.constant 0 : i32
        %dma_start3A_227 = arith.constant 0 : i32
        %dma_start3A_228 = tpu.memref_slice %arg2[%dma_start3A_226, %dma_start3A_227] : memref<50000x16xf32, #tpu.memory_space<hbm>> -> memref<50000x16xf32, #tpu.memory_space<hbm>>
        tpu.enqueue_indirect_dma source(%dma_start3A_228 : memref<50000x16xf32, #tpu.memory_space<hbm>>) target(%dma_start3A_222 : memref<128x16xf32, #tpu.memory_space<vmem>>) offsets(%dma_start3A_225 : memref<128xi32, #tpu.memory_space<vmem>>) semaphore(%arg17 : memref<!tpu.dma_semaphore, #tpu.memory_space<semaphore_mem>>)
        %dma_start3A_229 = arith.constant 5 : i32
        %dma_start3A_230 = arith.constant 640 : i32
        %dma_start3A_231 = arith.constant 0 : i32
        %dma_start3A_232 = tpu.memref_slice %arg12[%dma_start3A_230, %dma_start3A_231] : memref<1280x16xf32, #tpu.memory_space<vmem>> -> memref<128x16xf32, #tpu.memory_space<vmem>>
        %dma_start3A_233 = arith.constant 0 : i32
        %dma_start3A_234 = tpu.memref_slice %arg8[%dma_start3A_229, %dma_start3A_233] : memref<10x128xi32, #tpu.memory_space<vmem>> -> memref<1x128xi32, #tpu.memory_space<vmem>>
        %dma_start3A_235 = tpu.memref_squeeze %dma_start3A_234 : memref<1x128xi32, #tpu.memory_space<vmem>> -> memref<128xi32, #tpu.memory_space<vmem>>
        %dma_start3A_236 = arith.constant 0 : i32
        %dma_start3A_237 = arith.constant 0 : i32
        %dma_start3A_238 = tpu.memref_slice %arg2[%dma_start3A_236, %dma_start3A_237] : memref<50000x16xf32, #tpu.memory_space<hbm>> -> memref<50000x16xf32, #tpu.memory_space<hbm>>
        tpu.enqueue_indirect_dma source(%dma_start3A_238 : memref<50000x16xf32, #tpu.memory_space<hbm>>) target(%dma_start3A_232 : memref<128x16xf32, #tpu.memory_space<vmem>>) offsets(%dma_start3A_235 : memref<128xi32, #tpu.memory_space<vmem>>) semaphore(%arg17 : memref<!tpu.dma_semaphore, #tpu.memory_space<semaphore_mem>>)
        %dma_start3A_239 = arith.constant 6 : i32
        %dma_start3A_240 = arith.constant 768 : i32
        %dma_start3A_241 = arith.constant 0 : i32
        %dma_start3A_242 = tpu.memref_slice %arg12[%dma_start3A_240, %dma_start3A_241] : memref<1280x16xf32, #tpu.memory_space<vmem>> -> memref<128x16xf32, #tpu.memory_space<vmem>>
        %dma_start3A_243 = arith.constant 0 : i32
        %dma_start3A_244 = tpu.memref_slice %arg8[%dma_start3A_239, %dma_start3A_243] : memref<10x128xi32, #tpu.memory_space<vmem>> -> memref<1x128xi32, #tpu.memory_space<vmem>>
        %dma_start3A_245 = tpu.memref_squeeze %dma_start3A_244 : memref<1x128xi32, #tpu.memory_space<vmem>> -> memref<128xi32, #tpu.memory_space<vmem>>
        %dma_start3A_246 = arith.constant 0 : i32
        %dma_start3A_247 = arith.constant 0 : i32
        %dma_start3A_248 = tpu.memref_slice %arg2[%dma_start3A_246, %dma_start3A_247] : memref<50000x16xf32, #tpu.memory_space<hbm>> -> memref<50000x16xf32, #tpu.memory_space<hbm>>
        tpu.enqueue_indirect_dma source(%dma_start3A_248 : memref<50000x16xf32, #tpu.memory_space<hbm>>) target(%dma_start3A_242 : memref<128x16xf32, #tpu.memory_space<vmem>>) offsets(%dma_start3A_245 : memref<128xi32, #tpu.memory_space<vmem>>) semaphore(%arg17 : memref<!tpu.dma_semaphore, #tpu.memory_space<semaphore_mem>>)
        %dma_start3A_249 = arith.constant 7 : i32
        %dma_start3A_250 = arith.constant 896 : i32
        %dma_start3A_251 = arith.constant 0 : i32
        %dma_start3A_252 = tpu.memref_slice %arg12[%dma_start3A_250, %dma_start3A_251] : memref<1280x16xf32, #tpu.memory_space<vmem>> -> memref<128x16xf32, #tpu.memory_space<vmem>>
        %dma_start3A_253 = arith.constant 0 : i32
        %dma_start3A_254 = tpu.memref_slice %arg8[%dma_start3A_249, %dma_start3A_253] : memref<10x128xi32, #tpu.memory_space<vmem>> -> memref<1x128xi32, #tpu.memory_space<vmem>>
        %dma_start3A_255 = tpu.memref_squeeze %dma_start3A_254 : memref<1x128xi32, #tpu.memory_space<vmem>> -> memref<128xi32, #tpu.memory_space<vmem>>
        %dma_start3A_256 = arith.constant 0 : i32
        %dma_start3A_257 = arith.constant 0 : i32
        %dma_start3A_258 = tpu.memref_slice %arg2[%dma_start3A_256, %dma_start3A_257] : memref<50000x16xf32, #tpu.memory_space<hbm>> -> memref<50000x16xf32, #tpu.memory_space<hbm>>
        tpu.enqueue_indirect_dma source(%dma_start3A_258 : memref<50000x16xf32, #tpu.memory_space<hbm>>) target(%dma_start3A_252 : memref<128x16xf32, #tpu.memory_space<vmem>>) offsets(%dma_start3A_255 : memref<128xi32, #tpu.memory_space<vmem>>) semaphore(%arg17 : memref<!tpu.dma_semaphore, #tpu.memory_space<semaphore_mem>>)
        %dma_start3A_259 = arith.constant 8 : i32
        %dma_start3A_260 = arith.constant 1024 : i32
        %dma_start3A_261 = arith.constant 0 : i32
        %dma_start3A_262 = tpu.memref_slice %arg12[%dma_start3A_260, %dma_start3A_261] : memref<1280x16xf32, #tpu.memory_space<vmem>> -> memref<128x16xf32, #tpu.memory_space<vmem>>
        %dma_start3A_263 = arith.constant 0 : i32
        %dma_start3A_264 = tpu.memref_slice %arg8[%dma_start3A_259, %dma_start3A_263] : memref<10x128xi32, #tpu.memory_space<vmem>> -> memref<1x128xi32, #tpu.memory_space<vmem>>
        %dma_start3A_265 = tpu.memref_squeeze %dma_start3A_264 : memref<1x128xi32, #tpu.memory_space<vmem>> -> memref<128xi32, #tpu.memory_space<vmem>>
        %dma_start3A_266 = arith.constant 0 : i32
        %dma_start3A_267 = arith.constant 0 : i32
        %dma_start3A_268 = tpu.memref_slice %arg2[%dma_start3A_266, %dma_start3A_267] : memref<50000x16xf32, #tpu.memory_space<hbm>> -> memref<50000x16xf32, #tpu.memory_space<hbm>>
        tpu.enqueue_indirect_dma source(%dma_start3A_268 : memref<50000x16xf32, #tpu.memory_space<hbm>>) target(%dma_start3A_262 : memref<128x16xf32, #tpu.memory_space<vmem>>) offsets(%dma_start3A_265 : memref<128xi32, #tpu.memory_space<vmem>>) semaphore(%arg17 : memref<!tpu.dma_semaphore, #tpu.memory_space<semaphore_mem>>)
        %dma_start3A_269 = arith.constant 9 : i32
        %dma_start3A_270 = arith.constant 1152 : i32
        %dma_start3A_271 = arith.constant 0 : i32
        %dma_start3A_272 = tpu.memref_slice %arg12[%dma_start3A_270, %dma_start3A_271] : memref<1280x16xf32, #tpu.memory_space<vmem>> -> memref<128x16xf32, #tpu.memory_space<vmem>>
        %dma_start3A_273 = arith.constant 0 : i32
        %dma_start3A_274 = tpu.memref_slice %arg8[%dma_start3A_269, %dma_start3A_273] : memref<10x128xi32, #tpu.memory_space<vmem>> -> memref<1x128xi32, #tpu.memory_space<vmem>>
        %dma_start3A_275 = tpu.memref_squeeze %dma_start3A_274 : memref<1x128xi32, #tpu.memory_space<vmem>> -> memref<128xi32, #tpu.memory_space<vmem>>
        %dma_start3A_276 = arith.constant 0 : i32
        %dma_start3A_277 = arith.constant 0 : i32
        %dma_start3A_278 = tpu.memref_slice %arg2[%dma_start3A_276, %dma_start3A_277] : memref<50000x16xf32, #tpu.memory_space<hbm>> -> memref<50000x16xf32, #tpu.memory_space<hbm>>
        tpu.enqueue_indirect_dma source(%dma_start3A_278 : memref<50000x16xf32, #tpu.memory_space<hbm>>) target(%dma_start3A_272 : memref<128x16xf32, #tpu.memory_space<vmem>>) offsets(%dma_start3A_275 : memref<128xi32, #tpu.memory_space<vmem>>) semaphore(%arg17 : memref<!tpu.dma_semaphore, #tpu.memory_space<semaphore_mem>>)
      } else {
      }
      %lt3A_46 = arith.cmpi slt, %mul3A_33, %add3A_8 : i32
      %convert_element_type3A_47 = arith.extui %lt3A_46 : i1 to i32
      %cond3A_48 = arith.constant 0 : i32
      %cond3A_49 = arith.cmpi ne, %convert_element_type3A_47, %cond3A_48 : i32
      scf.if %cond3A_49 {
        %dma_wait3A = arith.constant 0 : i32
        %dma_wait3A_60 = arith.constant 0 : i32
        %dma_wait3A_61 = arith.constant 0 : i32
        %dma_wait3A_62 = tpu.memref_slice %arg11[%dma_wait3A_60, %dma_wait3A_61] : memref<1280x16xf32, #tpu.memory_space<vmem>> -> memref<128x16xf32, #tpu.memory_space<vmem>>
        %dma_wait3A_63 = arith.constant 0 : i32
        %dma_wait3A_64 = tpu.memref_slice %arg7[%dma_wait3A, %dma_wait3A_63] : memref<10x128xi32, #tpu.memory_space<vmem>> -> memref<1x128xi32, #tpu.memory_space<vmem>>
        %dma_wait3A_65 = tpu.memref_squeeze %dma_wait3A_64 : memref<1x128xi32, #tpu.memory_space<vmem>> -> memref<128xi32, #tpu.memory_space<vmem>>
        %dma_wait3A_66 = arith.constant 0 : i32
        %dma_wait3A_67 = arith.constant 0 : i32
        %dma_wait3A_68 = tpu.memref_slice %arg2[%dma_wait3A_66, %dma_wait3A_67] : memref<50000x16xf32, #tpu.memory_space<hbm>> -> memref<50000x16xf32, #tpu.memory_space<hbm>>
        tpu.wait_indirect_dma semaphore(%arg17 : memref<!tpu.dma_semaphore, #tpu.memory_space<semaphore_mem>>) src(%dma_wait3A_68 : memref<50000x16xf32, #tpu.memory_space<hbm>>) dst(%dma_wait3A_62 : memref<128x16xf32, #tpu.memory_space<vmem>>)
        %dma_wait3A_69 = arith.constant 1 : i32
        %dma_wait3A_70 = arith.constant 128 : i32
        %dma_wait3A_71 = arith.constant 0 : i32
        %dma_wait3A_72 = tpu.memref_slice %arg11[%dma_wait3A_70, %dma_wait3A_71] : memref<1280x16xf32, #tpu.memory_space<vmem>> -> memref<128x16xf32, #tpu.memory_space<vmem>>
        %dma_wait3A_73 = arith.constant 0 : i32
        %dma_wait3A_74 = tpu.memref_slice %arg7[%dma_wait3A_69, %dma_wait3A_73] : memref<10x128xi32, #tpu.memory_space<vmem>> -> memref<1x128xi32, #tpu.memory_space<vmem>>
        %dma_wait3A_75 = tpu.memref_squeeze %dma_wait3A_74 : memref<1x128xi32, #tpu.memory_space<vmem>> -> memref<128xi32, #tpu.memory_space<vmem>>
        %dma_wait3A_76 = arith.constant 0 : i32
        %dma_wait3A_77 = arith.constant 0 : i32
        %dma_wait3A_78 = tpu.memref_slice %arg2[%dma_wait3A_76, %dma_wait3A_77] : memref<50000x16xf32, #tpu.memory_space<hbm>> -> memref<50000x16xf32, #tpu.memory_space<hbm>>
        tpu.wait_indirect_dma semaphore(%arg17 : memref<!tpu.dma_semaphore, #tpu.memory_space<semaphore_mem>>) src(%dma_wait3A_78 : memref<50000x16xf32, #tpu.memory_space<hbm>>) dst(%dma_wait3A_72 : memref<128x16xf32, #tpu.memory_space<vmem>>)
        %dma_wait3A_79 = arith.constant 2 : i32
        %dma_wait3A_80 = arith.constant 256 : i32
        %dma_wait3A_81 = arith.constant 0 : i32
        %dma_wait3A_82 = tpu.memref_slice %arg11[%dma_wait3A_80, %dma_wait3A_81] : memref<1280x16xf32, #tpu.memory_space<vmem>> -> memref<128x16xf32, #tpu.memory_space<vmem>>
        %dma_wait3A_83 = arith.constant 0 : i32
        %dma_wait3A_84 = tpu.memref_slice %arg7[%dma_wait3A_79, %dma_wait3A_83] : memref<10x128xi32, #tpu.memory_space<vmem>> -> memref<1x128xi32, #tpu.memory_space<vmem>>
        %dma_wait3A_85 = tpu.memref_squeeze %dma_wait3A_84 : memref<1x128xi32, #tpu.memory_space<vmem>> -> memref<128xi32, #tpu.memory_space<vmem>>
        %dma_wait3A_86 = arith.constant 0 : i32
        %dma_wait3A_87 = arith.constant 0 : i32
        %dma_wait3A_88 = tpu.memref_slice %arg2[%dma_wait3A_86, %dma_wait3A_87] : memref<50000x16xf32, #tpu.memory_space<hbm>> -> memref<50000x16xf32, #tpu.memory_space<hbm>>
        tpu.wait_indirect_dma semaphore(%arg17 : memref<!tpu.dma_semaphore, #tpu.memory_space<semaphore_mem>>) src(%dma_wait3A_88 : memref<50000x16xf32, #tpu.memory_space<hbm>>) dst(%dma_wait3A_82 : memref<128x16xf32, #tpu.memory_space<vmem>>)
        %dma_wait3A_89 = arith.constant 3 : i32
        %dma_wait3A_90 = arith.constant 384 : i32
        %dma_wait3A_91 = arith.constant 0 : i32
        %dma_wait3A_92 = tpu.memref_slice %arg11[%dma_wait3A_90, %dma_wait3A_91] : memref<1280x16xf32, #tpu.memory_space<vmem>> -> memref<128x16xf32, #tpu.memory_space<vmem>>
        %dma_wait3A_93 = arith.constant 0 : i32
        %dma_wait3A_94 = tpu.memref_slice %arg7[%dma_wait3A_89, %dma_wait3A_93] : memref<10x128xi32, #tpu.memory_space<vmem>> -> memref<1x128xi32, #tpu.memory_space<vmem>>
        %dma_wait3A_95 = tpu.memref_squeeze %dma_wait3A_94 : memref<1x128xi32, #tpu.memory_space<vmem>> -> memref<128xi32, #tpu.memory_space<vmem>>
        %dma_wait3A_96 = arith.constant 0 : i32
        %dma_wait3A_97 = arith.constant 0 : i32
        %dma_wait3A_98 = tpu.memref_slice %arg2[%dma_wait3A_96, %dma_wait3A_97] : memref<50000x16xf32, #tpu.memory_space<hbm>> -> memref<50000x16xf32, #tpu.memory_space<hbm>>
        tpu.wait_indirect_dma semaphore(%arg17 : memref<!tpu.dma_semaphore, #tpu.memory_space<semaphore_mem>>) src(%dma_wait3A_98 : memref<50000x16xf32, #tpu.memory_space<hbm>>) dst(%dma_wait3A_92 : memref<128x16xf32, #tpu.memory_space<vmem>>)
        %dma_wait3A_99 = arith.constant 4 : i32
        %dma_wait3A_100 = arith.constant 512 : i32
        %dma_wait3A_101 = arith.constant 0 : i32
        %dma_wait3A_102 = tpu.memref_slice %arg11[%dma_wait3A_100, %dma_wait3A_101] : memref<1280x16xf32, #tpu.memory_space<vmem>> -> memref<128x16xf32, #tpu.memory_space<vmem>>
        %dma_wait3A_103 = arith.constant 0 : i32
        %dma_wait3A_104 = tpu.memref_slice %arg7[%dma_wait3A_99, %dma_wait3A_103] : memref<10x128xi32, #tpu.memory_space<vmem>> -> memref<1x128xi32, #tpu.memory_space<vmem>>
        %dma_wait3A_105 = tpu.memref_squeeze %dma_wait3A_104 : memref<1x128xi32, #tpu.memory_space<vmem>> -> memref<128xi32, #tpu.memory_space<vmem>>
        %dma_wait3A_106 = arith.constant 0 : i32
        %dma_wait3A_107 = arith.constant 0 : i32
        %dma_wait3A_108 = tpu.memref_slice %arg2[%dma_wait3A_106, %dma_wait3A_107] : memref<50000x16xf32, #tpu.memory_space<hbm>> -> memref<50000x16xf32, #tpu.memory_space<hbm>>
        tpu.wait_indirect_dma semaphore(%arg17 : memref<!tpu.dma_semaphore, #tpu.memory_space<semaphore_mem>>) src(%dma_wait3A_108 : memref<50000x16xf32, #tpu.memory_space<hbm>>) dst(%dma_wait3A_102 : memref<128x16xf32, #tpu.memory_space<vmem>>)
        %dma_wait3A_109 = arith.constant 5 : i32
        %dma_wait3A_110 = arith.constant 640 : i32
        %dma_wait3A_111 = arith.constant 0 : i32
        %dma_wait3A_112 = tpu.memref_slice %arg11[%dma_wait3A_110, %dma_wait3A_111] : memref<1280x16xf32, #tpu.memory_space<vmem>> -> memref<128x16xf32, #tpu.memory_space<vmem>>
        %dma_wait3A_113 = arith.constant 0 : i32
        %dma_wait3A_114 = tpu.memref_slice %arg7[%dma_wait3A_109, %dma_wait3A_113] : memref<10x128xi32, #tpu.memory_space<vmem>> -> memref<1x128xi32, #tpu.memory_space<vmem>>
        %dma_wait3A_115 = tpu.memref_squeeze %dma_wait3A_114 : memref<1x128xi32, #tpu.memory_space<vmem>> -> memref<128xi32, #tpu.memory_space<vmem>>
        %dma_wait3A_116 = arith.constant 0 : i32
        %dma_wait3A_117 = arith.constant 0 : i32
        %dma_wait3A_118 = tpu.memref_slice %arg2[%dma_wait3A_116, %dma_wait3A_117] : memref<50000x16xf32, #tpu.memory_space<hbm>> -> memref<50000x16xf32, #tpu.memory_space<hbm>>
        tpu.wait_indirect_dma semaphore(%arg17 : memref<!tpu.dma_semaphore, #tpu.memory_space<semaphore_mem>>) src(%dma_wait3A_118 : memref<50000x16xf32, #tpu.memory_space<hbm>>) dst(%dma_wait3A_112 : memref<128x16xf32, #tpu.memory_space<vmem>>)
        %dma_wait3A_119 = arith.constant 6 : i32
        %dma_wait3A_120 = arith.constant 768 : i32
        %dma_wait3A_121 = arith.constant 0 : i32
        %dma_wait3A_122 = tpu.memref_slice %arg11[%dma_wait3A_120, %dma_wait3A_121] : memref<1280x16xf32, #tpu.memory_space<vmem>> -> memref<128x16xf32, #tpu.memory_space<vmem>>
        %dma_wait3A_123 = arith.constant 0 : i32
        %dma_wait3A_124 = tpu.memref_slice %arg7[%dma_wait3A_119, %dma_wait3A_123] : memref<10x128xi32, #tpu.memory_space<vmem>> -> memref<1x128xi32, #tpu.memory_space<vmem>>
        %dma_wait3A_125 = tpu.memref_squeeze %dma_wait3A_124 : memref<1x128xi32, #tpu.memory_space<vmem>> -> memref<128xi32, #tpu.memory_space<vmem>>
        %dma_wait3A_126 = arith.constant 0 : i32
        %dma_wait3A_127 = arith.constant 0 : i32
        %dma_wait3A_128 = tpu.memref_slice %arg2[%dma_wait3A_126, %dma_wait3A_127] : memref<50000x16xf32, #tpu.memory_space<hbm>> -> memref<50000x16xf32, #tpu.memory_space<hbm>>
        tpu.wait_indirect_dma semaphore(%arg17 : memref<!tpu.dma_semaphore, #tpu.memory_space<semaphore_mem>>) src(%dma_wait3A_128 : memref<50000x16xf32, #tpu.memory_space<hbm>>) dst(%dma_wait3A_122 : memref<128x16xf32, #tpu.memory_space<vmem>>)
        %dma_wait3A_129 = arith.constant 7 : i32
        %dma_wait3A_130 = arith.constant 896 : i32
        %dma_wait3A_131 = arith.constant 0 : i32
        %dma_wait3A_132 = tpu.memref_slice %arg11[%dma_wait3A_130, %dma_wait3A_131] : memref<1280x16xf32, #tpu.memory_space<vmem>> -> memref<128x16xf32, #tpu.memory_space<vmem>>
        %dma_wait3A_133 = arith.constant 0 : i32
        %dma_wait3A_134 = tpu.memref_slice %arg7[%dma_wait3A_129, %dma_wait3A_133] : memref<10x128xi32, #tpu.memory_space<vmem>> -> memref<1x128xi32, #tpu.memory_space<vmem>>
        %dma_wait3A_135 = tpu.memref_squeeze %dma_wait3A_134 : memref<1x128xi32, #tpu.memory_space<vmem>> -> memref<128xi32, #tpu.memory_space<vmem>>
        %dma_wait3A_136 = arith.constant 0 : i32
        %dma_wait3A_137 = arith.constant 0 : i32
        %dma_wait3A_138 = tpu.memref_slice %arg2[%dma_wait3A_136, %dma_wait3A_137] : memref<50000x16xf32, #tpu.memory_space<hbm>> -> memref<50000x16xf32, #tpu.memory_space<hbm>>
        tpu.wait_indirect_dma semaphore(%arg17 : memref<!tpu.dma_semaphore, #tpu.memory_space<semaphore_mem>>) src(%dma_wait3A_138 : memref<50000x16xf32, #tpu.memory_space<hbm>>) dst(%dma_wait3A_132 : memref<128x16xf32, #tpu.memory_space<vmem>>)
        %dma_wait3A_139 = arith.constant 8 : i32
        %dma_wait3A_140 = arith.constant 1024 : i32
        %dma_wait3A_141 = arith.constant 0 : i32
        %dma_wait3A_142 = tpu.memref_slice %arg11[%dma_wait3A_140, %dma_wait3A_141] : memref<1280x16xf32, #tpu.memory_space<vmem>> -> memref<128x16xf32, #tpu.memory_space<vmem>>
        %dma_wait3A_143 = arith.constant 0 : i32
        %dma_wait3A_144 = tpu.memref_slice %arg7[%dma_wait3A_139, %dma_wait3A_143] : memref<10x128xi32, #tpu.memory_space<vmem>> -> memref<1x128xi32, #tpu.memory_space<vmem>>
        %dma_wait3A_145 = tpu.memref_squeeze %dma_wait3A_144 : memref<1x128xi32, #tpu.memory_space<vmem>> -> memref<128xi32, #tpu.memory_space<vmem>>
        %dma_wait3A_146 = arith.constant 0 : i32
        %dma_wait3A_147 = arith.constant 0 : i32
        %dma_wait3A_148 = tpu.memref_slice %arg2[%dma_wait3A_146, %dma_wait3A_147] : memref<50000x16xf32, #tpu.memory_space<hbm>> -> memref<50000x16xf32, #tpu.memory_space<hbm>>
        tpu.wait_indirect_dma semaphore(%arg17 : memref<!tpu.dma_semaphore, #tpu.memory_space<semaphore_mem>>) src(%dma_wait3A_148 : memref<50000x16xf32, #tpu.memory_space<hbm>>) dst(%dma_wait3A_142 : memref<128x16xf32, #tpu.memory_space<vmem>>)
        %dma_wait3A_149 = arith.constant 9 : i32
        %dma_wait3A_150 = arith.constant 1152 : i32
        %dma_wait3A_151 = arith.constant 0 : i32
        %dma_wait3A_152 = tpu.memref_slice %arg11[%dma_wait3A_150, %dma_wait3A_151] : memref<1280x16xf32, #tpu.memory_space<vmem>> -> memref<128x16xf32, #tpu.memory_space<vmem>>
        %dma_wait3A_153 = arith.constant 0 : i32
        %dma_wait3A_154 = tpu.memref_slice %arg7[%dma_wait3A_149, %dma_wait3A_153] : memref<10x128xi32, #tpu.memory_space<vmem>> -> memref<1x128xi32, #tpu.memory_space<vmem>>
        %dma_wait3A_155 = tpu.memref_squeeze %dma_wait3A_154 : memref<1x128xi32, #tpu.memory_space<vmem>> -> memref<128xi32, #tpu.memory_space<vmem>>
        %dma_wait3A_156 = arith.constant 0 : i32
        %dma_wait3A_157 = arith.constant 0 : i32
        %dma_wait3A_158 = tpu.memref_slice %arg2[%dma_wait3A_156, %dma_wait3A_157] : memref<50000x16xf32, #tpu.memory_space<hbm>> -> memref<50000x16xf32, #tpu.memory_space<hbm>>
        tpu.wait_indirect_dma semaphore(%arg17 : memref<!tpu.dma_semaphore, #tpu.memory_space<semaphore_mem>>) src(%dma_wait3A_158 : memref<50000x16xf32, #tpu.memory_space<hbm>>) dst(%dma_wait3A_152 : memref<128x16xf32, #tpu.memory_space<vmem>>)
        %dma_wait3A_159 = arith.constant 0 : i32
        %dma_wait3A_160 = arith.constant 0 : i32
        %dma_wait3A_161 = arith.constant 0 : i32
        %dma_wait3A_162 = tpu.memref_slice %arg12[%dma_wait3A_160, %dma_wait3A_161] : memref<1280x16xf32, #tpu.memory_space<vmem>> -> memref<128x16xf32, #tpu.memory_space<vmem>>
        %dma_wait3A_163 = arith.constant 0 : i32
        %dma_wait3A_164 = tpu.memref_slice %arg8[%dma_wait3A_159, %dma_wait3A_163] : memref<10x128xi32, #tpu.memory_space<vmem>> -> memref<1x128xi32, #tpu.memory_space<vmem>>
        %dma_wait3A_165 = tpu.memref_squeeze %dma_wait3A_164 : memref<1x128xi32, #tpu.memory_space<vmem>> -> memref<128xi32, #tpu.memory_space<vmem>>
        %dma_wait3A_166 = arith.constant 0 : i32
        %dma_wait3A_167 = arith.constant 0 : i32
        %dma_wait3A_168 = tpu.memref_slice %arg2[%dma_wait3A_166, %dma_wait3A_167] : memref<50000x16xf32, #tpu.memory_space<hbm>> -> memref<50000x16xf32, #tpu.memory_space<hbm>>
        tpu.wait_indirect_dma semaphore(%arg17 : memref<!tpu.dma_semaphore, #tpu.memory_space<semaphore_mem>>) src(%dma_wait3A_168 : memref<50000x16xf32, #tpu.memory_space<hbm>>) dst(%dma_wait3A_162 : memref<128x16xf32, #tpu.memory_space<vmem>>)
        %dma_wait3A_169 = arith.constant 1 : i32
        %dma_wait3A_170 = arith.constant 128 : i32
        %dma_wait3A_171 = arith.constant 0 : i32
        %dma_wait3A_172 = tpu.memref_slice %arg12[%dma_wait3A_170, %dma_wait3A_171] : memref<1280x16xf32, #tpu.memory_space<vmem>> -> memref<128x16xf32, #tpu.memory_space<vmem>>
        %dma_wait3A_173 = arith.constant 0 : i32
        %dma_wait3A_174 = tpu.memref_slice %arg8[%dma_wait3A_169, %dma_wait3A_173] : memref<10x128xi32, #tpu.memory_space<vmem>> -> memref<1x128xi32, #tpu.memory_space<vmem>>
        %dma_wait3A_175 = tpu.memref_squeeze %dma_wait3A_174 : memref<1x128xi32, #tpu.memory_space<vmem>> -> memref<128xi32, #tpu.memory_space<vmem>>
        %dma_wait3A_176 = arith.constant 0 : i32
        %dma_wait3A_177 = arith.constant 0 : i32
        %dma_wait3A_178 = tpu.memref_slice %arg2[%dma_wait3A_176, %dma_wait3A_177] : memref<50000x16xf32, #tpu.memory_space<hbm>> -> memref<50000x16xf32, #tpu.memory_space<hbm>>
        tpu.wait_indirect_dma semaphore(%arg17 : memref<!tpu.dma_semaphore, #tpu.memory_space<semaphore_mem>>) src(%dma_wait3A_178 : memref<50000x16xf32, #tpu.memory_space<hbm>>) dst(%dma_wait3A_172 : memref<128x16xf32, #tpu.memory_space<vmem>>)
        %dma_wait3A_179 = arith.constant 2 : i32
        %dma_wait3A_180 = arith.constant 256 : i32
        %dma_wait3A_181 = arith.constant 0 : i32
        %dma_wait3A_182 = tpu.memref_slice %arg12[%dma_wait3A_180, %dma_wait3A_181] : memref<1280x16xf32, #tpu.memory_space<vmem>> -> memref<128x16xf32, #tpu.memory_space<vmem>>
        %dma_wait3A_183 = arith.constant 0 : i32
        %dma_wait3A_184 = tpu.memref_slice %arg8[%dma_wait3A_179, %dma_wait3A_183] : memref<10x128xi32, #tpu.memory_space<vmem>> -> memref<1x128xi32, #tpu.memory_space<vmem>>
        %dma_wait3A_185 = tpu.memref_squeeze %dma_wait3A_184 : memref<1x128xi32, #tpu.memory_space<vmem>> -> memref<128xi32, #tpu.memory_space<vmem>>
        %dma_wait3A_186 = arith.constant 0 : i32
        %dma_wait3A_187 = arith.constant 0 : i32
        %dma_wait3A_188 = tpu.memref_slice %arg2[%dma_wait3A_186, %dma_wait3A_187] : memref<50000x16xf32, #tpu.memory_space<hbm>> -> memref<50000x16xf32, #tpu.memory_space<hbm>>
        tpu.wait_indirect_dma semaphore(%arg17 : memref<!tpu.dma_semaphore, #tpu.memory_space<semaphore_mem>>) src(%dma_wait3A_188 : memref<50000x16xf32, #tpu.memory_space<hbm>>) dst(%dma_wait3A_182 : memref<128x16xf32, #tpu.memory_space<vmem>>)
        %dma_wait3A_189 = arith.constant 3 : i32
        %dma_wait3A_190 = arith.constant 384 : i32
        %dma_wait3A_191 = arith.constant 0 : i32
        %dma_wait3A_192 = tpu.memref_slice %arg12[%dma_wait3A_190, %dma_wait3A_191] : memref<1280x16xf32, #tpu.memory_space<vmem>> -> memref<128x16xf32, #tpu.memory_space<vmem>>
        %dma_wait3A_193 = arith.constant 0 : i32
        %dma_wait3A_194 = tpu.memref_slice %arg8[%dma_wait3A_189, %dma_wait3A_193] : memref<10x128xi32, #tpu.memory_space<vmem>> -> memref<1x128xi32, #tpu.memory_space<vmem>>
        %dma_wait3A_195 = tpu.memref_squeeze %dma_wait3A_194 : memref<1x128xi32, #tpu.memory_space<vmem>> -> memref<128xi32, #tpu.memory_space<vmem>>
        %dma_wait3A_196 = arith.constant 0 : i32
        %dma_wait3A_197 = arith.constant 0 : i32
        %dma_wait3A_198 = tpu.memref_slice %arg2[%dma_wait3A_196, %dma_wait3A_197] : memref<50000x16xf32, #tpu.memory_space<hbm>> -> memref<50000x16xf32, #tpu.memory_space<hbm>>
        tpu.wait_indirect_dma semaphore(%arg17 : memref<!tpu.dma_semaphore, #tpu.memory_space<semaphore_mem>>) src(%dma_wait3A_198 : memref<50000x16xf32, #tpu.memory_space<hbm>>) dst(%dma_wait3A_192 : memref<128x16xf32, #tpu.memory_space<vmem>>)
        %dma_wait3A_199 = arith.constant 4 : i32
        %dma_wait3A_200 = arith.constant 512 : i32
        %dma_wait3A_201 = arith.constant 0 : i32
        %dma_wait3A_202 = tpu.memref_slice %arg12[%dma_wait3A_200, %dma_wait3A_201] : memref<1280x16xf32, #tpu.memory_space<vmem>> -> memref<128x16xf32, #tpu.memory_space<vmem>>
        %dma_wait3A_203 = arith.constant 0 : i32
        %dma_wait3A_204 = tpu.memref_slice %arg8[%dma_wait3A_199, %dma_wait3A_203] : memref<10x128xi32, #tpu.memory_space<vmem>> -> memref<1x128xi32, #tpu.memory_space<vmem>>
        %dma_wait3A_205 = tpu.memref_squeeze %dma_wait3A_204 : memref<1x128xi32, #tpu.memory_space<vmem>> -> memref<128xi32, #tpu.memory_space<vmem>>
        %dma_wait3A_206 = arith.constant 0 : i32
        %dma_wait3A_207 = arith.constant 0 : i32
        %dma_wait3A_208 = tpu.memref_slice %arg2[%dma_wait3A_206, %dma_wait3A_207] : memref<50000x16xf32, #tpu.memory_space<hbm>> -> memref<50000x16xf32, #tpu.memory_space<hbm>>
        tpu.wait_indirect_dma semaphore(%arg17 : memref<!tpu.dma_semaphore, #tpu.memory_space<semaphore_mem>>) src(%dma_wait3A_208 : memref<50000x16xf32, #tpu.memory_space<hbm>>) dst(%dma_wait3A_202 : memref<128x16xf32, #tpu.memory_space<vmem>>)
        %dma_wait3A_209 = arith.constant 5 : i32
        %dma_wait3A_210 = arith.constant 640 : i32
        %dma_wait3A_211 = arith.constant 0 : i32
        %dma_wait3A_212 = tpu.memref_slice %arg12[%dma_wait3A_210, %dma_wait3A_211] : memref<1280x16xf32, #tpu.memory_space<vmem>> -> memref<128x16xf32, #tpu.memory_space<vmem>>
        %dma_wait3A_213 = arith.constant 0 : i32
        %dma_wait3A_214 = tpu.memref_slice %arg8[%dma_wait3A_209, %dma_wait3A_213] : memref<10x128xi32, #tpu.memory_space<vmem>> -> memref<1x128xi32, #tpu.memory_space<vmem>>
        %dma_wait3A_215 = tpu.memref_squeeze %dma_wait3A_214 : memref<1x128xi32, #tpu.memory_space<vmem>> -> memref<128xi32, #tpu.memory_space<vmem>>
        %dma_wait3A_216 = arith.constant 0 : i32
        %dma_wait3A_217 = arith.constant 0 : i32
        %dma_wait3A_218 = tpu.memref_slice %arg2[%dma_wait3A_216, %dma_wait3A_217] : memref<50000x16xf32, #tpu.memory_space<hbm>> -> memref<50000x16xf32, #tpu.memory_space<hbm>>
        tpu.wait_indirect_dma semaphore(%arg17 : memref<!tpu.dma_semaphore, #tpu.memory_space<semaphore_mem>>) src(%dma_wait3A_218 : memref<50000x16xf32, #tpu.memory_space<hbm>>) dst(%dma_wait3A_212 : memref<128x16xf32, #tpu.memory_space<vmem>>)
        %dma_wait3A_219 = arith.constant 6 : i32
        %dma_wait3A_220 = arith.constant 768 : i32
        %dma_wait3A_221 = arith.constant 0 : i32
        %dma_wait3A_222 = tpu.memref_slice %arg12[%dma_wait3A_220, %dma_wait3A_221] : memref<1280x16xf32, #tpu.memory_space<vmem>> -> memref<128x16xf32, #tpu.memory_space<vmem>>
        %dma_wait3A_223 = arith.constant 0 : i32
        %dma_wait3A_224 = tpu.memref_slice %arg8[%dma_wait3A_219, %dma_wait3A_223] : memref<10x128xi32, #tpu.memory_space<vmem>> -> memref<1x128xi32, #tpu.memory_space<vmem>>
        %dma_wait3A_225 = tpu.memref_squeeze %dma_wait3A_224 : memref<1x128xi32, #tpu.memory_space<vmem>> -> memref<128xi32, #tpu.memory_space<vmem>>
        %dma_wait3A_226 = arith.constant 0 : i32
        %dma_wait3A_227 = arith.constant 0 : i32
        %dma_wait3A_228 = tpu.memref_slice %arg2[%dma_wait3A_226, %dma_wait3A_227] : memref<50000x16xf32, #tpu.memory_space<hbm>> -> memref<50000x16xf32, #tpu.memory_space<hbm>>
        tpu.wait_indirect_dma semaphore(%arg17 : memref<!tpu.dma_semaphore, #tpu.memory_space<semaphore_mem>>) src(%dma_wait3A_228 : memref<50000x16xf32, #tpu.memory_space<hbm>>) dst(%dma_wait3A_222 : memref<128x16xf32, #tpu.memory_space<vmem>>)
        %dma_wait3A_229 = arith.constant 7 : i32
        %dma_wait3A_230 = arith.constant 896 : i32
        %dma_wait3A_231 = arith.constant 0 : i32
        %dma_wait3A_232 = tpu.memref_slice %arg12[%dma_wait3A_230, %dma_wait3A_231] : memref<1280x16xf32, #tpu.memory_space<vmem>> -> memref<128x16xf32, #tpu.memory_space<vmem>>
        %dma_wait3A_233 = arith.constant 0 : i32
        %dma_wait3A_234 = tpu.memref_slice %arg8[%dma_wait3A_229, %dma_wait3A_233] : memref<10x128xi32, #tpu.memory_space<vmem>> -> memref<1x128xi32, #tpu.memory_space<vmem>>
        %dma_wait3A_235 = tpu.memref_squeeze %dma_wait3A_234 : memref<1x128xi32, #tpu.memory_space<vmem>> -> memref<128xi32, #tpu.memory_space<vmem>>
        %dma_wait3A_236 = arith.constant 0 : i32
        %dma_wait3A_237 = arith.constant 0 : i32
        %dma_wait3A_238 = tpu.memref_slice %arg2[%dma_wait3A_236, %dma_wait3A_237] : memref<50000x16xf32, #tpu.memory_space<hbm>> -> memref<50000x16xf32, #tpu.memory_space<hbm>>
        tpu.wait_indirect_dma semaphore(%arg17 : memref<!tpu.dma_semaphore, #tpu.memory_space<semaphore_mem>>) src(%dma_wait3A_238 : memref<50000x16xf32, #tpu.memory_space<hbm>>) dst(%dma_wait3A_232 : memref<128x16xf32, #tpu.memory_space<vmem>>)
        %dma_wait3A_239 = arith.constant 8 : i32
        %dma_wait3A_240 = arith.constant 1024 : i32
        %dma_wait3A_241 = arith.constant 0 : i32
        %dma_wait3A_242 = tpu.memref_slice %arg12[%dma_wait3A_240, %dma_wait3A_241] : memref<1280x16xf32, #tpu.memory_space<vmem>> -> memref<128x16xf32, #tpu.memory_space<vmem>>
        %dma_wait3A_243 = arith.constant 0 : i32
        %dma_wait3A_244 = tpu.memref_slice %arg8[%dma_wait3A_239, %dma_wait3A_243] : memref<10x128xi32, #tpu.memory_space<vmem>> -> memref<1x128xi32, #tpu.memory_space<vmem>>
        %dma_wait3A_245 = tpu.memref_squeeze %dma_wait3A_244 : memref<1x128xi32, #tpu.memory_space<vmem>> -> memref<128xi32, #tpu.memory_space<vmem>>
        %dma_wait3A_246 = arith.constant 0 : i32
        %dma_wait3A_247 = arith.constant 0 : i32
        %dma_wait3A_248 = tpu.memref_slice %arg2[%dma_wait3A_246, %dma_wait3A_247] : memref<50000x16xf32, #tpu.memory_space<hbm>> -> memref<50000x16xf32, #tpu.memory_space<hbm>>
        tpu.wait_indirect_dma semaphore(%arg17 : memref<!tpu.dma_semaphore, #tpu.memory_space<semaphore_mem>>) src(%dma_wait3A_248 : memref<50000x16xf32, #tpu.memory_space<hbm>>) dst(%dma_wait3A_242 : memref<128x16xf32, #tpu.memory_space<vmem>>)
        %dma_wait3A_249 = arith.constant 9 : i32
        %dma_wait3A_250 = arith.constant 1152 : i32
        %dma_wait3A_251 = arith.constant 0 : i32
        %dma_wait3A_252 = tpu.memref_slice %arg12[%dma_wait3A_250, %dma_wait3A_251] : memref<1280x16xf32, #tpu.memory_space<vmem>> -> memref<128x16xf32, #tpu.memory_space<vmem>>
        %dma_wait3A_253 = arith.constant 0 : i32
        %dma_wait3A_254 = tpu.memref_slice %arg8[%dma_wait3A_249, %dma_wait3A_253] : memref<10x128xi32, #tpu.memory_space<vmem>> -> memref<1x128xi32, #tpu.memory_space<vmem>>
        %dma_wait3A_255 = tpu.memref_squeeze %dma_wait3A_254 : memref<1x128xi32, #tpu.memory_space<vmem>> -> memref<128xi32, #tpu.memory_space<vmem>>
        %dma_wait3A_256 = arith.constant 0 : i32
        %dma_wait3A_257 = arith.constant 0 : i32
        %dma_wait3A_258 = tpu.memref_slice %arg2[%dma_wait3A_256, %dma_wait3A_257] : memref<50000x16xf32, #tpu.memory_space<hbm>> -> memref<50000x16xf32, #tpu.memory_space<hbm>>
        tpu.wait_indirect_dma semaphore(%arg17 : memref<!tpu.dma_semaphore, #tpu.memory_space<semaphore_mem>>) src(%dma_wait3A_258 : memref<50000x16xf32, #tpu.memory_space<hbm>>) dst(%dma_wait3A_252 : memref<128x16xf32, #tpu.memory_space<vmem>>)
        %mul3A_259 = arith.constant 1280 : i32
        %mul3A_260 = arith.muli %mul3A_259, %add3A_29 : i32
        %mul3A_261 = arith.constant 1280 : i32
        %mul3A_262 = arith.muli %mul3A_261, %add3A_29 : i32
        %dma_start3A = arith.constant 0 : i32
        %dma_start3A_263 = tpu.memref_slice %arg5[%mul3A_260, %dma_start3A] : memref<800000x16xf32, #tpu.memory_space<hbm>> -> memref<1280x16xf32, #tpu.memory_space<hbm>>
        %dma_start3A_264 = arith.constant 0 : i32
        %dma_start3A_265 = tpu.memref_slice %arg5[%mul3A_260, %dma_start3A_264] : memref<800000x16xf32, #tpu.memory_space<hbm>> -> memref<1280x16xf32, #tpu.memory_space<hbm>>
        tpu.enqueue_dma source(%arg11 : memref<1280x16xf32, #tpu.memory_space<vmem>>) target(%dma_start3A_265 : memref<1280x16xf32, #tpu.memory_space<hbm>>) target_semaphore(%arg19 : memref<!tpu.dma_semaphore, #tpu.memory_space<semaphore_mem>>)
        %dma_start3A_266 = arith.constant 0 : i32
        %dma_start3A_267 = tpu.memref_slice %arg6[%mul3A_262, %dma_start3A_266] : memref<800000x16xf32, #tpu.memory_space<hbm>> -> memref<1280x16xf32, #tpu.memory_space<hbm>>
        %dma_start3A_268 = arith.constant 0 : i32
        %dma_start3A_269 = tpu.memref_slice %arg6[%mul3A_262, %dma_start3A_268] : memref<800000x16xf32, #tpu.memory_space<hbm>> -> memref<1280x16xf32, #tpu.memory_space<hbm>>
        tpu.enqueue_dma source(%arg12 : memref<1280x16xf32, #tpu.memory_space<vmem>>) target(%dma_start3A_269 : memref<1280x16xf32, #tpu.memory_space<hbm>>) target_semaphore(%arg19 : memref<!tpu.dma_semaphore, #tpu.memory_space<semaphore_mem>>)
      } else {
      }
      %add3A_50 = arith.constant 2 : i32
      %add3A_51 = arith.addi %mul3A_33, %add3A_50 : i32
      %lt3A_52 = arith.cmpi slt, %add3A_51, %add3A_8 : i32
      %convert_element_type3A_53 = arith.extui %lt3A_52 : i1 to i32
      %cond3A_54 = arith.constant 0 : i32
      %cond3A_55 = arith.cmpi ne, %convert_element_type3A_53, %cond3A_54 : i32
      scf.if %cond3A_55 {
        %add3A_60 = arith.constant 2 : i32
        %add3A_61 = arith.addi %add3A_29, %add3A_60 : i32
        %add3A_62 = arith.constant 625 : i32
        %add3A_63 = arith.addi %add3A_62, %add3A_61 : i32
        %mul3A_64 = arith.constant 10 : i32
        %mul3A_65 = arith.muli %mul3A_64, %add3A_63 : i32
        %add3A_66 = arith.constant 625 : i32
        %add3A_67 = arith.addi %add3A_66, %add3A_61 : i32
        %mul3A_68 = arith.constant 10 : i32
        %mul3A_69 = arith.muli %mul3A_68, %add3A_67 : i32
        %dma_start3A = arith.constant 0 : i32
        %dma_start3A_70 = tpu.memref_slice %arg3[%mul3A_65, %dma_start3A] : memref<12500x128xi32, #tpu.memory_space<hbm>> -> memref<10x128xi32, #tpu.memory_space<hbm>>
        %dma_start3A_71 = arith.constant 0 : i32
        %dma_start3A_72 = tpu.memref_slice %arg3[%mul3A_65, %dma_start3A_71] : memref<12500x128xi32, #tpu.memory_space<hbm>> -> memref<10x128xi32, #tpu.memory_space<hbm>>
        tpu.enqueue_dma source(%dma_start3A_72 : memref<10x128xi32, #tpu.memory_space<hbm>>) target(%arg7 : memref<10x128xi32, #tpu.memory_space<vmem>>) target_semaphore(%arg15 : memref<!tpu.dma_semaphore, #tpu.memory_space<semaphore_mem>>)
        %dma_start3A_73 = arith.constant 0 : i32
        %dma_start3A_74 = tpu.memref_slice %arg4[%mul3A_69, %dma_start3A_73] : memref<12500x128xi32, #tpu.memory_space<hbm>> -> memref<10x128xi32, #tpu.memory_space<hbm>>
        %dma_start3A_75 = arith.constant 0 : i32
        %dma_start3A_76 = tpu.memref_slice %arg4[%mul3A_69, %dma_start3A_75] : memref<12500x128xi32, #tpu.memory_space<hbm>> -> memref<10x128xi32, #tpu.memory_space<hbm>>
        tpu.enqueue_dma source(%dma_start3A_76 : memref<10x128xi32, #tpu.memory_space<hbm>>) target(%arg8 : memref<10x128xi32, #tpu.memory_space<vmem>>) target_semaphore(%arg15 : memref<!tpu.dma_semaphore, #tpu.memory_space<semaphore_mem>>)
      } else {
      }
      %lt3A_56 = arith.cmpi slt, %add3A_37, %add3A_8 : i32
      %convert_element_type3A_57 = arith.extui %lt3A_56 : i1 to i32
      %cond3A_58 = arith.constant 0 : i32
      %cond3A_59 = arith.cmpi ne, %convert_element_type3A_57, %cond3A_58 : i32
      scf.if %cond3A_59 {
        %add3A_60 = arith.constant 625 : i32
        %add3A_61 = arith.addi %add3A_60, %add3A_31 : i32
        %mul3A_62 = arith.constant 10 : i32
        %mul3A_63 = arith.muli %mul3A_62, %add3A_61 : i32
        %add3A_64 = arith.constant 625 : i32
        %add3A_65 = arith.addi %add3A_64, %add3A_31 : i32
        %mul3A_66 = arith.constant 10 : i32
        %mul3A_67 = arith.muli %mul3A_66, %add3A_65 : i32
        %dma_wait3A = arith.constant 0 : i32
        %dma_wait3A_68 = tpu.memref_slice %arg3[%mul3A_63, %dma_wait3A] : memref<12500x128xi32, #tpu.memory_space<hbm>> -> memref<10x128xi32, #tpu.memory_space<hbm>>
        %dma_wait3A_69 = arith.constant 0 : i32
        %dma_wait3A_70 = tpu.memref_slice %arg3[%mul3A_63, %dma_wait3A_69] : memref<12500x128xi32, #tpu.memory_space<hbm>> -> memref<10x128xi32, #tpu.memory_space<hbm>>
        tpu.wait_dma2 semaphore(%arg16 : memref<!tpu.dma_semaphore, #tpu.memory_space<semaphore_mem>>) src(%dma_wait3A_70 : memref<10x128xi32, #tpu.memory_space<hbm>>) dst(%arg9 : memref<10x128xi32, #tpu.memory_space<vmem>>)
        %dma_wait3A_71 = arith.constant 0 : i32
        %dma_wait3A_72 = tpu.memref_slice %arg4[%mul3A_67, %dma_wait3A_71] : memref<12500x128xi32, #tpu.memory_space<hbm>> -> memref<10x128xi32, #tpu.memory_space<hbm>>
        %dma_wait3A_73 = arith.constant 0 : i32
        %dma_wait3A_74 = tpu.memref_slice %arg4[%mul3A_67, %dma_wait3A_73] : memref<12500x128xi32, #tpu.memory_space<hbm>> -> memref<10x128xi32, #tpu.memory_space<hbm>>
        tpu.wait_dma2 semaphore(%arg16 : memref<!tpu.dma_semaphore, #tpu.memory_space<semaphore_mem>>) src(%dma_wait3A_74 : memref<10x128xi32, #tpu.memory_space<hbm>>) dst(%arg10 : memref<10x128xi32, #tpu.memory_space<vmem>>)
        %gt3A_75 = arith.constant 0 : i32
        %gt3A_76 = arith.cmpi sgt, %scan3A_26, %gt3A_75 : i32
        %convert_element_type3A_77 = arith.extui %gt3A_76 : i1 to i32
        %cond3A_78 = arith.constant 0 : i32
        %cond3A_79 = arith.cmpi ne, %convert_element_type3A_77, %cond3A_78 : i32
        scf.if %cond3A_79 {
          %mul3A_491 = arith.constant 1280 : i32
          %mul3A_492 = arith.muli %mul3A_491, %add3A_31 : i32
          %mul3A_493 = arith.constant 1280 : i32
          %mul3A_494 = arith.muli %mul3A_493, %add3A_31 : i32
          %dma_wait3A_495 = arith.constant 0 : i32
          %dma_wait3A_496 = tpu.memref_slice %arg5[%mul3A_492, %dma_wait3A_495] : memref<800000x16xf32, #tpu.memory_space<hbm>> -> memref<1280x16xf32, #tpu.memory_space<hbm>>
          %dma_wait3A_497 = arith.constant 0 : i32
          %dma_wait3A_498 = tpu.memref_slice %arg5[%mul3A_492, %dma_wait3A_497] : memref<800000x16xf32, #tpu.memory_space<hbm>> -> memref<1280x16xf32, #tpu.memory_space<hbm>>
          tpu.wait_dma2 semaphore(%arg20 : memref<!tpu.dma_semaphore, #tpu.memory_space<semaphore_mem>>) src(%arg13 : memref<1280x16xf32, #tpu.memory_space<vmem>>) dst(%dma_wait3A_498 : memref<1280x16xf32, #tpu.memory_space<hbm>>)
          %dma_wait3A_499 = arith.constant 0 : i32
          %dma_wait3A_500 = tpu.memref_slice %arg6[%mul3A_494, %dma_wait3A_499] : memref<800000x16xf32, #tpu.memory_space<hbm>> -> memref<1280x16xf32, #tpu.memory_space<hbm>>
          %dma_wait3A_501 = arith.constant 0 : i32
          %dma_wait3A_502 = tpu.memref_slice %arg6[%mul3A_494, %dma_wait3A_501] : memref<800000x16xf32, #tpu.memory_space<hbm>> -> memref<1280x16xf32, #tpu.memory_space<hbm>>
          tpu.wait_dma2 semaphore(%arg20 : memref<!tpu.dma_semaphore, #tpu.memory_space<semaphore_mem>>) src(%arg14 : memref<1280x16xf32, #tpu.memory_space<vmem>>) dst(%dma_wait3A_502 : memref<1280x16xf32, #tpu.memory_space<hbm>>)
        } else {
        }
        %dma_start3A = arith.constant 0 : i32
        %dma_start3A_80 = arith.constant 0 : i32
        %dma_start3A_81 = arith.constant 0 : i32
        %dma_start3A_82 = tpu.memref_slice %arg13[%dma_start3A_80, %dma_start3A_81] : memref<1280x16xf32, #tpu.memory_space<vmem>> -> memref<128x16xf32, #tpu.memory_space<vmem>>
        %dma_start3A_83 = arith.constant 0 : i32
        %dma_start3A_84 = tpu.memref_slice %arg9[%dma_start3A, %dma_start3A_83] : memref<10x128xi32, #tpu.memory_space<vmem>> -> memref<1x128xi32, #tpu.memory_space<vmem>>
        %dma_start3A_85 = tpu.memref_squeeze %dma_start3A_84 : memref<1x128xi32, #tpu.memory_space<vmem>> -> memref<128xi32, #tpu.memory_space<vmem>>
        %dma_start3A_86 = arith.constant 0 : i32
        %dma_start3A_87 = arith.constant 0 : i32
        %dma_start3A_88 = tpu.memref_slice %arg2[%dma_start3A_86, %dma_start3A_87] : memref<50000x16xf32, #tpu.memory_space<hbm>> -> memref<50000x16xf32, #tpu.memory_space<hbm>>
        tpu.enqueue_indirect_dma source(%dma_start3A_88 : memref<50000x16xf32, #tpu.memory_space<hbm>>) target(%dma_start3A_82 : memref<128x16xf32, #tpu.memory_space<vmem>>) offsets(%dma_start3A_85 : memref<128xi32, #tpu.memory_space<vmem>>) semaphore(%arg18 : memref<!tpu.dma_semaphore, #tpu.memory_space<semaphore_mem>>)
        %dma_start3A_89 = arith.constant 1 : i32
        %dma_start3A_90 = arith.constant 128 : i32
        %dma_start3A_91 = arith.constant 0 : i32
        %dma_start3A_92 = tpu.memref_slice %arg13[%dma_start3A_90, %dma_start3A_91] : memref<1280x16xf32, #tpu.memory_space<vmem>> -> memref<128x16xf32, #tpu.memory_space<vmem>>
        %dma_start3A_93 = arith.constant 0 : i32
        %dma_start3A_94 = tpu.memref_slice %arg9[%dma_start3A_89, %dma_start3A_93] : memref<10x128xi32, #tpu.memory_space<vmem>> -> memref<1x128xi32, #tpu.memory_space<vmem>>
        %dma_start3A_95 = tpu.memref_squeeze %dma_start3A_94 : memref<1x128xi32, #tpu.memory_space<vmem>> -> memref<128xi32, #tpu.memory_space<vmem>>
        %dma_start3A_96 = arith.constant 0 : i32
        %dma_start3A_97 = arith.constant 0 : i32
        %dma_start3A_98 = tpu.memref_slice %arg2[%dma_start3A_96, %dma_start3A_97] : memref<50000x16xf32, #tpu.memory_space<hbm>> -> memref<50000x16xf32, #tpu.memory_space<hbm>>
        tpu.enqueue_indirect_dma source(%dma_start3A_98 : memref<50000x16xf32, #tpu.memory_space<hbm>>) target(%dma_start3A_92 : memref<128x16xf32, #tpu.memory_space<vmem>>) offsets(%dma_start3A_95 : memref<128xi32, #tpu.memory_space<vmem>>) semaphore(%arg18 : memref<!tpu.dma_semaphore, #tpu.memory_space<semaphore_mem>>)
        %dma_start3A_99 = arith.constant 2 : i32
        %dma_start3A_100 = arith.constant 256 : i32
        %dma_start3A_101 = arith.constant 0 : i32
        %dma_start3A_102 = tpu.memref_slice %arg13[%dma_start3A_100, %dma_start3A_101] : memref<1280x16xf32, #tpu.memory_space<vmem>> -> memref<128x16xf32, #tpu.memory_space<vmem>>
        %dma_start3A_103 = arith.constant 0 : i32
        %dma_start3A_104 = tpu.memref_slice %arg9[%dma_start3A_99, %dma_start3A_103] : memref<10x128xi32, #tpu.memory_space<vmem>> -> memref<1x128xi32, #tpu.memory_space<vmem>>
        %dma_start3A_105 = tpu.memref_squeeze %dma_start3A_104 : memref<1x128xi32, #tpu.memory_space<vmem>> -> memref<128xi32, #tpu.memory_space<vmem>>
        %dma_start3A_106 = arith.constant 0 : i32
        %dma_start3A_107 = arith.constant 0 : i32
        %dma_start3A_108 = tpu.memref_slice %arg2[%dma_start3A_106, %dma_start3A_107] : memref<50000x16xf32, #tpu.memory_space<hbm>> -> memref<50000x16xf32, #tpu.memory_space<hbm>>
        tpu.enqueue_indirect_dma source(%dma_start3A_108 : memref<50000x16xf32, #tpu.memory_space<hbm>>) target(%dma_start3A_102 : memref<128x16xf32, #tpu.memory_space<vmem>>) offsets(%dma_start3A_105 : memref<128xi32, #tpu.memory_space<vmem>>) semaphore(%arg18 : memref<!tpu.dma_semaphore, #tpu.memory_space<semaphore_mem>>)
        %dma_start3A_109 = arith.constant 3 : i32
        %dma_start3A_110 = arith.constant 384 : i32
        %dma_start3A_111 = arith.constant 0 : i32
        %dma_start3A_112 = tpu.memref_slice %arg13[%dma_start3A_110, %dma_start3A_111] : memref<1280x16xf32, #tpu.memory_space<vmem>> -> memref<128x16xf32, #tpu.memory_space<vmem>>
        %dma_start3A_113 = arith.constant 0 : i32
        %dma_start3A_114 = tpu.memref_slice %arg9[%dma_start3A_109, %dma_start3A_113] : memref<10x128xi32, #tpu.memory_space<vmem>> -> memref<1x128xi32, #tpu.memory_space<vmem>>
        %dma_start3A_115 = tpu.memref_squeeze %dma_start3A_114 : memref<1x128xi32, #tpu.memory_space<vmem>> -> memref<128xi32, #tpu.memory_space<vmem>>
        %dma_start3A_116 = arith.constant 0 : i32
        %dma_start3A_117 = arith.constant 0 : i32
        %dma_start3A_118 = tpu.memref_slice %arg2[%dma_start3A_116, %dma_start3A_117] : memref<50000x16xf32, #tpu.memory_space<hbm>> -> memref<50000x16xf32, #tpu.memory_space<hbm>>
        tpu.enqueue_indirect_dma source(%dma_start3A_118 : memref<50000x16xf32, #tpu.memory_space<hbm>>) target(%dma_start3A_112 : memref<128x16xf32, #tpu.memory_space<vmem>>) offsets(%dma_start3A_115 : memref<128xi32, #tpu.memory_space<vmem>>) semaphore(%arg18 : memref<!tpu.dma_semaphore, #tpu.memory_space<semaphore_mem>>)
        %dma_start3A_119 = arith.constant 4 : i32
        %dma_start3A_120 = arith.constant 512 : i32
        %dma_start3A_121 = arith.constant 0 : i32
        %dma_start3A_122 = tpu.memref_slice %arg13[%dma_start3A_120, %dma_start3A_121] : memref<1280x16xf32, #tpu.memory_space<vmem>> -> memref<128x16xf32, #tpu.memory_space<vmem>>
        %dma_start3A_123 = arith.constant 0 : i32
        %dma_start3A_124 = tpu.memref_slice %arg9[%dma_start3A_119, %dma_start3A_123] : memref<10x128xi32, #tpu.memory_space<vmem>> -> memref<1x128xi32, #tpu.memory_space<vmem>>
        %dma_start3A_125 = tpu.memref_squeeze %dma_start3A_124 : memref<1x128xi32, #tpu.memory_space<vmem>> -> memref<128xi32, #tpu.memory_space<vmem>>
        %dma_start3A_126 = arith.constant 0 : i32
        %dma_start3A_127 = arith.constant 0 : i32
        %dma_start3A_128 = tpu.memref_slice %arg2[%dma_start3A_126, %dma_start3A_127] : memref<50000x16xf32, #tpu.memory_space<hbm>> -> memref<50000x16xf32, #tpu.memory_space<hbm>>
        tpu.enqueue_indirect_dma source(%dma_start3A_128 : memref<50000x16xf32, #tpu.memory_space<hbm>>) target(%dma_start3A_122 : memref<128x16xf32, #tpu.memory_space<vmem>>) offsets(%dma_start3A_125 : memref<128xi32, #tpu.memory_space<vmem>>) semaphore(%arg18 : memref<!tpu.dma_semaphore, #tpu.memory_space<semaphore_mem>>)
        %dma_start3A_129 = arith.constant 5 : i32
        %dma_start3A_130 = arith.constant 640 : i32
        %dma_start3A_131 = arith.constant 0 : i32
        %dma_start3A_132 = tpu.memref_slice %arg13[%dma_start3A_130, %dma_start3A_131] : memref<1280x16xf32, #tpu.memory_space<vmem>> -> memref<128x16xf32, #tpu.memory_space<vmem>>
        %dma_start3A_133 = arith.constant 0 : i32
        %dma_start3A_134 = tpu.memref_slice %arg9[%dma_start3A_129, %dma_start3A_133] : memref<10x128xi32, #tpu.memory_space<vmem>> -> memref<1x128xi32, #tpu.memory_space<vmem>>
        %dma_start3A_135 = tpu.memref_squeeze %dma_start3A_134 : memref<1x128xi32, #tpu.memory_space<vmem>> -> memref<128xi32, #tpu.memory_space<vmem>>
        %dma_start3A_136 = arith.constant 0 : i32
        %dma_start3A_137 = arith.constant 0 : i32
        %dma_start3A_138 = tpu.memref_slice %arg2[%dma_start3A_136, %dma_start3A_137] : memref<50000x16xf32, #tpu.memory_space<hbm>> -> memref<50000x16xf32, #tpu.memory_space<hbm>>
        tpu.enqueue_indirect_dma source(%dma_start3A_138 : memref<50000x16xf32, #tpu.memory_space<hbm>>) target(%dma_start3A_132 : memref<128x16xf32, #tpu.memory_space<vmem>>) offsets(%dma_start3A_135 : memref<128xi32, #tpu.memory_space<vmem>>) semaphore(%arg18 : memref<!tpu.dma_semaphore, #tpu.memory_space<semaphore_mem>>)
        %dma_start3A_139 = arith.constant 6 : i32
        %dma_start3A_140 = arith.constant 768 : i32
        %dma_start3A_141 = arith.constant 0 : i32
        %dma_start3A_142 = tpu.memref_slice %arg13[%dma_start3A_140, %dma_start3A_141] : memref<1280x16xf32, #tpu.memory_space<vmem>> -> memref<128x16xf32, #tpu.memory_space<vmem>>
        %dma_start3A_143 = arith.constant 0 : i32
        %dma_start3A_144 = tpu.memref_slice %arg9[%dma_start3A_139, %dma_start3A_143] : memref<10x128xi32, #tpu.memory_space<vmem>> -> memref<1x128xi32, #tpu.memory_space<vmem>>
        %dma_start3A_145 = tpu.memref_squeeze %dma_start3A_144 : memref<1x128xi32, #tpu.memory_space<vmem>> -> memref<128xi32, #tpu.memory_space<vmem>>
        %dma_start3A_146 = arith.constant 0 : i32
        %dma_start3A_147 = arith.constant 0 : i32
        %dma_start3A_148 = tpu.memref_slice %arg2[%dma_start3A_146, %dma_start3A_147] : memref<50000x16xf32, #tpu.memory_space<hbm>> -> memref<50000x16xf32, #tpu.memory_space<hbm>>
        tpu.enqueue_indirect_dma source(%dma_start3A_148 : memref<50000x16xf32, #tpu.memory_space<hbm>>) target(%dma_start3A_142 : memref<128x16xf32, #tpu.memory_space<vmem>>) offsets(%dma_start3A_145 : memref<128xi32, #tpu.memory_space<vmem>>) semaphore(%arg18 : memref<!tpu.dma_semaphore, #tpu.memory_space<semaphore_mem>>)
        %dma_start3A_149 = arith.constant 7 : i32
        %dma_start3A_150 = arith.constant 896 : i32
        %dma_start3A_151 = arith.constant 0 : i32
        %dma_start3A_152 = tpu.memref_slice %arg13[%dma_start3A_150, %dma_start3A_151] : memref<1280x16xf32, #tpu.memory_space<vmem>> -> memref<128x16xf32, #tpu.memory_space<vmem>>
        %dma_start3A_153 = arith.constant 0 : i32
        %dma_start3A_154 = tpu.memref_slice %arg9[%dma_start3A_149, %dma_start3A_153] : memref<10x128xi32, #tpu.memory_space<vmem>> -> memref<1x128xi32, #tpu.memory_space<vmem>>
        %dma_start3A_155 = tpu.memref_squeeze %dma_start3A_154 : memref<1x128xi32, #tpu.memory_space<vmem>> -> memref<128xi32, #tpu.memory_space<vmem>>
        %dma_start3A_156 = arith.constant 0 : i32
        %dma_start3A_157 = arith.constant 0 : i32
        %dma_start3A_158 = tpu.memref_slice %arg2[%dma_start3A_156, %dma_start3A_157] : memref<50000x16xf32, #tpu.memory_space<hbm>> -> memref<50000x16xf32, #tpu.memory_space<hbm>>
        tpu.enqueue_indirect_dma source(%dma_start3A_158 : memref<50000x16xf32, #tpu.memory_space<hbm>>) target(%dma_start3A_152 : memref<128x16xf32, #tpu.memory_space<vmem>>) offsets(%dma_start3A_155 : memref<128xi32, #tpu.memory_space<vmem>>) semaphore(%arg18 : memref<!tpu.dma_semaphore, #tpu.memory_space<semaphore_mem>>)
        %dma_start3A_159 = arith.constant 8 : i32
        %dma_start3A_160 = arith.constant 1024 : i32
        %dma_start3A_161 = arith.constant 0 : i32
        %dma_start3A_162 = tpu.memref_slice %arg13[%dma_start3A_160, %dma_start3A_161] : memref<1280x16xf32, #tpu.memory_space<vmem>> -> memref<128x16xf32, #tpu.memory_space<vmem>>
        %dma_start3A_163 = arith.constant 0 : i32
        %dma_start3A_164 = tpu.memref_slice %arg9[%dma_start3A_159, %dma_start3A_163] : memref<10x128xi32, #tpu.memory_space<vmem>> -> memref<1x128xi32, #tpu.memory_space<vmem>>
        %dma_start3A_165 = tpu.memref_squeeze %dma_start3A_164 : memref<1x128xi32, #tpu.memory_space<vmem>> -> memref<128xi32, #tpu.memory_space<vmem>>
        %dma_start3A_166 = arith.constant 0 : i32
        %dma_start3A_167 = arith.constant 0 : i32
        %dma_start3A_168 = tpu.memref_slice %arg2[%dma_start3A_166, %dma_start3A_167] : memref<50000x16xf32, #tpu.memory_space<hbm>> -> memref<50000x16xf32, #tpu.memory_space<hbm>>
        tpu.enqueue_indirect_dma source(%dma_start3A_168 : memref<50000x16xf32, #tpu.memory_space<hbm>>) target(%dma_start3A_162 : memref<128x16xf32, #tpu.memory_space<vmem>>) offsets(%dma_start3A_165 : memref<128xi32, #tpu.memory_space<vmem>>) semaphore(%arg18 : memref<!tpu.dma_semaphore, #tpu.memory_space<semaphore_mem>>)
        %dma_start3A_169 = arith.constant 9 : i32
        %dma_start3A_170 = arith.constant 1152 : i32
        %dma_start3A_171 = arith.constant 0 : i32
        %dma_start3A_172 = tpu.memref_slice %arg13[%dma_start3A_170, %dma_start3A_171] : memref<1280x16xf32, #tpu.memory_space<vmem>> -> memref<128x16xf32, #tpu.memory_space<vmem>>
        %dma_start3A_173 = arith.constant 0 : i32
        %dma_start3A_174 = tpu.memref_slice %arg9[%dma_start3A_169, %dma_start3A_173] : memref<10x128xi32, #tpu.memory_space<vmem>> -> memref<1x128xi32, #tpu.memory_space<vmem>>
        %dma_start3A_175 = tpu.memref_squeeze %dma_start3A_174 : memref<1x128xi32, #tpu.memory_space<vmem>> -> memref<128xi32, #tpu.memory_space<vmem>>
        %dma_start3A_176 = arith.constant 0 : i32
        %dma_start3A_177 = arith.constant 0 : i32
        %dma_start3A_178 = tpu.memref_slice %arg2[%dma_start3A_176, %dma_start3A_177] : memref<50000x16xf32, #tpu.memory_space<hbm>> -> memref<50000x16xf32, #tpu.memory_space<hbm>>
        tpu.enqueue_indirect_dma source(%dma_start3A_178 : memref<50000x16xf32, #tpu.memory_space<hbm>>) target(%dma_start3A_172 : memref<128x16xf32, #tpu.memory_space<vmem>>) offsets(%dma_start3A_175 : memref<128xi32, #tpu.memory_space<vmem>>) semaphore(%arg18 : memref<!tpu.dma_semaphore, #tpu.memory_space<semaphore_mem>>)
        %dma_start3A_179 = arith.constant 0 : i32
        %dma_start3A_180 = arith.constant 0 : i32
        %dma_start3A_181 = arith.constant 0 : i32
        %dma_start3A_182 = tpu.memref_slice %arg14[%dma_start3A_180, %dma_start3A_181] : memref<1280x16xf32, #tpu.memory_space<vmem>> -> memref<128x16xf32, #tpu.memory_space<vmem>>
        %dma_start3A_183 = arith.constant 0 : i32
        %dma_start3A_184 = tpu.memref_slice %arg10[%dma_start3A_179, %dma_start3A_183] : memref<10x128xi32, #tpu.memory_space<vmem>> -> memref<1x128xi32, #tpu.memory_space<vmem>>
        %dma_start3A_185 = tpu.memref_squeeze %dma_start3A_184 : memref<1x128xi32, #tpu.memory_space<vmem>> -> memref<128xi32, #tpu.memory_space<vmem>>
        %dma_start3A_186 = arith.constant 0 : i32
        %dma_start3A_187 = arith.constant 0 : i32
        %dma_start3A_188 = tpu.memref_slice %arg2[%dma_start3A_186, %dma_start3A_187] : memref<50000x16xf32, #tpu.memory_space<hbm>> -> memref<50000x16xf32, #tpu.memory_space<hbm>>
        tpu.enqueue_indirect_dma source(%dma_start3A_188 : memref<50000x16xf32, #tpu.memory_space<hbm>>) target(%dma_start3A_182 : memref<128x16xf32, #tpu.memory_space<vmem>>) offsets(%dma_start3A_185 : memref<128xi32, #tpu.memory_space<vmem>>) semaphore(%arg18 : memref<!tpu.dma_semaphore, #tpu.memory_space<semaphore_mem>>)
        %dma_start3A_189 = arith.constant 1 : i32
        %dma_start3A_190 = arith.constant 128 : i32
        %dma_start3A_191 = arith.constant 0 : i32
        %dma_start3A_192 = tpu.memref_slice %arg14[%dma_start3A_190, %dma_start3A_191] : memref<1280x16xf32, #tpu.memory_space<vmem>> -> memref<128x16xf32, #tpu.memory_space<vmem>>
        %dma_start3A_193 = arith.constant 0 : i32
        %dma_start3A_194 = tpu.memref_slice %arg10[%dma_start3A_189, %dma_start3A_193] : memref<10x128xi32, #tpu.memory_space<vmem>> -> memref<1x128xi32, #tpu.memory_space<vmem>>
        %dma_start3A_195 = tpu.memref_squeeze %dma_start3A_194 : memref<1x128xi32, #tpu.memory_space<vmem>> -> memref<128xi32, #tpu.memory_space<vmem>>
        %dma_start3A_196 = arith.constant 0 : i32
        %dma_start3A_197 = arith.constant 0 : i32
        %dma_start3A_198 = tpu.memref_slice %arg2[%dma_start3A_196, %dma_start3A_197] : memref<50000x16xf32, #tpu.memory_space<hbm>> -> memref<50000x16xf32, #tpu.memory_space<hbm>>
        tpu.enqueue_indirect_dma source(%dma_start3A_198 : memref<50000x16xf32, #tpu.memory_space<hbm>>) target(%dma_start3A_192 : memref<128x16xf32, #tpu.memory_space<vmem>>) offsets(%dma_start3A_195 : memref<128xi32, #tpu.memory_space<vmem>>) semaphore(%arg18 : memref<!tpu.dma_semaphore, #tpu.memory_space<semaphore_mem>>)
        %dma_start3A_199 = arith.constant 2 : i32
        %dma_start3A_200 = arith.constant 256 : i32
        %dma_start3A_201 = arith.constant 0 : i32
        %dma_start3A_202 = tpu.memref_slice %arg14[%dma_start3A_200, %dma_start3A_201] : memref<1280x16xf32, #tpu.memory_space<vmem>> -> memref<128x16xf32, #tpu.memory_space<vmem>>
        %dma_start3A_203 = arith.constant 0 : i32
        %dma_start3A_204 = tpu.memref_slice %arg10[%dma_start3A_199, %dma_start3A_203] : memref<10x128xi32, #tpu.memory_space<vmem>> -> memref<1x128xi32, #tpu.memory_space<vmem>>
        %dma_start3A_205 = tpu.memref_squeeze %dma_start3A_204 : memref<1x128xi32, #tpu.memory_space<vmem>> -> memref<128xi32, #tpu.memory_space<vmem>>
        %dma_start3A_206 = arith.constant 0 : i32
        %dma_start3A_207 = arith.constant 0 : i32
        %dma_start3A_208 = tpu.memref_slice %arg2[%dma_start3A_206, %dma_start3A_207] : memref<50000x16xf32, #tpu.memory_space<hbm>> -> memref<50000x16xf32, #tpu.memory_space<hbm>>
        tpu.enqueue_indirect_dma source(%dma_start3A_208 : memref<50000x16xf32, #tpu.memory_space<hbm>>) target(%dma_start3A_202 : memref<128x16xf32, #tpu.memory_space<vmem>>) offsets(%dma_start3A_205 : memref<128xi32, #tpu.memory_space<vmem>>) semaphore(%arg18 : memref<!tpu.dma_semaphore, #tpu.memory_space<semaphore_mem>>)
        %dma_start3A_209 = arith.constant 3 : i32
        %dma_start3A_210 = arith.constant 384 : i32
        %dma_start3A_211 = arith.constant 0 : i32
        %dma_start3A_212 = tpu.memref_slice %arg14[%dma_start3A_210, %dma_start3A_211] : memref<1280x16xf32, #tpu.memory_space<vmem>> -> memref<128x16xf32, #tpu.memory_space<vmem>>
        %dma_start3A_213 = arith.constant 0 : i32
        %dma_start3A_214 = tpu.memref_slice %arg10[%dma_start3A_209, %dma_start3A_213] : memref<10x128xi32, #tpu.memory_space<vmem>> -> memref<1x128xi32, #tpu.memory_space<vmem>>
        %dma_start3A_215 = tpu.memref_squeeze %dma_start3A_214 : memref<1x128xi32, #tpu.memory_space<vmem>> -> memref<128xi32, #tpu.memory_space<vmem>>
        %dma_start3A_216 = arith.constant 0 : i32
        %dma_start3A_217 = arith.constant 0 : i32
        %dma_start3A_218 = tpu.memref_slice %arg2[%dma_start3A_216, %dma_start3A_217] : memref<50000x16xf32, #tpu.memory_space<hbm>> -> memref<50000x16xf32, #tpu.memory_space<hbm>>
        tpu.enqueue_indirect_dma source(%dma_start3A_218 : memref<50000x16xf32, #tpu.memory_space<hbm>>) target(%dma_start3A_212 : memref<128x16xf32, #tpu.memory_space<vmem>>) offsets(%dma_start3A_215 : memref<128xi32, #tpu.memory_space<vmem>>) semaphore(%arg18 : memref<!tpu.dma_semaphore, #tpu.memory_space<semaphore_mem>>)
        %dma_start3A_219 = arith.constant 4 : i32
        %dma_start3A_220 = arith.constant 512 : i32
        %dma_start3A_221 = arith.constant 0 : i32
        %dma_start3A_222 = tpu.memref_slice %arg14[%dma_start3A_220, %dma_start3A_221] : memref<1280x16xf32, #tpu.memory_space<vmem>> -> memref<128x16xf32, #tpu.memory_space<vmem>>
        %dma_start3A_223 = arith.constant 0 : i32
        %dma_start3A_224 = tpu.memref_slice %arg10[%dma_start3A_219, %dma_start3A_223] : memref<10x128xi32, #tpu.memory_space<vmem>> -> memref<1x128xi32, #tpu.memory_space<vmem>>
        %dma_start3A_225 = tpu.memref_squeeze %dma_start3A_224 : memref<1x128xi32, #tpu.memory_space<vmem>> -> memref<128xi32, #tpu.memory_space<vmem>>
        %dma_start3A_226 = arith.constant 0 : i32
        %dma_start3A_227 = arith.constant 0 : i32
        %dma_start3A_228 = tpu.memref_slice %arg2[%dma_start3A_226, %dma_start3A_227] : memref<50000x16xf32, #tpu.memory_space<hbm>> -> memref<50000x16xf32, #tpu.memory_space<hbm>>
        tpu.enqueue_indirect_dma source(%dma_start3A_228 : memref<50000x16xf32, #tpu.memory_space<hbm>>) target(%dma_start3A_222 : memref<128x16xf32, #tpu.memory_space<vmem>>) offsets(%dma_start3A_225 : memref<128xi32, #tpu.memory_space<vmem>>) semaphore(%arg18 : memref<!tpu.dma_semaphore, #tpu.memory_space<semaphore_mem>>)
        %dma_start3A_229 = arith.constant 5 : i32
        %dma_start3A_230 = arith.constant 640 : i32
        %dma_start3A_231 = arith.constant 0 : i32
        %dma_start3A_232 = tpu.memref_slice %arg14[%dma_start3A_230, %dma_start3A_231] : memref<1280x16xf32, #tpu.memory_space<vmem>> -> memref<128x16xf32, #tpu.memory_space<vmem>>
        %dma_start3A_233 = arith.constant 0 : i32
        %dma_start3A_234 = tpu.memref_slice %arg10[%dma_start3A_229, %dma_start3A_233] : memref<10x128xi32, #tpu.memory_space<vmem>> -> memref<1x128xi32, #tpu.memory_space<vmem>>
        %dma_start3A_235 = tpu.memref_squeeze %dma_start3A_234 : memref<1x128xi32, #tpu.memory_space<vmem>> -> memref<128xi32, #tpu.memory_space<vmem>>
        %dma_start3A_236 = arith.constant 0 : i32
        %dma_start3A_237 = arith.constant 0 : i32
        %dma_start3A_238 = tpu.memref_slice %arg2[%dma_start3A_236, %dma_start3A_237] : memref<50000x16xf32, #tpu.memory_space<hbm>> -> memref<50000x16xf32, #tpu.memory_space<hbm>>
        tpu.enqueue_indirect_dma source(%dma_start3A_238 : memref<50000x16xf32, #tpu.memory_space<hbm>>) target(%dma_start3A_232 : memref<128x16xf32, #tpu.memory_space<vmem>>) offsets(%dma_start3A_235 : memref<128xi32, #tpu.memory_space<vmem>>) semaphore(%arg18 : memref<!tpu.dma_semaphore, #tpu.memory_space<semaphore_mem>>)
        %dma_start3A_239 = arith.constant 6 : i32
        %dma_start3A_240 = arith.constant 768 : i32
        %dma_start3A_241 = arith.constant 0 : i32
        %dma_start3A_242 = tpu.memref_slice %arg14[%dma_start3A_240, %dma_start3A_241] : memref<1280x16xf32, #tpu.memory_space<vmem>> -> memref<128x16xf32, #tpu.memory_space<vmem>>
        %dma_start3A_243 = arith.constant 0 : i32
        %dma_start3A_244 = tpu.memref_slice %arg10[%dma_start3A_239, %dma_start3A_243] : memref<10x128xi32, #tpu.memory_space<vmem>> -> memref<1x128xi32, #tpu.memory_space<vmem>>
        %dma_start3A_245 = tpu.memref_squeeze %dma_start3A_244 : memref<1x128xi32, #tpu.memory_space<vmem>> -> memref<128xi32, #tpu.memory_space<vmem>>
        %dma_start3A_246 = arith.constant 0 : i32
        %dma_start3A_247 = arith.constant 0 : i32
        %dma_start3A_248 = tpu.memref_slice %arg2[%dma_start3A_246, %dma_start3A_247] : memref<50000x16xf32, #tpu.memory_space<hbm>> -> memref<50000x16xf32, #tpu.memory_space<hbm>>
        tpu.enqueue_indirect_dma source(%dma_start3A_248 : memref<50000x16xf32, #tpu.memory_space<hbm>>) target(%dma_start3A_242 : memref<128x16xf32, #tpu.memory_space<vmem>>) offsets(%dma_start3A_245 : memref<128xi32, #tpu.memory_space<vmem>>) semaphore(%arg18 : memref<!tpu.dma_semaphore, #tpu.memory_space<semaphore_mem>>)
        %dma_start3A_249 = arith.constant 7 : i32
        %dma_start3A_250 = arith.constant 896 : i32
        %dma_start3A_251 = arith.constant 0 : i32
        %dma_start3A_252 = tpu.memref_slice %arg14[%dma_start3A_250, %dma_start3A_251] : memref<1280x16xf32, #tpu.memory_space<vmem>> -> memref<128x16xf32, #tpu.memory_space<vmem>>
        %dma_start3A_253 = arith.constant 0 : i32
        %dma_start3A_254 = tpu.memref_slice %arg10[%dma_start3A_249, %dma_start3A_253] : memref<10x128xi32, #tpu.memory_space<vmem>> -> memref<1x128xi32, #tpu.memory_space<vmem>>
        %dma_start3A_255 = tpu.memref_squeeze %dma_start3A_254 : memref<1x128xi32, #tpu.memory_space<vmem>> -> memref<128xi32, #tpu.memory_space<vmem>>
        %dma_start3A_256 = arith.constant 0 : i32
        %dma_start3A_257 = arith.constant 0 : i32
        %dma_start3A_258 = tpu.memref_slice %arg2[%dma_start3A_256, %dma_start3A_257] : memref<50000x16xf32, #tpu.memory_space<hbm>> -> memref<50000x16xf32, #tpu.memory_space<hbm>>
        tpu.enqueue_indirect_dma source(%dma_start3A_258 : memref<50000x16xf32, #tpu.memory_space<hbm>>) target(%dma_start3A_252 : memref<128x16xf32, #tpu.memory_space<vmem>>) offsets(%dma_start3A_255 : memref<128xi32, #tpu.memory_space<vmem>>) semaphore(%arg18 : memref<!tpu.dma_semaphore, #tpu.memory_space<semaphore_mem>>)
        %dma_start3A_259 = arith.constant 8 : i32
        %dma_start3A_260 = arith.constant 1024 : i32
        %dma_start3A_261 = arith.constant 0 : i32
        %dma_start3A_262 = tpu.memref_slice %arg14[%dma_start3A_260, %dma_start3A_261] : memref<1280x16xf32, #tpu.memory_space<vmem>> -> memref<128x16xf32, #tpu.memory_space<vmem>>
        %dma_start3A_263 = arith.constant 0 : i32
        %dma_start3A_264 = tpu.memref_slice %arg10[%dma_start3A_259, %dma_start3A_263] : memref<10x128xi32, #tpu.memory_space<vmem>> -> memref<1x128xi32, #tpu.memory_space<vmem>>
        %dma_start3A_265 = tpu.memref_squeeze %dma_start3A_264 : memref<1x128xi32, #tpu.memory_space<vmem>> -> memref<128xi32, #tpu.memory_space<vmem>>
        %dma_start3A_266 = arith.constant 0 : i32
        %dma_start3A_267 = arith.constant 0 : i32
        %dma_start3A_268 = tpu.memref_slice %arg2[%dma_start3A_266, %dma_start3A_267] : memref<50000x16xf32, #tpu.memory_space<hbm>> -> memref<50000x16xf32, #tpu.memory_space<hbm>>
        tpu.enqueue_indirect_dma source(%dma_start3A_268 : memref<50000x16xf32, #tpu.memory_space<hbm>>) target(%dma_start3A_262 : memref<128x16xf32, #tpu.memory_space<vmem>>) offsets(%dma_start3A_265 : memref<128xi32, #tpu.memory_space<vmem>>) semaphore(%arg18 : memref<!tpu.dma_semaphore, #tpu.memory_space<semaphore_mem>>)
        %dma_start3A_269 = arith.constant 9 : i32
        %dma_start3A_270 = arith.constant 1152 : i32
        %dma_start3A_271 = arith.constant 0 : i32
        %dma_start3A_272 = tpu.memref_slice %arg14[%dma_start3A_270, %dma_start3A_271] : memref<1280x16xf32, #tpu.memory_space<vmem>> -> memref<128x16xf32, #tpu.memory_space<vmem>>
        %dma_start3A_273 = arith.constant 0 : i32
        %dma_start3A_274 = tpu.memref_slice %arg10[%dma_start3A_269, %dma_start3A_273] : memref<10x128xi32, #tpu.memory_space<vmem>> -> memref<1x128xi32, #tpu.memory_space<vmem>>
        %dma_start3A_275 = tpu.memref_squeeze %dma_start3A_274 : memref<1x128xi32, #tpu.memory_space<vmem>> -> memref<128xi32, #tpu.memory_space<vmem>>
        %dma_start3A_276 = arith.constant 0 : i32
        %dma_start3A_277 = arith.constant 0 : i32
        %dma_start3A_278 = tpu.memref_slice %arg2[%dma_start3A_276, %dma_start3A_277] : memref<50000x16xf32, #tpu.memory_space<hbm>> -> memref<50000x16xf32, #tpu.memory_space<hbm>>
        tpu.enqueue_indirect_dma source(%dma_start3A_278 : memref<50000x16xf32, #tpu.memory_space<hbm>>) target(%dma_start3A_272 : memref<128x16xf32, #tpu.memory_space<vmem>>) offsets(%dma_start3A_275 : memref<128xi32, #tpu.memory_space<vmem>>) semaphore(%arg18 : memref<!tpu.dma_semaphore, #tpu.memory_space<semaphore_mem>>)
        %dma_wait3A_279 = arith.constant 0 : i32
        %dma_wait3A_280 = arith.constant 0 : i32
        %dma_wait3A_281 = arith.constant 0 : i32
        %dma_wait3A_282 = tpu.memref_slice %arg13[%dma_wait3A_280, %dma_wait3A_281] : memref<1280x16xf32, #tpu.memory_space<vmem>> -> memref<128x16xf32, #tpu.memory_space<vmem>>
        %dma_wait3A_283 = arith.constant 0 : i32
        %dma_wait3A_284 = tpu.memref_slice %arg9[%dma_wait3A_279, %dma_wait3A_283] : memref<10x128xi32, #tpu.memory_space<vmem>> -> memref<1x128xi32, #tpu.memory_space<vmem>>
        %dma_wait3A_285 = tpu.memref_squeeze %dma_wait3A_284 : memref<1x128xi32, #tpu.memory_space<vmem>> -> memref<128xi32, #tpu.memory_space<vmem>>
        %dma_wait3A_286 = arith.constant 0 : i32
        %dma_wait3A_287 = arith.constant 0 : i32
        %dma_wait3A_288 = tpu.memref_slice %arg2[%dma_wait3A_286, %dma_wait3A_287] : memref<50000x16xf32, #tpu.memory_space<hbm>> -> memref<50000x16xf32, #tpu.memory_space<hbm>>
        tpu.wait_indirect_dma semaphore(%arg18 : memref<!tpu.dma_semaphore, #tpu.memory_space<semaphore_mem>>) src(%dma_wait3A_288 : memref<50000x16xf32, #tpu.memory_space<hbm>>) dst(%dma_wait3A_282 : memref<128x16xf32, #tpu.memory_space<vmem>>)
        %dma_wait3A_289 = arith.constant 1 : i32
        %dma_wait3A_290 = arith.constant 128 : i32
        %dma_wait3A_291 = arith.constant 0 : i32
        %dma_wait3A_292 = tpu.memref_slice %arg13[%dma_wait3A_290, %dma_wait3A_291] : memref<1280x16xf32, #tpu.memory_space<vmem>> -> memref<128x16xf32, #tpu.memory_space<vmem>>
        %dma_wait3A_293 = arith.constant 0 : i32
        %dma_wait3A_294 = tpu.memref_slice %arg9[%dma_wait3A_289, %dma_wait3A_293] : memref<10x128xi32, #tpu.memory_space<vmem>> -> memref<1x128xi32, #tpu.memory_space<vmem>>
        %dma_wait3A_295 = tpu.memref_squeeze %dma_wait3A_294 : memref<1x128xi32, #tpu.memory_space<vmem>> -> memref<128xi32, #tpu.memory_space<vmem>>
        %dma_wait3A_296 = arith.constant 0 : i32
        %dma_wait3A_297 = arith.constant 0 : i32
        %dma_wait3A_298 = tpu.memref_slice %arg2[%dma_wait3A_296, %dma_wait3A_297] : memref<50000x16xf32, #tpu.memory_space<hbm>> -> memref<50000x16xf32, #tpu.memory_space<hbm>>
        tpu.wait_indirect_dma semaphore(%arg18 : memref<!tpu.dma_semaphore, #tpu.memory_space<semaphore_mem>>) src(%dma_wait3A_298 : memref<50000x16xf32, #tpu.memory_space<hbm>>) dst(%dma_wait3A_292 : memref<128x16xf32, #tpu.memory_space<vmem>>)
        %dma_wait3A_299 = arith.constant 2 : i32
        %dma_wait3A_300 = arith.constant 256 : i32
        %dma_wait3A_301 = arith.constant 0 : i32
        %dma_wait3A_302 = tpu.memref_slice %arg13[%dma_wait3A_300, %dma_wait3A_301] : memref<1280x16xf32, #tpu.memory_space<vmem>> -> memref<128x16xf32, #tpu.memory_space<vmem>>
        %dma_wait3A_303 = arith.constant 0 : i32
        %dma_wait3A_304 = tpu.memref_slice %arg9[%dma_wait3A_299, %dma_wait3A_303] : memref<10x128xi32, #tpu.memory_space<vmem>> -> memref<1x128xi32, #tpu.memory_space<vmem>>
        %dma_wait3A_305 = tpu.memref_squeeze %dma_wait3A_304 : memref<1x128xi32, #tpu.memory_space<vmem>> -> memref<128xi32, #tpu.memory_space<vmem>>
        %dma_wait3A_306 = arith.constant 0 : i32
        %dma_wait3A_307 = arith.constant 0 : i32
        %dma_wait3A_308 = tpu.memref_slice %arg2[%dma_wait3A_306, %dma_wait3A_307] : memref<50000x16xf32, #tpu.memory_space<hbm>> -> memref<50000x16xf32, #tpu.memory_space<hbm>>
        tpu.wait_indirect_dma semaphore(%arg18 : memref<!tpu.dma_semaphore, #tpu.memory_space<semaphore_mem>>) src(%dma_wait3A_308 : memref<50000x16xf32, #tpu.memory_space<hbm>>) dst(%dma_wait3A_302 : memref<128x16xf32, #tpu.memory_space<vmem>>)
        %dma_wait3A_309 = arith.constant 3 : i32
        %dma_wait3A_310 = arith.constant 384 : i32
        %dma_wait3A_311 = arith.constant 0 : i32
        %dma_wait3A_312 = tpu.memref_slice %arg13[%dma_wait3A_310, %dma_wait3A_311] : memref<1280x16xf32, #tpu.memory_space<vmem>> -> memref<128x16xf32, #tpu.memory_space<vmem>>
        %dma_wait3A_313 = arith.constant 0 : i32
        %dma_wait3A_314 = tpu.memref_slice %arg9[%dma_wait3A_309, %dma_wait3A_313] : memref<10x128xi32, #tpu.memory_space<vmem>> -> memref<1x128xi32, #tpu.memory_space<vmem>>
        %dma_wait3A_315 = tpu.memref_squeeze %dma_wait3A_314 : memref<1x128xi32, #tpu.memory_space<vmem>> -> memref<128xi32, #tpu.memory_space<vmem>>
        %dma_wait3A_316 = arith.constant 0 : i32
        %dma_wait3A_317 = arith.constant 0 : i32
        %dma_wait3A_318 = tpu.memref_slice %arg2[%dma_wait3A_316, %dma_wait3A_317] : memref<50000x16xf32, #tpu.memory_space<hbm>> -> memref<50000x16xf32, #tpu.memory_space<hbm>>
        tpu.wait_indirect_dma semaphore(%arg18 : memref<!tpu.dma_semaphore, #tpu.memory_space<semaphore_mem>>) src(%dma_wait3A_318 : memref<50000x16xf32, #tpu.memory_space<hbm>>) dst(%dma_wait3A_312 : memref<128x16xf32, #tpu.memory_space<vmem>>)
        %dma_wait3A_319 = arith.constant 4 : i32
        %dma_wait3A_320 = arith.constant 512 : i32
        %dma_wait3A_321 = arith.constant 0 : i32
        %dma_wait3A_322 = tpu.memref_slice %arg13[%dma_wait3A_320, %dma_wait3A_321] : memref<1280x16xf32, #tpu.memory_space<vmem>> -> memref<128x16xf32, #tpu.memory_space<vmem>>
        %dma_wait3A_323 = arith.constant 0 : i32
        %dma_wait3A_324 = tpu.memref_slice %arg9[%dma_wait3A_319, %dma_wait3A_323] : memref<10x128xi32, #tpu.memory_space<vmem>> -> memref<1x128xi32, #tpu.memory_space<vmem>>
        %dma_wait3A_325 = tpu.memref_squeeze %dma_wait3A_324 : memref<1x128xi32, #tpu.memory_space<vmem>> -> memref<128xi32, #tpu.memory_space<vmem>>
        %dma_wait3A_326 = arith.constant 0 : i32
        %dma_wait3A_327 = arith.constant 0 : i32
        %dma_wait3A_328 = tpu.memref_slice %arg2[%dma_wait3A_326, %dma_wait3A_327] : memref<50000x16xf32, #tpu.memory_space<hbm>> -> memref<50000x16xf32, #tpu.memory_space<hbm>>
        tpu.wait_indirect_dma semaphore(%arg18 : memref<!tpu.dma_semaphore, #tpu.memory_space<semaphore_mem>>) src(%dma_wait3A_328 : memref<50000x16xf32, #tpu.memory_space<hbm>>) dst(%dma_wait3A_322 : memref<128x16xf32, #tpu.memory_space<vmem>>)
        %dma_wait3A_329 = arith.constant 5 : i32
        %dma_wait3A_330 = arith.constant 640 : i32
        %dma_wait3A_331 = arith.constant 0 : i32
        %dma_wait3A_332 = tpu.memref_slice %arg13[%dma_wait3A_330, %dma_wait3A_331] : memref<1280x16xf32, #tpu.memory_space<vmem>> -> memref<128x16xf32, #tpu.memory_space<vmem>>
        %dma_wait3A_333 = arith.constant 0 : i32
        %dma_wait3A_334 = tpu.memref_slice %arg9[%dma_wait3A_329, %dma_wait3A_333] : memref<10x128xi32, #tpu.memory_space<vmem>> -> memref<1x128xi32, #tpu.memory_space<vmem>>
        %dma_wait3A_335 = tpu.memref_squeeze %dma_wait3A_334 : memref<1x128xi32, #tpu.memory_space<vmem>> -> memref<128xi32, #tpu.memory_space<vmem>>
        %dma_wait3A_336 = arith.constant 0 : i32
        %dma_wait3A_337 = arith.constant 0 : i32
        %dma_wait3A_338 = tpu.memref_slice %arg2[%dma_wait3A_336, %dma_wait3A_337] : memref<50000x16xf32, #tpu.memory_space<hbm>> -> memref<50000x16xf32, #tpu.memory_space<hbm>>
        tpu.wait_indirect_dma semaphore(%arg18 : memref<!tpu.dma_semaphore, #tpu.memory_space<semaphore_mem>>) src(%dma_wait3A_338 : memref<50000x16xf32, #tpu.memory_space<hbm>>) dst(%dma_wait3A_332 : memref<128x16xf32, #tpu.memory_space<vmem>>)
        %dma_wait3A_339 = arith.constant 6 : i32
        %dma_wait3A_340 = arith.constant 768 : i32
        %dma_wait3A_341 = arith.constant 0 : i32
        %dma_wait3A_342 = tpu.memref_slice %arg13[%dma_wait3A_340, %dma_wait3A_341] : memref<1280x16xf32, #tpu.memory_space<vmem>> -> memref<128x16xf32, #tpu.memory_space<vmem>>
        %dma_wait3A_343 = arith.constant 0 : i32
        %dma_wait3A_344 = tpu.memref_slice %arg9[%dma_wait3A_339, %dma_wait3A_343] : memref<10x128xi32, #tpu.memory_space<vmem>> -> memref<1x128xi32, #tpu.memory_space<vmem>>
        %dma_wait3A_345 = tpu.memref_squeeze %dma_wait3A_344 : memref<1x128xi32, #tpu.memory_space<vmem>> -> memref<128xi32, #tpu.memory_space<vmem>>
        %dma_wait3A_346 = arith.constant 0 : i32
        %dma_wait3A_347 = arith.constant 0 : i32
        %dma_wait3A_348 = tpu.memref_slice %arg2[%dma_wait3A_346, %dma_wait3A_347] : memref<50000x16xf32, #tpu.memory_space<hbm>> -> memref<50000x16xf32, #tpu.memory_space<hbm>>
        tpu.wait_indirect_dma semaphore(%arg18 : memref<!tpu.dma_semaphore, #tpu.memory_space<semaphore_mem>>) src(%dma_wait3A_348 : memref<50000x16xf32, #tpu.memory_space<hbm>>) dst(%dma_wait3A_342 : memref<128x16xf32, #tpu.memory_space<vmem>>)
        %dma_wait3A_349 = arith.constant 7 : i32
        %dma_wait3A_350 = arith.constant 896 : i32
        %dma_wait3A_351 = arith.constant 0 : i32
        %dma_wait3A_352 = tpu.memref_slice %arg13[%dma_wait3A_350, %dma_wait3A_351] : memref<1280x16xf32, #tpu.memory_space<vmem>> -> memref<128x16xf32, #tpu.memory_space<vmem>>
        %dma_wait3A_353 = arith.constant 0 : i32
        %dma_wait3A_354 = tpu.memref_slice %arg9[%dma_wait3A_349, %dma_wait3A_353] : memref<10x128xi32, #tpu.memory_space<vmem>> -> memref<1x128xi32, #tpu.memory_space<vmem>>
        %dma_wait3A_355 = tpu.memref_squeeze %dma_wait3A_354 : memref<1x128xi32, #tpu.memory_space<vmem>> -> memref<128xi32, #tpu.memory_space<vmem>>
        %dma_wait3A_356 = arith.constant 0 : i32
        %dma_wait3A_357 = arith.constant 0 : i32
        %dma_wait3A_358 = tpu.memref_slice %arg2[%dma_wait3A_356, %dma_wait3A_357] : memref<50000x16xf32, #tpu.memory_space<hbm>> -> memref<50000x16xf32, #tpu.memory_space<hbm>>
        tpu.wait_indirect_dma semaphore(%arg18 : memref<!tpu.dma_semaphore, #tpu.memory_space<semaphore_mem>>) src(%dma_wait3A_358 : memref<50000x16xf32, #tpu.memory_space<hbm>>) dst(%dma_wait3A_352 : memref<128x16xf32, #tpu.memory_space<vmem>>)
        %dma_wait3A_359 = arith.constant 8 : i32
        %dma_wait3A_360 = arith.constant 1024 : i32
        %dma_wait3A_361 = arith.constant 0 : i32
        %dma_wait3A_362 = tpu.memref_slice %arg13[%dma_wait3A_360, %dma_wait3A_361] : memref<1280x16xf32, #tpu.memory_space<vmem>> -> memref<128x16xf32, #tpu.memory_space<vmem>>
        %dma_wait3A_363 = arith.constant 0 : i32
        %dma_wait3A_364 = tpu.memref_slice %arg9[%dma_wait3A_359, %dma_wait3A_363] : memref<10x128xi32, #tpu.memory_space<vmem>> -> memref<1x128xi32, #tpu.memory_space<vmem>>
        %dma_wait3A_365 = tpu.memref_squeeze %dma_wait3A_364 : memref<1x128xi32, #tpu.memory_space<vmem>> -> memref<128xi32, #tpu.memory_space<vmem>>
        %dma_wait3A_366 = arith.constant 0 : i32
        %dma_wait3A_367 = arith.constant 0 : i32
        %dma_wait3A_368 = tpu.memref_slice %arg2[%dma_wait3A_366, %dma_wait3A_367] : memref<50000x16xf32, #tpu.memory_space<hbm>> -> memref<50000x16xf32, #tpu.memory_space<hbm>>
        tpu.wait_indirect_dma semaphore(%arg18 : memref<!tpu.dma_semaphore, #tpu.memory_space<semaphore_mem>>) src(%dma_wait3A_368 : memref<50000x16xf32, #tpu.memory_space<hbm>>) dst(%dma_wait3A_362 : memref<128x16xf32, #tpu.memory_space<vmem>>)
        %dma_wait3A_369 = arith.constant 9 : i32
        %dma_wait3A_370 = arith.constant 1152 : i32
        %dma_wait3A_371 = arith.constant 0 : i32
        %dma_wait3A_372 = tpu.memref_slice %arg13[%dma_wait3A_370, %dma_wait3A_371] : memref<1280x16xf32, #tpu.memory_space<vmem>> -> memref<128x16xf32, #tpu.memory_space<vmem>>
        %dma_wait3A_373 = arith.constant 0 : i32
        %dma_wait3A_374 = tpu.memref_slice %arg9[%dma_wait3A_369, %dma_wait3A_373] : memref<10x128xi32, #tpu.memory_space<vmem>> -> memref<1x128xi32, #tpu.memory_space<vmem>>
        %dma_wait3A_375 = tpu.memref_squeeze %dma_wait3A_374 : memref<1x128xi32, #tpu.memory_space<vmem>> -> memref<128xi32, #tpu.memory_space<vmem>>
        %dma_wait3A_376 = arith.constant 0 : i32
        %dma_wait3A_377 = arith.constant 0 : i32
        %dma_wait3A_378 = tpu.memref_slice %arg2[%dma_wait3A_376, %dma_wait3A_377] : memref<50000x16xf32, #tpu.memory_space<hbm>> -> memref<50000x16xf32, #tpu.memory_space<hbm>>
        tpu.wait_indirect_dma semaphore(%arg18 : memref<!tpu.dma_semaphore, #tpu.memory_space<semaphore_mem>>) src(%dma_wait3A_378 : memref<50000x16xf32, #tpu.memory_space<hbm>>) dst(%dma_wait3A_372 : memref<128x16xf32, #tpu.memory_space<vmem>>)
        %dma_wait3A_379 = arith.constant 0 : i32
        %dma_wait3A_380 = arith.constant 0 : i32
        %dma_wait3A_381 = arith.constant 0 : i32
        %dma_wait3A_382 = tpu.memref_slice %arg14[%dma_wait3A_380, %dma_wait3A_381] : memref<1280x16xf32, #tpu.memory_space<vmem>> -> memref<128x16xf32, #tpu.memory_space<vmem>>
        %dma_wait3A_383 = arith.constant 0 : i32
        %dma_wait3A_384 = tpu.memref_slice %arg10[%dma_wait3A_379, %dma_wait3A_383] : memref<10x128xi32, #tpu.memory_space<vmem>> -> memref<1x128xi32, #tpu.memory_space<vmem>>
        %dma_wait3A_385 = tpu.memref_squeeze %dma_wait3A_384 : memref<1x128xi32, #tpu.memory_space<vmem>> -> memref<128xi32, #tpu.memory_space<vmem>>
        %dma_wait3A_386 = arith.constant 0 : i32
        %dma_wait3A_387 = arith.constant 0 : i32
        %dma_wait3A_388 = tpu.memref_slice %arg2[%dma_wait3A_386, %dma_wait3A_387] : memref<50000x16xf32, #tpu.memory_space<hbm>> -> memref<50000x16xf32, #tpu.memory_space<hbm>>
        tpu.wait_indirect_dma semaphore(%arg18 : memref<!tpu.dma_semaphore, #tpu.memory_space<semaphore_mem>>) src(%dma_wait3A_388 : memref<50000x16xf32, #tpu.memory_space<hbm>>) dst(%dma_wait3A_382 : memref<128x16xf32, #tpu.memory_space<vmem>>)
        %dma_wait3A_389 = arith.constant 1 : i32
        %dma_wait3A_390 = arith.constant 128 : i32
        %dma_wait3A_391 = arith.constant 0 : i32
        %dma_wait3A_392 = tpu.memref_slice %arg14[%dma_wait3A_390, %dma_wait3A_391] : memref<1280x16xf32, #tpu.memory_space<vmem>> -> memref<128x16xf32, #tpu.memory_space<vmem>>
        %dma_wait3A_393 = arith.constant 0 : i32
        %dma_wait3A_394 = tpu.memref_slice %arg10[%dma_wait3A_389, %dma_wait3A_393] : memref<10x128xi32, #tpu.memory_space<vmem>> -> memref<1x128xi32, #tpu.memory_space<vmem>>
        %dma_wait3A_395 = tpu.memref_squeeze %dma_wait3A_394 : memref<1x128xi32, #tpu.memory_space<vmem>> -> memref<128xi32, #tpu.memory_space<vmem>>
        %dma_wait3A_396 = arith.constant 0 : i32
        %dma_wait3A_397 = arith.constant 0 : i32
        %dma_wait3A_398 = tpu.memref_slice %arg2[%dma_wait3A_396, %dma_wait3A_397] : memref<50000x16xf32, #tpu.memory_space<hbm>> -> memref<50000x16xf32, #tpu.memory_space<hbm>>
        tpu.wait_indirect_dma semaphore(%arg18 : memref<!tpu.dma_semaphore, #tpu.memory_space<semaphore_mem>>) src(%dma_wait3A_398 : memref<50000x16xf32, #tpu.memory_space<hbm>>) dst(%dma_wait3A_392 : memref<128x16xf32, #tpu.memory_space<vmem>>)
        %dma_wait3A_399 = arith.constant 2 : i32
        %dma_wait3A_400 = arith.constant 256 : i32
        %dma_wait3A_401 = arith.constant 0 : i32
        %dma_wait3A_402 = tpu.memref_slice %arg14[%dma_wait3A_400, %dma_wait3A_401] : memref<1280x16xf32, #tpu.memory_space<vmem>> -> memref<128x16xf32, #tpu.memory_space<vmem>>
        %dma_wait3A_403 = arith.constant 0 : i32
        %dma_wait3A_404 = tpu.memref_slice %arg10[%dma_wait3A_399, %dma_wait3A_403] : memref<10x128xi32, #tpu.memory_space<vmem>> -> memref<1x128xi32, #tpu.memory_space<vmem>>
        %dma_wait3A_405 = tpu.memref_squeeze %dma_wait3A_404 : memref<1x128xi32, #tpu.memory_space<vmem>> -> memref<128xi32, #tpu.memory_space<vmem>>
        %dma_wait3A_406 = arith.constant 0 : i32
        %dma_wait3A_407 = arith.constant 0 : i32
        %dma_wait3A_408 = tpu.memref_slice %arg2[%dma_wait3A_406, %dma_wait3A_407] : memref<50000x16xf32, #tpu.memory_space<hbm>> -> memref<50000x16xf32, #tpu.memory_space<hbm>>
        tpu.wait_indirect_dma semaphore(%arg18 : memref<!tpu.dma_semaphore, #tpu.memory_space<semaphore_mem>>) src(%dma_wait3A_408 : memref<50000x16xf32, #tpu.memory_space<hbm>>) dst(%dma_wait3A_402 : memref<128x16xf32, #tpu.memory_space<vmem>>)
        %dma_wait3A_409 = arith.constant 3 : i32
        %dma_wait3A_410 = arith.constant 384 : i32
        %dma_wait3A_411 = arith.constant 0 : i32
        %dma_wait3A_412 = tpu.memref_slice %arg14[%dma_wait3A_410, %dma_wait3A_411] : memref<1280x16xf32, #tpu.memory_space<vmem>> -> memref<128x16xf32, #tpu.memory_space<vmem>>
        %dma_wait3A_413 = arith.constant 0 : i32
        %dma_wait3A_414 = tpu.memref_slice %arg10[%dma_wait3A_409, %dma_wait3A_413] : memref<10x128xi32, #tpu.memory_space<vmem>> -> memref<1x128xi32, #tpu.memory_space<vmem>>
        %dma_wait3A_415 = tpu.memref_squeeze %dma_wait3A_414 : memref<1x128xi32, #tpu.memory_space<vmem>> -> memref<128xi32, #tpu.memory_space<vmem>>
        %dma_wait3A_416 = arith.constant 0 : i32
        %dma_wait3A_417 = arith.constant 0 : i32
        %dma_wait3A_418 = tpu.memref_slice %arg2[%dma_wait3A_416, %dma_wait3A_417] : memref<50000x16xf32, #tpu.memory_space<hbm>> -> memref<50000x16xf32, #tpu.memory_space<hbm>>
        tpu.wait_indirect_dma semaphore(%arg18 : memref<!tpu.dma_semaphore, #tpu.memory_space<semaphore_mem>>) src(%dma_wait3A_418 : memref<50000x16xf32, #tpu.memory_space<hbm>>) dst(%dma_wait3A_412 : memref<128x16xf32, #tpu.memory_space<vmem>>)
        %dma_wait3A_419 = arith.constant 4 : i32
        %dma_wait3A_420 = arith.constant 512 : i32
        %dma_wait3A_421 = arith.constant 0 : i32
        %dma_wait3A_422 = tpu.memref_slice %arg14[%dma_wait3A_420, %dma_wait3A_421] : memref<1280x16xf32, #tpu.memory_space<vmem>> -> memref<128x16xf32, #tpu.memory_space<vmem>>
        %dma_wait3A_423 = arith.constant 0 : i32
        %dma_wait3A_424 = tpu.memref_slice %arg10[%dma_wait3A_419, %dma_wait3A_423] : memref<10x128xi32, #tpu.memory_space<vmem>> -> memref<1x128xi32, #tpu.memory_space<vmem>>
        %dma_wait3A_425 = tpu.memref_squeeze %dma_wait3A_424 : memref<1x128xi32, #tpu.memory_space<vmem>> -> memref<128xi32, #tpu.memory_space<vmem>>
        %dma_wait3A_426 = arith.constant 0 : i32
        %dma_wait3A_427 = arith.constant 0 : i32
        %dma_wait3A_428 = tpu.memref_slice %arg2[%dma_wait3A_426, %dma_wait3A_427] : memref<50000x16xf32, #tpu.memory_space<hbm>> -> memref<50000x16xf32, #tpu.memory_space<hbm>>
        tpu.wait_indirect_dma semaphore(%arg18 : memref<!tpu.dma_semaphore, #tpu.memory_space<semaphore_mem>>) src(%dma_wait3A_428 : memref<50000x16xf32, #tpu.memory_space<hbm>>) dst(%dma_wait3A_422 : memref<128x16xf32, #tpu.memory_space<vmem>>)
        %dma_wait3A_429 = arith.constant 5 : i32
        %dma_wait3A_430 = arith.constant 640 : i32
        %dma_wait3A_431 = arith.constant 0 : i32
        %dma_wait3A_432 = tpu.memref_slice %arg14[%dma_wait3A_430, %dma_wait3A_431] : memref<1280x16xf32, #tpu.memory_space<vmem>> -> memref<128x16xf32, #tpu.memory_space<vmem>>
        %dma_wait3A_433 = arith.constant 0 : i32
        %dma_wait3A_434 = tpu.memref_slice %arg10[%dma_wait3A_429, %dma_wait3A_433] : memref<10x128xi32, #tpu.memory_space<vmem>> -> memref<1x128xi32, #tpu.memory_space<vmem>>
        %dma_wait3A_435 = tpu.memref_squeeze %dma_wait3A_434 : memref<1x128xi32, #tpu.memory_space<vmem>> -> memref<128xi32, #tpu.memory_space<vmem>>
        %dma_wait3A_436 = arith.constant 0 : i32
        %dma_wait3A_437 = arith.constant 0 : i32
        %dma_wait3A_438 = tpu.memref_slice %arg2[%dma_wait3A_436, %dma_wait3A_437] : memref<50000x16xf32, #tpu.memory_space<hbm>> -> memref<50000x16xf32, #tpu.memory_space<hbm>>
        tpu.wait_indirect_dma semaphore(%arg18 : memref<!tpu.dma_semaphore, #tpu.memory_space<semaphore_mem>>) src(%dma_wait3A_438 : memref<50000x16xf32, #tpu.memory_space<hbm>>) dst(%dma_wait3A_432 : memref<128x16xf32, #tpu.memory_space<vmem>>)
        %dma_wait3A_439 = arith.constant 6 : i32
        %dma_wait3A_440 = arith.constant 768 : i32
        %dma_wait3A_441 = arith.constant 0 : i32
        %dma_wait3A_442 = tpu.memref_slice %arg14[%dma_wait3A_440, %dma_wait3A_441] : memref<1280x16xf32, #tpu.memory_space<vmem>> -> memref<128x16xf32, #tpu.memory_space<vmem>>
        %dma_wait3A_443 = arith.constant 0 : i32
        %dma_wait3A_444 = tpu.memref_slice %arg10[%dma_wait3A_439, %dma_wait3A_443] : memref<10x128xi32, #tpu.memory_space<vmem>> -> memref<1x128xi32, #tpu.memory_space<vmem>>
        %dma_wait3A_445 = tpu.memref_squeeze %dma_wait3A_444 : memref<1x128xi32, #tpu.memory_space<vmem>> -> memref<128xi32, #tpu.memory_space<vmem>>
        %dma_wait3A_446 = arith.constant 0 : i32
        %dma_wait3A_447 = arith.constant 0 : i32
        %dma_wait3A_448 = tpu.memref_slice %arg2[%dma_wait3A_446, %dma_wait3A_447] : memref<50000x16xf32, #tpu.memory_space<hbm>> -> memref<50000x16xf32, #tpu.memory_space<hbm>>
        tpu.wait_indirect_dma semaphore(%arg18 : memref<!tpu.dma_semaphore, #tpu.memory_space<semaphore_mem>>) src(%dma_wait3A_448 : memref<50000x16xf32, #tpu.memory_space<hbm>>) dst(%dma_wait3A_442 : memref<128x16xf32, #tpu.memory_space<vmem>>)
        %dma_wait3A_449 = arith.constant 7 : i32
        %dma_wait3A_450 = arith.constant 896 : i32
        %dma_wait3A_451 = arith.constant 0 : i32
        %dma_wait3A_452 = tpu.memref_slice %arg14[%dma_wait3A_450, %dma_wait3A_451] : memref<1280x16xf32, #tpu.memory_space<vmem>> -> memref<128x16xf32, #tpu.memory_space<vmem>>
        %dma_wait3A_453 = arith.constant 0 : i32
        %dma_wait3A_454 = tpu.memref_slice %arg10[%dma_wait3A_449, %dma_wait3A_453] : memref<10x128xi32, #tpu.memory_space<vmem>> -> memref<1x128xi32, #tpu.memory_space<vmem>>
        %dma_wait3A_455 = tpu.memref_squeeze %dma_wait3A_454 : memref<1x128xi32, #tpu.memory_space<vmem>> -> memref<128xi32, #tpu.memory_space<vmem>>
        %dma_wait3A_456 = arith.constant 0 : i32
        %dma_wait3A_457 = arith.constant 0 : i32
        %dma_wait3A_458 = tpu.memref_slice %arg2[%dma_wait3A_456, %dma_wait3A_457] : memref<50000x16xf32, #tpu.memory_space<hbm>> -> memref<50000x16xf32, #tpu.memory_space<hbm>>
        tpu.wait_indirect_dma semaphore(%arg18 : memref<!tpu.dma_semaphore, #tpu.memory_space<semaphore_mem>>) src(%dma_wait3A_458 : memref<50000x16xf32, #tpu.memory_space<hbm>>) dst(%dma_wait3A_452 : memref<128x16xf32, #tpu.memory_space<vmem>>)
        %dma_wait3A_459 = arith.constant 8 : i32
        %dma_wait3A_460 = arith.constant 1024 : i32
        %dma_wait3A_461 = arith.constant 0 : i32
        %dma_wait3A_462 = tpu.memref_slice %arg14[%dma_wait3A_460, %dma_wait3A_461] : memref<1280x16xf32, #tpu.memory_space<vmem>> -> memref<128x16xf32, #tpu.memory_space<vmem>>
        %dma_wait3A_463 = arith.constant 0 : i32
        %dma_wait3A_464 = tpu.memref_slice %arg10[%dma_wait3A_459, %dma_wait3A_463] : memref<10x128xi32, #tpu.memory_space<vmem>> -> memref<1x128xi32, #tpu.memory_space<vmem>>
        %dma_wait3A_465 = tpu.memref_squeeze %dma_wait3A_464 : memref<1x128xi32, #tpu.memory_space<vmem>> -> memref<128xi32, #tpu.memory_space<vmem>>
        %dma_wait3A_466 = arith.constant 0 : i32
        %dma_wait3A_467 = arith.constant 0 : i32
        %dma_wait3A_468 = tpu.memref_slice %arg2[%dma_wait3A_466, %dma_wait3A_467] : memref<50000x16xf32, #tpu.memory_space<hbm>> -> memref<50000x16xf32, #tpu.memory_space<hbm>>
        tpu.wait_indirect_dma semaphore(%arg18 : memref<!tpu.dma_semaphore, #tpu.memory_space<semaphore_mem>>) src(%dma_wait3A_468 : memref<50000x16xf32, #tpu.memory_space<hbm>>) dst(%dma_wait3A_462 : memref<128x16xf32, #tpu.memory_space<vmem>>)
        %dma_wait3A_469 = arith.constant 9 : i32
        %dma_wait3A_470 = arith.constant 1152 : i32
        %dma_wait3A_471 = arith.constant 0 : i32
        %dma_wait3A_472 = tpu.memref_slice %arg14[%dma_wait3A_470, %dma_wait3A_471] : memref<1280x16xf32, #tpu.memory_space<vmem>> -> memref<128x16xf32, #tpu.memory_space<vmem>>
        %dma_wait3A_473 = arith.constant 0 : i32
        %dma_wait3A_474 = tpu.memref_slice %arg10[%dma_wait3A_469, %dma_wait3A_473] : memref<10x128xi32, #tpu.memory_space<vmem>> -> memref<1x128xi32, #tpu.memory_space<vmem>>
        %dma_wait3A_475 = tpu.memref_squeeze %dma_wait3A_474 : memref<1x128xi32, #tpu.memory_space<vmem>> -> memref<128xi32, #tpu.memory_space<vmem>>
        %dma_wait3A_476 = arith.constant 0 : i32
        %dma_wait3A_477 = arith.constant 0 : i32
        %dma_wait3A_478 = tpu.memref_slice %arg2[%dma_wait3A_476, %dma_wait3A_477] : memref<50000x16xf32, #tpu.memory_space<hbm>> -> memref<50000x16xf32, #tpu.memory_space<hbm>>
        tpu.wait_indirect_dma semaphore(%arg18 : memref<!tpu.dma_semaphore, #tpu.memory_space<semaphore_mem>>) src(%dma_wait3A_478 : memref<50000x16xf32, #tpu.memory_space<hbm>>) dst(%dma_wait3A_472 : memref<128x16xf32, #tpu.memory_space<vmem>>)
        %mul3A_479 = arith.constant 1280 : i32
        %mul3A_480 = arith.muli %mul3A_479, %add3A_31 : i32
        %mul3A_481 = arith.constant 1280 : i32
        %mul3A_482 = arith.muli %mul3A_481, %add3A_31 : i32
        %dma_start3A_483 = arith.constant 0 : i32
        %dma_start3A_484 = tpu.memref_slice %arg5[%mul3A_480, %dma_start3A_483] : memref<800000x16xf32, #tpu.memory_space<hbm>> -> memref<1280x16xf32, #tpu.memory_space<hbm>>
        %dma_start3A_485 = arith.constant 0 : i32
        %dma_start3A_486 = tpu.memref_slice %arg5[%mul3A_480, %dma_start3A_485] : memref<800000x16xf32, #tpu.memory_space<hbm>> -> memref<1280x16xf32, #tpu.memory_space<hbm>>
        tpu.enqueue_dma source(%arg13 : memref<1280x16xf32, #tpu.memory_space<vmem>>) target(%dma_start3A_486 : memref<1280x16xf32, #tpu.memory_space<hbm>>) target_semaphore(%arg20 : memref<!tpu.dma_semaphore, #tpu.memory_space<semaphore_mem>>)
        %dma_start3A_487 = arith.constant 0 : i32
        %dma_start3A_488 = tpu.memref_slice %arg6[%mul3A_482, %dma_start3A_487] : memref<800000x16xf32, #tpu.memory_space<hbm>> -> memref<1280x16xf32, #tpu.memory_space<hbm>>
        %dma_start3A_489 = arith.constant 0 : i32
        %dma_start3A_490 = tpu.memref_slice %arg6[%mul3A_482, %dma_start3A_489] : memref<800000x16xf32, #tpu.memory_space<hbm>> -> memref<1280x16xf32, #tpu.memory_space<hbm>>
        tpu.enqueue_dma source(%arg14 : memref<1280x16xf32, #tpu.memory_space<vmem>>) target(%dma_start3A_490 : memref<1280x16xf32, #tpu.memory_space<hbm>>) target_semaphore(%arg20 : memref<!tpu.dma_semaphore, #tpu.memory_space<semaphore_mem>>)
      } else {
      }
    }
    %scan3A_15 = arith.constant 10 : i32
    %gt3A_16 = arith.constant 0 : i32
    %gt3A_17 = arith.cmpi sgt, %add3A_8, %gt3A_16 : i32
    %convert_element_type3A_18 = arith.extui %gt3A_17 : i1 to i32
    %cond3A_19 = arith.constant 0 : i32
    %cond3A_20 = arith.cmpi ne, %convert_element_type3A_18, %cond3A_19 : i32
    scf.if %cond3A_20 {
      %mul3A_26 = arith.constant 1280 : i32
      %mul3A_27 = arith.muli %mul3A_26, %add3A_4 : i32
      %mul3A_28 = arith.constant 1280 : i32
      %mul3A_29 = arith.muli %mul3A_28, %add3A_4 : i32
      %dma_wait3A = arith.constant 0 : i32
      %dma_wait3A_30 = tpu.memref_slice %arg5[%mul3A_27, %dma_wait3A] : memref<800000x16xf32, #tpu.memory_space<hbm>> -> memref<1280x16xf32, #tpu.memory_space<hbm>>
      %dma_wait3A_31 = arith.constant 0 : i32
      %dma_wait3A_32 = tpu.memref_slice %arg5[%mul3A_27, %dma_wait3A_31] : memref<800000x16xf32, #tpu.memory_space<hbm>> -> memref<1280x16xf32, #tpu.memory_space<hbm>>
      tpu.wait_dma2 semaphore(%arg19 : memref<!tpu.dma_semaphore, #tpu.memory_space<semaphore_mem>>) src(%arg11 : memref<1280x16xf32, #tpu.memory_space<vmem>>) dst(%dma_wait3A_32 : memref<1280x16xf32, #tpu.memory_space<hbm>>)
      %dma_wait3A_33 = arith.constant 0 : i32
      %dma_wait3A_34 = tpu.memref_slice %arg6[%mul3A_29, %dma_wait3A_33] : memref<800000x16xf32, #tpu.memory_space<hbm>> -> memref<1280x16xf32, #tpu.memory_space<hbm>>
      %dma_wait3A_35 = arith.constant 0 : i32
      %dma_wait3A_36 = tpu.memref_slice %arg6[%mul3A_29, %dma_wait3A_35] : memref<800000x16xf32, #tpu.memory_space<hbm>> -> memref<1280x16xf32, #tpu.memory_space<hbm>>
      tpu.wait_dma2 semaphore(%arg19 : memref<!tpu.dma_semaphore, #tpu.memory_space<semaphore_mem>>) src(%arg12 : memref<1280x16xf32, #tpu.memory_space<vmem>>) dst(%dma_wait3A_36 : memref<1280x16xf32, #tpu.memory_space<hbm>>)
    } else {
    }
    %gt3A_21 = arith.constant 1 : i32
    %gt3A_22 = arith.cmpi sgt, %add3A_8, %gt3A_21 : i32
    %convert_element_type3A_23 = arith.extui %gt3A_22 : i1 to i32
    %cond3A_24 = arith.constant 0 : i32
    %cond3A_25 = arith.cmpi ne, %convert_element_type3A_23, %cond3A_24 : i32
    scf.if %cond3A_25 {
      %add3A_26 = arith.constant 1 : i32
      %add3A_27 = arith.addi %add3A_4, %add3A_26 : i32
      %mul3A_28 = arith.constant 1280 : i32
      %mul3A_29 = arith.muli %mul3A_28, %add3A_27 : i32
      %mul3A_30 = arith.constant 1280 : i32
      %mul3A_31 = arith.muli %mul3A_30, %add3A_27 : i32
      %dma_wait3A = arith.constant 0 : i32
      %dma_wait3A_32 = tpu.memref_slice %arg5[%mul3A_29, %dma_wait3A] : memref<800000x16xf32, #tpu.memory_space<hbm>> -> memref<1280x16xf32, #tpu.memory_space<hbm>>
      %dma_wait3A_33 = arith.constant 0 : i32
      %dma_wait3A_34 = tpu.memref_slice %arg5[%mul3A_29, %dma_wait3A_33] : memref<800000x16xf32, #tpu.memory_space<hbm>> -> memref<1280x16xf32, #tpu.memory_space<hbm>>
      tpu.wait_dma2 semaphore(%arg20 : memref<!tpu.dma_semaphore, #tpu.memory_space<semaphore_mem>>) src(%arg13 : memref<1280x16xf32, #tpu.memory_space<vmem>>) dst(%dma_wait3A_34 : memref<1280x16xf32, #tpu.memory_space<hbm>>)
      %dma_wait3A_35 = arith.constant 0 : i32
      %dma_wait3A_36 = tpu.memref_slice %arg6[%mul3A_31, %dma_wait3A_35] : memref<800000x16xf32, #tpu.memory_space<hbm>> -> memref<1280x16xf32, #tpu.memory_space<hbm>>
      %dma_wait3A_37 = arith.constant 0 : i32
      %dma_wait3A_38 = tpu.memref_slice %arg6[%mul3A_31, %dma_wait3A_37] : memref<800000x16xf32, #tpu.memory_space<hbm>> -> memref<1280x16xf32, #tpu.memory_space<hbm>>
      tpu.wait_dma2 semaphore(%arg20 : memref<!tpu.dma_semaphore, #tpu.memory_space<semaphore_mem>>) src(%arg14 : memref<1280x16xf32, #tpu.memory_space<vmem>>) dst(%dma_wait3A_38 : memref<1280x16xf32, #tpu.memory_space<hbm>>)
    } else {
    }
    return
  }
}

#map = affine_map<(d0, d1) -> (0, 0)>
module attributes {stable_mosaic.version = 14 : i64} {
  func.func @_gather_body(%arg0: i32, %arg1: i32, %arg2: memref<50000x16xf32, #tpu.memory_space<hbm>>, %arg3: memref<12500x128xi32, #tpu.memory_space<hbm>>, %arg4: memref<12500x128xi32, #tpu.memory_space<hbm>>, %arg5: memref<800000x16xf32, #tpu.memory_space<hbm>>, %arg6: memref<800000x16xf32, #tpu.memory_space<hbm>>, %arg7: memref<10x128xi32, #tpu.memory_space<vmem>>, %arg8: memref<10x128xi32, #tpu.memory_space<vmem>>, %arg9: memref<10x128xi32, #tpu.memory_space<vmem>>, %arg10: memref<10x128xi32, #tpu.memory_space<vmem>>, %arg11: memref<1280x16xf32, #tpu.memory_space<vmem>>, %arg12: memref<1280x16xf32, #tpu.memory_space<vmem>>, %arg13: memref<1280x16xf32, #tpu.memory_space<vmem>>, %arg14: memref<1280x16xf32, #tpu.memory_space<vmem>>, %arg15: memref<!tpu.dma_semaphore, #tpu.memory_space<semaphore_mem>>, %arg16: memref<!tpu.dma_semaphore, #tpu.memory_space<semaphore_mem>>, %arg17: memref<!tpu.dma_semaphore, #tpu.memory_space<semaphore_mem>>, %arg18: memref<!tpu.dma_semaphore, #tpu.memory_space<semaphore_mem>>, %arg19: memref<!tpu.dma_semaphore, #tpu.memory_space<semaphore_mem>>, %arg20: memref<!tpu.dma_semaphore, #tpu.memory_space<semaphore_mem>>) attributes {dimension_semantics = [#tpu.dimension_semantics<core_parallel>, #tpu.dimension_semantics<subcore_parallel>], iteration_bounds = array<i64: 2, 16>, scalar_prefetch = 0 : i64, scratch_operands = 14 : i64, tpu.core_type = #tpu.core_type<sc_vector_subcore>, window_params = [{transform_indices = #map}, {transform_indices = #map}, {transform_indices = #map}, {transform_indices = #map}, {transform_indices = #map}]} {
    %mul3A = arith.constant 2 : i32
    %mul3A_0 = arith.muli %arg1, %mul3A : i32
    %add3A = arith.addi %mul3A_0, %arg0 : i32
    %mul3A_1 = arith.constant 19 : i32
    %mul3A_2 = arith.muli %add3A, %mul3A_1 : i32
    %min3A = arith.constant 17 : i32
    %min3A_3 = arith.minsi %add3A, %min3A : i32
    %add3A_4 = arith.addi %mul3A_2, %min3A_3 : i32
    %lt3A = arith.constant 17 : i32
    %lt3A_5 = arith.cmpi slt, %add3A, %lt3A : i32
    %jit3A = arith.constant 1 : i32
    %jit3A_6 = arith.constant 0 : i32
    %select_n3A = arith.select %lt3A_5, %jit3A, %jit3A_6 : i32
    %add3A_7 = arith.constant 19 : i32
    %add3A_8 = arith.addi %add3A_7, %select_n3A : i32
    %gt3A = arith.constant 0 : i32
    %gt3A_9 = arith.cmpi sgt, %add3A_8, %gt3A : i32
    %convert_element_type3A = arith.extui %gt3A_9 : i1 to i32
    %cond3A = arith.constant 0 : i32
    %cond3A_10 = arith.cmpi ne, %convert_element_type3A, %cond3A : i32
    scf.if %cond3A_10 {
      %add3A_26 = arith.constant 0 : i32
      %add3A_27 = arith.addi %add3A_26, %add3A_4 : i32
      %mul3A_28 = arith.constant 10 : i32
      %mul3A_29 = arith.muli %mul3A_28, %add3A_27 : i32
      %add3A_30 = arith.constant 0 : i32
      %add3A_31 = arith.addi %add3A_30, %add3A_4 : i32
      %mul3A_32 = arith.constant 10 : i32
      %mul3A_33 = arith.muli %mul3A_32, %add3A_31 : i32
      %dma_start3A = arith.constant 0 : i32
      %dma_start3A_34 = tpu.memref_slice %arg3[%mul3A_29, %dma_start3A] : memref<12500x128xi32, #tpu.memory_space<hbm>> -> memref<10x128xi32, #tpu.memory_space<hbm>>
      %dma_start3A_35 = arith.constant 0 : i32
      %dma_start3A_36 = tpu.memref_slice %arg3[%mul3A_29, %dma_start3A_35] : memref<12500x128xi32, #tpu.memory_space<hbm>> -> memref<10x128xi32, #tpu.memory_space<hbm>>
      tpu.enqueue_dma source(%dma_start3A_36 : memref<10x128xi32, #tpu.memory_space<hbm>>) target(%arg7 : memref<10x128xi32, #tpu.memory_space<vmem>>) target_semaphore(%arg15 : memref<!tpu.dma_semaphore, #tpu.memory_space<semaphore_mem>>)
      %dma_start3A_37 = arith.constant 0 : i32
      %dma_start3A_38 = tpu.memref_slice %arg4[%mul3A_33, %dma_start3A_37] : memref<12500x128xi32, #tpu.memory_space<hbm>> -> memref<10x128xi32, #tpu.memory_space<hbm>>
      %dma_start3A_39 = arith.constant 0 : i32
      %dma_start3A_40 = tpu.memref_slice %arg4[%mul3A_33, %dma_start3A_39] : memref<12500x128xi32, #tpu.memory_space<hbm>> -> memref<10x128xi32, #tpu.memory_space<hbm>>
      tpu.enqueue_dma source(%dma_start3A_40 : memref<10x128xi32, #tpu.memory_space<hbm>>) target(%arg8 : memref<10x128xi32, #tpu.memory_space<vmem>>) target_semaphore(%arg15 : memref<!tpu.dma_semaphore, #tpu.memory_space<semaphore_mem>>)
    } else {
    }
    %scan3A = arith.constant 0 : i32
    %scan3A_11 = arith.constant 0 : i32
    %scan3A_12 = arith.constant 10 : i32
    %scan3A_13 = arith.addi %scan3A_11, %scan3A_12 : i32
    %scan3A_14 = arith.constant 1 : i32
    scf.for %scan3A_26 = %scan3A_11 to %scan3A_13 step %scan3A_14  : i32 {
      %mul3A_27 = arith.constant 2 : i32
      %mul3A_28 = arith.muli %mul3A_27, %scan3A_26 : i32
      %add3A_29 = arith.addi %add3A_4, %mul3A_28 : i32
      %add3A_30 = arith.constant 1 : i32
      %add3A_31 = arith.addi %add3A_29, %add3A_30 : i32
      %mul3A_32 = arith.constant 2 : i32
      %mul3A_33 = arith.muli %mul3A_32, %scan3A_26 : i32
      %mul3A_34 = arith.constant 2 : i32
      %mul3A_35 = arith.muli %mul3A_34, %scan3A_26 : i32
      %add3A_36 = arith.constant 1 : i32
      %add3A_37 = arith.addi %mul3A_35, %add3A_36 : i32
      %lt3A_38 = arith.cmpi slt, %add3A_37, %add3A_8 : i32
      %convert_element_type3A_39 = arith.extui %lt3A_38 : i1 to i32
      %cond3A_40 = arith.constant 0 : i32
      %cond3A_41 = arith.cmpi ne, %convert_element_type3A_39, %cond3A_40 : i32
      scf.if %cond3A_41 {
        %add3A_60 = arith.constant 0 : i32
        %add3A_61 = arith.addi %add3A_60, %add3A_31 : i32
        %mul3A_62 = arith.constant 10 : i32
        %mul3A_63 = arith.muli %mul3A_62, %add3A_61 : i32
        %add3A_64 = arith.constant 0 : i32
        %add3A_65 = arith.addi %add3A_64, %add3A_31 : i32
        %mul3A_66 = arith.constant 10 : i32
        %mul3A_67 = arith.muli %mul3A_66, %add3A_65 : i32
        %dma_start3A = arith.constant 0 : i32
        %dma_start3A_68 = tpu.memref_slice %arg3[%mul3A_63, %dma_start3A] : memref<12500x128xi32, #tpu.memory_space<hbm>> -> memref<10x128xi32, #tpu.memory_space<hbm>>
        %dma_start3A_69 = arith.constant 0 : i32
        %dma_start3A_70 = tpu.memref_slice %arg3[%mul3A_63, %dma_start3A_69] : memref<12500x128xi32, #tpu.memory_space<hbm>> -> memref<10x128xi32, #tpu.memory_space<hbm>>
        tpu.enqueue_dma source(%dma_start3A_70 : memref<10x128xi32, #tpu.memory_space<hbm>>) target(%arg9 : memref<10x128xi32, #tpu.memory_space<vmem>>) target_semaphore(%arg16 : memref<!tpu.dma_semaphore, #tpu.memory_space<semaphore_mem>>)
        %dma_start3A_71 = arith.constant 0 : i32
        %dma_start3A_72 = tpu.memref_slice %arg4[%mul3A_67, %dma_start3A_71] : memref<12500x128xi32, #tpu.memory_space<hbm>> -> memref<10x128xi32, #tpu.memory_space<hbm>>
        %dma_start3A_73 = arith.constant 0 : i32
        %dma_start3A_74 = tpu.memref_slice %arg4[%mul3A_67, %dma_start3A_73] : memref<12500x128xi32, #tpu.memory_space<hbm>> -> memref<10x128xi32, #tpu.memory_space<hbm>>
        tpu.enqueue_dma source(%dma_start3A_74 : memref<10x128xi32, #tpu.memory_space<hbm>>) target(%arg10 : memref<10x128xi32, #tpu.memory_space<vmem>>) target_semaphore(%arg16 : memref<!tpu.dma_semaphore, #tpu.memory_space<semaphore_mem>>)
      } else {
      }
      %lt3A_42 = arith.cmpi slt, %mul3A_33, %add3A_8 : i32
      %convert_element_type3A_43 = arith.extui %lt3A_42 : i1 to i32
      %cond3A_44 = arith.constant 0 : i32
      %cond3A_45 = arith.cmpi ne, %convert_element_type3A_43, %cond3A_44 : i32
      scf.if %cond3A_45 {
        %add3A_60 = arith.constant 0 : i32
        %add3A_61 = arith.addi %add3A_60, %add3A_29 : i32
        %mul3A_62 = arith.constant 10 : i32
        %mul3A_63 = arith.muli %mul3A_62, %add3A_61 : i32
        %add3A_64 = arith.constant 0 : i32
        %add3A_65 = arith.addi %add3A_64, %add3A_29 : i32
        %mul3A_66 = arith.constant 10 : i32
        %mul3A_67 = arith.muli %mul3A_66, %add3A_65 : i32
        %dma_wait3A = arith.constant 0 : i32
        %dma_wait3A_68 = tpu.memref_slice %arg3[%mul3A_63, %dma_wait3A] : memref<12500x128xi32, #tpu.memory_space<hbm>> -> memref<10x128xi32, #tpu.memory_space<hbm>>
        %dma_wait3A_69 = arith.constant 0 : i32
        %dma_wait3A_70 = tpu.memref_slice %arg3[%mul3A_63, %dma_wait3A_69] : memref<12500x128xi32, #tpu.memory_space<hbm>> -> memref<10x128xi32, #tpu.memory_space<hbm>>
        tpu.wait_dma2 semaphore(%arg15 : memref<!tpu.dma_semaphore, #tpu.memory_space<semaphore_mem>>) src(%dma_wait3A_70 : memref<10x128xi32, #tpu.memory_space<hbm>>) dst(%arg7 : memref<10x128xi32, #tpu.memory_space<vmem>>)
        %dma_wait3A_71 = arith.constant 0 : i32
        %dma_wait3A_72 = tpu.memref_slice %arg4[%mul3A_67, %dma_wait3A_71] : memref<12500x128xi32, #tpu.memory_space<hbm>> -> memref<10x128xi32, #tpu.memory_space<hbm>>
        %dma_wait3A_73 = arith.constant 0 : i32
        %dma_wait3A_74 = tpu.memref_slice %arg4[%mul3A_67, %dma_wait3A_73] : memref<12500x128xi32, #tpu.memory_space<hbm>> -> memref<10x128xi32, #tpu.memory_space<hbm>>
        tpu.wait_dma2 semaphore(%arg15 : memref<!tpu.dma_semaphore, #tpu.memory_space<semaphore_mem>>) src(%dma_wait3A_74 : memref<10x128xi32, #tpu.memory_space<hbm>>) dst(%arg8 : memref<10x128xi32, #tpu.memory_space<vmem>>)
        %gt3A_75 = arith.constant 0 : i32
        %gt3A_76 = arith.cmpi sgt, %scan3A_26, %gt3A_75 : i32
        %convert_element_type3A_77 = arith.extui %gt3A_76 : i1 to i32
        %cond3A_78 = arith.constant 0 : i32
        %cond3A_79 = arith.cmpi ne, %convert_element_type3A_77, %cond3A_78 : i32
        scf.if %cond3A_79 {
          %mul3A_279 = arith.constant 1280 : i32
          %mul3A_280 = arith.muli %mul3A_279, %add3A_29 : i32
          %mul3A_281 = arith.constant 1280 : i32
          %mul3A_282 = arith.muli %mul3A_281, %add3A_29 : i32
          %dma_wait3A_283 = arith.constant 0 : i32
          %dma_wait3A_284 = tpu.memref_slice %arg5[%mul3A_280, %dma_wait3A_283] : memref<800000x16xf32, #tpu.memory_space<hbm>> -> memref<1280x16xf32, #tpu.memory_space<hbm>>
          %dma_wait3A_285 = arith.constant 0 : i32
          %dma_wait3A_286 = tpu.memref_slice %arg5[%mul3A_280, %dma_wait3A_285] : memref<800000x16xf32, #tpu.memory_space<hbm>> -> memref<1280x16xf32, #tpu.memory_space<hbm>>
          tpu.wait_dma2 semaphore(%arg19 : memref<!tpu.dma_semaphore, #tpu.memory_space<semaphore_mem>>) src(%arg11 : memref<1280x16xf32, #tpu.memory_space<vmem>>) dst(%dma_wait3A_286 : memref<1280x16xf32, #tpu.memory_space<hbm>>)
          %dma_wait3A_287 = arith.constant 0 : i32
          %dma_wait3A_288 = tpu.memref_slice %arg6[%mul3A_282, %dma_wait3A_287] : memref<800000x16xf32, #tpu.memory_space<hbm>> -> memref<1280x16xf32, #tpu.memory_space<hbm>>
          %dma_wait3A_289 = arith.constant 0 : i32
          %dma_wait3A_290 = tpu.memref_slice %arg6[%mul3A_282, %dma_wait3A_289] : memref<800000x16xf32, #tpu.memory_space<hbm>> -> memref<1280x16xf32, #tpu.memory_space<hbm>>
          tpu.wait_dma2 semaphore(%arg19 : memref<!tpu.dma_semaphore, #tpu.memory_space<semaphore_mem>>) src(%arg12 : memref<1280x16xf32, #tpu.memory_space<vmem>>) dst(%dma_wait3A_290 : memref<1280x16xf32, #tpu.memory_space<hbm>>)
        } else {
        }
        %dma_start3A = arith.constant 0 : i32
        %dma_start3A_80 = arith.constant 0 : i32
        %dma_start3A_81 = arith.constant 0 : i32
        %dma_start3A_82 = tpu.memref_slice %arg11[%dma_start3A_80, %dma_start3A_81] : memref<1280x16xf32, #tpu.memory_space<vmem>> -> memref<128x16xf32, #tpu.memory_space<vmem>>
        %dma_start3A_83 = arith.constant 0 : i32
        %dma_start3A_84 = tpu.memref_slice %arg7[%dma_start3A, %dma_start3A_83] : memref<10x128xi32, #tpu.memory_space<vmem>> -> memref<1x128xi32, #tpu.memory_space<vmem>>
        %dma_start3A_85 = tpu.memref_squeeze %dma_start3A_84 : memref<1x128xi32, #tpu.memory_space<vmem>> -> memref<128xi32, #tpu.memory_space<vmem>>
        %dma_start3A_86 = arith.constant 0 : i32
        %dma_start3A_87 = arith.constant 0 : i32
        %dma_start3A_88 = tpu.memref_slice %arg2[%dma_start3A_86, %dma_start3A_87] : memref<50000x16xf32, #tpu.memory_space<hbm>> -> memref<50000x16xf32, #tpu.memory_space<hbm>>
        tpu.enqueue_indirect_dma source(%dma_start3A_88 : memref<50000x16xf32, #tpu.memory_space<hbm>>) target(%dma_start3A_82 : memref<128x16xf32, #tpu.memory_space<vmem>>) offsets(%dma_start3A_85 : memref<128xi32, #tpu.memory_space<vmem>>) semaphore(%arg17 : memref<!tpu.dma_semaphore, #tpu.memory_space<semaphore_mem>>)
        %dma_start3A_89 = arith.constant 1 : i32
        %dma_start3A_90 = arith.constant 128 : i32
        %dma_start3A_91 = arith.constant 0 : i32
        %dma_start3A_92 = tpu.memref_slice %arg11[%dma_start3A_90, %dma_start3A_91] : memref<1280x16xf32, #tpu.memory_space<vmem>> -> memref<128x16xf32, #tpu.memory_space<vmem>>
        %dma_start3A_93 = arith.constant 0 : i32
        %dma_start3A_94 = tpu.memref_slice %arg7[%dma_start3A_89, %dma_start3A_93] : memref<10x128xi32, #tpu.memory_space<vmem>> -> memref<1x128xi32, #tpu.memory_space<vmem>>
        %dma_start3A_95 = tpu.memref_squeeze %dma_start3A_94 : memref<1x128xi32, #tpu.memory_space<vmem>> -> memref<128xi32, #tpu.memory_space<vmem>>
        %dma_start3A_96 = arith.constant 0 : i32
        %dma_start3A_97 = arith.constant 0 : i32
        %dma_start3A_98 = tpu.memref_slice %arg2[%dma_start3A_96, %dma_start3A_97] : memref<50000x16xf32, #tpu.memory_space<hbm>> -> memref<50000x16xf32, #tpu.memory_space<hbm>>
        tpu.enqueue_indirect_dma source(%dma_start3A_98 : memref<50000x16xf32, #tpu.memory_space<hbm>>) target(%dma_start3A_92 : memref<128x16xf32, #tpu.memory_space<vmem>>) offsets(%dma_start3A_95 : memref<128xi32, #tpu.memory_space<vmem>>) semaphore(%arg17 : memref<!tpu.dma_semaphore, #tpu.memory_space<semaphore_mem>>)
        %dma_start3A_99 = arith.constant 2 : i32
        %dma_start3A_100 = arith.constant 256 : i32
        %dma_start3A_101 = arith.constant 0 : i32
        %dma_start3A_102 = tpu.memref_slice %arg11[%dma_start3A_100, %dma_start3A_101] : memref<1280x16xf32, #tpu.memory_space<vmem>> -> memref<128x16xf32, #tpu.memory_space<vmem>>
        %dma_start3A_103 = arith.constant 0 : i32
        %dma_start3A_104 = tpu.memref_slice %arg7[%dma_start3A_99, %dma_start3A_103] : memref<10x128xi32, #tpu.memory_space<vmem>> -> memref<1x128xi32, #tpu.memory_space<vmem>>
        %dma_start3A_105 = tpu.memref_squeeze %dma_start3A_104 : memref<1x128xi32, #tpu.memory_space<vmem>> -> memref<128xi32, #tpu.memory_space<vmem>>
        %dma_start3A_106 = arith.constant 0 : i32
        %dma_start3A_107 = arith.constant 0 : i32
        %dma_start3A_108 = tpu.memref_slice %arg2[%dma_start3A_106, %dma_start3A_107] : memref<50000x16xf32, #tpu.memory_space<hbm>> -> memref<50000x16xf32, #tpu.memory_space<hbm>>
        tpu.enqueue_indirect_dma source(%dma_start3A_108 : memref<50000x16xf32, #tpu.memory_space<hbm>>) target(%dma_start3A_102 : memref<128x16xf32, #tpu.memory_space<vmem>>) offsets(%dma_start3A_105 : memref<128xi32, #tpu.memory_space<vmem>>) semaphore(%arg17 : memref<!tpu.dma_semaphore, #tpu.memory_space<semaphore_mem>>)
        %dma_start3A_109 = arith.constant 3 : i32
        %dma_start3A_110 = arith.constant 384 : i32
        %dma_start3A_111 = arith.constant 0 : i32
        %dma_start3A_112 = tpu.memref_slice %arg11[%dma_start3A_110, %dma_start3A_111] : memref<1280x16xf32, #tpu.memory_space<vmem>> -> memref<128x16xf32, #tpu.memory_space<vmem>>
        %dma_start3A_113 = arith.constant 0 : i32
        %dma_start3A_114 = tpu.memref_slice %arg7[%dma_start3A_109, %dma_start3A_113] : memref<10x128xi32, #tpu.memory_space<vmem>> -> memref<1x128xi32, #tpu.memory_space<vmem>>
        %dma_start3A_115 = tpu.memref_squeeze %dma_start3A_114 : memref<1x128xi32, #tpu.memory_space<vmem>> -> memref<128xi32, #tpu.memory_space<vmem>>
        %dma_start3A_116 = arith.constant 0 : i32
        %dma_start3A_117 = arith.constant 0 : i32
        %dma_start3A_118 = tpu.memref_slice %arg2[%dma_start3A_116, %dma_start3A_117] : memref<50000x16xf32, #tpu.memory_space<hbm>> -> memref<50000x16xf32, #tpu.memory_space<hbm>>
        tpu.enqueue_indirect_dma source(%dma_start3A_118 : memref<50000x16xf32, #tpu.memory_space<hbm>>) target(%dma_start3A_112 : memref<128x16xf32, #tpu.memory_space<vmem>>) offsets(%dma_start3A_115 : memref<128xi32, #tpu.memory_space<vmem>>) semaphore(%arg17 : memref<!tpu.dma_semaphore, #tpu.memory_space<semaphore_mem>>)
        %dma_start3A_119 = arith.constant 4 : i32
        %dma_start3A_120 = arith.constant 512 : i32
        %dma_start3A_121 = arith.constant 0 : i32
        %dma_start3A_122 = tpu.memref_slice %arg11[%dma_start3A_120, %dma_start3A_121] : memref<1280x16xf32, #tpu.memory_space<vmem>> -> memref<128x16xf32, #tpu.memory_space<vmem>>
        %dma_start3A_123 = arith.constant 0 : i32
        %dma_start3A_124 = tpu.memref_slice %arg7[%dma_start3A_119, %dma_start3A_123] : memref<10x128xi32, #tpu.memory_space<vmem>> -> memref<1x128xi32, #tpu.memory_space<vmem>>
        %dma_start3A_125 = tpu.memref_squeeze %dma_start3A_124 : memref<1x128xi32, #tpu.memory_space<vmem>> -> memref<128xi32, #tpu.memory_space<vmem>>
        %dma_start3A_126 = arith.constant 0 : i32
        %dma_start3A_127 = arith.constant 0 : i32
        %dma_start3A_128 = tpu.memref_slice %arg2[%dma_start3A_126, %dma_start3A_127] : memref<50000x16xf32, #tpu.memory_space<hbm>> -> memref<50000x16xf32, #tpu.memory_space<hbm>>
        tpu.enqueue_indirect_dma source(%dma_start3A_128 : memref<50000x16xf32, #tpu.memory_space<hbm>>) target(%dma_start3A_122 : memref<128x16xf32, #tpu.memory_space<vmem>>) offsets(%dma_start3A_125 : memref<128xi32, #tpu.memory_space<vmem>>) semaphore(%arg17 : memref<!tpu.dma_semaphore, #tpu.memory_space<semaphore_mem>>)
        %dma_start3A_129 = arith.constant 5 : i32
        %dma_start3A_130 = arith.constant 640 : i32
        %dma_start3A_131 = arith.constant 0 : i32
        %dma_start3A_132 = tpu.memref_slice %arg11[%dma_start3A_130, %dma_start3A_131] : memref<1280x16xf32, #tpu.memory_space<vmem>> -> memref<128x16xf32, #tpu.memory_space<vmem>>
        %dma_start3A_133 = arith.constant 0 : i32
        %dma_start3A_134 = tpu.memref_slice %arg7[%dma_start3A_129, %dma_start3A_133] : memref<10x128xi32, #tpu.memory_space<vmem>> -> memref<1x128xi32, #tpu.memory_space<vmem>>
        %dma_start3A_135 = tpu.memref_squeeze %dma_start3A_134 : memref<1x128xi32, #tpu.memory_space<vmem>> -> memref<128xi32, #tpu.memory_space<vmem>>
        %dma_start3A_136 = arith.constant 0 : i32
        %dma_start3A_137 = arith.constant 0 : i32
        %dma_start3A_138 = tpu.memref_slice %arg2[%dma_start3A_136, %dma_start3A_137] : memref<50000x16xf32, #tpu.memory_space<hbm>> -> memref<50000x16xf32, #tpu.memory_space<hbm>>
        tpu.enqueue_indirect_dma source(%dma_start3A_138 : memref<50000x16xf32, #tpu.memory_space<hbm>>) target(%dma_start3A_132 : memref<128x16xf32, #tpu.memory_space<vmem>>) offsets(%dma_start3A_135 : memref<128xi32, #tpu.memory_space<vmem>>) semaphore(%arg17 : memref<!tpu.dma_semaphore, #tpu.memory_space<semaphore_mem>>)
        %dma_start3A_139 = arith.constant 6 : i32
        %dma_start3A_140 = arith.constant 768 : i32
        %dma_start3A_141 = arith.constant 0 : i32
        %dma_start3A_142 = tpu.memref_slice %arg11[%dma_start3A_140, %dma_start3A_141] : memref<1280x16xf32, #tpu.memory_space<vmem>> -> memref<128x16xf32, #tpu.memory_space<vmem>>
        %dma_start3A_143 = arith.constant 0 : i32
        %dma_start3A_144 = tpu.memref_slice %arg7[%dma_start3A_139, %dma_start3A_143] : memref<10x128xi32, #tpu.memory_space<vmem>> -> memref<1x128xi32, #tpu.memory_space<vmem>>
        %dma_start3A_145 = tpu.memref_squeeze %dma_start3A_144 : memref<1x128xi32, #tpu.memory_space<vmem>> -> memref<128xi32, #tpu.memory_space<vmem>>
        %dma_start3A_146 = arith.constant 0 : i32
        %dma_start3A_147 = arith.constant 0 : i32
        %dma_start3A_148 = tpu.memref_slice %arg2[%dma_start3A_146, %dma_start3A_147] : memref<50000x16xf32, #tpu.memory_space<hbm>> -> memref<50000x16xf32, #tpu.memory_space<hbm>>
        tpu.enqueue_indirect_dma source(%dma_start3A_148 : memref<50000x16xf32, #tpu.memory_space<hbm>>) target(%dma_start3A_142 : memref<128x16xf32, #tpu.memory_space<vmem>>) offsets(%dma_start3A_145 : memref<128xi32, #tpu.memory_space<vmem>>) semaphore(%arg17 : memref<!tpu.dma_semaphore, #tpu.memory_space<semaphore_mem>>)
        %dma_start3A_149 = arith.constant 7 : i32
        %dma_start3A_150 = arith.constant 896 : i32
        %dma_start3A_151 = arith.constant 0 : i32
        %dma_start3A_152 = tpu.memref_slice %arg11[%dma_start3A_150, %dma_start3A_151] : memref<1280x16xf32, #tpu.memory_space<vmem>> -> memref<128x16xf32, #tpu.memory_space<vmem>>
        %dma_start3A_153 = arith.constant 0 : i32
        %dma_start3A_154 = tpu.memref_slice %arg7[%dma_start3A_149, %dma_start3A_153] : memref<10x128xi32, #tpu.memory_space<vmem>> -> memref<1x128xi32, #tpu.memory_space<vmem>>
        %dma_start3A_155 = tpu.memref_squeeze %dma_start3A_154 : memref<1x128xi32, #tpu.memory_space<vmem>> -> memref<128xi32, #tpu.memory_space<vmem>>
        %dma_start3A_156 = arith.constant 0 : i32
        %dma_start3A_157 = arith.constant 0 : i32
        %dma_start3A_158 = tpu.memref_slice %arg2[%dma_start3A_156, %dma_start3A_157] : memref<50000x16xf32, #tpu.memory_space<hbm>> -> memref<50000x16xf32, #tpu.memory_space<hbm>>
        tpu.enqueue_indirect_dma source(%dma_start3A_158 : memref<50000x16xf32, #tpu.memory_space<hbm>>) target(%dma_start3A_152 : memref<128x16xf32, #tpu.memory_space<vmem>>) offsets(%dma_start3A_155 : memref<128xi32, #tpu.memory_space<vmem>>) semaphore(%arg17 : memref<!tpu.dma_semaphore, #tpu.memory_space<semaphore_mem>>)
        %dma_start3A_159 = arith.constant 8 : i32
        %dma_start3A_160 = arith.constant 1024 : i32
        %dma_start3A_161 = arith.constant 0 : i32
        %dma_start3A_162 = tpu.memref_slice %arg11[%dma_start3A_160, %dma_start3A_161] : memref<1280x16xf32, #tpu.memory_space<vmem>> -> memref<128x16xf32, #tpu.memory_space<vmem>>
        %dma_start3A_163 = arith.constant 0 : i32
        %dma_start3A_164 = tpu.memref_slice %arg7[%dma_start3A_159, %dma_start3A_163] : memref<10x128xi32, #tpu.memory_space<vmem>> -> memref<1x128xi32, #tpu.memory_space<vmem>>
        %dma_start3A_165 = tpu.memref_squeeze %dma_start3A_164 : memref<1x128xi32, #tpu.memory_space<vmem>> -> memref<128xi32, #tpu.memory_space<vmem>>
        %dma_start3A_166 = arith.constant 0 : i32
        %dma_start3A_167 = arith.constant 0 : i32
        %dma_start3A_168 = tpu.memref_slice %arg2[%dma_start3A_166, %dma_start3A_167] : memref<50000x16xf32, #tpu.memory_space<hbm>> -> memref<50000x16xf32, #tpu.memory_space<hbm>>
        tpu.enqueue_indirect_dma source(%dma_start3A_168 : memref<50000x16xf32, #tpu.memory_space<hbm>>) target(%dma_start3A_162 : memref<128x16xf32, #tpu.memory_space<vmem>>) offsets(%dma_start3A_165 : memref<128xi32, #tpu.memory_space<vmem>>) semaphore(%arg17 : memref<!tpu.dma_semaphore, #tpu.memory_space<semaphore_mem>>)
        %dma_start3A_169 = arith.constant 9 : i32
        %dma_start3A_170 = arith.constant 1152 : i32
        %dma_start3A_171 = arith.constant 0 : i32
        %dma_start3A_172 = tpu.memref_slice %arg11[%dma_start3A_170, %dma_start3A_171] : memref<1280x16xf32, #tpu.memory_space<vmem>> -> memref<128x16xf32, #tpu.memory_space<vmem>>
        %dma_start3A_173 = arith.constant 0 : i32
        %dma_start3A_174 = tpu.memref_slice %arg7[%dma_start3A_169, %dma_start3A_173] : memref<10x128xi32, #tpu.memory_space<vmem>> -> memref<1x128xi32, #tpu.memory_space<vmem>>
        %dma_start3A_175 = tpu.memref_squeeze %dma_start3A_174 : memref<1x128xi32, #tpu.memory_space<vmem>> -> memref<128xi32, #tpu.memory_space<vmem>>
        %dma_start3A_176 = arith.constant 0 : i32
        %dma_start3A_177 = arith.constant 0 : i32
        %dma_start3A_178 = tpu.memref_slice %arg2[%dma_start3A_176, %dma_start3A_177] : memref<50000x16xf32, #tpu.memory_space<hbm>> -> memref<50000x16xf32, #tpu.memory_space<hbm>>
        tpu.enqueue_indirect_dma source(%dma_start3A_178 : memref<50000x16xf32, #tpu.memory_space<hbm>>) target(%dma_start3A_172 : memref<128x16xf32, #tpu.memory_space<vmem>>) offsets(%dma_start3A_175 : memref<128xi32, #tpu.memory_space<vmem>>) semaphore(%arg17 : memref<!tpu.dma_semaphore, #tpu.memory_space<semaphore_mem>>)
        %dma_start3A_179 = arith.constant 0 : i32
        %dma_start3A_180 = arith.constant 0 : i32
        %dma_start3A_181 = arith.constant 0 : i32
        %dma_start3A_182 = tpu.memref_slice %arg12[%dma_start3A_180, %dma_start3A_181] : memref<1280x16xf32, #tpu.memory_space<vmem>> -> memref<128x16xf32, #tpu.memory_space<vmem>>
        %dma_start3A_183 = arith.constant 0 : i32
        %dma_start3A_184 = tpu.memref_slice %arg8[%dma_start3A_179, %dma_start3A_183] : memref<10x128xi32, #tpu.memory_space<vmem>> -> memref<1x128xi32, #tpu.memory_space<vmem>>
        %dma_start3A_185 = tpu.memref_squeeze %dma_start3A_184 : memref<1x128xi32, #tpu.memory_space<vmem>> -> memref<128xi32, #tpu.memory_space<vmem>>
        %dma_start3A_186 = arith.constant 0 : i32
        %dma_start3A_187 = arith.constant 0 : i32
        %dma_start3A_188 = tpu.memref_slice %arg2[%dma_start3A_186, %dma_start3A_187] : memref<50000x16xf32, #tpu.memory_space<hbm>> -> memref<50000x16xf32, #tpu.memory_space<hbm>>
        tpu.enqueue_indirect_dma source(%dma_start3A_188 : memref<50000x16xf32, #tpu.memory_space<hbm>>) target(%dma_start3A_182 : memref<128x16xf32, #tpu.memory_space<vmem>>) offsets(%dma_start3A_185 : memref<128xi32, #tpu.memory_space<vmem>>) semaphore(%arg17 : memref<!tpu.dma_semaphore, #tpu.memory_space<semaphore_mem>>)
        %dma_start3A_189 = arith.constant 1 : i32
        %dma_start3A_190 = arith.constant 128 : i32
        %dma_start3A_191 = arith.constant 0 : i32
        %dma_start3A_192 = tpu.memref_slice %arg12[%dma_start3A_190, %dma_start3A_191] : memref<1280x16xf32, #tpu.memory_space<vmem>> -> memref<128x16xf32, #tpu.memory_space<vmem>>
        %dma_start3A_193 = arith.constant 0 : i32
        %dma_start3A_194 = tpu.memref_slice %arg8[%dma_start3A_189, %dma_start3A_193] : memref<10x128xi32, #tpu.memory_space<vmem>> -> memref<1x128xi32, #tpu.memory_space<vmem>>
        %dma_start3A_195 = tpu.memref_squeeze %dma_start3A_194 : memref<1x128xi32, #tpu.memory_space<vmem>> -> memref<128xi32, #tpu.memory_space<vmem>>
        %dma_start3A_196 = arith.constant 0 : i32
        %dma_start3A_197 = arith.constant 0 : i32
        %dma_start3A_198 = tpu.memref_slice %arg2[%dma_start3A_196, %dma_start3A_197] : memref<50000x16xf32, #tpu.memory_space<hbm>> -> memref<50000x16xf32, #tpu.memory_space<hbm>>
        tpu.enqueue_indirect_dma source(%dma_start3A_198 : memref<50000x16xf32, #tpu.memory_space<hbm>>) target(%dma_start3A_192 : memref<128x16xf32, #tpu.memory_space<vmem>>) offsets(%dma_start3A_195 : memref<128xi32, #tpu.memory_space<vmem>>) semaphore(%arg17 : memref<!tpu.dma_semaphore, #tpu.memory_space<semaphore_mem>>)
        %dma_start3A_199 = arith.constant 2 : i32
        %dma_start3A_200 = arith.constant 256 : i32
        %dma_start3A_201 = arith.constant 0 : i32
        %dma_start3A_202 = tpu.memref_slice %arg12[%dma_start3A_200, %dma_start3A_201] : memref<1280x16xf32, #tpu.memory_space<vmem>> -> memref<128x16xf32, #tpu.memory_space<vmem>>
        %dma_start3A_203 = arith.constant 0 : i32
        %dma_start3A_204 = tpu.memref_slice %arg8[%dma_start3A_199, %dma_start3A_203] : memref<10x128xi32, #tpu.memory_space<vmem>> -> memref<1x128xi32, #tpu.memory_space<vmem>>
        %dma_start3A_205 = tpu.memref_squeeze %dma_start3A_204 : memref<1x128xi32, #tpu.memory_space<vmem>> -> memref<128xi32, #tpu.memory_space<vmem>>
        %dma_start3A_206 = arith.constant 0 : i32
        %dma_start3A_207 = arith.constant 0 : i32
        %dma_start3A_208 = tpu.memref_slice %arg2[%dma_start3A_206, %dma_start3A_207] : memref<50000x16xf32, #tpu.memory_space<hbm>> -> memref<50000x16xf32, #tpu.memory_space<hbm>>
        tpu.enqueue_indirect_dma source(%dma_start3A_208 : memref<50000x16xf32, #tpu.memory_space<hbm>>) target(%dma_start3A_202 : memref<128x16xf32, #tpu.memory_space<vmem>>) offsets(%dma_start3A_205 : memref<128xi32, #tpu.memory_space<vmem>>) semaphore(%arg17 : memref<!tpu.dma_semaphore, #tpu.memory_space<semaphore_mem>>)
        %dma_start3A_209 = arith.constant 3 : i32
        %dma_start3A_210 = arith.constant 384 : i32
        %dma_start3A_211 = arith.constant 0 : i32
        %dma_start3A_212 = tpu.memref_slice %arg12[%dma_start3A_210, %dma_start3A_211] : memref<1280x16xf32, #tpu.memory_space<vmem>> -> memref<128x16xf32, #tpu.memory_space<vmem>>
        %dma_start3A_213 = arith.constant 0 : i32
        %dma_start3A_214 = tpu.memref_slice %arg8[%dma_start3A_209, %dma_start3A_213] : memref<10x128xi32, #tpu.memory_space<vmem>> -> memref<1x128xi32, #tpu.memory_space<vmem>>
        %dma_start3A_215 = tpu.memref_squeeze %dma_start3A_214 : memref<1x128xi32, #tpu.memory_space<vmem>> -> memref<128xi32, #tpu.memory_space<vmem>>
        %dma_start3A_216 = arith.constant 0 : i32
        %dma_start3A_217 = arith.constant 0 : i32
        %dma_start3A_218 = tpu.memref_slice %arg2[%dma_start3A_216, %dma_start3A_217] : memref<50000x16xf32, #tpu.memory_space<hbm>> -> memref<50000x16xf32, #tpu.memory_space<hbm>>
        tpu.enqueue_indirect_dma source(%dma_start3A_218 : memref<50000x16xf32, #tpu.memory_space<hbm>>) target(%dma_start3A_212 : memref<128x16xf32, #tpu.memory_space<vmem>>) offsets(%dma_start3A_215 : memref<128xi32, #tpu.memory_space<vmem>>) semaphore(%arg17 : memref<!tpu.dma_semaphore, #tpu.memory_space<semaphore_mem>>)
        %dma_start3A_219 = arith.constant 4 : i32
        %dma_start3A_220 = arith.constant 512 : i32
        %dma_start3A_221 = arith.constant 0 : i32
        %dma_start3A_222 = tpu.memref_slice %arg12[%dma_start3A_220, %dma_start3A_221] : memref<1280x16xf32, #tpu.memory_space<vmem>> -> memref<128x16xf32, #tpu.memory_space<vmem>>
        %dma_start3A_223 = arith.constant 0 : i32
        %dma_start3A_224 = tpu.memref_slice %arg8[%dma_start3A_219, %dma_start3A_223] : memref<10x128xi32, #tpu.memory_space<vmem>> -> memref<1x128xi32, #tpu.memory_space<vmem>>
        %dma_start3A_225 = tpu.memref_squeeze %dma_start3A_224 : memref<1x128xi32, #tpu.memory_space<vmem>> -> memref<128xi32, #tpu.memory_space<vmem>>
        %dma_start3A_226 = arith.constant 0 : i32
        %dma_start3A_227 = arith.constant 0 : i32
        %dma_start3A_228 = tpu.memref_slice %arg2[%dma_start3A_226, %dma_start3A_227] : memref<50000x16xf32, #tpu.memory_space<hbm>> -> memref<50000x16xf32, #tpu.memory_space<hbm>>
        tpu.enqueue_indirect_dma source(%dma_start3A_228 : memref<50000x16xf32, #tpu.memory_space<hbm>>) target(%dma_start3A_222 : memref<128x16xf32, #tpu.memory_space<vmem>>) offsets(%dma_start3A_225 : memref<128xi32, #tpu.memory_space<vmem>>) semaphore(%arg17 : memref<!tpu.dma_semaphore, #tpu.memory_space<semaphore_mem>>)
        %dma_start3A_229 = arith.constant 5 : i32
        %dma_start3A_230 = arith.constant 640 : i32
        %dma_start3A_231 = arith.constant 0 : i32
        %dma_start3A_232 = tpu.memref_slice %arg12[%dma_start3A_230, %dma_start3A_231] : memref<1280x16xf32, #tpu.memory_space<vmem>> -> memref<128x16xf32, #tpu.memory_space<vmem>>
        %dma_start3A_233 = arith.constant 0 : i32
        %dma_start3A_234 = tpu.memref_slice %arg8[%dma_start3A_229, %dma_start3A_233] : memref<10x128xi32, #tpu.memory_space<vmem>> -> memref<1x128xi32, #tpu.memory_space<vmem>>
        %dma_start3A_235 = tpu.memref_squeeze %dma_start3A_234 : memref<1x128xi32, #tpu.memory_space<vmem>> -> memref<128xi32, #tpu.memory_space<vmem>>
        %dma_start3A_236 = arith.constant 0 : i32
        %dma_start3A_237 = arith.constant 0 : i32
        %dma_start3A_238 = tpu.memref_slice %arg2[%dma_start3A_236, %dma_start3A_237] : memref<50000x16xf32, #tpu.memory_space<hbm>> -> memref<50000x16xf32, #tpu.memory_space<hbm>>
        tpu.enqueue_indirect_dma source(%dma_start3A_238 : memref<50000x16xf32, #tpu.memory_space<hbm>>) target(%dma_start3A_232 : memref<128x16xf32, #tpu.memory_space<vmem>>) offsets(%dma_start3A_235 : memref<128xi32, #tpu.memory_space<vmem>>) semaphore(%arg17 : memref<!tpu.dma_semaphore, #tpu.memory_space<semaphore_mem>>)
        %dma_start3A_239 = arith.constant 6 : i32
        %dma_start3A_240 = arith.constant 768 : i32
        %dma_start3A_241 = arith.constant 0 : i32
        %dma_start3A_242 = tpu.memref_slice %arg12[%dma_start3A_240, %dma_start3A_241] : memref<1280x16xf32, #tpu.memory_space<vmem>> -> memref<128x16xf32, #tpu.memory_space<vmem>>
        %dma_start3A_243 = arith.constant 0 : i32
        %dma_start3A_244 = tpu.memref_slice %arg8[%dma_start3A_239, %dma_start3A_243] : memref<10x128xi32, #tpu.memory_space<vmem>> -> memref<1x128xi32, #tpu.memory_space<vmem>>
        %dma_start3A_245 = tpu.memref_squeeze %dma_start3A_244 : memref<1x128xi32, #tpu.memory_space<vmem>> -> memref<128xi32, #tpu.memory_space<vmem>>
        %dma_start3A_246 = arith.constant 0 : i32
        %dma_start3A_247 = arith.constant 0 : i32
        %dma_start3A_248 = tpu.memref_slice %arg2[%dma_start3A_246, %dma_start3A_247] : memref<50000x16xf32, #tpu.memory_space<hbm>> -> memref<50000x16xf32, #tpu.memory_space<hbm>>
        tpu.enqueue_indirect_dma source(%dma_start3A_248 : memref<50000x16xf32, #tpu.memory_space<hbm>>) target(%dma_start3A_242 : memref<128x16xf32, #tpu.memory_space<vmem>>) offsets(%dma_start3A_245 : memref<128xi32, #tpu.memory_space<vmem>>) semaphore(%arg17 : memref<!tpu.dma_semaphore, #tpu.memory_space<semaphore_mem>>)
        %dma_start3A_249 = arith.constant 7 : i32
        %dma_start3A_250 = arith.constant 896 : i32
        %dma_start3A_251 = arith.constant 0 : i32
        %dma_start3A_252 = tpu.memref_slice %arg12[%dma_start3A_250, %dma_start3A_251] : memref<1280x16xf32, #tpu.memory_space<vmem>> -> memref<128x16xf32, #tpu.memory_space<vmem>>
        %dma_start3A_253 = arith.constant 0 : i32
        %dma_start3A_254 = tpu.memref_slice %arg8[%dma_start3A_249, %dma_start3A_253] : memref<10x128xi32, #tpu.memory_space<vmem>> -> memref<1x128xi32, #tpu.memory_space<vmem>>
        %dma_start3A_255 = tpu.memref_squeeze %dma_start3A_254 : memref<1x128xi32, #tpu.memory_space<vmem>> -> memref<128xi32, #tpu.memory_space<vmem>>
        %dma_start3A_256 = arith.constant 0 : i32
        %dma_start3A_257 = arith.constant 0 : i32
        %dma_start3A_258 = tpu.memref_slice %arg2[%dma_start3A_256, %dma_start3A_257] : memref<50000x16xf32, #tpu.memory_space<hbm>> -> memref<50000x16xf32, #tpu.memory_space<hbm>>
        tpu.enqueue_indirect_dma source(%dma_start3A_258 : memref<50000x16xf32, #tpu.memory_space<hbm>>) target(%dma_start3A_252 : memref<128x16xf32, #tpu.memory_space<vmem>>) offsets(%dma_start3A_255 : memref<128xi32, #tpu.memory_space<vmem>>) semaphore(%arg17 : memref<!tpu.dma_semaphore, #tpu.memory_space<semaphore_mem>>)
        %dma_start3A_259 = arith.constant 8 : i32
        %dma_start3A_260 = arith.constant 1024 : i32
        %dma_start3A_261 = arith.constant 0 : i32
        %dma_start3A_262 = tpu.memref_slice %arg12[%dma_start3A_260, %dma_start3A_261] : memref<1280x16xf32, #tpu.memory_space<vmem>> -> memref<128x16xf32, #tpu.memory_space<vmem>>
        %dma_start3A_263 = arith.constant 0 : i32
        %dma_start3A_264 = tpu.memref_slice %arg8[%dma_start3A_259, %dma_start3A_263] : memref<10x128xi32, #tpu.memory_space<vmem>> -> memref<1x128xi32, #tpu.memory_space<vmem>>
        %dma_start3A_265 = tpu.memref_squeeze %dma_start3A_264 : memref<1x128xi32, #tpu.memory_space<vmem>> -> memref<128xi32, #tpu.memory_space<vmem>>
        %dma_start3A_266 = arith.constant 0 : i32
        %dma_start3A_267 = arith.constant 0 : i32
        %dma_start3A_268 = tpu.memref_slice %arg2[%dma_start3A_266, %dma_start3A_267] : memref<50000x16xf32, #tpu.memory_space<hbm>> -> memref<50000x16xf32, #tpu.memory_space<hbm>>
        tpu.enqueue_indirect_dma source(%dma_start3A_268 : memref<50000x16xf32, #tpu.memory_space<hbm>>) target(%dma_start3A_262 : memref<128x16xf32, #tpu.memory_space<vmem>>) offsets(%dma_start3A_265 : memref<128xi32, #tpu.memory_space<vmem>>) semaphore(%arg17 : memref<!tpu.dma_semaphore, #tpu.memory_space<semaphore_mem>>)
        %dma_start3A_269 = arith.constant 9 : i32
        %dma_start3A_270 = arith.constant 1152 : i32
        %dma_start3A_271 = arith.constant 0 : i32
        %dma_start3A_272 = tpu.memref_slice %arg12[%dma_start3A_270, %dma_start3A_271] : memref<1280x16xf32, #tpu.memory_space<vmem>> -> memref<128x16xf32, #tpu.memory_space<vmem>>
        %dma_start3A_273 = arith.constant 0 : i32
        %dma_start3A_274 = tpu.memref_slice %arg8[%dma_start3A_269, %dma_start3A_273] : memref<10x128xi32, #tpu.memory_space<vmem>> -> memref<1x128xi32, #tpu.memory_space<vmem>>
        %dma_start3A_275 = tpu.memref_squeeze %dma_start3A_274 : memref<1x128xi32, #tpu.memory_space<vmem>> -> memref<128xi32, #tpu.memory_space<vmem>>
        %dma_start3A_276 = arith.constant 0 : i32
        %dma_start3A_277 = arith.constant 0 : i32
        %dma_start3A_278 = tpu.memref_slice %arg2[%dma_start3A_276, %dma_start3A_277] : memref<50000x16xf32, #tpu.memory_space<hbm>> -> memref<50000x16xf32, #tpu.memory_space<hbm>>
        tpu.enqueue_indirect_dma source(%dma_start3A_278 : memref<50000x16xf32, #tpu.memory_space<hbm>>) target(%dma_start3A_272 : memref<128x16xf32, #tpu.memory_space<vmem>>) offsets(%dma_start3A_275 : memref<128xi32, #tpu.memory_space<vmem>>) semaphore(%arg17 : memref<!tpu.dma_semaphore, #tpu.memory_space<semaphore_mem>>)
      } else {
      }
      %lt3A_46 = arith.cmpi slt, %mul3A_33, %add3A_8 : i32
      %convert_element_type3A_47 = arith.extui %lt3A_46 : i1 to i32
      %cond3A_48 = arith.constant 0 : i32
      %cond3A_49 = arith.cmpi ne, %convert_element_type3A_47, %cond3A_48 : i32
      scf.if %cond3A_49 {
        %dma_wait3A = arith.constant 0 : i32
        %dma_wait3A_60 = arith.constant 0 : i32
        %dma_wait3A_61 = arith.constant 0 : i32
        %dma_wait3A_62 = tpu.memref_slice %arg11[%dma_wait3A_60, %dma_wait3A_61] : memref<1280x16xf32, #tpu.memory_space<vmem>> -> memref<128x16xf32, #tpu.memory_space<vmem>>
        %dma_wait3A_63 = arith.constant 0 : i32
        %dma_wait3A_64 = tpu.memref_slice %arg7[%dma_wait3A, %dma_wait3A_63] : memref<10x128xi32, #tpu.memory_space<vmem>> -> memref<1x128xi32, #tpu.memory_space<vmem>>
        %dma_wait3A_65 = tpu.memref_squeeze %dma_wait3A_64 : memref<1x128xi32, #tpu.memory_space<vmem>> -> memref<128xi32, #tpu.memory_space<vmem>>
        %dma_wait3A_66 = arith.constant 0 : i32
        %dma_wait3A_67 = arith.constant 0 : i32
        %dma_wait3A_68 = tpu.memref_slice %arg2[%dma_wait3A_66, %dma_wait3A_67] : memref<50000x16xf32, #tpu.memory_space<hbm>> -> memref<50000x16xf32, #tpu.memory_space<hbm>>
        tpu.wait_indirect_dma semaphore(%arg17 : memref<!tpu.dma_semaphore, #tpu.memory_space<semaphore_mem>>) src(%dma_wait3A_68 : memref<50000x16xf32, #tpu.memory_space<hbm>>) dst(%dma_wait3A_62 : memref<128x16xf32, #tpu.memory_space<vmem>>)
        %dma_wait3A_69 = arith.constant 1 : i32
        %dma_wait3A_70 = arith.constant 128 : i32
        %dma_wait3A_71 = arith.constant 0 : i32
        %dma_wait3A_72 = tpu.memref_slice %arg11[%dma_wait3A_70, %dma_wait3A_71] : memref<1280x16xf32, #tpu.memory_space<vmem>> -> memref<128x16xf32, #tpu.memory_space<vmem>>
        %dma_wait3A_73 = arith.constant 0 : i32
        %dma_wait3A_74 = tpu.memref_slice %arg7[%dma_wait3A_69, %dma_wait3A_73] : memref<10x128xi32, #tpu.memory_space<vmem>> -> memref<1x128xi32, #tpu.memory_space<vmem>>
        %dma_wait3A_75 = tpu.memref_squeeze %dma_wait3A_74 : memref<1x128xi32, #tpu.memory_space<vmem>> -> memref<128xi32, #tpu.memory_space<vmem>>
        %dma_wait3A_76 = arith.constant 0 : i32
        %dma_wait3A_77 = arith.constant 0 : i32
        %dma_wait3A_78 = tpu.memref_slice %arg2[%dma_wait3A_76, %dma_wait3A_77] : memref<50000x16xf32, #tpu.memory_space<hbm>> -> memref<50000x16xf32, #tpu.memory_space<hbm>>
        tpu.wait_indirect_dma semaphore(%arg17 : memref<!tpu.dma_semaphore, #tpu.memory_space<semaphore_mem>>) src(%dma_wait3A_78 : memref<50000x16xf32, #tpu.memory_space<hbm>>) dst(%dma_wait3A_72 : memref<128x16xf32, #tpu.memory_space<vmem>>)
        %dma_wait3A_79 = arith.constant 2 : i32
        %dma_wait3A_80 = arith.constant 256 : i32
        %dma_wait3A_81 = arith.constant 0 : i32
        %dma_wait3A_82 = tpu.memref_slice %arg11[%dma_wait3A_80, %dma_wait3A_81] : memref<1280x16xf32, #tpu.memory_space<vmem>> -> memref<128x16xf32, #tpu.memory_space<vmem>>
        %dma_wait3A_83 = arith.constant 0 : i32
        %dma_wait3A_84 = tpu.memref_slice %arg7[%dma_wait3A_79, %dma_wait3A_83] : memref<10x128xi32, #tpu.memory_space<vmem>> -> memref<1x128xi32, #tpu.memory_space<vmem>>
        %dma_wait3A_85 = tpu.memref_squeeze %dma_wait3A_84 : memref<1x128xi32, #tpu.memory_space<vmem>> -> memref<128xi32, #tpu.memory_space<vmem>>
        %dma_wait3A_86 = arith.constant 0 : i32
        %dma_wait3A_87 = arith.constant 0 : i32
        %dma_wait3A_88 = tpu.memref_slice %arg2[%dma_wait3A_86, %dma_wait3A_87] : memref<50000x16xf32, #tpu.memory_space<hbm>> -> memref<50000x16xf32, #tpu.memory_space<hbm>>
        tpu.wait_indirect_dma semaphore(%arg17 : memref<!tpu.dma_semaphore, #tpu.memory_space<semaphore_mem>>) src(%dma_wait3A_88 : memref<50000x16xf32, #tpu.memory_space<hbm>>) dst(%dma_wait3A_82 : memref<128x16xf32, #tpu.memory_space<vmem>>)
        %dma_wait3A_89 = arith.constant 3 : i32
        %dma_wait3A_90 = arith.constant 384 : i32
        %dma_wait3A_91 = arith.constant 0 : i32
        %dma_wait3A_92 = tpu.memref_slice %arg11[%dma_wait3A_90, %dma_wait3A_91] : memref<1280x16xf32, #tpu.memory_space<vmem>> -> memref<128x16xf32, #tpu.memory_space<vmem>>
        %dma_wait3A_93 = arith.constant 0 : i32
        %dma_wait3A_94 = tpu.memref_slice %arg7[%dma_wait3A_89, %dma_wait3A_93] : memref<10x128xi32, #tpu.memory_space<vmem>> -> memref<1x128xi32, #tpu.memory_space<vmem>>
        %dma_wait3A_95 = tpu.memref_squeeze %dma_wait3A_94 : memref<1x128xi32, #tpu.memory_space<vmem>> -> memref<128xi32, #tpu.memory_space<vmem>>
        %dma_wait3A_96 = arith.constant 0 : i32
        %dma_wait3A_97 = arith.constant 0 : i32
        %dma_wait3A_98 = tpu.memref_slice %arg2[%dma_wait3A_96, %dma_wait3A_97] : memref<50000x16xf32, #tpu.memory_space<hbm>> -> memref<50000x16xf32, #tpu.memory_space<hbm>>
        tpu.wait_indirect_dma semaphore(%arg17 : memref<!tpu.dma_semaphore, #tpu.memory_space<semaphore_mem>>) src(%dma_wait3A_98 : memref<50000x16xf32, #tpu.memory_space<hbm>>) dst(%dma_wait3A_92 : memref<128x16xf32, #tpu.memory_space<vmem>>)
        %dma_wait3A_99 = arith.constant 4 : i32
        %dma_wait3A_100 = arith.constant 512 : i32
        %dma_wait3A_101 = arith.constant 0 : i32
        %dma_wait3A_102 = tpu.memref_slice %arg11[%dma_wait3A_100, %dma_wait3A_101] : memref<1280x16xf32, #tpu.memory_space<vmem>> -> memref<128x16xf32, #tpu.memory_space<vmem>>
        %dma_wait3A_103 = arith.constant 0 : i32
        %dma_wait3A_104 = tpu.memref_slice %arg7[%dma_wait3A_99, %dma_wait3A_103] : memref<10x128xi32, #tpu.memory_space<vmem>> -> memref<1x128xi32, #tpu.memory_space<vmem>>
        %dma_wait3A_105 = tpu.memref_squeeze %dma_wait3A_104 : memref<1x128xi32, #tpu.memory_space<vmem>> -> memref<128xi32, #tpu.memory_space<vmem>>
        %dma_wait3A_106 = arith.constant 0 : i32
        %dma_wait3A_107 = arith.constant 0 : i32
        %dma_wait3A_108 = tpu.memref_slice %arg2[%dma_wait3A_106, %dma_wait3A_107] : memref<50000x16xf32, #tpu.memory_space<hbm>> -> memref<50000x16xf32, #tpu.memory_space<hbm>>
        tpu.wait_indirect_dma semaphore(%arg17 : memref<!tpu.dma_semaphore, #tpu.memory_space<semaphore_mem>>) src(%dma_wait3A_108 : memref<50000x16xf32, #tpu.memory_space<hbm>>) dst(%dma_wait3A_102 : memref<128x16xf32, #tpu.memory_space<vmem>>)
        %dma_wait3A_109 = arith.constant 5 : i32
        %dma_wait3A_110 = arith.constant 640 : i32
        %dma_wait3A_111 = arith.constant 0 : i32
        %dma_wait3A_112 = tpu.memref_slice %arg11[%dma_wait3A_110, %dma_wait3A_111] : memref<1280x16xf32, #tpu.memory_space<vmem>> -> memref<128x16xf32, #tpu.memory_space<vmem>>
        %dma_wait3A_113 = arith.constant 0 : i32
        %dma_wait3A_114 = tpu.memref_slice %arg7[%dma_wait3A_109, %dma_wait3A_113] : memref<10x128xi32, #tpu.memory_space<vmem>> -> memref<1x128xi32, #tpu.memory_space<vmem>>
        %dma_wait3A_115 = tpu.memref_squeeze %dma_wait3A_114 : memref<1x128xi32, #tpu.memory_space<vmem>> -> memref<128xi32, #tpu.memory_space<vmem>>
        %dma_wait3A_116 = arith.constant 0 : i32
        %dma_wait3A_117 = arith.constant 0 : i32
        %dma_wait3A_118 = tpu.memref_slice %arg2[%dma_wait3A_116, %dma_wait3A_117] : memref<50000x16xf32, #tpu.memory_space<hbm>> -> memref<50000x16xf32, #tpu.memory_space<hbm>>
        tpu.wait_indirect_dma semaphore(%arg17 : memref<!tpu.dma_semaphore, #tpu.memory_space<semaphore_mem>>) src(%dma_wait3A_118 : memref<50000x16xf32, #tpu.memory_space<hbm>>) dst(%dma_wait3A_112 : memref<128x16xf32, #tpu.memory_space<vmem>>)
        %dma_wait3A_119 = arith.constant 6 : i32
        %dma_wait3A_120 = arith.constant 768 : i32
        %dma_wait3A_121 = arith.constant 0 : i32
        %dma_wait3A_122 = tpu.memref_slice %arg11[%dma_wait3A_120, %dma_wait3A_121] : memref<1280x16xf32, #tpu.memory_space<vmem>> -> memref<128x16xf32, #tpu.memory_space<vmem>>
        %dma_wait3A_123 = arith.constant 0 : i32
        %dma_wait3A_124 = tpu.memref_slice %arg7[%dma_wait3A_119, %dma_wait3A_123] : memref<10x128xi32, #tpu.memory_space<vmem>> -> memref<1x128xi32, #tpu.memory_space<vmem>>
        %dma_wait3A_125 = tpu.memref_squeeze %dma_wait3A_124 : memref<1x128xi32, #tpu.memory_space<vmem>> -> memref<128xi32, #tpu.memory_space<vmem>>
        %dma_wait3A_126 = arith.constant 0 : i32
        %dma_wait3A_127 = arith.constant 0 : i32
        %dma_wait3A_128 = tpu.memref_slice %arg2[%dma_wait3A_126, %dma_wait3A_127] : memref<50000x16xf32, #tpu.memory_space<hbm>> -> memref<50000x16xf32, #tpu.memory_space<hbm>>
        tpu.wait_indirect_dma semaphore(%arg17 : memref<!tpu.dma_semaphore, #tpu.memory_space<semaphore_mem>>) src(%dma_wait3A_128 : memref<50000x16xf32, #tpu.memory_space<hbm>>) dst(%dma_wait3A_122 : memref<128x16xf32, #tpu.memory_space<vmem>>)
        %dma_wait3A_129 = arith.constant 7 : i32
        %dma_wait3A_130 = arith.constant 896 : i32
        %dma_wait3A_131 = arith.constant 0 : i32
        %dma_wait3A_132 = tpu.memref_slice %arg11[%dma_wait3A_130, %dma_wait3A_131] : memref<1280x16xf32, #tpu.memory_space<vmem>> -> memref<128x16xf32, #tpu.memory_space<vmem>>
        %dma_wait3A_133 = arith.constant 0 : i32
        %dma_wait3A_134 = tpu.memref_slice %arg7[%dma_wait3A_129, %dma_wait3A_133] : memref<10x128xi32, #tpu.memory_space<vmem>> -> memref<1x128xi32, #tpu.memory_space<vmem>>
        %dma_wait3A_135 = tpu.memref_squeeze %dma_wait3A_134 : memref<1x128xi32, #tpu.memory_space<vmem>> -> memref<128xi32, #tpu.memory_space<vmem>>
        %dma_wait3A_136 = arith.constant 0 : i32
        %dma_wait3A_137 = arith.constant 0 : i32
        %dma_wait3A_138 = tpu.memref_slice %arg2[%dma_wait3A_136, %dma_wait3A_137] : memref<50000x16xf32, #tpu.memory_space<hbm>> -> memref<50000x16xf32, #tpu.memory_space<hbm>>
        tpu.wait_indirect_dma semaphore(%arg17 : memref<!tpu.dma_semaphore, #tpu.memory_space<semaphore_mem>>) src(%dma_wait3A_138 : memref<50000x16xf32, #tpu.memory_space<hbm>>) dst(%dma_wait3A_132 : memref<128x16xf32, #tpu.memory_space<vmem>>)
        %dma_wait3A_139 = arith.constant 8 : i32
        %dma_wait3A_140 = arith.constant 1024 : i32
        %dma_wait3A_141 = arith.constant 0 : i32
        %dma_wait3A_142 = tpu.memref_slice %arg11[%dma_wait3A_140, %dma_wait3A_141] : memref<1280x16xf32, #tpu.memory_space<vmem>> -> memref<128x16xf32, #tpu.memory_space<vmem>>
        %dma_wait3A_143 = arith.constant 0 : i32
        %dma_wait3A_144 = tpu.memref_slice %arg7[%dma_wait3A_139, %dma_wait3A_143] : memref<10x128xi32, #tpu.memory_space<vmem>> -> memref<1x128xi32, #tpu.memory_space<vmem>>
        %dma_wait3A_145 = tpu.memref_squeeze %dma_wait3A_144 : memref<1x128xi32, #tpu.memory_space<vmem>> -> memref<128xi32, #tpu.memory_space<vmem>>
        %dma_wait3A_146 = arith.constant 0 : i32
        %dma_wait3A_147 = arith.constant 0 : i32
        %dma_wait3A_148 = tpu.memref_slice %arg2[%dma_wait3A_146, %dma_wait3A_147] : memref<50000x16xf32, #tpu.memory_space<hbm>> -> memref<50000x16xf32, #tpu.memory_space<hbm>>
        tpu.wait_indirect_dma semaphore(%arg17 : memref<!tpu.dma_semaphore, #tpu.memory_space<semaphore_mem>>) src(%dma_wait3A_148 : memref<50000x16xf32, #tpu.memory_space<hbm>>) dst(%dma_wait3A_142 : memref<128x16xf32, #tpu.memory_space<vmem>>)
        %dma_wait3A_149 = arith.constant 9 : i32
        %dma_wait3A_150 = arith.constant 1152 : i32
        %dma_wait3A_151 = arith.constant 0 : i32
        %dma_wait3A_152 = tpu.memref_slice %arg11[%dma_wait3A_150, %dma_wait3A_151] : memref<1280x16xf32, #tpu.memory_space<vmem>> -> memref<128x16xf32, #tpu.memory_space<vmem>>
        %dma_wait3A_153 = arith.constant 0 : i32
        %dma_wait3A_154 = tpu.memref_slice %arg7[%dma_wait3A_149, %dma_wait3A_153] : memref<10x128xi32, #tpu.memory_space<vmem>> -> memref<1x128xi32, #tpu.memory_space<vmem>>
        %dma_wait3A_155 = tpu.memref_squeeze %dma_wait3A_154 : memref<1x128xi32, #tpu.memory_space<vmem>> -> memref<128xi32, #tpu.memory_space<vmem>>
        %dma_wait3A_156 = arith.constant 0 : i32
        %dma_wait3A_157 = arith.constant 0 : i32
        %dma_wait3A_158 = tpu.memref_slice %arg2[%dma_wait3A_156, %dma_wait3A_157] : memref<50000x16xf32, #tpu.memory_space<hbm>> -> memref<50000x16xf32, #tpu.memory_space<hbm>>
        tpu.wait_indirect_dma semaphore(%arg17 : memref<!tpu.dma_semaphore, #tpu.memory_space<semaphore_mem>>) src(%dma_wait3A_158 : memref<50000x16xf32, #tpu.memory_space<hbm>>) dst(%dma_wait3A_152 : memref<128x16xf32, #tpu.memory_space<vmem>>)
        %dma_wait3A_159 = arith.constant 0 : i32
        %dma_wait3A_160 = arith.constant 0 : i32
        %dma_wait3A_161 = arith.constant 0 : i32
        %dma_wait3A_162 = tpu.memref_slice %arg12[%dma_wait3A_160, %dma_wait3A_161] : memref<1280x16xf32, #tpu.memory_space<vmem>> -> memref<128x16xf32, #tpu.memory_space<vmem>>
        %dma_wait3A_163 = arith.constant 0 : i32
        %dma_wait3A_164 = tpu.memref_slice %arg8[%dma_wait3A_159, %dma_wait3A_163] : memref<10x128xi32, #tpu.memory_space<vmem>> -> memref<1x128xi32, #tpu.memory_space<vmem>>
        %dma_wait3A_165 = tpu.memref_squeeze %dma_wait3A_164 : memref<1x128xi32, #tpu.memory_space<vmem>> -> memref<128xi32, #tpu.memory_space<vmem>>
        %dma_wait3A_166 = arith.constant 0 : i32
        %dma_wait3A_167 = arith.constant 0 : i32
        %dma_wait3A_168 = tpu.memref_slice %arg2[%dma_wait3A_166, %dma_wait3A_167] : memref<50000x16xf32, #tpu.memory_space<hbm>> -> memref<50000x16xf32, #tpu.memory_space<hbm>>
        tpu.wait_indirect_dma semaphore(%arg17 : memref<!tpu.dma_semaphore, #tpu.memory_space<semaphore_mem>>) src(%dma_wait3A_168 : memref<50000x16xf32, #tpu.memory_space<hbm>>) dst(%dma_wait3A_162 : memref<128x16xf32, #tpu.memory_space<vmem>>)
        %dma_wait3A_169 = arith.constant 1 : i32
        %dma_wait3A_170 = arith.constant 128 : i32
        %dma_wait3A_171 = arith.constant 0 : i32
        %dma_wait3A_172 = tpu.memref_slice %arg12[%dma_wait3A_170, %dma_wait3A_171] : memref<1280x16xf32, #tpu.memory_space<vmem>> -> memref<128x16xf32, #tpu.memory_space<vmem>>
        %dma_wait3A_173 = arith.constant 0 : i32
        %dma_wait3A_174 = tpu.memref_slice %arg8[%dma_wait3A_169, %dma_wait3A_173] : memref<10x128xi32, #tpu.memory_space<vmem>> -> memref<1x128xi32, #tpu.memory_space<vmem>>
        %dma_wait3A_175 = tpu.memref_squeeze %dma_wait3A_174 : memref<1x128xi32, #tpu.memory_space<vmem>> -> memref<128xi32, #tpu.memory_space<vmem>>
        %dma_wait3A_176 = arith.constant 0 : i32
        %dma_wait3A_177 = arith.constant 0 : i32
        %dma_wait3A_178 = tpu.memref_slice %arg2[%dma_wait3A_176, %dma_wait3A_177] : memref<50000x16xf32, #tpu.memory_space<hbm>> -> memref<50000x16xf32, #tpu.memory_space<hbm>>
        tpu.wait_indirect_dma semaphore(%arg17 : memref<!tpu.dma_semaphore, #tpu.memory_space<semaphore_mem>>) src(%dma_wait3A_178 : memref<50000x16xf32, #tpu.memory_space<hbm>>) dst(%dma_wait3A_172 : memref<128x16xf32, #tpu.memory_space<vmem>>)
        %dma_wait3A_179 = arith.constant 2 : i32
        %dma_wait3A_180 = arith.constant 256 : i32
        %dma_wait3A_181 = arith.constant 0 : i32
        %dma_wait3A_182 = tpu.memref_slice %arg12[%dma_wait3A_180, %dma_wait3A_181] : memref<1280x16xf32, #tpu.memory_space<vmem>> -> memref<128x16xf32, #tpu.memory_space<vmem>>
        %dma_wait3A_183 = arith.constant 0 : i32
        %dma_wait3A_184 = tpu.memref_slice %arg8[%dma_wait3A_179, %dma_wait3A_183] : memref<10x128xi32, #tpu.memory_space<vmem>> -> memref<1x128xi32, #tpu.memory_space<vmem>>
        %dma_wait3A_185 = tpu.memref_squeeze %dma_wait3A_184 : memref<1x128xi32, #tpu.memory_space<vmem>> -> memref<128xi32, #tpu.memory_space<vmem>>
        %dma_wait3A_186 = arith.constant 0 : i32
        %dma_wait3A_187 = arith.constant 0 : i32
        %dma_wait3A_188 = tpu.memref_slice %arg2[%dma_wait3A_186, %dma_wait3A_187] : memref<50000x16xf32, #tpu.memory_space<hbm>> -> memref<50000x16xf32, #tpu.memory_space<hbm>>
        tpu.wait_indirect_dma semaphore(%arg17 : memref<!tpu.dma_semaphore, #tpu.memory_space<semaphore_mem>>) src(%dma_wait3A_188 : memref<50000x16xf32, #tpu.memory_space<hbm>>) dst(%dma_wait3A_182 : memref<128x16xf32, #tpu.memory_space<vmem>>)
        %dma_wait3A_189 = arith.constant 3 : i32
        %dma_wait3A_190 = arith.constant 384 : i32
        %dma_wait3A_191 = arith.constant 0 : i32
        %dma_wait3A_192 = tpu.memref_slice %arg12[%dma_wait3A_190, %dma_wait3A_191] : memref<1280x16xf32, #tpu.memory_space<vmem>> -> memref<128x16xf32, #tpu.memory_space<vmem>>
        %dma_wait3A_193 = arith.constant 0 : i32
        %dma_wait3A_194 = tpu.memref_slice %arg8[%dma_wait3A_189, %dma_wait3A_193] : memref<10x128xi32, #tpu.memory_space<vmem>> -> memref<1x128xi32, #tpu.memory_space<vmem>>
        %dma_wait3A_195 = tpu.memref_squeeze %dma_wait3A_194 : memref<1x128xi32, #tpu.memory_space<vmem>> -> memref<128xi32, #tpu.memory_space<vmem>>
        %dma_wait3A_196 = arith.constant 0 : i32
        %dma_wait3A_197 = arith.constant 0 : i32
        %dma_wait3A_198 = tpu.memref_slice %arg2[%dma_wait3A_196, %dma_wait3A_197] : memref<50000x16xf32, #tpu.memory_space<hbm>> -> memref<50000x16xf32, #tpu.memory_space<hbm>>
        tpu.wait_indirect_dma semaphore(%arg17 : memref<!tpu.dma_semaphore, #tpu.memory_space<semaphore_mem>>) src(%dma_wait3A_198 : memref<50000x16xf32, #tpu.memory_space<hbm>>) dst(%dma_wait3A_192 : memref<128x16xf32, #tpu.memory_space<vmem>>)
        %dma_wait3A_199 = arith.constant 4 : i32
        %dma_wait3A_200 = arith.constant 512 : i32
        %dma_wait3A_201 = arith.constant 0 : i32
        %dma_wait3A_202 = tpu.memref_slice %arg12[%dma_wait3A_200, %dma_wait3A_201] : memref<1280x16xf32, #tpu.memory_space<vmem>> -> memref<128x16xf32, #tpu.memory_space<vmem>>
        %dma_wait3A_203 = arith.constant 0 : i32
        %dma_wait3A_204 = tpu.memref_slice %arg8[%dma_wait3A_199, %dma_wait3A_203] : memref<10x128xi32, #tpu.memory_space<vmem>> -> memref<1x128xi32, #tpu.memory_space<vmem>>
        %dma_wait3A_205 = tpu.memref_squeeze %dma_wait3A_204 : memref<1x128xi32, #tpu.memory_space<vmem>> -> memref<128xi32, #tpu.memory_space<vmem>>
        %dma_wait3A_206 = arith.constant 0 : i32
        %dma_wait3A_207 = arith.constant 0 : i32
        %dma_wait3A_208 = tpu.memref_slice %arg2[%dma_wait3A_206, %dma_wait3A_207] : memref<50000x16xf32, #tpu.memory_space<hbm>> -> memref<50000x16xf32, #tpu.memory_space<hbm>>
        tpu.wait_indirect_dma semaphore(%arg17 : memref<!tpu.dma_semaphore, #tpu.memory_space<semaphore_mem>>) src(%dma_wait3A_208 : memref<50000x16xf32, #tpu.memory_space<hbm>>) dst(%dma_wait3A_202 : memref<128x16xf32, #tpu.memory_space<vmem>>)
        %dma_wait3A_209 = arith.constant 5 : i32
        %dma_wait3A_210 = arith.constant 640 : i32
        %dma_wait3A_211 = arith.constant 0 : i32
        %dma_wait3A_212 = tpu.memref_slice %arg12[%dma_wait3A_210, %dma_wait3A_211] : memref<1280x16xf32, #tpu.memory_space<vmem>> -> memref<128x16xf32, #tpu.memory_space<vmem>>
        %dma_wait3A_213 = arith.constant 0 : i32
        %dma_wait3A_214 = tpu.memref_slice %arg8[%dma_wait3A_209, %dma_wait3A_213] : memref<10x128xi32, #tpu.memory_space<vmem>> -> memref<1x128xi32, #tpu.memory_space<vmem>>
        %dma_wait3A_215 = tpu.memref_squeeze %dma_wait3A_214 : memref<1x128xi32, #tpu.memory_space<vmem>> -> memref<128xi32, #tpu.memory_space<vmem>>
        %dma_wait3A_216 = arith.constant 0 : i32
        %dma_wait3A_217 = arith.constant 0 : i32
        %dma_wait3A_218 = tpu.memref_slice %arg2[%dma_wait3A_216, %dma_wait3A_217] : memref<50000x16xf32, #tpu.memory_space<hbm>> -> memref<50000x16xf32, #tpu.memory_space<hbm>>
        tpu.wait_indirect_dma semaphore(%arg17 : memref<!tpu.dma_semaphore, #tpu.memory_space<semaphore_mem>>) src(%dma_wait3A_218 : memref<50000x16xf32, #tpu.memory_space<hbm>>) dst(%dma_wait3A_212 : memref<128x16xf32, #tpu.memory_space<vmem>>)
        %dma_wait3A_219 = arith.constant 6 : i32
        %dma_wait3A_220 = arith.constant 768 : i32
        %dma_wait3A_221 = arith.constant 0 : i32
        %dma_wait3A_222 = tpu.memref_slice %arg12[%dma_wait3A_220, %dma_wait3A_221] : memref<1280x16xf32, #tpu.memory_space<vmem>> -> memref<128x16xf32, #tpu.memory_space<vmem>>
        %dma_wait3A_223 = arith.constant 0 : i32
        %dma_wait3A_224 = tpu.memref_slice %arg8[%dma_wait3A_219, %dma_wait3A_223] : memref<10x128xi32, #tpu.memory_space<vmem>> -> memref<1x128xi32, #tpu.memory_space<vmem>>
        %dma_wait3A_225 = tpu.memref_squeeze %dma_wait3A_224 : memref<1x128xi32, #tpu.memory_space<vmem>> -> memref<128xi32, #tpu.memory_space<vmem>>
        %dma_wait3A_226 = arith.constant 0 : i32
        %dma_wait3A_227 = arith.constant 0 : i32
        %dma_wait3A_228 = tpu.memref_slice %arg2[%dma_wait3A_226, %dma_wait3A_227] : memref<50000x16xf32, #tpu.memory_space<hbm>> -> memref<50000x16xf32, #tpu.memory_space<hbm>>
        tpu.wait_indirect_dma semaphore(%arg17 : memref<!tpu.dma_semaphore, #tpu.memory_space<semaphore_mem>>) src(%dma_wait3A_228 : memref<50000x16xf32, #tpu.memory_space<hbm>>) dst(%dma_wait3A_222 : memref<128x16xf32, #tpu.memory_space<vmem>>)
        %dma_wait3A_229 = arith.constant 7 : i32
        %dma_wait3A_230 = arith.constant 896 : i32
        %dma_wait3A_231 = arith.constant 0 : i32
        %dma_wait3A_232 = tpu.memref_slice %arg12[%dma_wait3A_230, %dma_wait3A_231] : memref<1280x16xf32, #tpu.memory_space<vmem>> -> memref<128x16xf32, #tpu.memory_space<vmem>>
        %dma_wait3A_233 = arith.constant 0 : i32
        %dma_wait3A_234 = tpu.memref_slice %arg8[%dma_wait3A_229, %dma_wait3A_233] : memref<10x128xi32, #tpu.memory_space<vmem>> -> memref<1x128xi32, #tpu.memory_space<vmem>>
        %dma_wait3A_235 = tpu.memref_squeeze %dma_wait3A_234 : memref<1x128xi32, #tpu.memory_space<vmem>> -> memref<128xi32, #tpu.memory_space<vmem>>
        %dma_wait3A_236 = arith.constant 0 : i32
        %dma_wait3A_237 = arith.constant 0 : i32
        %dma_wait3A_238 = tpu.memref_slice %arg2[%dma_wait3A_236, %dma_wait3A_237] : memref<50000x16xf32, #tpu.memory_space<hbm>> -> memref<50000x16xf32, #tpu.memory_space<hbm>>
        tpu.wait_indirect_dma semaphore(%arg17 : memref<!tpu.dma_semaphore, #tpu.memory_space<semaphore_mem>>) src(%dma_wait3A_238 : memref<50000x16xf32, #tpu.memory_space<hbm>>) dst(%dma_wait3A_232 : memref<128x16xf32, #tpu.memory_space<vmem>>)
        %dma_wait3A_239 = arith.constant 8 : i32
        %dma_wait3A_240 = arith.constant 1024 : i32
        %dma_wait3A_241 = arith.constant 0 : i32
        %dma_wait3A_242 = tpu.memref_slice %arg12[%dma_wait3A_240, %dma_wait3A_241] : memref<1280x16xf32, #tpu.memory_space<vmem>> -> memref<128x16xf32, #tpu.memory_space<vmem>>
        %dma_wait3A_243 = arith.constant 0 : i32
        %dma_wait3A_244 = tpu.memref_slice %arg8[%dma_wait3A_239, %dma_wait3A_243] : memref<10x128xi32, #tpu.memory_space<vmem>> -> memref<1x128xi32, #tpu.memory_space<vmem>>
        %dma_wait3A_245 = tpu.memref_squeeze %dma_wait3A_244 : memref<1x128xi32, #tpu.memory_space<vmem>> -> memref<128xi32, #tpu.memory_space<vmem>>
        %dma_wait3A_246 = arith.constant 0 : i32
        %dma_wait3A_247 = arith.constant 0 : i32
        %dma_wait3A_248 = tpu.memref_slice %arg2[%dma_wait3A_246, %dma_wait3A_247] : memref<50000x16xf32, #tpu.memory_space<hbm>> -> memref<50000x16xf32, #tpu.memory_space<hbm>>
        tpu.wait_indirect_dma semaphore(%arg17 : memref<!tpu.dma_semaphore, #tpu.memory_space<semaphore_mem>>) src(%dma_wait3A_248 : memref<50000x16xf32, #tpu.memory_space<hbm>>) dst(%dma_wait3A_242 : memref<128x16xf32, #tpu.memory_space<vmem>>)
        %dma_wait3A_249 = arith.constant 9 : i32
        %dma_wait3A_250 = arith.constant 1152 : i32
        %dma_wait3A_251 = arith.constant 0 : i32
        %dma_wait3A_252 = tpu.memref_slice %arg12[%dma_wait3A_250, %dma_wait3A_251] : memref<1280x16xf32, #tpu.memory_space<vmem>> -> memref<128x16xf32, #tpu.memory_space<vmem>>
        %dma_wait3A_253 = arith.constant 0 : i32
        %dma_wait3A_254 = tpu.memref_slice %arg8[%dma_wait3A_249, %dma_wait3A_253] : memref<10x128xi32, #tpu.memory_space<vmem>> -> memref<1x128xi32, #tpu.memory_space<vmem>>
        %dma_wait3A_255 = tpu.memref_squeeze %dma_wait3A_254 : memref<1x128xi32, #tpu.memory_space<vmem>> -> memref<128xi32, #tpu.memory_space<vmem>>
        %dma_wait3A_256 = arith.constant 0 : i32
        %dma_wait3A_257 = arith.constant 0 : i32
        %dma_wait3A_258 = tpu.memref_slice %arg2[%dma_wait3A_256, %dma_wait3A_257] : memref<50000x16xf32, #tpu.memory_space<hbm>> -> memref<50000x16xf32, #tpu.memory_space<hbm>>
        tpu.wait_indirect_dma semaphore(%arg17 : memref<!tpu.dma_semaphore, #tpu.memory_space<semaphore_mem>>) src(%dma_wait3A_258 : memref<50000x16xf32, #tpu.memory_space<hbm>>) dst(%dma_wait3A_252 : memref<128x16xf32, #tpu.memory_space<vmem>>)
        %mul3A_259 = arith.constant 1280 : i32
        %mul3A_260 = arith.muli %mul3A_259, %add3A_29 : i32
        %mul3A_261 = arith.constant 1280 : i32
        %mul3A_262 = arith.muli %mul3A_261, %add3A_29 : i32
        %dma_start3A = arith.constant 0 : i32
        %dma_start3A_263 = tpu.memref_slice %arg5[%mul3A_260, %dma_start3A] : memref<800000x16xf32, #tpu.memory_space<hbm>> -> memref<1280x16xf32, #tpu.memory_space<hbm>>
        %dma_start3A_264 = arith.constant 0 : i32
        %dma_start3A_265 = tpu.memref_slice %arg5[%mul3A_260, %dma_start3A_264] : memref<800000x16xf32, #tpu.memory_space<hbm>> -> memref<1280x16xf32, #tpu.memory_space<hbm>>
        tpu.enqueue_dma source(%arg11 : memref<1280x16xf32, #tpu.memory_space<vmem>>) target(%dma_start3A_265 : memref<1280x16xf32, #tpu.memory_space<hbm>>) target_semaphore(%arg19 : memref<!tpu.dma_semaphore, #tpu.memory_space<semaphore_mem>>)
        %dma_start3A_266 = arith.constant 0 : i32
        %dma_start3A_267 = tpu.memref_slice %arg6[%mul3A_262, %dma_start3A_266] : memref<800000x16xf32, #tpu.memory_space<hbm>> -> memref<1280x16xf32, #tpu.memory_space<hbm>>
        %dma_start3A_268 = arith.constant 0 : i32
        %dma_start3A_269 = tpu.memref_slice %arg6[%mul3A_262, %dma_start3A_268] : memref<800000x16xf32, #tpu.memory_space<hbm>> -> memref<1280x16xf32, #tpu.memory_space<hbm>>
        tpu.enqueue_dma source(%arg12 : memref<1280x16xf32, #tpu.memory_space<vmem>>) target(%dma_start3A_269 : memref<1280x16xf32, #tpu.memory_space<hbm>>) target_semaphore(%arg19 : memref<!tpu.dma_semaphore, #tpu.memory_space<semaphore_mem>>)
      } else {
      }
      %add3A_50 = arith.constant 2 : i32
      %add3A_51 = arith.addi %mul3A_33, %add3A_50 : i32
      %lt3A_52 = arith.cmpi slt, %add3A_51, %add3A_8 : i32
      %convert_element_type3A_53 = arith.extui %lt3A_52 : i1 to i32
      %cond3A_54 = arith.constant 0 : i32
      %cond3A_55 = arith.cmpi ne, %convert_element_type3A_53, %cond3A_54 : i32
      scf.if %cond3A_55 {
        %add3A_60 = arith.constant 2 : i32
        %add3A_61 = arith.addi %add3A_29, %add3A_60 : i32
        %add3A_62 = arith.constant 0 : i32
        %add3A_63 = arith.addi %add3A_62, %add3A_61 : i32
        %mul3A_64 = arith.constant 10 : i32
        %mul3A_65 = arith.muli %mul3A_64, %add3A_63 : i32
        %add3A_66 = arith.constant 0 : i32
        %add3A_67 = arith.addi %add3A_66, %add3A_61 : i32
        %mul3A_68 = arith.constant 10 : i32
        %mul3A_69 = arith.muli %mul3A_68, %add3A_67 : i32
        %dma_start3A = arith.constant 0 : i32
        %dma_start3A_70 = tpu.memref_slice %arg3[%mul3A_65, %dma_start3A] : memref<12500x128xi32, #tpu.memory_space<hbm>> -> memref<10x128xi32, #tpu.memory_space<hbm>>
        %dma_start3A_71 = arith.constant 0 : i32
        %dma_start3A_72 = tpu.memref_slice %arg3[%mul3A_65, %dma_start3A_71] : memref<12500x128xi32, #tpu.memory_space<hbm>> -> memref<10x128xi32, #tpu.memory_space<hbm>>
        tpu.enqueue_dma source(%dma_start3A_72 : memref<10x128xi32, #tpu.memory_space<hbm>>) target(%arg7 : memref<10x128xi32, #tpu.memory_space<vmem>>) target_semaphore(%arg15 : memref<!tpu.dma_semaphore, #tpu.memory_space<semaphore_mem>>)
        %dma_start3A_73 = arith.constant 0 : i32
        %dma_start3A_74 = tpu.memref_slice %arg4[%mul3A_69, %dma_start3A_73] : memref<12500x128xi32, #tpu.memory_space<hbm>> -> memref<10x128xi32, #tpu.memory_space<hbm>>
        %dma_start3A_75 = arith.constant 0 : i32
        %dma_start3A_76 = tpu.memref_slice %arg4[%mul3A_69, %dma_start3A_75] : memref<12500x128xi32, #tpu.memory_space<hbm>> -> memref<10x128xi32, #tpu.memory_space<hbm>>
        tpu.enqueue_dma source(%dma_start3A_76 : memref<10x128xi32, #tpu.memory_space<hbm>>) target(%arg8 : memref<10x128xi32, #tpu.memory_space<vmem>>) target_semaphore(%arg15 : memref<!tpu.dma_semaphore, #tpu.memory_space<semaphore_mem>>)
      } else {
      }
      %lt3A_56 = arith.cmpi slt, %add3A_37, %add3A_8 : i32
      %convert_element_type3A_57 = arith.extui %lt3A_56 : i1 to i32
      %cond3A_58 = arith.constant 0 : i32
      %cond3A_59 = arith.cmpi ne, %convert_element_type3A_57, %cond3A_58 : i32
      scf.if %cond3A_59 {
        %add3A_60 = arith.constant 0 : i32
        %add3A_61 = arith.addi %add3A_60, %add3A_31 : i32
        %mul3A_62 = arith.constant 10 : i32
        %mul3A_63 = arith.muli %mul3A_62, %add3A_61 : i32
        %add3A_64 = arith.constant 0 : i32
        %add3A_65 = arith.addi %add3A_64, %add3A_31 : i32
        %mul3A_66 = arith.constant 10 : i32
        %mul3A_67 = arith.muli %mul3A_66, %add3A_65 : i32
        %dma_wait3A = arith.constant 0 : i32
        %dma_wait3A_68 = tpu.memref_slice %arg3[%mul3A_63, %dma_wait3A] : memref<12500x128xi32, #tpu.memory_space<hbm>> -> memref<10x128xi32, #tpu.memory_space<hbm>>
        %dma_wait3A_69 = arith.constant 0 : i32
        %dma_wait3A_70 = tpu.memref_slice %arg3[%mul3A_63, %dma_wait3A_69] : memref<12500x128xi32, #tpu.memory_space<hbm>> -> memref<10x128xi32, #tpu.memory_space<hbm>>
        tpu.wait_dma2 semaphore(%arg16 : memref<!tpu.dma_semaphore, #tpu.memory_space<semaphore_mem>>) src(%dma_wait3A_70 : memref<10x128xi32, #tpu.memory_space<hbm>>) dst(%arg9 : memref<10x128xi32, #tpu.memory_space<vmem>>)
        %dma_wait3A_71 = arith.constant 0 : i32
        %dma_wait3A_72 = tpu.memref_slice %arg4[%mul3A_67, %dma_wait3A_71] : memref<12500x128xi32, #tpu.memory_space<hbm>> -> memref<10x128xi32, #tpu.memory_space<hbm>>
        %dma_wait3A_73 = arith.constant 0 : i32
        %dma_wait3A_74 = tpu.memref_slice %arg4[%mul3A_67, %dma_wait3A_73] : memref<12500x128xi32, #tpu.memory_space<hbm>> -> memref<10x128xi32, #tpu.memory_space<hbm>>
        tpu.wait_dma2 semaphore(%arg16 : memref<!tpu.dma_semaphore, #tpu.memory_space<semaphore_mem>>) src(%dma_wait3A_74 : memref<10x128xi32, #tpu.memory_space<hbm>>) dst(%arg10 : memref<10x128xi32, #tpu.memory_space<vmem>>)
        %gt3A_75 = arith.constant 0 : i32
        %gt3A_76 = arith.cmpi sgt, %scan3A_26, %gt3A_75 : i32
        %convert_element_type3A_77 = arith.extui %gt3A_76 : i1 to i32
        %cond3A_78 = arith.constant 0 : i32
        %cond3A_79 = arith.cmpi ne, %convert_element_type3A_77, %cond3A_78 : i32
        scf.if %cond3A_79 {
          %mul3A_491 = arith.constant 1280 : i32
          %mul3A_492 = arith.muli %mul3A_491, %add3A_31 : i32
          %mul3A_493 = arith.constant 1280 : i32
          %mul3A_494 = arith.muli %mul3A_493, %add3A_31 : i32
          %dma_wait3A_495 = arith.constant 0 : i32
          %dma_wait3A_496 = tpu.memref_slice %arg5[%mul3A_492, %dma_wait3A_495] : memref<800000x16xf32, #tpu.memory_space<hbm>> -> memref<1280x16xf32, #tpu.memory_space<hbm>>
          %dma_wait3A_497 = arith.constant 0 : i32
          %dma_wait3A_498 = tpu.memref_slice %arg5[%mul3A_492, %dma_wait3A_497] : memref<800000x16xf32, #tpu.memory_space<hbm>> -> memref<1280x16xf32, #tpu.memory_space<hbm>>
          tpu.wait_dma2 semaphore(%arg20 : memref<!tpu.dma_semaphore, #tpu.memory_space<semaphore_mem>>) src(%arg13 : memref<1280x16xf32, #tpu.memory_space<vmem>>) dst(%dma_wait3A_498 : memref<1280x16xf32, #tpu.memory_space<hbm>>)
          %dma_wait3A_499 = arith.constant 0 : i32
          %dma_wait3A_500 = tpu.memref_slice %arg6[%mul3A_494, %dma_wait3A_499] : memref<800000x16xf32, #tpu.memory_space<hbm>> -> memref<1280x16xf32, #tpu.memory_space<hbm>>
          %dma_wait3A_501 = arith.constant 0 : i32
          %dma_wait3A_502 = tpu.memref_slice %arg6[%mul3A_494, %dma_wait3A_501] : memref<800000x16xf32, #tpu.memory_space<hbm>> -> memref<1280x16xf32, #tpu.memory_space<hbm>>
          tpu.wait_dma2 semaphore(%arg20 : memref<!tpu.dma_semaphore, #tpu.memory_space<semaphore_mem>>) src(%arg14 : memref<1280x16xf32, #tpu.memory_space<vmem>>) dst(%dma_wait3A_502 : memref<1280x16xf32, #tpu.memory_space<hbm>>)
        } else {
        }
        %dma_start3A = arith.constant 0 : i32
        %dma_start3A_80 = arith.constant 0 : i32
        %dma_start3A_81 = arith.constant 0 : i32
        %dma_start3A_82 = tpu.memref_slice %arg13[%dma_start3A_80, %dma_start3A_81] : memref<1280x16xf32, #tpu.memory_space<vmem>> -> memref<128x16xf32, #tpu.memory_space<vmem>>
        %dma_start3A_83 = arith.constant 0 : i32
        %dma_start3A_84 = tpu.memref_slice %arg9[%dma_start3A, %dma_start3A_83] : memref<10x128xi32, #tpu.memory_space<vmem>> -> memref<1x128xi32, #tpu.memory_space<vmem>>
        %dma_start3A_85 = tpu.memref_squeeze %dma_start3A_84 : memref<1x128xi32, #tpu.memory_space<vmem>> -> memref<128xi32, #tpu.memory_space<vmem>>
        %dma_start3A_86 = arith.constant 0 : i32
        %dma_start3A_87 = arith.constant 0 : i32
        %dma_start3A_88 = tpu.memref_slice %arg2[%dma_start3A_86, %dma_start3A_87] : memref<50000x16xf32, #tpu.memory_space<hbm>> -> memref<50000x16xf32, #tpu.memory_space<hbm>>
        tpu.enqueue_indirect_dma source(%dma_start3A_88 : memref<50000x16xf32, #tpu.memory_space<hbm>>) target(%dma_start3A_82 : memref<128x16xf32, #tpu.memory_space<vmem>>) offsets(%dma_start3A_85 : memref<128xi32, #tpu.memory_space<vmem>>) semaphore(%arg18 : memref<!tpu.dma_semaphore, #tpu.memory_space<semaphore_mem>>)
        %dma_start3A_89 = arith.constant 1 : i32
        %dma_start3A_90 = arith.constant 128 : i32
        %dma_start3A_91 = arith.constant 0 : i32
        %dma_start3A_92 = tpu.memref_slice %arg13[%dma_start3A_90, %dma_start3A_91] : memref<1280x16xf32, #tpu.memory_space<vmem>> -> memref<128x16xf32, #tpu.memory_space<vmem>>
        %dma_start3A_93 = arith.constant 0 : i32
        %dma_start3A_94 = tpu.memref_slice %arg9[%dma_start3A_89, %dma_start3A_93] : memref<10x128xi32, #tpu.memory_space<vmem>> -> memref<1x128xi32, #tpu.memory_space<vmem>>
        %dma_start3A_95 = tpu.memref_squeeze %dma_start3A_94 : memref<1x128xi32, #tpu.memory_space<vmem>> -> memref<128xi32, #tpu.memory_space<vmem>>
        %dma_start3A_96 = arith.constant 0 : i32
        %dma_start3A_97 = arith.constant 0 : i32
        %dma_start3A_98 = tpu.memref_slice %arg2[%dma_start3A_96, %dma_start3A_97] : memref<50000x16xf32, #tpu.memory_space<hbm>> -> memref<50000x16xf32, #tpu.memory_space<hbm>>
        tpu.enqueue_indirect_dma source(%dma_start3A_98 : memref<50000x16xf32, #tpu.memory_space<hbm>>) target(%dma_start3A_92 : memref<128x16xf32, #tpu.memory_space<vmem>>) offsets(%dma_start3A_95 : memref<128xi32, #tpu.memory_space<vmem>>) semaphore(%arg18 : memref<!tpu.dma_semaphore, #tpu.memory_space<semaphore_mem>>)
        %dma_start3A_99 = arith.constant 2 : i32
        %dma_start3A_100 = arith.constant 256 : i32
        %dma_start3A_101 = arith.constant 0 : i32
        %dma_start3A_102 = tpu.memref_slice %arg13[%dma_start3A_100, %dma_start3A_101] : memref<1280x16xf32, #tpu.memory_space<vmem>> -> memref<128x16xf32, #tpu.memory_space<vmem>>
        %dma_start3A_103 = arith.constant 0 : i32
        %dma_start3A_104 = tpu.memref_slice %arg9[%dma_start3A_99, %dma_start3A_103] : memref<10x128xi32, #tpu.memory_space<vmem>> -> memref<1x128xi32, #tpu.memory_space<vmem>>
        %dma_start3A_105 = tpu.memref_squeeze %dma_start3A_104 : memref<1x128xi32, #tpu.memory_space<vmem>> -> memref<128xi32, #tpu.memory_space<vmem>>
        %dma_start3A_106 = arith.constant 0 : i32
        %dma_start3A_107 = arith.constant 0 : i32
        %dma_start3A_108 = tpu.memref_slice %arg2[%dma_start3A_106, %dma_start3A_107] : memref<50000x16xf32, #tpu.memory_space<hbm>> -> memref<50000x16xf32, #tpu.memory_space<hbm>>
        tpu.enqueue_indirect_dma source(%dma_start3A_108 : memref<50000x16xf32, #tpu.memory_space<hbm>>) target(%dma_start3A_102 : memref<128x16xf32, #tpu.memory_space<vmem>>) offsets(%dma_start3A_105 : memref<128xi32, #tpu.memory_space<vmem>>) semaphore(%arg18 : memref<!tpu.dma_semaphore, #tpu.memory_space<semaphore_mem>>)
        %dma_start3A_109 = arith.constant 3 : i32
        %dma_start3A_110 = arith.constant 384 : i32
        %dma_start3A_111 = arith.constant 0 : i32
        %dma_start3A_112 = tpu.memref_slice %arg13[%dma_start3A_110, %dma_start3A_111] : memref<1280x16xf32, #tpu.memory_space<vmem>> -> memref<128x16xf32, #tpu.memory_space<vmem>>
        %dma_start3A_113 = arith.constant 0 : i32
        %dma_start3A_114 = tpu.memref_slice %arg9[%dma_start3A_109, %dma_start3A_113] : memref<10x128xi32, #tpu.memory_space<vmem>> -> memref<1x128xi32, #tpu.memory_space<vmem>>
        %dma_start3A_115 = tpu.memref_squeeze %dma_start3A_114 : memref<1x128xi32, #tpu.memory_space<vmem>> -> memref<128xi32, #tpu.memory_space<vmem>>
        %dma_start3A_116 = arith.constant 0 : i32
        %dma_start3A_117 = arith.constant 0 : i32
        %dma_start3A_118 = tpu.memref_slice %arg2[%dma_start3A_116, %dma_start3A_117] : memref<50000x16xf32, #tpu.memory_space<hbm>> -> memref<50000x16xf32, #tpu.memory_space<hbm>>
        tpu.enqueue_indirect_dma source(%dma_start3A_118 : memref<50000x16xf32, #tpu.memory_space<hbm>>) target(%dma_start3A_112 : memref<128x16xf32, #tpu.memory_space<vmem>>) offsets(%dma_start3A_115 : memref<128xi32, #tpu.memory_space<vmem>>) semaphore(%arg18 : memref<!tpu.dma_semaphore, #tpu.memory_space<semaphore_mem>>)
        %dma_start3A_119 = arith.constant 4 : i32
        %dma_start3A_120 = arith.constant 512 : i32
        %dma_start3A_121 = arith.constant 0 : i32
        %dma_start3A_122 = tpu.memref_slice %arg13[%dma_start3A_120, %dma_start3A_121] : memref<1280x16xf32, #tpu.memory_space<vmem>> -> memref<128x16xf32, #tpu.memory_space<vmem>>
        %dma_start3A_123 = arith.constant 0 : i32
        %dma_start3A_124 = tpu.memref_slice %arg9[%dma_start3A_119, %dma_start3A_123] : memref<10x128xi32, #tpu.memory_space<vmem>> -> memref<1x128xi32, #tpu.memory_space<vmem>>
        %dma_start3A_125 = tpu.memref_squeeze %dma_start3A_124 : memref<1x128xi32, #tpu.memory_space<vmem>> -> memref<128xi32, #tpu.memory_space<vmem>>
        %dma_start3A_126 = arith.constant 0 : i32
        %dma_start3A_127 = arith.constant 0 : i32
        %dma_start3A_128 = tpu.memref_slice %arg2[%dma_start3A_126, %dma_start3A_127] : memref<50000x16xf32, #tpu.memory_space<hbm>> -> memref<50000x16xf32, #tpu.memory_space<hbm>>
        tpu.enqueue_indirect_dma source(%dma_start3A_128 : memref<50000x16xf32, #tpu.memory_space<hbm>>) target(%dma_start3A_122 : memref<128x16xf32, #tpu.memory_space<vmem>>) offsets(%dma_start3A_125 : memref<128xi32, #tpu.memory_space<vmem>>) semaphore(%arg18 : memref<!tpu.dma_semaphore, #tpu.memory_space<semaphore_mem>>)
        %dma_start3A_129 = arith.constant 5 : i32
        %dma_start3A_130 = arith.constant 640 : i32
        %dma_start3A_131 = arith.constant 0 : i32
        %dma_start3A_132 = tpu.memref_slice %arg13[%dma_start3A_130, %dma_start3A_131] : memref<1280x16xf32, #tpu.memory_space<vmem>> -> memref<128x16xf32, #tpu.memory_space<vmem>>
        %dma_start3A_133 = arith.constant 0 : i32
        %dma_start3A_134 = tpu.memref_slice %arg9[%dma_start3A_129, %dma_start3A_133] : memref<10x128xi32, #tpu.memory_space<vmem>> -> memref<1x128xi32, #tpu.memory_space<vmem>>
        %dma_start3A_135 = tpu.memref_squeeze %dma_start3A_134 : memref<1x128xi32, #tpu.memory_space<vmem>> -> memref<128xi32, #tpu.memory_space<vmem>>
        %dma_start3A_136 = arith.constant 0 : i32
        %dma_start3A_137 = arith.constant 0 : i32
        %dma_start3A_138 = tpu.memref_slice %arg2[%dma_start3A_136, %dma_start3A_137] : memref<50000x16xf32, #tpu.memory_space<hbm>> -> memref<50000x16xf32, #tpu.memory_space<hbm>>
        tpu.enqueue_indirect_dma source(%dma_start3A_138 : memref<50000x16xf32, #tpu.memory_space<hbm>>) target(%dma_start3A_132 : memref<128x16xf32, #tpu.memory_space<vmem>>) offsets(%dma_start3A_135 : memref<128xi32, #tpu.memory_space<vmem>>) semaphore(%arg18 : memref<!tpu.dma_semaphore, #tpu.memory_space<semaphore_mem>>)
        %dma_start3A_139 = arith.constant 6 : i32
        %dma_start3A_140 = arith.constant 768 : i32
        %dma_start3A_141 = arith.constant 0 : i32
        %dma_start3A_142 = tpu.memref_slice %arg13[%dma_start3A_140, %dma_start3A_141] : memref<1280x16xf32, #tpu.memory_space<vmem>> -> memref<128x16xf32, #tpu.memory_space<vmem>>
        %dma_start3A_143 = arith.constant 0 : i32
        %dma_start3A_144 = tpu.memref_slice %arg9[%dma_start3A_139, %dma_start3A_143] : memref<10x128xi32, #tpu.memory_space<vmem>> -> memref<1x128xi32, #tpu.memory_space<vmem>>
        %dma_start3A_145 = tpu.memref_squeeze %dma_start3A_144 : memref<1x128xi32, #tpu.memory_space<vmem>> -> memref<128xi32, #tpu.memory_space<vmem>>
        %dma_start3A_146 = arith.constant 0 : i32
        %dma_start3A_147 = arith.constant 0 : i32
        %dma_start3A_148 = tpu.memref_slice %arg2[%dma_start3A_146, %dma_start3A_147] : memref<50000x16xf32, #tpu.memory_space<hbm>> -> memref<50000x16xf32, #tpu.memory_space<hbm>>
        tpu.enqueue_indirect_dma source(%dma_start3A_148 : memref<50000x16xf32, #tpu.memory_space<hbm>>) target(%dma_start3A_142 : memref<128x16xf32, #tpu.memory_space<vmem>>) offsets(%dma_start3A_145 : memref<128xi32, #tpu.memory_space<vmem>>) semaphore(%arg18 : memref<!tpu.dma_semaphore, #tpu.memory_space<semaphore_mem>>)
        %dma_start3A_149 = arith.constant 7 : i32
        %dma_start3A_150 = arith.constant 896 : i32
        %dma_start3A_151 = arith.constant 0 : i32
        %dma_start3A_152 = tpu.memref_slice %arg13[%dma_start3A_150, %dma_start3A_151] : memref<1280x16xf32, #tpu.memory_space<vmem>> -> memref<128x16xf32, #tpu.memory_space<vmem>>
        %dma_start3A_153 = arith.constant 0 : i32
        %dma_start3A_154 = tpu.memref_slice %arg9[%dma_start3A_149, %dma_start3A_153] : memref<10x128xi32, #tpu.memory_space<vmem>> -> memref<1x128xi32, #tpu.memory_space<vmem>>
        %dma_start3A_155 = tpu.memref_squeeze %dma_start3A_154 : memref<1x128xi32, #tpu.memory_space<vmem>> -> memref<128xi32, #tpu.memory_space<vmem>>
        %dma_start3A_156 = arith.constant 0 : i32
        %dma_start3A_157 = arith.constant 0 : i32
        %dma_start3A_158 = tpu.memref_slice %arg2[%dma_start3A_156, %dma_start3A_157] : memref<50000x16xf32, #tpu.memory_space<hbm>> -> memref<50000x16xf32, #tpu.memory_space<hbm>>
        tpu.enqueue_indirect_dma source(%dma_start3A_158 : memref<50000x16xf32, #tpu.memory_space<hbm>>) target(%dma_start3A_152 : memref<128x16xf32, #tpu.memory_space<vmem>>) offsets(%dma_start3A_155 : memref<128xi32, #tpu.memory_space<vmem>>) semaphore(%arg18 : memref<!tpu.dma_semaphore, #tpu.memory_space<semaphore_mem>>)
        %dma_start3A_159 = arith.constant 8 : i32
        %dma_start3A_160 = arith.constant 1024 : i32
        %dma_start3A_161 = arith.constant 0 : i32
        %dma_start3A_162 = tpu.memref_slice %arg13[%dma_start3A_160, %dma_start3A_161] : memref<1280x16xf32, #tpu.memory_space<vmem>> -> memref<128x16xf32, #tpu.memory_space<vmem>>
        %dma_start3A_163 = arith.constant 0 : i32
        %dma_start3A_164 = tpu.memref_slice %arg9[%dma_start3A_159, %dma_start3A_163] : memref<10x128xi32, #tpu.memory_space<vmem>> -> memref<1x128xi32, #tpu.memory_space<vmem>>
        %dma_start3A_165 = tpu.memref_squeeze %dma_start3A_164 : memref<1x128xi32, #tpu.memory_space<vmem>> -> memref<128xi32, #tpu.memory_space<vmem>>
        %dma_start3A_166 = arith.constant 0 : i32
        %dma_start3A_167 = arith.constant 0 : i32
        %dma_start3A_168 = tpu.memref_slice %arg2[%dma_start3A_166, %dma_start3A_167] : memref<50000x16xf32, #tpu.memory_space<hbm>> -> memref<50000x16xf32, #tpu.memory_space<hbm>>
        tpu.enqueue_indirect_dma source(%dma_start3A_168 : memref<50000x16xf32, #tpu.memory_space<hbm>>) target(%dma_start3A_162 : memref<128x16xf32, #tpu.memory_space<vmem>>) offsets(%dma_start3A_165 : memref<128xi32, #tpu.memory_space<vmem>>) semaphore(%arg18 : memref<!tpu.dma_semaphore, #tpu.memory_space<semaphore_mem>>)
        %dma_start3A_169 = arith.constant 9 : i32
        %dma_start3A_170 = arith.constant 1152 : i32
        %dma_start3A_171 = arith.constant 0 : i32
        %dma_start3A_172 = tpu.memref_slice %arg13[%dma_start3A_170, %dma_start3A_171] : memref<1280x16xf32, #tpu.memory_space<vmem>> -> memref<128x16xf32, #tpu.memory_space<vmem>>
        %dma_start3A_173 = arith.constant 0 : i32
        %dma_start3A_174 = tpu.memref_slice %arg9[%dma_start3A_169, %dma_start3A_173] : memref<10x128xi32, #tpu.memory_space<vmem>> -> memref<1x128xi32, #tpu.memory_space<vmem>>
        %dma_start3A_175 = tpu.memref_squeeze %dma_start3A_174 : memref<1x128xi32, #tpu.memory_space<vmem>> -> memref<128xi32, #tpu.memory_space<vmem>>
        %dma_start3A_176 = arith.constant 0 : i32
        %dma_start3A_177 = arith.constant 0 : i32
        %dma_start3A_178 = tpu.memref_slice %arg2[%dma_start3A_176, %dma_start3A_177] : memref<50000x16xf32, #tpu.memory_space<hbm>> -> memref<50000x16xf32, #tpu.memory_space<hbm>>
        tpu.enqueue_indirect_dma source(%dma_start3A_178 : memref<50000x16xf32, #tpu.memory_space<hbm>>) target(%dma_start3A_172 : memref<128x16xf32, #tpu.memory_space<vmem>>) offsets(%dma_start3A_175 : memref<128xi32, #tpu.memory_space<vmem>>) semaphore(%arg18 : memref<!tpu.dma_semaphore, #tpu.memory_space<semaphore_mem>>)
        %dma_start3A_179 = arith.constant 0 : i32
        %dma_start3A_180 = arith.constant 0 : i32
        %dma_start3A_181 = arith.constant 0 : i32
        %dma_start3A_182 = tpu.memref_slice %arg14[%dma_start3A_180, %dma_start3A_181] : memref<1280x16xf32, #tpu.memory_space<vmem>> -> memref<128x16xf32, #tpu.memory_space<vmem>>
        %dma_start3A_183 = arith.constant 0 : i32
        %dma_start3A_184 = tpu.memref_slice %arg10[%dma_start3A_179, %dma_start3A_183] : memref<10x128xi32, #tpu.memory_space<vmem>> -> memref<1x128xi32, #tpu.memory_space<vmem>>
        %dma_start3A_185 = tpu.memref_squeeze %dma_start3A_184 : memref<1x128xi32, #tpu.memory_space<vmem>> -> memref<128xi32, #tpu.memory_space<vmem>>
        %dma_start3A_186 = arith.constant 0 : i32
        %dma_start3A_187 = arith.constant 0 : i32
        %dma_start3A_188 = tpu.memref_slice %arg2[%dma_start3A_186, %dma_start3A_187] : memref<50000x16xf32, #tpu.memory_space<hbm>> -> memref<50000x16xf32, #tpu.memory_space<hbm>>
        tpu.enqueue_indirect_dma source(%dma_start3A_188 : memref<50000x16xf32, #tpu.memory_space<hbm>>) target(%dma_start3A_182 : memref<128x16xf32, #tpu.memory_space<vmem>>) offsets(%dma_start3A_185 : memref<128xi32, #tpu.memory_space<vmem>>) semaphore(%arg18 : memref<!tpu.dma_semaphore, #tpu.memory_space<semaphore_mem>>)
        %dma_start3A_189 = arith.constant 1 : i32
        %dma_start3A_190 = arith.constant 128 : i32
        %dma_start3A_191 = arith.constant 0 : i32
        %dma_start3A_192 = tpu.memref_slice %arg14[%dma_start3A_190, %dma_start3A_191] : memref<1280x16xf32, #tpu.memory_space<vmem>> -> memref<128x16xf32, #tpu.memory_space<vmem>>
        %dma_start3A_193 = arith.constant 0 : i32
        %dma_start3A_194 = tpu.memref_slice %arg10[%dma_start3A_189, %dma_start3A_193] : memref<10x128xi32, #tpu.memory_space<vmem>> -> memref<1x128xi32, #tpu.memory_space<vmem>>
        %dma_start3A_195 = tpu.memref_squeeze %dma_start3A_194 : memref<1x128xi32, #tpu.memory_space<vmem>> -> memref<128xi32, #tpu.memory_space<vmem>>
        %dma_start3A_196 = arith.constant 0 : i32
        %dma_start3A_197 = arith.constant 0 : i32
        %dma_start3A_198 = tpu.memref_slice %arg2[%dma_start3A_196, %dma_start3A_197] : memref<50000x16xf32, #tpu.memory_space<hbm>> -> memref<50000x16xf32, #tpu.memory_space<hbm>>
        tpu.enqueue_indirect_dma source(%dma_start3A_198 : memref<50000x16xf32, #tpu.memory_space<hbm>>) target(%dma_start3A_192 : memref<128x16xf32, #tpu.memory_space<vmem>>) offsets(%dma_start3A_195 : memref<128xi32, #tpu.memory_space<vmem>>) semaphore(%arg18 : memref<!tpu.dma_semaphore, #tpu.memory_space<semaphore_mem>>)
        %dma_start3A_199 = arith.constant 2 : i32
        %dma_start3A_200 = arith.constant 256 : i32
        %dma_start3A_201 = arith.constant 0 : i32
        %dma_start3A_202 = tpu.memref_slice %arg14[%dma_start3A_200, %dma_start3A_201] : memref<1280x16xf32, #tpu.memory_space<vmem>> -> memref<128x16xf32, #tpu.memory_space<vmem>>
        %dma_start3A_203 = arith.constant 0 : i32
        %dma_start3A_204 = tpu.memref_slice %arg10[%dma_start3A_199, %dma_start3A_203] : memref<10x128xi32, #tpu.memory_space<vmem>> -> memref<1x128xi32, #tpu.memory_space<vmem>>
        %dma_start3A_205 = tpu.memref_squeeze %dma_start3A_204 : memref<1x128xi32, #tpu.memory_space<vmem>> -> memref<128xi32, #tpu.memory_space<vmem>>
        %dma_start3A_206 = arith.constant 0 : i32
        %dma_start3A_207 = arith.constant 0 : i32
        %dma_start3A_208 = tpu.memref_slice %arg2[%dma_start3A_206, %dma_start3A_207] : memref<50000x16xf32, #tpu.memory_space<hbm>> -> memref<50000x16xf32, #tpu.memory_space<hbm>>
        tpu.enqueue_indirect_dma source(%dma_start3A_208 : memref<50000x16xf32, #tpu.memory_space<hbm>>) target(%dma_start3A_202 : memref<128x16xf32, #tpu.memory_space<vmem>>) offsets(%dma_start3A_205 : memref<128xi32, #tpu.memory_space<vmem>>) semaphore(%arg18 : memref<!tpu.dma_semaphore, #tpu.memory_space<semaphore_mem>>)
        %dma_start3A_209 = arith.constant 3 : i32
        %dma_start3A_210 = arith.constant 384 : i32
        %dma_start3A_211 = arith.constant 0 : i32
        %dma_start3A_212 = tpu.memref_slice %arg14[%dma_start3A_210, %dma_start3A_211] : memref<1280x16xf32, #tpu.memory_space<vmem>> -> memref<128x16xf32, #tpu.memory_space<vmem>>
        %dma_start3A_213 = arith.constant 0 : i32
        %dma_start3A_214 = tpu.memref_slice %arg10[%dma_start3A_209, %dma_start3A_213] : memref<10x128xi32, #tpu.memory_space<vmem>> -> memref<1x128xi32, #tpu.memory_space<vmem>>
        %dma_start3A_215 = tpu.memref_squeeze %dma_start3A_214 : memref<1x128xi32, #tpu.memory_space<vmem>> -> memref<128xi32, #tpu.memory_space<vmem>>
        %dma_start3A_216 = arith.constant 0 : i32
        %dma_start3A_217 = arith.constant 0 : i32
        %dma_start3A_218 = tpu.memref_slice %arg2[%dma_start3A_216, %dma_start3A_217] : memref<50000x16xf32, #tpu.memory_space<hbm>> -> memref<50000x16xf32, #tpu.memory_space<hbm>>
        tpu.enqueue_indirect_dma source(%dma_start3A_218 : memref<50000x16xf32, #tpu.memory_space<hbm>>) target(%dma_start3A_212 : memref<128x16xf32, #tpu.memory_space<vmem>>) offsets(%dma_start3A_215 : memref<128xi32, #tpu.memory_space<vmem>>) semaphore(%arg18 : memref<!tpu.dma_semaphore, #tpu.memory_space<semaphore_mem>>)
        %dma_start3A_219 = arith.constant 4 : i32
        %dma_start3A_220 = arith.constant 512 : i32
        %dma_start3A_221 = arith.constant 0 : i32
        %dma_start3A_222 = tpu.memref_slice %arg14[%dma_start3A_220, %dma_start3A_221] : memref<1280x16xf32, #tpu.memory_space<vmem>> -> memref<128x16xf32, #tpu.memory_space<vmem>>
        %dma_start3A_223 = arith.constant 0 : i32
        %dma_start3A_224 = tpu.memref_slice %arg10[%dma_start3A_219, %dma_start3A_223] : memref<10x128xi32, #tpu.memory_space<vmem>> -> memref<1x128xi32, #tpu.memory_space<vmem>>
        %dma_start3A_225 = tpu.memref_squeeze %dma_start3A_224 : memref<1x128xi32, #tpu.memory_space<vmem>> -> memref<128xi32, #tpu.memory_space<vmem>>
        %dma_start3A_226 = arith.constant 0 : i32
        %dma_start3A_227 = arith.constant 0 : i32
        %dma_start3A_228 = tpu.memref_slice %arg2[%dma_start3A_226, %dma_start3A_227] : memref<50000x16xf32, #tpu.memory_space<hbm>> -> memref<50000x16xf32, #tpu.memory_space<hbm>>
        tpu.enqueue_indirect_dma source(%dma_start3A_228 : memref<50000x16xf32, #tpu.memory_space<hbm>>) target(%dma_start3A_222 : memref<128x16xf32, #tpu.memory_space<vmem>>) offsets(%dma_start3A_225 : memref<128xi32, #tpu.memory_space<vmem>>) semaphore(%arg18 : memref<!tpu.dma_semaphore, #tpu.memory_space<semaphore_mem>>)
        %dma_start3A_229 = arith.constant 5 : i32
        %dma_start3A_230 = arith.constant 640 : i32
        %dma_start3A_231 = arith.constant 0 : i32
        %dma_start3A_232 = tpu.memref_slice %arg14[%dma_start3A_230, %dma_start3A_231] : memref<1280x16xf32, #tpu.memory_space<vmem>> -> memref<128x16xf32, #tpu.memory_space<vmem>>
        %dma_start3A_233 = arith.constant 0 : i32
        %dma_start3A_234 = tpu.memref_slice %arg10[%dma_start3A_229, %dma_start3A_233] : memref<10x128xi32, #tpu.memory_space<vmem>> -> memref<1x128xi32, #tpu.memory_space<vmem>>
        %dma_start3A_235 = tpu.memref_squeeze %dma_start3A_234 : memref<1x128xi32, #tpu.memory_space<vmem>> -> memref<128xi32, #tpu.memory_space<vmem>>
        %dma_start3A_236 = arith.constant 0 : i32
        %dma_start3A_237 = arith.constant 0 : i32
        %dma_start3A_238 = tpu.memref_slice %arg2[%dma_start3A_236, %dma_start3A_237] : memref<50000x16xf32, #tpu.memory_space<hbm>> -> memref<50000x16xf32, #tpu.memory_space<hbm>>
        tpu.enqueue_indirect_dma source(%dma_start3A_238 : memref<50000x16xf32, #tpu.memory_space<hbm>>) target(%dma_start3A_232 : memref<128x16xf32, #tpu.memory_space<vmem>>) offsets(%dma_start3A_235 : memref<128xi32, #tpu.memory_space<vmem>>) semaphore(%arg18 : memref<!tpu.dma_semaphore, #tpu.memory_space<semaphore_mem>>)
        %dma_start3A_239 = arith.constant 6 : i32
        %dma_start3A_240 = arith.constant 768 : i32
        %dma_start3A_241 = arith.constant 0 : i32
        %dma_start3A_242 = tpu.memref_slice %arg14[%dma_start3A_240, %dma_start3A_241] : memref<1280x16xf32, #tpu.memory_space<vmem>> -> memref<128x16xf32, #tpu.memory_space<vmem>>
        %dma_start3A_243 = arith.constant 0 : i32
        %dma_start3A_244 = tpu.memref_slice %arg10[%dma_start3A_239, %dma_start3A_243] : memref<10x128xi32, #tpu.memory_space<vmem>> -> memref<1x128xi32, #tpu.memory_space<vmem>>
        %dma_start3A_245 = tpu.memref_squeeze %dma_start3A_244 : memref<1x128xi32, #tpu.memory_space<vmem>> -> memref<128xi32, #tpu.memory_space<vmem>>
        %dma_start3A_246 = arith.constant 0 : i32
        %dma_start3A_247 = arith.constant 0 : i32
        %dma_start3A_248 = tpu.memref_slice %arg2[%dma_start3A_246, %dma_start3A_247] : memref<50000x16xf32, #tpu.memory_space<hbm>> -> memref<50000x16xf32, #tpu.memory_space<hbm>>
        tpu.enqueue_indirect_dma source(%dma_start3A_248 : memref<50000x16xf32, #tpu.memory_space<hbm>>) target(%dma_start3A_242 : memref<128x16xf32, #tpu.memory_space<vmem>>) offsets(%dma_start3A_245 : memref<128xi32, #tpu.memory_space<vmem>>) semaphore(%arg18 : memref<!tpu.dma_semaphore, #tpu.memory_space<semaphore_mem>>)
        %dma_start3A_249 = arith.constant 7 : i32
        %dma_start3A_250 = arith.constant 896 : i32
        %dma_start3A_251 = arith.constant 0 : i32
        %dma_start3A_252 = tpu.memref_slice %arg14[%dma_start3A_250, %dma_start3A_251] : memref<1280x16xf32, #tpu.memory_space<vmem>> -> memref<128x16xf32, #tpu.memory_space<vmem>>
        %dma_start3A_253 = arith.constant 0 : i32
        %dma_start3A_254 = tpu.memref_slice %arg10[%dma_start3A_249, %dma_start3A_253] : memref<10x128xi32, #tpu.memory_space<vmem>> -> memref<1x128xi32, #tpu.memory_space<vmem>>
        %dma_start3A_255 = tpu.memref_squeeze %dma_start3A_254 : memref<1x128xi32, #tpu.memory_space<vmem>> -> memref<128xi32, #tpu.memory_space<vmem>>
        %dma_start3A_256 = arith.constant 0 : i32
        %dma_start3A_257 = arith.constant 0 : i32
        %dma_start3A_258 = tpu.memref_slice %arg2[%dma_start3A_256, %dma_start3A_257] : memref<50000x16xf32, #tpu.memory_space<hbm>> -> memref<50000x16xf32, #tpu.memory_space<hbm>>
        tpu.enqueue_indirect_dma source(%dma_start3A_258 : memref<50000x16xf32, #tpu.memory_space<hbm>>) target(%dma_start3A_252 : memref<128x16xf32, #tpu.memory_space<vmem>>) offsets(%dma_start3A_255 : memref<128xi32, #tpu.memory_space<vmem>>) semaphore(%arg18 : memref<!tpu.dma_semaphore, #tpu.memory_space<semaphore_mem>>)
        %dma_start3A_259 = arith.constant 8 : i32
        %dma_start3A_260 = arith.constant 1024 : i32
        %dma_start3A_261 = arith.constant 0 : i32
        %dma_start3A_262 = tpu.memref_slice %arg14[%dma_start3A_260, %dma_start3A_261] : memref<1280x16xf32, #tpu.memory_space<vmem>> -> memref<128x16xf32, #tpu.memory_space<vmem>>
        %dma_start3A_263 = arith.constant 0 : i32
        %dma_start3A_264 = tpu.memref_slice %arg10[%dma_start3A_259, %dma_start3A_263] : memref<10x128xi32, #tpu.memory_space<vmem>> -> memref<1x128xi32, #tpu.memory_space<vmem>>
        %dma_start3A_265 = tpu.memref_squeeze %dma_start3A_264 : memref<1x128xi32, #tpu.memory_space<vmem>> -> memref<128xi32, #tpu.memory_space<vmem>>
        %dma_start3A_266 = arith.constant 0 : i32
        %dma_start3A_267 = arith.constant 0 : i32
        %dma_start3A_268 = tpu.memref_slice %arg2[%dma_start3A_266, %dma_start3A_267] : memref<50000x16xf32, #tpu.memory_space<hbm>> -> memref<50000x16xf32, #tpu.memory_space<hbm>>
        tpu.enqueue_indirect_dma source(%dma_start3A_268 : memref<50000x16xf32, #tpu.memory_space<hbm>>) target(%dma_start3A_262 : memref<128x16xf32, #tpu.memory_space<vmem>>) offsets(%dma_start3A_265 : memref<128xi32, #tpu.memory_space<vmem>>) semaphore(%arg18 : memref<!tpu.dma_semaphore, #tpu.memory_space<semaphore_mem>>)
        %dma_start3A_269 = arith.constant 9 : i32
        %dma_start3A_270 = arith.constant 1152 : i32
        %dma_start3A_271 = arith.constant 0 : i32
        %dma_start3A_272 = tpu.memref_slice %arg14[%dma_start3A_270, %dma_start3A_271] : memref<1280x16xf32, #tpu.memory_space<vmem>> -> memref<128x16xf32, #tpu.memory_space<vmem>>
        %dma_start3A_273 = arith.constant 0 : i32
        %dma_start3A_274 = tpu.memref_slice %arg10[%dma_start3A_269, %dma_start3A_273] : memref<10x128xi32, #tpu.memory_space<vmem>> -> memref<1x128xi32, #tpu.memory_space<vmem>>
        %dma_start3A_275 = tpu.memref_squeeze %dma_start3A_274 : memref<1x128xi32, #tpu.memory_space<vmem>> -> memref<128xi32, #tpu.memory_space<vmem>>
        %dma_start3A_276 = arith.constant 0 : i32
        %dma_start3A_277 = arith.constant 0 : i32
        %dma_start3A_278 = tpu.memref_slice %arg2[%dma_start3A_276, %dma_start3A_277] : memref<50000x16xf32, #tpu.memory_space<hbm>> -> memref<50000x16xf32, #tpu.memory_space<hbm>>
        tpu.enqueue_indirect_dma source(%dma_start3A_278 : memref<50000x16xf32, #tpu.memory_space<hbm>>) target(%dma_start3A_272 : memref<128x16xf32, #tpu.memory_space<vmem>>) offsets(%dma_start3A_275 : memref<128xi32, #tpu.memory_space<vmem>>) semaphore(%arg18 : memref<!tpu.dma_semaphore, #tpu.memory_space<semaphore_mem>>)
        %dma_wait3A_279 = arith.constant 0 : i32
        %dma_wait3A_280 = arith.constant 0 : i32
        %dma_wait3A_281 = arith.constant 0 : i32
        %dma_wait3A_282 = tpu.memref_slice %arg13[%dma_wait3A_280, %dma_wait3A_281] : memref<1280x16xf32, #tpu.memory_space<vmem>> -> memref<128x16xf32, #tpu.memory_space<vmem>>
        %dma_wait3A_283 = arith.constant 0 : i32
        %dma_wait3A_284 = tpu.memref_slice %arg9[%dma_wait3A_279, %dma_wait3A_283] : memref<10x128xi32, #tpu.memory_space<vmem>> -> memref<1x128xi32, #tpu.memory_space<vmem>>
        %dma_wait3A_285 = tpu.memref_squeeze %dma_wait3A_284 : memref<1x128xi32, #tpu.memory_space<vmem>> -> memref<128xi32, #tpu.memory_space<vmem>>
        %dma_wait3A_286 = arith.constant 0 : i32
        %dma_wait3A_287 = arith.constant 0 : i32
        %dma_wait3A_288 = tpu.memref_slice %arg2[%dma_wait3A_286, %dma_wait3A_287] : memref<50000x16xf32, #tpu.memory_space<hbm>> -> memref<50000x16xf32, #tpu.memory_space<hbm>>
        tpu.wait_indirect_dma semaphore(%arg18 : memref<!tpu.dma_semaphore, #tpu.memory_space<semaphore_mem>>) src(%dma_wait3A_288 : memref<50000x16xf32, #tpu.memory_space<hbm>>) dst(%dma_wait3A_282 : memref<128x16xf32, #tpu.memory_space<vmem>>)
        %dma_wait3A_289 = arith.constant 1 : i32
        %dma_wait3A_290 = arith.constant 128 : i32
        %dma_wait3A_291 = arith.constant 0 : i32
        %dma_wait3A_292 = tpu.memref_slice %arg13[%dma_wait3A_290, %dma_wait3A_291] : memref<1280x16xf32, #tpu.memory_space<vmem>> -> memref<128x16xf32, #tpu.memory_space<vmem>>
        %dma_wait3A_293 = arith.constant 0 : i32
        %dma_wait3A_294 = tpu.memref_slice %arg9[%dma_wait3A_289, %dma_wait3A_293] : memref<10x128xi32, #tpu.memory_space<vmem>> -> memref<1x128xi32, #tpu.memory_space<vmem>>
        %dma_wait3A_295 = tpu.memref_squeeze %dma_wait3A_294 : memref<1x128xi32, #tpu.memory_space<vmem>> -> memref<128xi32, #tpu.memory_space<vmem>>
        %dma_wait3A_296 = arith.constant 0 : i32
        %dma_wait3A_297 = arith.constant 0 : i32
        %dma_wait3A_298 = tpu.memref_slice %arg2[%dma_wait3A_296, %dma_wait3A_297] : memref<50000x16xf32, #tpu.memory_space<hbm>> -> memref<50000x16xf32, #tpu.memory_space<hbm>>
        tpu.wait_indirect_dma semaphore(%arg18 : memref<!tpu.dma_semaphore, #tpu.memory_space<semaphore_mem>>) src(%dma_wait3A_298 : memref<50000x16xf32, #tpu.memory_space<hbm>>) dst(%dma_wait3A_292 : memref<128x16xf32, #tpu.memory_space<vmem>>)
        %dma_wait3A_299 = arith.constant 2 : i32
        %dma_wait3A_300 = arith.constant 256 : i32
        %dma_wait3A_301 = arith.constant 0 : i32
        %dma_wait3A_302 = tpu.memref_slice %arg13[%dma_wait3A_300, %dma_wait3A_301] : memref<1280x16xf32, #tpu.memory_space<vmem>> -> memref<128x16xf32, #tpu.memory_space<vmem>>
        %dma_wait3A_303 = arith.constant 0 : i32
        %dma_wait3A_304 = tpu.memref_slice %arg9[%dma_wait3A_299, %dma_wait3A_303] : memref<10x128xi32, #tpu.memory_space<vmem>> -> memref<1x128xi32, #tpu.memory_space<vmem>>
        %dma_wait3A_305 = tpu.memref_squeeze %dma_wait3A_304 : memref<1x128xi32, #tpu.memory_space<vmem>> -> memref<128xi32, #tpu.memory_space<vmem>>
        %dma_wait3A_306 = arith.constant 0 : i32
        %dma_wait3A_307 = arith.constant 0 : i32
        %dma_wait3A_308 = tpu.memref_slice %arg2[%dma_wait3A_306, %dma_wait3A_307] : memref<50000x16xf32, #tpu.memory_space<hbm>> -> memref<50000x16xf32, #tpu.memory_space<hbm>>
        tpu.wait_indirect_dma semaphore(%arg18 : memref<!tpu.dma_semaphore, #tpu.memory_space<semaphore_mem>>) src(%dma_wait3A_308 : memref<50000x16xf32, #tpu.memory_space<hbm>>) dst(%dma_wait3A_302 : memref<128x16xf32, #tpu.memory_space<vmem>>)
        %dma_wait3A_309 = arith.constant 3 : i32
        %dma_wait3A_310 = arith.constant 384 : i32
        %dma_wait3A_311 = arith.constant 0 : i32
        %dma_wait3A_312 = tpu.memref_slice %arg13[%dma_wait3A_310, %dma_wait3A_311] : memref<1280x16xf32, #tpu.memory_space<vmem>> -> memref<128x16xf32, #tpu.memory_space<vmem>>
        %dma_wait3A_313 = arith.constant 0 : i32
        %dma_wait3A_314 = tpu.memref_slice %arg9[%dma_wait3A_309, %dma_wait3A_313] : memref<10x128xi32, #tpu.memory_space<vmem>> -> memref<1x128xi32, #tpu.memory_space<vmem>>
        %dma_wait3A_315 = tpu.memref_squeeze %dma_wait3A_314 : memref<1x128xi32, #tpu.memory_space<vmem>> -> memref<128xi32, #tpu.memory_space<vmem>>
        %dma_wait3A_316 = arith.constant 0 : i32
        %dma_wait3A_317 = arith.constant 0 : i32
        %dma_wait3A_318 = tpu.memref_slice %arg2[%dma_wait3A_316, %dma_wait3A_317] : memref<50000x16xf32, #tpu.memory_space<hbm>> -> memref<50000x16xf32, #tpu.memory_space<hbm>>
        tpu.wait_indirect_dma semaphore(%arg18 : memref<!tpu.dma_semaphore, #tpu.memory_space<semaphore_mem>>) src(%dma_wait3A_318 : memref<50000x16xf32, #tpu.memory_space<hbm>>) dst(%dma_wait3A_312 : memref<128x16xf32, #tpu.memory_space<vmem>>)
        %dma_wait3A_319 = arith.constant 4 : i32
        %dma_wait3A_320 = arith.constant 512 : i32
        %dma_wait3A_321 = arith.constant 0 : i32
        %dma_wait3A_322 = tpu.memref_slice %arg13[%dma_wait3A_320, %dma_wait3A_321] : memref<1280x16xf32, #tpu.memory_space<vmem>> -> memref<128x16xf32, #tpu.memory_space<vmem>>
        %dma_wait3A_323 = arith.constant 0 : i32
        %dma_wait3A_324 = tpu.memref_slice %arg9[%dma_wait3A_319, %dma_wait3A_323] : memref<10x128xi32, #tpu.memory_space<vmem>> -> memref<1x128xi32, #tpu.memory_space<vmem>>
        %dma_wait3A_325 = tpu.memref_squeeze %dma_wait3A_324 : memref<1x128xi32, #tpu.memory_space<vmem>> -> memref<128xi32, #tpu.memory_space<vmem>>
        %dma_wait3A_326 = arith.constant 0 : i32
        %dma_wait3A_327 = arith.constant 0 : i32
        %dma_wait3A_328 = tpu.memref_slice %arg2[%dma_wait3A_326, %dma_wait3A_327] : memref<50000x16xf32, #tpu.memory_space<hbm>> -> memref<50000x16xf32, #tpu.memory_space<hbm>>
        tpu.wait_indirect_dma semaphore(%arg18 : memref<!tpu.dma_semaphore, #tpu.memory_space<semaphore_mem>>) src(%dma_wait3A_328 : memref<50000x16xf32, #tpu.memory_space<hbm>>) dst(%dma_wait3A_322 : memref<128x16xf32, #tpu.memory_space<vmem>>)
        %dma_wait3A_329 = arith.constant 5 : i32
        %dma_wait3A_330 = arith.constant 640 : i32
        %dma_wait3A_331 = arith.constant 0 : i32
        %dma_wait3A_332 = tpu.memref_slice %arg13[%dma_wait3A_330, %dma_wait3A_331] : memref<1280x16xf32, #tpu.memory_space<vmem>> -> memref<128x16xf32, #tpu.memory_space<vmem>>
        %dma_wait3A_333 = arith.constant 0 : i32
        %dma_wait3A_334 = tpu.memref_slice %arg9[%dma_wait3A_329, %dma_wait3A_333] : memref<10x128xi32, #tpu.memory_space<vmem>> -> memref<1x128xi32, #tpu.memory_space<vmem>>
        %dma_wait3A_335 = tpu.memref_squeeze %dma_wait3A_334 : memref<1x128xi32, #tpu.memory_space<vmem>> -> memref<128xi32, #tpu.memory_space<vmem>>
        %dma_wait3A_336 = arith.constant 0 : i32
        %dma_wait3A_337 = arith.constant 0 : i32
        %dma_wait3A_338 = tpu.memref_slice %arg2[%dma_wait3A_336, %dma_wait3A_337] : memref<50000x16xf32, #tpu.memory_space<hbm>> -> memref<50000x16xf32, #tpu.memory_space<hbm>>
        tpu.wait_indirect_dma semaphore(%arg18 : memref<!tpu.dma_semaphore, #tpu.memory_space<semaphore_mem>>) src(%dma_wait3A_338 : memref<50000x16xf32, #tpu.memory_space<hbm>>) dst(%dma_wait3A_332 : memref<128x16xf32, #tpu.memory_space<vmem>>)
        %dma_wait3A_339 = arith.constant 6 : i32
        %dma_wait3A_340 = arith.constant 768 : i32
        %dma_wait3A_341 = arith.constant 0 : i32
        %dma_wait3A_342 = tpu.memref_slice %arg13[%dma_wait3A_340, %dma_wait3A_341] : memref<1280x16xf32, #tpu.memory_space<vmem>> -> memref<128x16xf32, #tpu.memory_space<vmem>>
        %dma_wait3A_343 = arith.constant 0 : i32
        %dma_wait3A_344 = tpu.memref_slice %arg9[%dma_wait3A_339, %dma_wait3A_343] : memref<10x128xi32, #tpu.memory_space<vmem>> -> memref<1x128xi32, #tpu.memory_space<vmem>>
        %dma_wait3A_345 = tpu.memref_squeeze %dma_wait3A_344 : memref<1x128xi32, #tpu.memory_space<vmem>> -> memref<128xi32, #tpu.memory_space<vmem>>
        %dma_wait3A_346 = arith.constant 0 : i32
        %dma_wait3A_347 = arith.constant 0 : i32
        %dma_wait3A_348 = tpu.memref_slice %arg2[%dma_wait3A_346, %dma_wait3A_347] : memref<50000x16xf32, #tpu.memory_space<hbm>> -> memref<50000x16xf32, #tpu.memory_space<hbm>>
        tpu.wait_indirect_dma semaphore(%arg18 : memref<!tpu.dma_semaphore, #tpu.memory_space<semaphore_mem>>) src(%dma_wait3A_348 : memref<50000x16xf32, #tpu.memory_space<hbm>>) dst(%dma_wait3A_342 : memref<128x16xf32, #tpu.memory_space<vmem>>)
        %dma_wait3A_349 = arith.constant 7 : i32
        %dma_wait3A_350 = arith.constant 896 : i32
        %dma_wait3A_351 = arith.constant 0 : i32
        %dma_wait3A_352 = tpu.memref_slice %arg13[%dma_wait3A_350, %dma_wait3A_351] : memref<1280x16xf32, #tpu.memory_space<vmem>> -> memref<128x16xf32, #tpu.memory_space<vmem>>
        %dma_wait3A_353 = arith.constant 0 : i32
        %dma_wait3A_354 = tpu.memref_slice %arg9[%dma_wait3A_349, %dma_wait3A_353] : memref<10x128xi32, #tpu.memory_space<vmem>> -> memref<1x128xi32, #tpu.memory_space<vmem>>
        %dma_wait3A_355 = tpu.memref_squeeze %dma_wait3A_354 : memref<1x128xi32, #tpu.memory_space<vmem>> -> memref<128xi32, #tpu.memory_space<vmem>>
        %dma_wait3A_356 = arith.constant 0 : i32
        %dma_wait3A_357 = arith.constant 0 : i32
        %dma_wait3A_358 = tpu.memref_slice %arg2[%dma_wait3A_356, %dma_wait3A_357] : memref<50000x16xf32, #tpu.memory_space<hbm>> -> memref<50000x16xf32, #tpu.memory_space<hbm>>
        tpu.wait_indirect_dma semaphore(%arg18 : memref<!tpu.dma_semaphore, #tpu.memory_space<semaphore_mem>>) src(%dma_wait3A_358 : memref<50000x16xf32, #tpu.memory_space<hbm>>) dst(%dma_wait3A_352 : memref<128x16xf32, #tpu.memory_space<vmem>>)
        %dma_wait3A_359 = arith.constant 8 : i32
        %dma_wait3A_360 = arith.constant 1024 : i32
        %dma_wait3A_361 = arith.constant 0 : i32
        %dma_wait3A_362 = tpu.memref_slice %arg13[%dma_wait3A_360, %dma_wait3A_361] : memref<1280x16xf32, #tpu.memory_space<vmem>> -> memref<128x16xf32, #tpu.memory_space<vmem>>
        %dma_wait3A_363 = arith.constant 0 : i32
        %dma_wait3A_364 = tpu.memref_slice %arg9[%dma_wait3A_359, %dma_wait3A_363] : memref<10x128xi32, #tpu.memory_space<vmem>> -> memref<1x128xi32, #tpu.memory_space<vmem>>
        %dma_wait3A_365 = tpu.memref_squeeze %dma_wait3A_364 : memref<1x128xi32, #tpu.memory_space<vmem>> -> memref<128xi32, #tpu.memory_space<vmem>>
        %dma_wait3A_366 = arith.constant 0 : i32
        %dma_wait3A_367 = arith.constant 0 : i32
        %dma_wait3A_368 = tpu.memref_slice %arg2[%dma_wait3A_366, %dma_wait3A_367] : memref<50000x16xf32, #tpu.memory_space<hbm>> -> memref<50000x16xf32, #tpu.memory_space<hbm>>
        tpu.wait_indirect_dma semaphore(%arg18 : memref<!tpu.dma_semaphore, #tpu.memory_space<semaphore_mem>>) src(%dma_wait3A_368 : memref<50000x16xf32, #tpu.memory_space<hbm>>) dst(%dma_wait3A_362 : memref<128x16xf32, #tpu.memory_space<vmem>>)
        %dma_wait3A_369 = arith.constant 9 : i32
        %dma_wait3A_370 = arith.constant 1152 : i32
        %dma_wait3A_371 = arith.constant 0 : i32
        %dma_wait3A_372 = tpu.memref_slice %arg13[%dma_wait3A_370, %dma_wait3A_371] : memref<1280x16xf32, #tpu.memory_space<vmem>> -> memref<128x16xf32, #tpu.memory_space<vmem>>
        %dma_wait3A_373 = arith.constant 0 : i32
        %dma_wait3A_374 = tpu.memref_slice %arg9[%dma_wait3A_369, %dma_wait3A_373] : memref<10x128xi32, #tpu.memory_space<vmem>> -> memref<1x128xi32, #tpu.memory_space<vmem>>
        %dma_wait3A_375 = tpu.memref_squeeze %dma_wait3A_374 : memref<1x128xi32, #tpu.memory_space<vmem>> -> memref<128xi32, #tpu.memory_space<vmem>>
        %dma_wait3A_376 = arith.constant 0 : i32
        %dma_wait3A_377 = arith.constant 0 : i32
        %dma_wait3A_378 = tpu.memref_slice %arg2[%dma_wait3A_376, %dma_wait3A_377] : memref<50000x16xf32, #tpu.memory_space<hbm>> -> memref<50000x16xf32, #tpu.memory_space<hbm>>
        tpu.wait_indirect_dma semaphore(%arg18 : memref<!tpu.dma_semaphore, #tpu.memory_space<semaphore_mem>>) src(%dma_wait3A_378 : memref<50000x16xf32, #tpu.memory_space<hbm>>) dst(%dma_wait3A_372 : memref<128x16xf32, #tpu.memory_space<vmem>>)
        %dma_wait3A_379 = arith.constant 0 : i32
        %dma_wait3A_380 = arith.constant 0 : i32
        %dma_wait3A_381 = arith.constant 0 : i32
        %dma_wait3A_382 = tpu.memref_slice %arg14[%dma_wait3A_380, %dma_wait3A_381] : memref<1280x16xf32, #tpu.memory_space<vmem>> -> memref<128x16xf32, #tpu.memory_space<vmem>>
        %dma_wait3A_383 = arith.constant 0 : i32
        %dma_wait3A_384 = tpu.memref_slice %arg10[%dma_wait3A_379, %dma_wait3A_383] : memref<10x128xi32, #tpu.memory_space<vmem>> -> memref<1x128xi32, #tpu.memory_space<vmem>>
        %dma_wait3A_385 = tpu.memref_squeeze %dma_wait3A_384 : memref<1x128xi32, #tpu.memory_space<vmem>> -> memref<128xi32, #tpu.memory_space<vmem>>
        %dma_wait3A_386 = arith.constant 0 : i32
        %dma_wait3A_387 = arith.constant 0 : i32
        %dma_wait3A_388 = tpu.memref_slice %arg2[%dma_wait3A_386, %dma_wait3A_387] : memref<50000x16xf32, #tpu.memory_space<hbm>> -> memref<50000x16xf32, #tpu.memory_space<hbm>>
        tpu.wait_indirect_dma semaphore(%arg18 : memref<!tpu.dma_semaphore, #tpu.memory_space<semaphore_mem>>) src(%dma_wait3A_388 : memref<50000x16xf32, #tpu.memory_space<hbm>>) dst(%dma_wait3A_382 : memref<128x16xf32, #tpu.memory_space<vmem>>)
        %dma_wait3A_389 = arith.constant 1 : i32
        %dma_wait3A_390 = arith.constant 128 : i32
        %dma_wait3A_391 = arith.constant 0 : i32
        %dma_wait3A_392 = tpu.memref_slice %arg14[%dma_wait3A_390, %dma_wait3A_391] : memref<1280x16xf32, #tpu.memory_space<vmem>> -> memref<128x16xf32, #tpu.memory_space<vmem>>
        %dma_wait3A_393 = arith.constant 0 : i32
        %dma_wait3A_394 = tpu.memref_slice %arg10[%dma_wait3A_389, %dma_wait3A_393] : memref<10x128xi32, #tpu.memory_space<vmem>> -> memref<1x128xi32, #tpu.memory_space<vmem>>
        %dma_wait3A_395 = tpu.memref_squeeze %dma_wait3A_394 : memref<1x128xi32, #tpu.memory_space<vmem>> -> memref<128xi32, #tpu.memory_space<vmem>>
        %dma_wait3A_396 = arith.constant 0 : i32
        %dma_wait3A_397 = arith.constant 0 : i32
        %dma_wait3A_398 = tpu.memref_slice %arg2[%dma_wait3A_396, %dma_wait3A_397] : memref<50000x16xf32, #tpu.memory_space<hbm>> -> memref<50000x16xf32, #tpu.memory_space<hbm>>
        tpu.wait_indirect_dma semaphore(%arg18 : memref<!tpu.dma_semaphore, #tpu.memory_space<semaphore_mem>>) src(%dma_wait3A_398 : memref<50000x16xf32, #tpu.memory_space<hbm>>) dst(%dma_wait3A_392 : memref<128x16xf32, #tpu.memory_space<vmem>>)
        %dma_wait3A_399 = arith.constant 2 : i32
        %dma_wait3A_400 = arith.constant 256 : i32
        %dma_wait3A_401 = arith.constant 0 : i32
        %dma_wait3A_402 = tpu.memref_slice %arg14[%dma_wait3A_400, %dma_wait3A_401] : memref<1280x16xf32, #tpu.memory_space<vmem>> -> memref<128x16xf32, #tpu.memory_space<vmem>>
        %dma_wait3A_403 = arith.constant 0 : i32
        %dma_wait3A_404 = tpu.memref_slice %arg10[%dma_wait3A_399, %dma_wait3A_403] : memref<10x128xi32, #tpu.memory_space<vmem>> -> memref<1x128xi32, #tpu.memory_space<vmem>>
        %dma_wait3A_405 = tpu.memref_squeeze %dma_wait3A_404 : memref<1x128xi32, #tpu.memory_space<vmem>> -> memref<128xi32, #tpu.memory_space<vmem>>
        %dma_wait3A_406 = arith.constant 0 : i32
        %dma_wait3A_407 = arith.constant 0 : i32
        %dma_wait3A_408 = tpu.memref_slice %arg2[%dma_wait3A_406, %dma_wait3A_407] : memref<50000x16xf32, #tpu.memory_space<hbm>> -> memref<50000x16xf32, #tpu.memory_space<hbm>>
        tpu.wait_indirect_dma semaphore(%arg18 : memref<!tpu.dma_semaphore, #tpu.memory_space<semaphore_mem>>) src(%dma_wait3A_408 : memref<50000x16xf32, #tpu.memory_space<hbm>>) dst(%dma_wait3A_402 : memref<128x16xf32, #tpu.memory_space<vmem>>)
        %dma_wait3A_409 = arith.constant 3 : i32
        %dma_wait3A_410 = arith.constant 384 : i32
        %dma_wait3A_411 = arith.constant 0 : i32
        %dma_wait3A_412 = tpu.memref_slice %arg14[%dma_wait3A_410, %dma_wait3A_411] : memref<1280x16xf32, #tpu.memory_space<vmem>> -> memref<128x16xf32, #tpu.memory_space<vmem>>
        %dma_wait3A_413 = arith.constant 0 : i32
        %dma_wait3A_414 = tpu.memref_slice %arg10[%dma_wait3A_409, %dma_wait3A_413] : memref<10x128xi32, #tpu.memory_space<vmem>> -> memref<1x128xi32, #tpu.memory_space<vmem>>
        %dma_wait3A_415 = tpu.memref_squeeze %dma_wait3A_414 : memref<1x128xi32, #tpu.memory_space<vmem>> -> memref<128xi32, #tpu.memory_space<vmem>>
        %dma_wait3A_416 = arith.constant 0 : i32
        %dma_wait3A_417 = arith.constant 0 : i32
        %dma_wait3A_418 = tpu.memref_slice %arg2[%dma_wait3A_416, %dma_wait3A_417] : memref<50000x16xf32, #tpu.memory_space<hbm>> -> memref<50000x16xf32, #tpu.memory_space<hbm>>
        tpu.wait_indirect_dma semaphore(%arg18 : memref<!tpu.dma_semaphore, #tpu.memory_space<semaphore_mem>>) src(%dma_wait3A_418 : memref<50000x16xf32, #tpu.memory_space<hbm>>) dst(%dma_wait3A_412 : memref<128x16xf32, #tpu.memory_space<vmem>>)
        %dma_wait3A_419 = arith.constant 4 : i32
        %dma_wait3A_420 = arith.constant 512 : i32
        %dma_wait3A_421 = arith.constant 0 : i32
        %dma_wait3A_422 = tpu.memref_slice %arg14[%dma_wait3A_420, %dma_wait3A_421] : memref<1280x16xf32, #tpu.memory_space<vmem>> -> memref<128x16xf32, #tpu.memory_space<vmem>>
        %dma_wait3A_423 = arith.constant 0 : i32
        %dma_wait3A_424 = tpu.memref_slice %arg10[%dma_wait3A_419, %dma_wait3A_423] : memref<10x128xi32, #tpu.memory_space<vmem>> -> memref<1x128xi32, #tpu.memory_space<vmem>>
        %dma_wait3A_425 = tpu.memref_squeeze %dma_wait3A_424 : memref<1x128xi32, #tpu.memory_space<vmem>> -> memref<128xi32, #tpu.memory_space<vmem>>
        %dma_wait3A_426 = arith.constant 0 : i32
        %dma_wait3A_427 = arith.constant 0 : i32
        %dma_wait3A_428 = tpu.memref_slice %arg2[%dma_wait3A_426, %dma_wait3A_427] : memref<50000x16xf32, #tpu.memory_space<hbm>> -> memref<50000x16xf32, #tpu.memory_space<hbm>>
        tpu.wait_indirect_dma semaphore(%arg18 : memref<!tpu.dma_semaphore, #tpu.memory_space<semaphore_mem>>) src(%dma_wait3A_428 : memref<50000x16xf32, #tpu.memory_space<hbm>>) dst(%dma_wait3A_422 : memref<128x16xf32, #tpu.memory_space<vmem>>)
        %dma_wait3A_429 = arith.constant 5 : i32
        %dma_wait3A_430 = arith.constant 640 : i32
        %dma_wait3A_431 = arith.constant 0 : i32
        %dma_wait3A_432 = tpu.memref_slice %arg14[%dma_wait3A_430, %dma_wait3A_431] : memref<1280x16xf32, #tpu.memory_space<vmem>> -> memref<128x16xf32, #tpu.memory_space<vmem>>
        %dma_wait3A_433 = arith.constant 0 : i32
        %dma_wait3A_434 = tpu.memref_slice %arg10[%dma_wait3A_429, %dma_wait3A_433] : memref<10x128xi32, #tpu.memory_space<vmem>> -> memref<1x128xi32, #tpu.memory_space<vmem>>
        %dma_wait3A_435 = tpu.memref_squeeze %dma_wait3A_434 : memref<1x128xi32, #tpu.memory_space<vmem>> -> memref<128xi32, #tpu.memory_space<vmem>>
        %dma_wait3A_436 = arith.constant 0 : i32
        %dma_wait3A_437 = arith.constant 0 : i32
        %dma_wait3A_438 = tpu.memref_slice %arg2[%dma_wait3A_436, %dma_wait3A_437] : memref<50000x16xf32, #tpu.memory_space<hbm>> -> memref<50000x16xf32, #tpu.memory_space<hbm>>
        tpu.wait_indirect_dma semaphore(%arg18 : memref<!tpu.dma_semaphore, #tpu.memory_space<semaphore_mem>>) src(%dma_wait3A_438 : memref<50000x16xf32, #tpu.memory_space<hbm>>) dst(%dma_wait3A_432 : memref<128x16xf32, #tpu.memory_space<vmem>>)
        %dma_wait3A_439 = arith.constant 6 : i32
        %dma_wait3A_440 = arith.constant 768 : i32
        %dma_wait3A_441 = arith.constant 0 : i32
        %dma_wait3A_442 = tpu.memref_slice %arg14[%dma_wait3A_440, %dma_wait3A_441] : memref<1280x16xf32, #tpu.memory_space<vmem>> -> memref<128x16xf32, #tpu.memory_space<vmem>>
        %dma_wait3A_443 = arith.constant 0 : i32
        %dma_wait3A_444 = tpu.memref_slice %arg10[%dma_wait3A_439, %dma_wait3A_443] : memref<10x128xi32, #tpu.memory_space<vmem>> -> memref<1x128xi32, #tpu.memory_space<vmem>>
        %dma_wait3A_445 = tpu.memref_squeeze %dma_wait3A_444 : memref<1x128xi32, #tpu.memory_space<vmem>> -> memref<128xi32, #tpu.memory_space<vmem>>
        %dma_wait3A_446 = arith.constant 0 : i32
        %dma_wait3A_447 = arith.constant 0 : i32
        %dma_wait3A_448 = tpu.memref_slice %arg2[%dma_wait3A_446, %dma_wait3A_447] : memref<50000x16xf32, #tpu.memory_space<hbm>> -> memref<50000x16xf32, #tpu.memory_space<hbm>>
        tpu.wait_indirect_dma semaphore(%arg18 : memref<!tpu.dma_semaphore, #tpu.memory_space<semaphore_mem>>) src(%dma_wait3A_448 : memref<50000x16xf32, #tpu.memory_space<hbm>>) dst(%dma_wait3A_442 : memref<128x16xf32, #tpu.memory_space<vmem>>)
        %dma_wait3A_449 = arith.constant 7 : i32
        %dma_wait3A_450 = arith.constant 896 : i32
        %dma_wait3A_451 = arith.constant 0 : i32
        %dma_wait3A_452 = tpu.memref_slice %arg14[%dma_wait3A_450, %dma_wait3A_451] : memref<1280x16xf32, #tpu.memory_space<vmem>> -> memref<128x16xf32, #tpu.memory_space<vmem>>
        %dma_wait3A_453 = arith.constant 0 : i32
        %dma_wait3A_454 = tpu.memref_slice %arg10[%dma_wait3A_449, %dma_wait3A_453] : memref<10x128xi32, #tpu.memory_space<vmem>> -> memref<1x128xi32, #tpu.memory_space<vmem>>
        %dma_wait3A_455 = tpu.memref_squeeze %dma_wait3A_454 : memref<1x128xi32, #tpu.memory_space<vmem>> -> memref<128xi32, #tpu.memory_space<vmem>>
        %dma_wait3A_456 = arith.constant 0 : i32
        %dma_wait3A_457 = arith.constant 0 : i32
        %dma_wait3A_458 = tpu.memref_slice %arg2[%dma_wait3A_456, %dma_wait3A_457] : memref<50000x16xf32, #tpu.memory_space<hbm>> -> memref<50000x16xf32, #tpu.memory_space<hbm>>
        tpu.wait_indirect_dma semaphore(%arg18 : memref<!tpu.dma_semaphore, #tpu.memory_space<semaphore_mem>>) src(%dma_wait3A_458 : memref<50000x16xf32, #tpu.memory_space<hbm>>) dst(%dma_wait3A_452 : memref<128x16xf32, #tpu.memory_space<vmem>>)
        %dma_wait3A_459 = arith.constant 8 : i32
        %dma_wait3A_460 = arith.constant 1024 : i32
        %dma_wait3A_461 = arith.constant 0 : i32
        %dma_wait3A_462 = tpu.memref_slice %arg14[%dma_wait3A_460, %dma_wait3A_461] : memref<1280x16xf32, #tpu.memory_space<vmem>> -> memref<128x16xf32, #tpu.memory_space<vmem>>
        %dma_wait3A_463 = arith.constant 0 : i32
        %dma_wait3A_464 = tpu.memref_slice %arg10[%dma_wait3A_459, %dma_wait3A_463] : memref<10x128xi32, #tpu.memory_space<vmem>> -> memref<1x128xi32, #tpu.memory_space<vmem>>
        %dma_wait3A_465 = tpu.memref_squeeze %dma_wait3A_464 : memref<1x128xi32, #tpu.memory_space<vmem>> -> memref<128xi32, #tpu.memory_space<vmem>>
        %dma_wait3A_466 = arith.constant 0 : i32
        %dma_wait3A_467 = arith.constant 0 : i32
        %dma_wait3A_468 = tpu.memref_slice %arg2[%dma_wait3A_466, %dma_wait3A_467] : memref<50000x16xf32, #tpu.memory_space<hbm>> -> memref<50000x16xf32, #tpu.memory_space<hbm>>
        tpu.wait_indirect_dma semaphore(%arg18 : memref<!tpu.dma_semaphore, #tpu.memory_space<semaphore_mem>>) src(%dma_wait3A_468 : memref<50000x16xf32, #tpu.memory_space<hbm>>) dst(%dma_wait3A_462 : memref<128x16xf32, #tpu.memory_space<vmem>>)
        %dma_wait3A_469 = arith.constant 9 : i32
        %dma_wait3A_470 = arith.constant 1152 : i32
        %dma_wait3A_471 = arith.constant 0 : i32
        %dma_wait3A_472 = tpu.memref_slice %arg14[%dma_wait3A_470, %dma_wait3A_471] : memref<1280x16xf32, #tpu.memory_space<vmem>> -> memref<128x16xf32, #tpu.memory_space<vmem>>
        %dma_wait3A_473 = arith.constant 0 : i32
        %dma_wait3A_474 = tpu.memref_slice %arg10[%dma_wait3A_469, %dma_wait3A_473] : memref<10x128xi32, #tpu.memory_space<vmem>> -> memref<1x128xi32, #tpu.memory_space<vmem>>
        %dma_wait3A_475 = tpu.memref_squeeze %dma_wait3A_474 : memref<1x128xi32, #tpu.memory_space<vmem>> -> memref<128xi32, #tpu.memory_space<vmem>>
        %dma_wait3A_476 = arith.constant 0 : i32
        %dma_wait3A_477 = arith.constant 0 : i32
        %dma_wait3A_478 = tpu.memref_slice %arg2[%dma_wait3A_476, %dma_wait3A_477] : memref<50000x16xf32, #tpu.memory_space<hbm>> -> memref<50000x16xf32, #tpu.memory_space<hbm>>
        tpu.wait_indirect_dma semaphore(%arg18 : memref<!tpu.dma_semaphore, #tpu.memory_space<semaphore_mem>>) src(%dma_wait3A_478 : memref<50000x16xf32, #tpu.memory_space<hbm>>) dst(%dma_wait3A_472 : memref<128x16xf32, #tpu.memory_space<vmem>>)
        %mul3A_479 = arith.constant 1280 : i32
        %mul3A_480 = arith.muli %mul3A_479, %add3A_31 : i32
        %mul3A_481 = arith.constant 1280 : i32
        %mul3A_482 = arith.muli %mul3A_481, %add3A_31 : i32
        %dma_start3A_483 = arith.constant 0 : i32
        %dma_start3A_484 = tpu.memref_slice %arg5[%mul3A_480, %dma_start3A_483] : memref<800000x16xf32, #tpu.memory_space<hbm>> -> memref<1280x16xf32, #tpu.memory_space<hbm>>
        %dma_start3A_485 = arith.constant 0 : i32
        %dma_start3A_486 = tpu.memref_slice %arg5[%mul3A_480, %dma_start3A_485] : memref<800000x16xf32, #tpu.memory_space<hbm>> -> memref<1280x16xf32, #tpu.memory_space<hbm>>
        tpu.enqueue_dma source(%arg13 : memref<1280x16xf32, #tpu.memory_space<vmem>>) target(%dma_start3A_486 : memref<1280x16xf32, #tpu.memory_space<hbm>>) target_semaphore(%arg20 : memref<!tpu.dma_semaphore, #tpu.memory_space<semaphore_mem>>)
        %dma_start3A_487 = arith.constant 0 : i32
        %dma_start3A_488 = tpu.memref_slice %arg6[%mul3A_482, %dma_start3A_487] : memref<800000x16xf32, #tpu.memory_space<hbm>> -> memref<1280x16xf32, #tpu.memory_space<hbm>>
        %dma_start3A_489 = arith.constant 0 : i32
        %dma_start3A_490 = tpu.memref_slice %arg6[%mul3A_482, %dma_start3A_489] : memref<800000x16xf32, #tpu.memory_space<hbm>> -> memref<1280x16xf32, #tpu.memory_space<hbm>>
        tpu.enqueue_dma source(%arg14 : memref<1280x16xf32, #tpu.memory_space<vmem>>) target(%dma_start3A_490 : memref<1280x16xf32, #tpu.memory_space<hbm>>) target_semaphore(%arg20 : memref<!tpu.dma_semaphore, #tpu.memory_space<semaphore_mem>>)
      } else {
      }
    }
    %scan3A_15 = arith.constant 10 : i32
    %gt3A_16 = arith.constant 0 : i32
    %gt3A_17 = arith.cmpi sgt, %add3A_8, %gt3A_16 : i32
    %convert_element_type3A_18 = arith.extui %gt3A_17 : i1 to i32
    %cond3A_19 = arith.constant 0 : i32
    %cond3A_20 = arith.cmpi ne, %convert_element_type3A_18, %cond3A_19 : i32
    scf.if %cond3A_20 {
      %mul3A_26 = arith.constant 1280 : i32
      %mul3A_27 = arith.muli %mul3A_26, %add3A_4 : i32
      %mul3A_28 = arith.constant 1280 : i32
      %mul3A_29 = arith.muli %mul3A_28, %add3A_4 : i32
      %dma_wait3A = arith.constant 0 : i32
      %dma_wait3A_30 = tpu.memref_slice %arg5[%mul3A_27, %dma_wait3A] : memref<800000x16xf32, #tpu.memory_space<hbm>> -> memref<1280x16xf32, #tpu.memory_space<hbm>>
      %dma_wait3A_31 = arith.constant 0 : i32
      %dma_wait3A_32 = tpu.memref_slice %arg5[%mul3A_27, %dma_wait3A_31] : memref<800000x16xf32, #tpu.memory_space<hbm>> -> memref<1280x16xf32, #tpu.memory_space<hbm>>
      tpu.wait_dma2 semaphore(%arg19 : memref<!tpu.dma_semaphore, #tpu.memory_space<semaphore_mem>>) src(%arg11 : memref<1280x16xf32, #tpu.memory_space<vmem>>) dst(%dma_wait3A_32 : memref<1280x16xf32, #tpu.memory_space<hbm>>)
      %dma_wait3A_33 = arith.constant 0 : i32
      %dma_wait3A_34 = tpu.memref_slice %arg6[%mul3A_29, %dma_wait3A_33] : memref<800000x16xf32, #tpu.memory_space<hbm>> -> memref<1280x16xf32, #tpu.memory_space<hbm>>
      %dma_wait3A_35 = arith.constant 0 : i32
      %dma_wait3A_36 = tpu.memref_slice %arg6[%mul3A_29, %dma_wait3A_35] : memref<800000x16xf32, #tpu.memory_space<hbm>> -> memref<1280x16xf32, #tpu.memory_space<hbm>>
      tpu.wait_dma2 semaphore(%arg19 : memref<!tpu.dma_semaphore, #tpu.memory_space<semaphore_mem>>) src(%arg12 : memref<1280x16xf32, #tpu.memory_space<vmem>>) dst(%dma_wait3A_36 : memref<1280x16xf32, #tpu.memory_space<hbm>>)
    } else {
    }
    %gt3A_21 = arith.constant 1 : i32
    %gt3A_22 = arith.cmpi sgt, %add3A_8, %gt3A_21 : i32
    %convert_element_type3A_23 = arith.extui %gt3A_22 : i1 to i32
    %cond3A_24 = arith.constant 0 : i32
    %cond3A_25 = arith.cmpi ne, %convert_element_type3A_23, %cond3A_24 : i32
    scf.if %cond3A_25 {
      %add3A_26 = arith.constant 1 : i32
      %add3A_27 = arith.addi %add3A_4, %add3A_26 : i32
      %mul3A_28 = arith.constant 1280 : i32
      %mul3A_29 = arith.muli %mul3A_28, %add3A_27 : i32
      %mul3A_30 = arith.constant 1280 : i32
      %mul3A_31 = arith.muli %mul3A_30, %add3A_27 : i32
      %dma_wait3A = arith.constant 0 : i32
      %dma_wait3A_32 = tpu.memref_slice %arg5[%mul3A_29, %dma_wait3A] : memref<800000x16xf32, #tpu.memory_space<hbm>> -> memref<1280x16xf32, #tpu.memory_space<hbm>>
      %dma_wait3A_33 = arith.constant 0 : i32
      %dma_wait3A_34 = tpu.memref_slice %arg5[%mul3A_29, %dma_wait3A_33] : memref<800000x16xf32, #tpu.memory_space<hbm>> -> memref<1280x16xf32, #tpu.memory_space<hbm>>
      tpu.wait_dma2 semaphore(%arg20 : memref<!tpu.dma_semaphore, #tpu.memory_space<semaphore_mem>>) src(%arg13 : memref<1280x16xf32, #tpu.memory_space<vmem>>) dst(%dma_wait3A_34 : memref<1280x16xf32, #tpu.memory_space<hbm>>)
      %dma_wait3A_35 = arith.constant 0 : i32
      %dma_wait3A_36 = tpu.memref_slice %arg6[%mul3A_31, %dma_wait3A_35] : memref<800000x16xf32, #tpu.memory_space<hbm>> -> memref<1280x16xf32, #tpu.memory_space<hbm>>
      %dma_wait3A_37 = arith.constant 0 : i32
      %dma_wait3A_38 = tpu.memref_slice %arg6[%mul3A_31, %dma_wait3A_37] : memref<800000x16xf32, #tpu.memory_space<hbm>> -> memref<1280x16xf32, #tpu.memory_space<hbm>>
      tpu.wait_dma2 semaphore(%arg20 : memref<!tpu.dma_semaphore, #tpu.memory_space<semaphore_mem>>) src(%arg14 : memref<1280x16xf32, #tpu.memory_space<vmem>>) dst(%dma_wait3A_38 : memref<1280x16xf32, #tpu.memory_space<hbm>>)
    } else {
    }
    return
  }
}

#map = affine_map<(d0, d1) -> (0, 0)>
#map1 = affine_map<(d0, d1) -> (0, 0, 0)>
module attributes {stable_mosaic.version = 14 : i64} {
  func.func @_scatter_body(%arg0: i32, %arg1: i32, %arg2: memref<800000x32xf32, #tpu.memory_space<hbm>>, %arg3: memref<800000x32xf32, #tpu.memory_space<hbm>>, %arg4: memref<12500x128xi32, #tpu.memory_space<hbm>>, %arg5: memref<50000x32xf32, #tpu.memory_space<hbm>>, %arg6: memref<2x50000x32xf32, #tpu.memory_space<hbm>>, %arg7: memref<2x128xi32, #tpu.memory_space<vmem>>, %arg8: memref<2x128xi32, #tpu.memory_space<vmem>>, %arg9: memref<256x32xf32, #tpu.memory_space<vmem>>, %arg10: memref<256x32xf32, #tpu.memory_space<vmem>>, %arg11: memref<!tpu.dma_semaphore, #tpu.memory_space<semaphore_mem>>, %arg12: memref<!tpu.dma_semaphore, #tpu.memory_space<semaphore_mem>>, %arg13: memref<!tpu.dma_semaphore, #tpu.memory_space<semaphore_mem>>, %arg14: memref<50000x32xf32, #tpu.memory_space<vmem_shared>>) attributes {dimension_semantics = [#tpu.dimension_semantics<core_parallel>, #tpu.dimension_semantics<subcore_parallel>], iteration_bounds = array<i64: 2, 16>, scalar_prefetch = 0 : i64, scratch_operands = 8 : i64, tpu.core_type = #tpu.core_type<sc_vector_subcore>, window_params = [{transform_indices = #map}, {transform_indices = #map}, {transform_indices = #map}, {transform_indices = #map}, {transform_indices = #map1}]} {
    %mul3A = arith.constant 2 : i32
    %mul3A_0 = arith.muli %arg1, %mul3A : i32
    %add3A = arith.addi %mul3A_0, %arg0 : i32
    %mul3A_1 = arith.constant 3125 : i32
    %mul3A_2 = arith.muli %arg1, %mul3A_1 : i32
    %mul3A_3 = arith.constant 3125 : i32
    %mul3A_4 = arith.muli %arg1, %mul3A_3 : i32
    %dma_start3A = arith.constant 0 : i32
    %dma_start3A_5 = tpu.memref_slice %arg14[%mul3A_4, %dma_start3A] : memref<50000x32xf32, #tpu.memory_space<vmem_shared>> -> memref<3125x32xf32, #tpu.memory_space<vmem_shared>>
    %dma_start3A_6 = arith.constant 0 : i32
    %dma_start3A_7 = tpu.memref_slice %arg5[%mul3A_2, %dma_start3A_6] : memref<50000x32xf32, #tpu.memory_space<hbm>> -> memref<3125x32xf32, #tpu.memory_space<hbm>>
    tpu.enqueue_dma source(%dma_start3A_7 : memref<3125x32xf32, #tpu.memory_space<hbm>>) target(%dma_start3A_5 : memref<3125x32xf32, #tpu.memory_space<vmem_shared>>) target_semaphore(%arg13 : memref<!tpu.dma_semaphore, #tpu.memory_space<semaphore_mem>>)
    %dma_wait3A = arith.constant 0 : i32
    %dma_wait3A_8 = tpu.memref_slice %arg14[%mul3A_4, %dma_wait3A] : memref<50000x32xf32, #tpu.memory_space<vmem_shared>> -> memref<3125x32xf32, #tpu.memory_space<vmem_shared>>
    %dma_wait3A_9 = arith.constant 0 : i32
    %dma_wait3A_10 = tpu.memref_slice %arg5[%mul3A_2, %dma_wait3A_9] : memref<50000x32xf32, #tpu.memory_space<hbm>> -> memref<3125x32xf32, #tpu.memory_space<hbm>>
    tpu.wait_dma2 semaphore(%arg13 : memref<!tpu.dma_semaphore, #tpu.memory_space<semaphore_mem>>) src(%dma_wait3A_10 : memref<3125x32xf32, #tpu.memory_space<hbm>>) dst(%dma_wait3A_8 : memref<3125x32xf32, #tpu.memory_space<vmem_shared>>)
    %barrier3A = arith.constant 0 : index
    tpu.barrier barrier_id(%barrier3A)
    %lt3A = arith.constant 16 : i32
    %lt3A_11 = arith.cmpi slt, %add3A, %lt3A : i32
    %convert_element_type3A = arith.extui %lt3A_11 : i1 to i32
    %cond3A = arith.constant 0 : i32
    %cond3A_12 = arith.cmpi ne, %convert_element_type3A, %cond3A : i32
    scf.if %cond3A_12 {
      %mul3A_22 = arith.constant 195 : i32
      %mul3A_23 = arith.muli %add3A, %mul3A_22 : i32
      %min3A = arith.constant 5 : i32
      %min3A_24 = arith.minsi %add3A, %min3A : i32
      %add3A_25 = arith.addi %mul3A_23, %min3A_24 : i32
      %lt3A_26 = arith.constant 5 : i32
      %lt3A_27 = arith.cmpi slt, %add3A, %lt3A_26 : i32
      %jit3A = arith.constant 1 : i32
      %jit3A_28 = arith.constant 0 : i32
      %select_n3A = arith.select %lt3A_27, %jit3A, %jit3A_28 : i32
      %add3A_29 = arith.constant 195 : i32
      %add3A_30 = arith.addi %add3A_29, %select_n3A : i32
      %mul3A_31 = arith.constant 256 : i32
      %mul3A_32 = arith.muli %mul3A_31, %add3A_25 : i32
      %add3A_33 = arith.constant 0 : i32
      %add3A_34 = arith.addi %add3A_33, %add3A_25 : i32
      %mul3A_35 = arith.constant 2 : i32
      %mul3A_36 = arith.muli %mul3A_35, %add3A_34 : i32
      %dma_start3A_37 = arith.constant 0 : i32
      %dma_start3A_38 = tpu.memref_slice %arg2[%mul3A_32, %dma_start3A_37] : memref<800000x32xf32, #tpu.memory_space<hbm>> -> memref<256x32xf32, #tpu.memory_space<hbm>>
      %dma_start3A_39 = arith.constant 0 : i32
      %dma_start3A_40 = tpu.memref_slice %arg2[%mul3A_32, %dma_start3A_39] : memref<800000x32xf32, #tpu.memory_space<hbm>> -> memref<256x32xf32, #tpu.memory_space<hbm>>
      tpu.enqueue_dma source(%dma_start3A_40 : memref<256x32xf32, #tpu.memory_space<hbm>>) target(%arg9 : memref<256x32xf32, #tpu.memory_space<vmem>>) target_semaphore(%arg11 : memref<!tpu.dma_semaphore, #tpu.memory_space<semaphore_mem>>)
      %dma_start3A_41 = arith.constant 0 : i32
      %dma_start3A_42 = tpu.memref_slice %arg4[%mul3A_36, %dma_start3A_41] : memref<12500x128xi32, #tpu.memory_space<hbm>> -> memref<2x128xi32, #tpu.memory_space<hbm>>
      %dma_start3A_43 = arith.constant 0 : i32
      %dma_start3A_44 = tpu.memref_slice %arg4[%mul3A_36, %dma_start3A_43] : memref<12500x128xi32, #tpu.memory_space<hbm>> -> memref<2x128xi32, #tpu.memory_space<hbm>>
      tpu.enqueue_dma source(%dma_start3A_44 : memref<2x128xi32, #tpu.memory_space<hbm>>) target(%arg7 : memref<2x128xi32, #tpu.memory_space<vmem>>) target_semaphore(%arg11 : memref<!tpu.dma_semaphore, #tpu.memory_space<semaphore_mem>>)
      %scan3A = arith.constant 0 : i32
      %scan3A_45 = arith.constant 0 : i32
      %scan3A_46 = arith.constant 98 : i32
      %scan3A_47 = arith.addi %scan3A_45, %scan3A_46 : i32
      %scan3A_48 = arith.constant 1 : i32
      scf.for %scan3A_50 = %scan3A_45 to %scan3A_47 step %scan3A_48  : i32 {
        %mul3A_51 = arith.constant 2 : i32
        %mul3A_52 = arith.muli %mul3A_51, %scan3A_50 : i32
        %add3A_53 = arith.addi %add3A_25, %mul3A_52 : i32
        %add3A_54 = arith.constant 1 : i32
        %add3A_55 = arith.addi %add3A_53, %add3A_54 : i32
        %mul3A_56 = arith.constant 2 : i32
        %mul3A_57 = arith.muli %mul3A_56, %scan3A_50 : i32
        %lt3A_58 = arith.cmpi slt, %mul3A_57, %add3A_30 : i32
        %convert_element_type3A_59 = arith.extui %lt3A_58 : i1 to i32
        %cond3A_60 = arith.constant 0 : i32
        %cond3A_61 = arith.cmpi ne, %convert_element_type3A_59, %cond3A_60 : i32
        scf.if %cond3A_61 {
          %mul3A_70 = arith.constant 256 : i32
          %mul3A_71 = arith.muli %mul3A_70, %add3A_53 : i32
          %add3A_72 = arith.constant 0 : i32
          %add3A_73 = arith.addi %add3A_72, %add3A_53 : i32
          %mul3A_74 = arith.constant 2 : i32
          %mul3A_75 = arith.muli %mul3A_74, %add3A_73 : i32
          %dma_wait3A_76 = arith.constant 0 : i32
          %dma_wait3A_77 = tpu.memref_slice %arg2[%mul3A_71, %dma_wait3A_76] : memref<800000x32xf32, #tpu.memory_space<hbm>> -> memref<256x32xf32, #tpu.memory_space<hbm>>
          %dma_wait3A_78 = arith.constant 0 : i32
          %dma_wait3A_79 = tpu.memref_slice %arg2[%mul3A_71, %dma_wait3A_78] : memref<800000x32xf32, #tpu.memory_space<hbm>> -> memref<256x32xf32, #tpu.memory_space<hbm>>
          tpu.wait_dma2 semaphore(%arg11 : memref<!tpu.dma_semaphore, #tpu.memory_space<semaphore_mem>>) src(%dma_wait3A_79 : memref<256x32xf32, #tpu.memory_space<hbm>>) dst(%arg9 : memref<256x32xf32, #tpu.memory_space<vmem>>)
          %dma_wait3A_80 = arith.constant 0 : i32
          %dma_wait3A_81 = tpu.memref_slice %arg4[%mul3A_75, %dma_wait3A_80] : memref<12500x128xi32, #tpu.memory_space<hbm>> -> memref<2x128xi32, #tpu.memory_space<hbm>>
          %dma_wait3A_82 = arith.constant 0 : i32
          %dma_wait3A_83 = tpu.memref_slice %arg4[%mul3A_75, %dma_wait3A_82] : memref<12500x128xi32, #tpu.memory_space<hbm>> -> memref<2x128xi32, #tpu.memory_space<hbm>>
          tpu.wait_dma2 semaphore(%arg11 : memref<!tpu.dma_semaphore, #tpu.memory_space<semaphore_mem>>) src(%dma_wait3A_83 : memref<2x128xi32, #tpu.memory_space<hbm>>) dst(%arg7 : memref<2x128xi32, #tpu.memory_space<vmem>>)
          %mul3A_84 = arith.constant 2 : i32
          %mul3A_85 = arith.muli %mul3A_84, %scan3A_50 : i32
          %add3A_86 = arith.constant 1 : i32
          %add3A_87 = arith.addi %mul3A_85, %add3A_86 : i32
          %lt3A_88 = arith.cmpi slt, %add3A_87, %add3A_30 : i32
          %convert_element_type3A_89 = arith.extui %lt3A_88 : i1 to i32
          %cond3A_90 = arith.constant 0 : i32
          %cond3A_91 = arith.cmpi ne, %convert_element_type3A_89, %cond3A_90 : i32
          scf.if %cond3A_91 {
            %mul3A_101 = arith.constant 256 : i32
            %mul3A_102 = arith.muli %mul3A_101, %add3A_55 : i32
            %add3A_103 = arith.constant 0 : i32
            %add3A_104 = arith.addi %add3A_103, %add3A_55 : i32
            %mul3A_105 = arith.constant 2 : i32
            %mul3A_106 = arith.muli %mul3A_105, %add3A_104 : i32
            %dma_start3A_107 = arith.constant 0 : i32
            %dma_start3A_108 = tpu.memref_slice %arg2[%mul3A_102, %dma_start3A_107] : memref<800000x32xf32, #tpu.memory_space<hbm>> -> memref<256x32xf32, #tpu.memory_space<hbm>>
            %dma_start3A_109 = arith.constant 0 : i32
            %dma_start3A_110 = tpu.memref_slice %arg2[%mul3A_102, %dma_start3A_109] : memref<800000x32xf32, #tpu.memory_space<hbm>> -> memref<256x32xf32, #tpu.memory_space<hbm>>
            tpu.enqueue_dma source(%dma_start3A_110 : memref<256x32xf32, #tpu.memory_space<hbm>>) target(%arg10 : memref<256x32xf32, #tpu.memory_space<vmem>>) target_semaphore(%arg12 : memref<!tpu.dma_semaphore, #tpu.memory_space<semaphore_mem>>)
            %dma_start3A_111 = arith.constant 0 : i32
            %dma_start3A_112 = tpu.memref_slice %arg4[%mul3A_106, %dma_start3A_111] : memref<12500x128xi32, #tpu.memory_space<hbm>> -> memref<2x128xi32, #tpu.memory_space<hbm>>
            %dma_start3A_113 = arith.constant 0 : i32
            %dma_start3A_114 = tpu.memref_slice %arg4[%mul3A_106, %dma_start3A_113] : memref<12500x128xi32, #tpu.memory_space<hbm>> -> memref<2x128xi32, #tpu.memory_space<hbm>>
            tpu.enqueue_dma source(%dma_start3A_114 : memref<2x128xi32, #tpu.memory_space<hbm>>) target(%arg8 : memref<2x128xi32, #tpu.memory_space<vmem>>) target_semaphore(%arg12 : memref<!tpu.dma_semaphore, #tpu.memory_space<semaphore_mem>>)
          } else {
          }
          %run_scoped3A = arith.constant 0 : i32
          "tpu.region"() ({
            %run_scoped3A_101 = tpu.sem_alloc : memref<!tpu.dma_semaphore, #tpu.memory_space<semaphore_mem>>
            %dma_start3A_102 = arith.constant 0 : i32
            %dma_start3A_103 = arith.constant 0 : i32
            %dma_start3A_104 = tpu.memref_slice %arg9[%dma_start3A_102, %dma_start3A_103] : memref<256x32xf32, #tpu.memory_space<vmem>> -> memref<128x32xf32, #tpu.memory_space<vmem>>
            %dma_start3A_105 = arith.constant 0 : i32
            %dma_start3A_106 = tpu.memref_slice %arg7[%run_scoped3A, %dma_start3A_105] : memref<2x128xi32, #tpu.memory_space<vmem>> -> memref<1x128xi32, #tpu.memory_space<vmem>>
            %dma_start3A_107 = tpu.memref_squeeze %dma_start3A_106 : memref<1x128xi32, #tpu.memory_space<vmem>> -> memref<128xi32, #tpu.memory_space<vmem>>
            %dma_start3A_108 = arith.constant 0 : i32
            %dma_start3A_109 = arith.constant 0 : i32
            %dma_start3A_110 = tpu.memref_slice %arg14[%dma_start3A_108, %dma_start3A_109] : memref<50000x32xf32, #tpu.memory_space<vmem_shared>> -> memref<50000x32xf32, #tpu.memory_space<vmem_shared>>
            tpu.enqueue_indirect_dma source(%dma_start3A_104 : memref<128x32xf32, #tpu.memory_space<vmem>>) target(%dma_start3A_110 : memref<50000x32xf32, #tpu.memory_space<vmem_shared>>) offsets(%dma_start3A_107 : memref<128xi32, #tpu.memory_space<vmem>>) semaphore(%run_scoped3A_101 : memref<!tpu.dma_semaphore, #tpu.memory_space<semaphore_mem>>) {add = true}
            %dma_wait3A_111 = arith.constant 0 : i32
            %dma_wait3A_112 = arith.constant 0 : i32
            %dma_wait3A_113 = tpu.memref_slice %arg9[%dma_wait3A_111, %dma_wait3A_112] : memref<256x32xf32, #tpu.memory_space<vmem>> -> memref<128x32xf32, #tpu.memory_space<vmem>>
            %dma_wait3A_114 = arith.constant 0 : i32
            %dma_wait3A_115 = tpu.memref_slice %arg7[%run_scoped3A, %dma_wait3A_114] : memref<2x128xi32, #tpu.memory_space<vmem>> -> memref<1x128xi32, #tpu.memory_space<vmem>>
            %dma_wait3A_116 = tpu.memref_squeeze %dma_wait3A_115 : memref<1x128xi32, #tpu.memory_space<vmem>> -> memref<128xi32, #tpu.memory_space<vmem>>
            %dma_wait3A_117 = arith.constant 0 : i32
            %dma_wait3A_118 = arith.constant 0 : i32
            %dma_wait3A_119 = tpu.memref_slice %arg14[%dma_wait3A_117, %dma_wait3A_118] : memref<50000x32xf32, #tpu.memory_space<vmem_shared>> -> memref<50000x32xf32, #tpu.memory_space<vmem_shared>>
            tpu.wait_indirect_dma semaphore(%run_scoped3A_101 : memref<!tpu.dma_semaphore, #tpu.memory_space<semaphore_mem>>) src(%dma_wait3A_113 : memref<128x32xf32, #tpu.memory_space<vmem>>) dst(%dma_wait3A_119 : memref<50000x32xf32, #tpu.memory_space<vmem_shared>>)
            tpu.yield
          }) : () -> ()
          %run_scoped3A_92 = arith.constant 1 : i32
          "tpu.region"() ({
            %run_scoped3A_101 = tpu.sem_alloc : memref<!tpu.dma_semaphore, #tpu.memory_space<semaphore_mem>>
            %dma_start3A_102 = arith.constant 128 : i32
            %dma_start3A_103 = arith.constant 0 : i32
            %dma_start3A_104 = tpu.memref_slice %arg9[%dma_start3A_102, %dma_start3A_103] : memref<256x32xf32, #tpu.memory_space<vmem>> -> memref<128x32xf32, #tpu.memory_space<vmem>>
            %dma_start3A_105 = arith.constant 0 : i32
            %dma_start3A_106 = tpu.memref_slice %arg7[%run_scoped3A_92, %dma_start3A_105] : memref<2x128xi32, #tpu.memory_space<vmem>> -> memref<1x128xi32, #tpu.memory_space<vmem>>
            %dma_start3A_107 = tpu.memref_squeeze %dma_start3A_106 : memref<1x128xi32, #tpu.memory_space<vmem>> -> memref<128xi32, #tpu.memory_space<vmem>>
            %dma_start3A_108 = arith.constant 0 : i32
            %dma_start3A_109 = arith.constant 0 : i32
            %dma_start3A_110 = tpu.memref_slice %arg14[%dma_start3A_108, %dma_start3A_109] : memref<50000x32xf32, #tpu.memory_space<vmem_shared>> -> memref<50000x32xf32, #tpu.memory_space<vmem_shared>>
            tpu.enqueue_indirect_dma source(%dma_start3A_104 : memref<128x32xf32, #tpu.memory_space<vmem>>) target(%dma_start3A_110 : memref<50000x32xf32, #tpu.memory_space<vmem_shared>>) offsets(%dma_start3A_107 : memref<128xi32, #tpu.memory_space<vmem>>) semaphore(%run_scoped3A_101 : memref<!tpu.dma_semaphore, #tpu.memory_space<semaphore_mem>>) {add = true}
            %dma_wait3A_111 = arith.constant 128 : i32
            %dma_wait3A_112 = arith.constant 0 : i32
            %dma_wait3A_113 = tpu.memref_slice %arg9[%dma_wait3A_111, %dma_wait3A_112] : memref<256x32xf32, #tpu.memory_space<vmem>> -> memref<128x32xf32, #tpu.memory_space<vmem>>
            %dma_wait3A_114 = arith.constant 0 : i32
            %dma_wait3A_115 = tpu.memref_slice %arg7[%run_scoped3A_92, %dma_wait3A_114] : memref<2x128xi32, #tpu.memory_space<vmem>> -> memref<1x128xi32, #tpu.memory_space<vmem>>
            %dma_wait3A_116 = tpu.memref_squeeze %dma_wait3A_115 : memref<1x128xi32, #tpu.memory_space<vmem>> -> memref<128xi32, #tpu.memory_space<vmem>>
            %dma_wait3A_117 = arith.constant 0 : i32
            %dma_wait3A_118 = arith.constant 0 : i32
            %dma_wait3A_119 = tpu.memref_slice %arg14[%dma_wait3A_117, %dma_wait3A_118] : memref<50000x32xf32, #tpu.memory_space<vmem_shared>> -> memref<50000x32xf32, #tpu.memory_space<vmem_shared>>
            tpu.wait_indirect_dma semaphore(%run_scoped3A_101 : memref<!tpu.dma_semaphore, #tpu.memory_space<semaphore_mem>>) src(%dma_wait3A_113 : memref<128x32xf32, #tpu.memory_space<vmem>>) dst(%dma_wait3A_119 : memref<50000x32xf32, #tpu.memory_space<vmem_shared>>)
            tpu.yield
          }) : () -> ()
          %mul3A_93 = arith.constant 2 : i32
          %mul3A_94 = arith.muli %mul3A_93, %scan3A_50 : i32
          %add3A_95 = arith.constant 2 : i32
          %add3A_96 = arith.addi %mul3A_94, %add3A_95 : i32
          %lt3A_97 = arith.cmpi slt, %add3A_96, %add3A_30 : i32
          %convert_element_type3A_98 = arith.extui %lt3A_97 : i1 to i32
          %cond3A_99 = arith.constant 0 : i32
          %cond3A_100 = arith.cmpi ne, %convert_element_type3A_98, %cond3A_99 : i32
          scf.if %cond3A_100 {
            %add3A_101 = arith.constant 2 : i32
            %add3A_102 = arith.addi %add3A_53, %add3A_101 : i32
            %mul3A_103 = arith.constant 256 : i32
            %mul3A_104 = arith.muli %mul3A_103, %add3A_102 : i32
            %add3A_105 = arith.constant 0 : i32
            %add3A_106 = arith.addi %add3A_105, %add3A_102 : i32
            %mul3A_107 = arith.constant 2 : i32
            %mul3A_108 = arith.muli %mul3A_107, %add3A_106 : i32
            %dma_start3A_109 = arith.constant 0 : i32
            %dma_start3A_110 = tpu.memref_slice %arg2[%mul3A_104, %dma_start3A_109] : memref<800000x32xf32, #tpu.memory_space<hbm>> -> memref<256x32xf32, #tpu.memory_space<hbm>>
            %dma_start3A_111 = arith.constant 0 : i32
            %dma_start3A_112 = tpu.memref_slice %arg2[%mul3A_104, %dma_start3A_111] : memref<800000x32xf32, #tpu.memory_space<hbm>> -> memref<256x32xf32, #tpu.memory_space<hbm>>
            tpu.enqueue_dma source(%dma_start3A_112 : memref<256x32xf32, #tpu.memory_space<hbm>>) target(%arg9 : memref<256x32xf32, #tpu.memory_space<vmem>>) target_semaphore(%arg11 : memref<!tpu.dma_semaphore, #tpu.memory_space<semaphore_mem>>)
            %dma_start3A_113 = arith.constant 0 : i32
            %dma_start3A_114 = tpu.memref_slice %arg4[%mul3A_108, %dma_start3A_113] : memref<12500x128xi32, #tpu.memory_space<hbm>> -> memref<2x128xi32, #tpu.memory_space<hbm>>
            %dma_start3A_115 = arith.constant 0 : i32
            %dma_start3A_116 = tpu.memref_slice %arg4[%mul3A_108, %dma_start3A_115] : memref<12500x128xi32, #tpu.memory_space<hbm>> -> memref<2x128xi32, #tpu.memory_space<hbm>>
            tpu.enqueue_dma source(%dma_start3A_116 : memref<2x128xi32, #tpu.memory_space<hbm>>) target(%arg7 : memref<2x128xi32, #tpu.memory_space<vmem>>) target_semaphore(%arg11 : memref<!tpu.dma_semaphore, #tpu.memory_space<semaphore_mem>>)
          } else {
          }
        } else {
        }
        %mul3A_62 = arith.constant 2 : i32
        %mul3A_63 = arith.muli %mul3A_62, %scan3A_50 : i32
        %add3A_64 = arith.constant 1 : i32
        %add3A_65 = arith.addi %mul3A_63, %add3A_64 : i32
        %lt3A_66 = arith.cmpi slt, %add3A_65, %add3A_30 : i32
        %convert_element_type3A_67 = arith.extui %lt3A_66 : i1 to i32
        %cond3A_68 = arith.constant 0 : i32
        %cond3A_69 = arith.cmpi ne, %convert_element_type3A_67, %cond3A_68 : i32
        scf.if %cond3A_69 {
          %mul3A_70 = arith.constant 256 : i32
          %mul3A_71 = arith.muli %mul3A_70, %add3A_55 : i32
          %add3A_72 = arith.constant 0 : i32
          %add3A_73 = arith.addi %add3A_72, %add3A_55 : i32
          %mul3A_74 = arith.constant 2 : i32
          %mul3A_75 = arith.muli %mul3A_74, %add3A_73 : i32
          %dma_wait3A_76 = arith.constant 0 : i32
          %dma_wait3A_77 = tpu.memref_slice %arg2[%mul3A_71, %dma_wait3A_76] : memref<800000x32xf32, #tpu.memory_space<hbm>> -> memref<256x32xf32, #tpu.memory_space<hbm>>
          %dma_wait3A_78 = arith.constant 0 : i32
          %dma_wait3A_79 = tpu.memref_slice %arg2[%mul3A_71, %dma_wait3A_78] : memref<800000x32xf32, #tpu.memory_space<hbm>> -> memref<256x32xf32, #tpu.memory_space<hbm>>
          tpu.wait_dma2 semaphore(%arg12 : memref<!tpu.dma_semaphore, #tpu.memory_space<semaphore_mem>>) src(%dma_wait3A_79 : memref<256x32xf32, #tpu.memory_space<hbm>>) dst(%arg10 : memref<256x32xf32, #tpu.memory_space<vmem>>)
          %dma_wait3A_80 = arith.constant 0 : i32
          %dma_wait3A_81 = tpu.memref_slice %arg4[%mul3A_75, %dma_wait3A_80] : memref<12500x128xi32, #tpu.memory_space<hbm>> -> memref<2x128xi32, #tpu.memory_space<hbm>>
          %dma_wait3A_82 = arith.constant 0 : i32
          %dma_wait3A_83 = tpu.memref_slice %arg4[%mul3A_75, %dma_wait3A_82] : memref<12500x128xi32, #tpu.memory_space<hbm>> -> memref<2x128xi32, #tpu.memory_space<hbm>>
          tpu.wait_dma2 semaphore(%arg12 : memref<!tpu.dma_semaphore, #tpu.memory_space<semaphore_mem>>) src(%dma_wait3A_83 : memref<2x128xi32, #tpu.memory_space<hbm>>) dst(%arg8 : memref<2x128xi32, #tpu.memory_space<vmem>>)
          %run_scoped3A = arith.constant 0 : i32
          "tpu.region"() ({
            %run_scoped3A_85 = tpu.sem_alloc : memref<!tpu.dma_semaphore, #tpu.memory_space<semaphore_mem>>
            %dma_start3A_86 = arith.constant 0 : i32
            %dma_start3A_87 = arith.constant 0 : i32
            %dma_start3A_88 = tpu.memref_slice %arg10[%dma_start3A_86, %dma_start3A_87] : memref<256x32xf32, #tpu.memory_space<vmem>> -> memref<128x32xf32, #tpu.memory_space<vmem>>
            %dma_start3A_89 = arith.constant 0 : i32
            %dma_start3A_90 = tpu.memref_slice %arg8[%run_scoped3A, %dma_start3A_89] : memref<2x128xi32, #tpu.memory_space<vmem>> -> memref<1x128xi32, #tpu.memory_space<vmem>>
            %dma_start3A_91 = tpu.memref_squeeze %dma_start3A_90 : memref<1x128xi32, #tpu.memory_space<vmem>> -> memref<128xi32, #tpu.memory_space<vmem>>
            %dma_start3A_92 = arith.constant 0 : i32
            %dma_start3A_93 = arith.constant 0 : i32
            %dma_start3A_94 = tpu.memref_slice %arg14[%dma_start3A_92, %dma_start3A_93] : memref<50000x32xf32, #tpu.memory_space<vmem_shared>> -> memref<50000x32xf32, #tpu.memory_space<vmem_shared>>
            tpu.enqueue_indirect_dma source(%dma_start3A_88 : memref<128x32xf32, #tpu.memory_space<vmem>>) target(%dma_start3A_94 : memref<50000x32xf32, #tpu.memory_space<vmem_shared>>) offsets(%dma_start3A_91 : memref<128xi32, #tpu.memory_space<vmem>>) semaphore(%run_scoped3A_85 : memref<!tpu.dma_semaphore, #tpu.memory_space<semaphore_mem>>) {add = true}
            %dma_wait3A_95 = arith.constant 0 : i32
            %dma_wait3A_96 = arith.constant 0 : i32
            %dma_wait3A_97 = tpu.memref_slice %arg10[%dma_wait3A_95, %dma_wait3A_96] : memref<256x32xf32, #tpu.memory_space<vmem>> -> memref<128x32xf32, #tpu.memory_space<vmem>>
            %dma_wait3A_98 = arith.constant 0 : i32
            %dma_wait3A_99 = tpu.memref_slice %arg8[%run_scoped3A, %dma_wait3A_98] : memref<2x128xi32, #tpu.memory_space<vmem>> -> memref<1x128xi32, #tpu.memory_space<vmem>>
            %dma_wait3A_100 = tpu.memref_squeeze %dma_wait3A_99 : memref<1x128xi32, #tpu.memory_space<vmem>> -> memref<128xi32, #tpu.memory_space<vmem>>
            %dma_wait3A_101 = arith.constant 0 : i32
            %dma_wait3A_102 = arith.constant 0 : i32
            %dma_wait3A_103 = tpu.memref_slice %arg14[%dma_wait3A_101, %dma_wait3A_102] : memref<50000x32xf32, #tpu.memory_space<vmem_shared>> -> memref<50000x32xf32, #tpu.memory_space<vmem_shared>>
            tpu.wait_indirect_dma semaphore(%run_scoped3A_85 : memref<!tpu.dma_semaphore, #tpu.memory_space<semaphore_mem>>) src(%dma_wait3A_97 : memref<128x32xf32, #tpu.memory_space<vmem>>) dst(%dma_wait3A_103 : memref<50000x32xf32, #tpu.memory_space<vmem_shared>>)
            tpu.yield
          }) : () -> ()
          %run_scoped3A_84 = arith.constant 1 : i32
          "tpu.region"() ({
            %run_scoped3A_85 = tpu.sem_alloc : memref<!tpu.dma_semaphore, #tpu.memory_space<semaphore_mem>>
            %dma_start3A_86 = arith.constant 128 : i32
            %dma_start3A_87 = arith.constant 0 : i32
            %dma_start3A_88 = tpu.memref_slice %arg10[%dma_start3A_86, %dma_start3A_87] : memref<256x32xf32, #tpu.memory_space<vmem>> -> memref<128x32xf32, #tpu.memory_space<vmem>>
            %dma_start3A_89 = arith.constant 0 : i32
            %dma_start3A_90 = tpu.memref_slice %arg8[%run_scoped3A_84, %dma_start3A_89] : memref<2x128xi32, #tpu.memory_space<vmem>> -> memref<1x128xi32, #tpu.memory_space<vmem>>
            %dma_start3A_91 = tpu.memref_squeeze %dma_start3A_90 : memref<1x128xi32, #tpu.memory_space<vmem>> -> memref<128xi32, #tpu.memory_space<vmem>>
            %dma_start3A_92 = arith.constant 0 : i32
            %dma_start3A_93 = arith.constant 0 : i32
            %dma_start3A_94 = tpu.memref_slice %arg14[%dma_start3A_92, %dma_start3A_93] : memref<50000x32xf32, #tpu.memory_space<vmem_shared>> -> memref<50000x32xf32, #tpu.memory_space<vmem_shared>>
            tpu.enqueue_indirect_dma source(%dma_start3A_88 : memref<128x32xf32, #tpu.memory_space<vmem>>) target(%dma_start3A_94 : memref<50000x32xf32, #tpu.memory_space<vmem_shared>>) offsets(%dma_start3A_91 : memref<128xi32, #tpu.memory_space<vmem>>) semaphore(%run_scoped3A_85 : memref<!tpu.dma_semaphore, #tpu.memory_space<semaphore_mem>>) {add = true}
            %dma_wait3A_95 = arith.constant 128 : i32
            %dma_wait3A_96 = arith.constant 0 : i32
            %dma_wait3A_97 = tpu.memref_slice %arg10[%dma_wait3A_95, %dma_wait3A_96] : memref<256x32xf32, #tpu.memory_space<vmem>> -> memref<128x32xf32, #tpu.memory_space<vmem>>
            %dma_wait3A_98 = arith.constant 0 : i32
            %dma_wait3A_99 = tpu.memref_slice %arg8[%run_scoped3A_84, %dma_wait3A_98] : memref<2x128xi32, #tpu.memory_space<vmem>> -> memref<1x128xi32, #tpu.memory_space<vmem>>
            %dma_wait3A_100 = tpu.memref_squeeze %dma_wait3A_99 : memref<1x128xi32, #tpu.memory_space<vmem>> -> memref<128xi32, #tpu.memory_space<vmem>>
            %dma_wait3A_101 = arith.constant 0 : i32
            %dma_wait3A_102 = arith.constant 0 : i32
            %dma_wait3A_103 = tpu.memref_slice %arg14[%dma_wait3A_101, %dma_wait3A_102] : memref<50000x32xf32, #tpu.memory_space<vmem_shared>> -> memref<50000x32xf32, #tpu.memory_space<vmem_shared>>
            tpu.wait_indirect_dma semaphore(%run_scoped3A_85 : memref<!tpu.dma_semaphore, #tpu.memory_space<semaphore_mem>>) src(%dma_wait3A_97 : memref<128x32xf32, #tpu.memory_space<vmem>>) dst(%dma_wait3A_103 : memref<50000x32xf32, #tpu.memory_space<vmem_shared>>)
            tpu.yield
          }) : () -> ()
        } else {
        }
      }
      %scan3A_49 = arith.constant 98 : i32
    } else {
    }
    %ge3A = arith.constant 16 : i32
    %ge3A_13 = arith.cmpi sge, %add3A, %ge3A : i32
    %convert_element_type3A_14 = arith.extui %ge3A_13 : i1 to i32
    %cond3A_15 = arith.constant 0 : i32
    %cond3A_16 = arith.cmpi ne, %convert_element_type3A_14, %cond3A_15 : i32
    scf.if %cond3A_16 {
      %sub3A = arith.constant 16 : i32
      %sub3A_22 = arith.subi %add3A, %sub3A : i32
      %mul3A_23 = arith.constant 195 : i32
      %mul3A_24 = arith.muli %sub3A_22, %mul3A_23 : i32
      %min3A = arith.constant 5 : i32
      %min3A_25 = arith.minsi %sub3A_22, %min3A : i32
      %add3A_26 = arith.addi %mul3A_24, %min3A_25 : i32
      %lt3A_27 = arith.constant 5 : i32
      %lt3A_28 = arith.cmpi slt, %sub3A_22, %lt3A_27 : i32
      %jit3A = arith.constant 1 : i32
      %jit3A_29 = arith.constant 0 : i32
      %select_n3A = arith.select %lt3A_28, %jit3A, %jit3A_29 : i32
      %add3A_30 = arith.constant 195 : i32
      %add3A_31 = arith.addi %add3A_30, %select_n3A : i32
      %mul3A_32 = arith.constant 256 : i32
      %mul3A_33 = arith.muli %mul3A_32, %add3A_26 : i32
      %add3A_34 = arith.constant 3125 : i32
      %add3A_35 = arith.addi %add3A_34, %add3A_26 : i32
      %mul3A_36 = arith.constant 2 : i32
      %mul3A_37 = arith.muli %mul3A_36, %add3A_35 : i32
      %dma_start3A_38 = arith.constant 0 : i32
      %dma_start3A_39 = tpu.memref_slice %arg3[%mul3A_33, %dma_start3A_38] : memref<800000x32xf32, #tpu.memory_space<hbm>> -> memref<256x32xf32, #tpu.memory_space<hbm>>
      %dma_start3A_40 = arith.constant 0 : i32
      %dma_start3A_41 = tpu.memref_slice %arg3[%mul3A_33, %dma_start3A_40] : memref<800000x32xf32, #tpu.memory_space<hbm>> -> memref<256x32xf32, #tpu.memory_space<hbm>>
      tpu.enqueue_dma source(%dma_start3A_41 : memref<256x32xf32, #tpu.memory_space<hbm>>) target(%arg9 : memref<256x32xf32, #tpu.memory_space<vmem>>) target_semaphore(%arg11 : memref<!tpu.dma_semaphore, #tpu.memory_space<semaphore_mem>>)
      %dma_start3A_42 = arith.constant 0 : i32
      %dma_start3A_43 = tpu.memref_slice %arg4[%mul3A_37, %dma_start3A_42] : memref<12500x128xi32, #tpu.memory_space<hbm>> -> memref<2x128xi32, #tpu.memory_space<hbm>>
      %dma_start3A_44 = arith.constant 0 : i32
      %dma_start3A_45 = tpu.memref_slice %arg4[%mul3A_37, %dma_start3A_44] : memref<12500x128xi32, #tpu.memory_space<hbm>> -> memref<2x128xi32, #tpu.memory_space<hbm>>
      tpu.enqueue_dma source(%dma_start3A_45 : memref<2x128xi32, #tpu.memory_space<hbm>>) target(%arg7 : memref<2x128xi32, #tpu.memory_space<vmem>>) target_semaphore(%arg11 : memref<!tpu.dma_semaphore, #tpu.memory_space<semaphore_mem>>)
      %scan3A = arith.constant 0 : i32
      %scan3A_46 = arith.constant 0 : i32
      %scan3A_47 = arith.constant 98 : i32
      %scan3A_48 = arith.addi %scan3A_46, %scan3A_47 : i32
      %scan3A_49 = arith.constant 1 : i32
      scf.for %scan3A_51 = %scan3A_46 to %scan3A_48 step %scan3A_49  : i32 {
        %mul3A_52 = arith.constant 2 : i32
        %mul3A_53 = arith.muli %mul3A_52, %scan3A_51 : i32
        %add3A_54 = arith.addi %add3A_26, %mul3A_53 : i32
        %add3A_55 = arith.constant 1 : i32
        %add3A_56 = arith.addi %add3A_54, %add3A_55 : i32
        %mul3A_57 = arith.constant 2 : i32
        %mul3A_58 = arith.muli %mul3A_57, %scan3A_51 : i32
        %lt3A_59 = arith.cmpi slt, %mul3A_58, %add3A_31 : i32
        %convert_element_type3A_60 = arith.extui %lt3A_59 : i1 to i32
        %cond3A_61 = arith.constant 0 : i32
        %cond3A_62 = arith.cmpi ne, %convert_element_type3A_60, %cond3A_61 : i32
        scf.if %cond3A_62 {
          %mul3A_71 = arith.constant 256 : i32
          %mul3A_72 = arith.muli %mul3A_71, %add3A_54 : i32
          %add3A_73 = arith.constant 3125 : i32
          %add3A_74 = arith.addi %add3A_73, %add3A_54 : i32
          %mul3A_75 = arith.constant 2 : i32
          %mul3A_76 = arith.muli %mul3A_75, %add3A_74 : i32
          %dma_wait3A_77 = arith.constant 0 : i32
          %dma_wait3A_78 = tpu.memref_slice %arg3[%mul3A_72, %dma_wait3A_77] : memref<800000x32xf32, #tpu.memory_space<hbm>> -> memref<256x32xf32, #tpu.memory_space<hbm>>
          %dma_wait3A_79 = arith.constant 0 : i32
          %dma_wait3A_80 = tpu.memref_slice %arg3[%mul3A_72, %dma_wait3A_79] : memref<800000x32xf32, #tpu.memory_space<hbm>> -> memref<256x32xf32, #tpu.memory_space<hbm>>
          tpu.wait_dma2 semaphore(%arg11 : memref<!tpu.dma_semaphore, #tpu.memory_space<semaphore_mem>>) src(%dma_wait3A_80 : memref<256x32xf32, #tpu.memory_space<hbm>>) dst(%arg9 : memref<256x32xf32, #tpu.memory_space<vmem>>)
          %dma_wait3A_81 = arith.constant 0 : i32
          %dma_wait3A_82 = tpu.memref_slice %arg4[%mul3A_76, %dma_wait3A_81] : memref<12500x128xi32, #tpu.memory_space<hbm>> -> memref<2x128xi32, #tpu.memory_space<hbm>>
          %dma_wait3A_83 = arith.constant 0 : i32
          %dma_wait3A_84 = tpu.memref_slice %arg4[%mul3A_76, %dma_wait3A_83] : memref<12500x128xi32, #tpu.memory_space<hbm>> -> memref<2x128xi32, #tpu.memory_space<hbm>>
          tpu.wait_dma2 semaphore(%arg11 : memref<!tpu.dma_semaphore, #tpu.memory_space<semaphore_mem>>) src(%dma_wait3A_84 : memref<2x128xi32, #tpu.memory_space<hbm>>) dst(%arg7 : memref<2x128xi32, #tpu.memory_space<vmem>>)
          %mul3A_85 = arith.constant 2 : i32
          %mul3A_86 = arith.muli %mul3A_85, %scan3A_51 : i32
          %add3A_87 = arith.constant 1 : i32
          %add3A_88 = arith.addi %mul3A_86, %add3A_87 : i32
          %lt3A_89 = arith.cmpi slt, %add3A_88, %add3A_31 : i32
          %convert_element_type3A_90 = arith.extui %lt3A_89 : i1 to i32
          %cond3A_91 = arith.constant 0 : i32
          %cond3A_92 = arith.cmpi ne, %convert_element_type3A_90, %cond3A_91 : i32
          scf.if %cond3A_92 {
            %mul3A_102 = arith.constant 256 : i32
            %mul3A_103 = arith.muli %mul3A_102, %add3A_56 : i32
            %add3A_104 = arith.constant 3125 : i32
            %add3A_105 = arith.addi %add3A_104, %add3A_56 : i32
            %mul3A_106 = arith.constant 2 : i32
            %mul3A_107 = arith.muli %mul3A_106, %add3A_105 : i32
            %dma_start3A_108 = arith.constant 0 : i32
            %dma_start3A_109 = tpu.memref_slice %arg3[%mul3A_103, %dma_start3A_108] : memref<800000x32xf32, #tpu.memory_space<hbm>> -> memref<256x32xf32, #tpu.memory_space<hbm>>
            %dma_start3A_110 = arith.constant 0 : i32
            %dma_start3A_111 = tpu.memref_slice %arg3[%mul3A_103, %dma_start3A_110] : memref<800000x32xf32, #tpu.memory_space<hbm>> -> memref<256x32xf32, #tpu.memory_space<hbm>>
            tpu.enqueue_dma source(%dma_start3A_111 : memref<256x32xf32, #tpu.memory_space<hbm>>) target(%arg10 : memref<256x32xf32, #tpu.memory_space<vmem>>) target_semaphore(%arg12 : memref<!tpu.dma_semaphore, #tpu.memory_space<semaphore_mem>>)
            %dma_start3A_112 = arith.constant 0 : i32
            %dma_start3A_113 = tpu.memref_slice %arg4[%mul3A_107, %dma_start3A_112] : memref<12500x128xi32, #tpu.memory_space<hbm>> -> memref<2x128xi32, #tpu.memory_space<hbm>>
            %dma_start3A_114 = arith.constant 0 : i32
            %dma_start3A_115 = tpu.memref_slice %arg4[%mul3A_107, %dma_start3A_114] : memref<12500x128xi32, #tpu.memory_space<hbm>> -> memref<2x128xi32, #tpu.memory_space<hbm>>
            tpu.enqueue_dma source(%dma_start3A_115 : memref<2x128xi32, #tpu.memory_space<hbm>>) target(%arg8 : memref<2x128xi32, #tpu.memory_space<vmem>>) target_semaphore(%arg12 : memref<!tpu.dma_semaphore, #tpu.memory_space<semaphore_mem>>)
          } else {
          }
          %run_scoped3A = arith.constant 0 : i32
          "tpu.region"() ({
            %run_scoped3A_102 = tpu.sem_alloc : memref<!tpu.dma_semaphore, #tpu.memory_space<semaphore_mem>>
            %dma_start3A_103 = arith.constant 0 : i32
            %dma_start3A_104 = arith.constant 0 : i32
            %dma_start3A_105 = tpu.memref_slice %arg9[%dma_start3A_103, %dma_start3A_104] : memref<256x32xf32, #tpu.memory_space<vmem>> -> memref<128x32xf32, #tpu.memory_space<vmem>>
            %dma_start3A_106 = arith.constant 0 : i32
            %dma_start3A_107 = tpu.memref_slice %arg7[%run_scoped3A, %dma_start3A_106] : memref<2x128xi32, #tpu.memory_space<vmem>> -> memref<1x128xi32, #tpu.memory_space<vmem>>
            %dma_start3A_108 = tpu.memref_squeeze %dma_start3A_107 : memref<1x128xi32, #tpu.memory_space<vmem>> -> memref<128xi32, #tpu.memory_space<vmem>>
            %dma_start3A_109 = arith.constant 0 : i32
            %dma_start3A_110 = arith.constant 0 : i32
            %dma_start3A_111 = tpu.memref_slice %arg14[%dma_start3A_109, %dma_start3A_110] : memref<50000x32xf32, #tpu.memory_space<vmem_shared>> -> memref<50000x32xf32, #tpu.memory_space<vmem_shared>>
            tpu.enqueue_indirect_dma source(%dma_start3A_105 : memref<128x32xf32, #tpu.memory_space<vmem>>) target(%dma_start3A_111 : memref<50000x32xf32, #tpu.memory_space<vmem_shared>>) offsets(%dma_start3A_108 : memref<128xi32, #tpu.memory_space<vmem>>) semaphore(%run_scoped3A_102 : memref<!tpu.dma_semaphore, #tpu.memory_space<semaphore_mem>>) {add = true}
            %dma_wait3A_112 = arith.constant 0 : i32
            %dma_wait3A_113 = arith.constant 0 : i32
            %dma_wait3A_114 = tpu.memref_slice %arg9[%dma_wait3A_112, %dma_wait3A_113] : memref<256x32xf32, #tpu.memory_space<vmem>> -> memref<128x32xf32, #tpu.memory_space<vmem>>
            %dma_wait3A_115 = arith.constant 0 : i32
            %dma_wait3A_116 = tpu.memref_slice %arg7[%run_scoped3A, %dma_wait3A_115] : memref<2x128xi32, #tpu.memory_space<vmem>> -> memref<1x128xi32, #tpu.memory_space<vmem>>
            %dma_wait3A_117 = tpu.memref_squeeze %dma_wait3A_116 : memref<1x128xi32, #tpu.memory_space<vmem>> -> memref<128xi32, #tpu.memory_space<vmem>>
            %dma_wait3A_118 = arith.constant 0 : i32
            %dma_wait3A_119 = arith.constant 0 : i32
            %dma_wait3A_120 = tpu.memref_slice %arg14[%dma_wait3A_118, %dma_wait3A_119] : memref<50000x32xf32, #tpu.memory_space<vmem_shared>> -> memref<50000x32xf32, #tpu.memory_space<vmem_shared>>
            tpu.wait_indirect_dma semaphore(%run_scoped3A_102 : memref<!tpu.dma_semaphore, #tpu.memory_space<semaphore_mem>>) src(%dma_wait3A_114 : memref<128x32xf32, #tpu.memory_space<vmem>>) dst(%dma_wait3A_120 : memref<50000x32xf32, #tpu.memory_space<vmem_shared>>)
            tpu.yield
          }) : () -> ()
          %run_scoped3A_93 = arith.constant 1 : i32
          "tpu.region"() ({
            %run_scoped3A_102 = tpu.sem_alloc : memref<!tpu.dma_semaphore, #tpu.memory_space<semaphore_mem>>
            %dma_start3A_103 = arith.constant 128 : i32
            %dma_start3A_104 = arith.constant 0 : i32
            %dma_start3A_105 = tpu.memref_slice %arg9[%dma_start3A_103, %dma_start3A_104] : memref<256x32xf32, #tpu.memory_space<vmem>> -> memref<128x32xf32, #tpu.memory_space<vmem>>
            %dma_start3A_106 = arith.constant 0 : i32
            %dma_start3A_107 = tpu.memref_slice %arg7[%run_scoped3A_93, %dma_start3A_106] : memref<2x128xi32, #tpu.memory_space<vmem>> -> memref<1x128xi32, #tpu.memory_space<vmem>>
            %dma_start3A_108 = tpu.memref_squeeze %dma_start3A_107 : memref<1x128xi32, #tpu.memory_space<vmem>> -> memref<128xi32, #tpu.memory_space<vmem>>
            %dma_start3A_109 = arith.constant 0 : i32
            %dma_start3A_110 = arith.constant 0 : i32
            %dma_start3A_111 = tpu.memref_slice %arg14[%dma_start3A_109, %dma_start3A_110] : memref<50000x32xf32, #tpu.memory_space<vmem_shared>> -> memref<50000x32xf32, #tpu.memory_space<vmem_shared>>
            tpu.enqueue_indirect_dma source(%dma_start3A_105 : memref<128x32xf32, #tpu.memory_space<vmem>>) target(%dma_start3A_111 : memref<50000x32xf32, #tpu.memory_space<vmem_shared>>) offsets(%dma_start3A_108 : memref<128xi32, #tpu.memory_space<vmem>>) semaphore(%run_scoped3A_102 : memref<!tpu.dma_semaphore, #tpu.memory_space<semaphore_mem>>) {add = true}
            %dma_wait3A_112 = arith.constant 128 : i32
            %dma_wait3A_113 = arith.constant 0 : i32
            %dma_wait3A_114 = tpu.memref_slice %arg9[%dma_wait3A_112, %dma_wait3A_113] : memref<256x32xf32, #tpu.memory_space<vmem>> -> memref<128x32xf32, #tpu.memory_space<vmem>>
            %dma_wait3A_115 = arith.constant 0 : i32
            %dma_wait3A_116 = tpu.memref_slice %arg7[%run_scoped3A_93, %dma_wait3A_115] : memref<2x128xi32, #tpu.memory_space<vmem>> -> memref<1x128xi32, #tpu.memory_space<vmem>>
            %dma_wait3A_117 = tpu.memref_squeeze %dma_wait3A_116 : memref<1x128xi32, #tpu.memory_space<vmem>> -> memref<128xi32, #tpu.memory_space<vmem>>
            %dma_wait3A_118 = arith.constant 0 : i32
            %dma_wait3A_119 = arith.constant 0 : i32
            %dma_wait3A_120 = tpu.memref_slice %arg14[%dma_wait3A_118, %dma_wait3A_119] : memref<50000x32xf32, #tpu.memory_space<vmem_shared>> -> memref<50000x32xf32, #tpu.memory_space<vmem_shared>>
            tpu.wait_indirect_dma semaphore(%run_scoped3A_102 : memref<!tpu.dma_semaphore, #tpu.memory_space<semaphore_mem>>) src(%dma_wait3A_114 : memref<128x32xf32, #tpu.memory_space<vmem>>) dst(%dma_wait3A_120 : memref<50000x32xf32, #tpu.memory_space<vmem_shared>>)
            tpu.yield
          }) : () -> ()
          %mul3A_94 = arith.constant 2 : i32
          %mul3A_95 = arith.muli %mul3A_94, %scan3A_51 : i32
          %add3A_96 = arith.constant 2 : i32
          %add3A_97 = arith.addi %mul3A_95, %add3A_96 : i32
          %lt3A_98 = arith.cmpi slt, %add3A_97, %add3A_31 : i32
          %convert_element_type3A_99 = arith.extui %lt3A_98 : i1 to i32
          %cond3A_100 = arith.constant 0 : i32
          %cond3A_101 = arith.cmpi ne, %convert_element_type3A_99, %cond3A_100 : i32
          scf.if %cond3A_101 {
            %add3A_102 = arith.constant 2 : i32
            %add3A_103 = arith.addi %add3A_54, %add3A_102 : i32
            %mul3A_104 = arith.constant 256 : i32
            %mul3A_105 = arith.muli %mul3A_104, %add3A_103 : i32
            %add3A_106 = arith.constant 3125 : i32
            %add3A_107 = arith.addi %add3A_106, %add3A_103 : i32
            %mul3A_108 = arith.constant 2 : i32
            %mul3A_109 = arith.muli %mul3A_108, %add3A_107 : i32
            %dma_start3A_110 = arith.constant 0 : i32
            %dma_start3A_111 = tpu.memref_slice %arg3[%mul3A_105, %dma_start3A_110] : memref<800000x32xf32, #tpu.memory_space<hbm>> -> memref<256x32xf32, #tpu.memory_space<hbm>>
            %dma_start3A_112 = arith.constant 0 : i32
            %dma_start3A_113 = tpu.memref_slice %arg3[%mul3A_105, %dma_start3A_112] : memref<800000x32xf32, #tpu.memory_space<hbm>> -> memref<256x32xf32, #tpu.memory_space<hbm>>
            tpu.enqueue_dma source(%dma_start3A_113 : memref<256x32xf32, #tpu.memory_space<hbm>>) target(%arg9 : memref<256x32xf32, #tpu.memory_space<vmem>>) target_semaphore(%arg11 : memref<!tpu.dma_semaphore, #tpu.memory_space<semaphore_mem>>)
            %dma_start3A_114 = arith.constant 0 : i32
            %dma_start3A_115 = tpu.memref_slice %arg4[%mul3A_109, %dma_start3A_114] : memref<12500x128xi32, #tpu.memory_space<hbm>> -> memref<2x128xi32, #tpu.memory_space<hbm>>
            %dma_start3A_116 = arith.constant 0 : i32
            %dma_start3A_117 = tpu.memref_slice %arg4[%mul3A_109, %dma_start3A_116] : memref<12500x128xi32, #tpu.memory_space<hbm>> -> memref<2x128xi32, #tpu.memory_space<hbm>>
            tpu.enqueue_dma source(%dma_start3A_117 : memref<2x128xi32, #tpu.memory_space<hbm>>) target(%arg7 : memref<2x128xi32, #tpu.memory_space<vmem>>) target_semaphore(%arg11 : memref<!tpu.dma_semaphore, #tpu.memory_space<semaphore_mem>>)
          } else {
          }
        } else {
        }
        %mul3A_63 = arith.constant 2 : i32
        %mul3A_64 = arith.muli %mul3A_63, %scan3A_51 : i32
        %add3A_65 = arith.constant 1 : i32
        %add3A_66 = arith.addi %mul3A_64, %add3A_65 : i32
        %lt3A_67 = arith.cmpi slt, %add3A_66, %add3A_31 : i32
        %convert_element_type3A_68 = arith.extui %lt3A_67 : i1 to i32
        %cond3A_69 = arith.constant 0 : i32
        %cond3A_70 = arith.cmpi ne, %convert_element_type3A_68, %cond3A_69 : i32
        scf.if %cond3A_70 {
          %mul3A_71 = arith.constant 256 : i32
          %mul3A_72 = arith.muli %mul3A_71, %add3A_56 : i32
          %add3A_73 = arith.constant 3125 : i32
          %add3A_74 = arith.addi %add3A_73, %add3A_56 : i32
          %mul3A_75 = arith.constant 2 : i32
          %mul3A_76 = arith.muli %mul3A_75, %add3A_74 : i32
          %dma_wait3A_77 = arith.constant 0 : i32
          %dma_wait3A_78 = tpu.memref_slice %arg3[%mul3A_72, %dma_wait3A_77] : memref<800000x32xf32, #tpu.memory_space<hbm>> -> memref<256x32xf32, #tpu.memory_space<hbm>>
          %dma_wait3A_79 = arith.constant 0 : i32
          %dma_wait3A_80 = tpu.memref_slice %arg3[%mul3A_72, %dma_wait3A_79] : memref<800000x32xf32, #tpu.memory_space<hbm>> -> memref<256x32xf32, #tpu.memory_space<hbm>>
          tpu.wait_dma2 semaphore(%arg12 : memref<!tpu.dma_semaphore, #tpu.memory_space<semaphore_mem>>) src(%dma_wait3A_80 : memref<256x32xf32, #tpu.memory_space<hbm>>) dst(%arg10 : memref<256x32xf32, #tpu.memory_space<vmem>>)
          %dma_wait3A_81 = arith.constant 0 : i32
          %dma_wait3A_82 = tpu.memref_slice %arg4[%mul3A_76, %dma_wait3A_81] : memref<12500x128xi32, #tpu.memory_space<hbm>> -> memref<2x128xi32, #tpu.memory_space<hbm>>
          %dma_wait3A_83 = arith.constant 0 : i32
          %dma_wait3A_84 = tpu.memref_slice %arg4[%mul3A_76, %dma_wait3A_83] : memref<12500x128xi32, #tpu.memory_space<hbm>> -> memref<2x128xi32, #tpu.memory_space<hbm>>
          tpu.wait_dma2 semaphore(%arg12 : memref<!tpu.dma_semaphore, #tpu.memory_space<semaphore_mem>>) src(%dma_wait3A_84 : memref<2x128xi32, #tpu.memory_space<hbm>>) dst(%arg8 : memref<2x128xi32, #tpu.memory_space<vmem>>)
          %run_scoped3A = arith.constant 0 : i32
          "tpu.region"() ({
            %run_scoped3A_86 = tpu.sem_alloc : memref<!tpu.dma_semaphore, #tpu.memory_space<semaphore_mem>>
            %dma_start3A_87 = arith.constant 0 : i32
            %dma_start3A_88 = arith.constant 0 : i32
            %dma_start3A_89 = tpu.memref_slice %arg10[%dma_start3A_87, %dma_start3A_88] : memref<256x32xf32, #tpu.memory_space<vmem>> -> memref<128x32xf32, #tpu.memory_space<vmem>>
            %dma_start3A_90 = arith.constant 0 : i32
            %dma_start3A_91 = tpu.memref_slice %arg8[%run_scoped3A, %dma_start3A_90] : memref<2x128xi32, #tpu.memory_space<vmem>> -> memref<1x128xi32, #tpu.memory_space<vmem>>
            %dma_start3A_92 = tpu.memref_squeeze %dma_start3A_91 : memref<1x128xi32, #tpu.memory_space<vmem>> -> memref<128xi32, #tpu.memory_space<vmem>>
            %dma_start3A_93 = arith.constant 0 : i32
            %dma_start3A_94 = arith.constant 0 : i32
            %dma_start3A_95 = tpu.memref_slice %arg14[%dma_start3A_93, %dma_start3A_94] : memref<50000x32xf32, #tpu.memory_space<vmem_shared>> -> memref<50000x32xf32, #tpu.memory_space<vmem_shared>>
            tpu.enqueue_indirect_dma source(%dma_start3A_89 : memref<128x32xf32, #tpu.memory_space<vmem>>) target(%dma_start3A_95 : memref<50000x32xf32, #tpu.memory_space<vmem_shared>>) offsets(%dma_start3A_92 : memref<128xi32, #tpu.memory_space<vmem>>) semaphore(%run_scoped3A_86 : memref<!tpu.dma_semaphore, #tpu.memory_space<semaphore_mem>>) {add = true}
            %dma_wait3A_96 = arith.constant 0 : i32
            %dma_wait3A_97 = arith.constant 0 : i32
            %dma_wait3A_98 = tpu.memref_slice %arg10[%dma_wait3A_96, %dma_wait3A_97] : memref<256x32xf32, #tpu.memory_space<vmem>> -> memref<128x32xf32, #tpu.memory_space<vmem>>
            %dma_wait3A_99 = arith.constant 0 : i32
            %dma_wait3A_100 = tpu.memref_slice %arg8[%run_scoped3A, %dma_wait3A_99] : memref<2x128xi32, #tpu.memory_space<vmem>> -> memref<1x128xi32, #tpu.memory_space<vmem>>
            %dma_wait3A_101 = tpu.memref_squeeze %dma_wait3A_100 : memref<1x128xi32, #tpu.memory_space<vmem>> -> memref<128xi32, #tpu.memory_space<vmem>>
            %dma_wait3A_102 = arith.constant 0 : i32
            %dma_wait3A_103 = arith.constant 0 : i32
            %dma_wait3A_104 = tpu.memref_slice %arg14[%dma_wait3A_102, %dma_wait3A_103] : memref<50000x32xf32, #tpu.memory_space<vmem_shared>> -> memref<50000x32xf32, #tpu.memory_space<vmem_shared>>
            tpu.wait_indirect_dma semaphore(%run_scoped3A_86 : memref<!tpu.dma_semaphore, #tpu.memory_space<semaphore_mem>>) src(%dma_wait3A_98 : memref<128x32xf32, #tpu.memory_space<vmem>>) dst(%dma_wait3A_104 : memref<50000x32xf32, #tpu.memory_space<vmem_shared>>)
            tpu.yield
          }) : () -> ()
          %run_scoped3A_85 = arith.constant 1 : i32
          "tpu.region"() ({
            %run_scoped3A_86 = tpu.sem_alloc : memref<!tpu.dma_semaphore, #tpu.memory_space<semaphore_mem>>
            %dma_start3A_87 = arith.constant 128 : i32
            %dma_start3A_88 = arith.constant 0 : i32
            %dma_start3A_89 = tpu.memref_slice %arg10[%dma_start3A_87, %dma_start3A_88] : memref<256x32xf32, #tpu.memory_space<vmem>> -> memref<128x32xf32, #tpu.memory_space<vmem>>
            %dma_start3A_90 = arith.constant 0 : i32
            %dma_start3A_91 = tpu.memref_slice %arg8[%run_scoped3A_85, %dma_start3A_90] : memref<2x128xi32, #tpu.memory_space<vmem>> -> memref<1x128xi32, #tpu.memory_space<vmem>>
            %dma_start3A_92 = tpu.memref_squeeze %dma_start3A_91 : memref<1x128xi32, #tpu.memory_space<vmem>> -> memref<128xi32, #tpu.memory_space<vmem>>
            %dma_start3A_93 = arith.constant 0 : i32
            %dma_start3A_94 = arith.constant 0 : i32
            %dma_start3A_95 = tpu.memref_slice %arg14[%dma_start3A_93, %dma_start3A_94] : memref<50000x32xf32, #tpu.memory_space<vmem_shared>> -> memref<50000x32xf32, #tpu.memory_space<vmem_shared>>
            tpu.enqueue_indirect_dma source(%dma_start3A_89 : memref<128x32xf32, #tpu.memory_space<vmem>>) target(%dma_start3A_95 : memref<50000x32xf32, #tpu.memory_space<vmem_shared>>) offsets(%dma_start3A_92 : memref<128xi32, #tpu.memory_space<vmem>>) semaphore(%run_scoped3A_86 : memref<!tpu.dma_semaphore, #tpu.memory_space<semaphore_mem>>) {add = true}
            %dma_wait3A_96 = arith.constant 128 : i32
            %dma_wait3A_97 = arith.constant 0 : i32
            %dma_wait3A_98 = tpu.memref_slice %arg10[%dma_wait3A_96, %dma_wait3A_97] : memref<256x32xf32, #tpu.memory_space<vmem>> -> memref<128x32xf32, #tpu.memory_space<vmem>>
            %dma_wait3A_99 = arith.constant 0 : i32
            %dma_wait3A_100 = tpu.memref_slice %arg8[%run_scoped3A_85, %dma_wait3A_99] : memref<2x128xi32, #tpu.memory_space<vmem>> -> memref<1x128xi32, #tpu.memory_space<vmem>>
            %dma_wait3A_101 = tpu.memref_squeeze %dma_wait3A_100 : memref<1x128xi32, #tpu.memory_space<vmem>> -> memref<128xi32, #tpu.memory_space<vmem>>
            %dma_wait3A_102 = arith.constant 0 : i32
            %dma_wait3A_103 = arith.constant 0 : i32
            %dma_wait3A_104 = tpu.memref_slice %arg14[%dma_wait3A_102, %dma_wait3A_103] : memref<50000x32xf32, #tpu.memory_space<vmem_shared>> -> memref<50000x32xf32, #tpu.memory_space<vmem_shared>>
            tpu.wait_indirect_dma semaphore(%run_scoped3A_86 : memref<!tpu.dma_semaphore, #tpu.memory_space<semaphore_mem>>) src(%dma_wait3A_98 : memref<128x32xf32, #tpu.memory_space<vmem>>) dst(%dma_wait3A_104 : memref<50000x32xf32, #tpu.memory_space<vmem_shared>>)
            tpu.yield
          }) : () -> ()
        } else {
        }
      }
      %scan3A_50 = arith.constant 98 : i32
    } else {
    }
    %barrier3A_17 = arith.constant 0 : index
    tpu.barrier barrier_id(%barrier3A_17)
    %mul3A_18 = arith.constant 3125 : i32
    %mul3A_19 = arith.muli %arg1, %mul3A_18 : i32
    %mul3A_20 = arith.constant 3125 : i32
    %mul3A_21 = arith.muli %arg1, %mul3A_20 : i32
    "tpu.region"() ({
      %run_scoped3A = tpu.sem_alloc : memref<!tpu.dma_semaphore, #tpu.memory_space<semaphore_mem>>
      %dma_start3A_22 = arith.constant 0 : i32
      %dma_start3A_23 = tpu.memref_slice %arg6[%arg0, %mul3A_21, %dma_start3A_22] : memref<2x50000x32xf32, #tpu.memory_space<hbm>> -> memref<1x3125x32xf32, #tpu.memory_space<hbm>>
      %dma_start3A_24 = tpu.memref_squeeze %dma_start3A_23 : memref<1x3125x32xf32, #tpu.memory_space<hbm>> -> memref<3125x32xf32, #tpu.memory_space<hbm>>
      %dma_start3A_25 = arith.constant 0 : i32
      %dma_start3A_26 = tpu.memref_slice %arg14[%mul3A_19, %dma_start3A_25] : memref<50000x32xf32, #tpu.memory_space<vmem_shared>> -> memref<3125x32xf32, #tpu.memory_space<vmem_shared>>
      tpu.enqueue_dma source(%dma_start3A_26 : memref<3125x32xf32, #tpu.memory_space<vmem_shared>>) target(%dma_start3A_24 : memref<3125x32xf32, #tpu.memory_space<hbm>>) target_semaphore(%run_scoped3A : memref<!tpu.dma_semaphore, #tpu.memory_space<semaphore_mem>>)
      %dma_wait3A_27 = arith.constant 0 : i32
      %dma_wait3A_28 = tpu.memref_slice %arg6[%arg0, %mul3A_21, %dma_wait3A_27] : memref<2x50000x32xf32, #tpu.memory_space<hbm>> -> memref<1x3125x32xf32, #tpu.memory_space<hbm>>
      %dma_wait3A_29 = tpu.memref_squeeze %dma_wait3A_28 : memref<1x3125x32xf32, #tpu.memory_space<hbm>> -> memref<3125x32xf32, #tpu.memory_space<hbm>>
      %dma_wait3A_30 = arith.constant 0 : i32
      %dma_wait3A_31 = tpu.memref_slice %arg14[%mul3A_19, %dma_wait3A_30] : memref<50000x32xf32, #tpu.memory_space<vmem_shared>> -> memref<3125x32xf32, #tpu.memory_space<vmem_shared>>
      tpu.wait_dma2 semaphore(%run_scoped3A : memref<!tpu.dma_semaphore, #tpu.memory_space<semaphore_mem>>) src(%dma_wait3A_31 : memref<3125x32xf32, #tpu.memory_space<vmem_shared>>) dst(%dma_wait3A_29 : memref<3125x32xf32, #tpu.memory_space<hbm>>)
      tpu.yield
    }) : () -> ()
    return
  }
}

module attributes {stable_mosaic.version = 14 : i64} {
  func.func @_enc_body(%arg0: i32, %arg1: memref<5000x3xf32, #tpu.memory_space<vmem>>, %arg2: memref<3x32xf32, #tpu.memory_space<vmem>>, %arg3: memref<1x32xf32, #tpu.memory_space<vmem>>, %arg4: memref<1x32xf32, #tpu.memory_space<vmem>>, %arg5: memref<1x32xf32, #tpu.memory_space<vmem>>, %arg6: memref<32x16xf32, #tpu.memory_space<vmem>>, %arg7: memref<1x16xf32, #tpu.memory_space<vmem>>, %arg8: memref<1x16xf32, #tpu.memory_space<vmem>>, %arg9: memref<1x16xf32, #tpu.memory_space<vmem>>, %arg10: memref<5000x16xf32, #tpu.memory_space<vmem>>) attributes {dimension_semantics = [#tpu.dimension_semantics<arbitrary>], iteration_bounds = array<i64: 10>, scalar_prefetch = 0 : i64, scratch_operands = 0 : i64, tpu.core_type = #tpu.core_type<tc>, window_params = [{transform_indices = @transform_0, window_bounds = array<i64: 5000, 3>}, {pipeline_mode = #tpu.pipeline_mode<synchronous>, transform_indices = @transform_1, window_bounds = array<i64: 3, 32>}, {pipeline_mode = #tpu.pipeline_mode<synchronous>, transform_indices = @transform_2, window_bounds = array<i64: 1, 32>}, {pipeline_mode = #tpu.pipeline_mode<synchronous>, transform_indices = @transform_3, window_bounds = array<i64: 1, 32>}, {pipeline_mode = #tpu.pipeline_mode<synchronous>, transform_indices = @transform_4, window_bounds = array<i64: 1, 32>}, {pipeline_mode = #tpu.pipeline_mode<synchronous>, transform_indices = @transform_5, window_bounds = array<i64: 32, 16>}, {pipeline_mode = #tpu.pipeline_mode<synchronous>, transform_indices = @transform_6, window_bounds = array<i64: 1, 16>}, {pipeline_mode = #tpu.pipeline_mode<synchronous>, transform_indices = @transform_7, window_bounds = array<i64: 1, 16>}, {pipeline_mode = #tpu.pipeline_mode<synchronous>, transform_indices = @transform_8, window_bounds = array<i64: 1, 16>}, {transform_indices = @transform_9, window_bounds = array<i64: 5000, 16>}]} {
    %get3A = arith.constant 0 : index
    %get3A_0 = arith.constant 0 : index
    %get3A_1 = vector.load %arg1[%get3A, %get3A_0] : memref<5000x3xf32, #tpu.memory_space<vmem>>, vector<5000x3xf32>
    %get3A_2 = arith.constant 0 : index
    %get3A_3 = arith.constant 0 : index
    %get3A_4 = vector.load %arg2[%get3A_2, %get3A_3] : memref<3x32xf32, #tpu.memory_space<vmem>>, vector<3x32xf32>
    %get3A_5 = arith.constant 0 : index
    %get3A_6 = arith.constant 0 : index
    %get3A_7 = vector.load %arg3[%get3A_5, %get3A_6] : memref<1x32xf32, #tpu.memory_space<vmem>>, vector<1x32xf32>
    %get3A_8 = arith.constant 0 : index
    %get3A_9 = arith.constant 0 : index
    %get3A_10 = vector.load %arg4[%get3A_8, %get3A_9] : memref<1x32xf32, #tpu.memory_space<vmem>>, vector<1x32xf32>
    %get3A_11 = arith.constant 0 : index
    %get3A_12 = arith.constant 0 : index
    %get3A_13 = vector.load %arg5[%get3A_11, %get3A_12] : memref<1x32xf32, #tpu.memory_space<vmem>>, vector<1x32xf32>
    %dot_general3A = arith.constant dense<0.000000e+00> : vector<5000x32xf32>
    %dot_general3A_14 = tpu.matmul %get3A_1, %get3A_4, %dot_general3A {dimension_numbers = #tpu.dot_dimension_numbers<[1], [0], [0], [1], [0, 0, 1, 1], [], []>, transpose_lhs_hint = false} : vector<5000x3xf32>, vector<3x32xf32>, vector<5000x32xf32> -> vector<5000x32xf32>
    %add3A = vector.broadcast %get3A_7 : vector<1x32xf32> to vector<5000x32xf32>
    %add3A_15 = arith.addf %dot_general3A_14, %add3A : vector<5000x32xf32>
    %reduce_sum3A = arith.constant dense<0.000000e+00> : vector<5000xf32>
    %reduce_sum3A_16 = vector.multi_reduction <add>, %add3A_15, %reduce_sum3A [1] : vector<5000x32xf32> to vector<5000xf32>
    %broadcast_in_dim3A = vector.shape_cast %reduce_sum3A_16 : vector<5000xf32> to vector<5000x1xf32>
    %div3A = arith.constant 3.200000e+01 : f32
    %div3A_17 = vector.broadcast %div3A : f32 to vector<5000x1xf32>
    %div3A_18 = arith.divf %broadcast_in_dim3A, %div3A_17 : vector<5000x1xf32>
    %sub3A = vector.broadcast %div3A_18 : vector<5000x1xf32> to vector<5000x32xf32>
    %sub3A_19 = arith.subf %add3A_15, %sub3A : vector<5000x32xf32>
    %mul3A = arith.mulf %sub3A_19, %sub3A_19 : vector<5000x32xf32>
    %reduce_sum3A_20 = arith.constant dense<0.000000e+00> : vector<5000xf32>
    %reduce_sum3A_21 = vector.multi_reduction <add>, %mul3A, %reduce_sum3A_20 [1] : vector<5000x32xf32> to vector<5000xf32>
    %broadcast_in_dim3A_22 = vector.shape_cast %reduce_sum3A_21 : vector<5000xf32> to vector<5000x1xf32>
    %div3A_23 = arith.constant 3.200000e+01 : f32
    %div3A_24 = vector.broadcast %div3A_23 : f32 to vector<5000x1xf32>
    %div3A_25 = arith.divf %broadcast_in_dim3A_22, %div3A_24 : vector<5000x1xf32>
    %add3A_26 = arith.constant 9.99999974E-6 : f32
    %add3A_27 = vector.broadcast %add3A_26 : f32 to vector<5000x1xf32>
    %add3A_28 = arith.addf %div3A_25, %add3A_27 : vector<5000x1xf32>
    %rsqrt3A = math.rsqrt %add3A_28 : vector<5000x1xf32>
    %mul3A_29 = vector.broadcast %rsqrt3A : vector<5000x1xf32> to vector<5000x32xf32>
    %mul3A_30 = arith.mulf %sub3A_19, %mul3A_29 : vector<5000x32xf32>
    %mul3A_31 = vector.broadcast %get3A_10 : vector<1x32xf32> to vector<5000x32xf32>
    %mul3A_32 = arith.mulf %mul3A_30, %mul3A_31 : vector<5000x32xf32>
    %add3A_33 = vector.broadcast %get3A_13 : vector<1x32xf32> to vector<5000x32xf32>
    %add3A_34 = arith.addf %mul3A_32, %add3A_33 : vector<5000x32xf32>
    %logistic3A = arith.negf %add3A_34 : vector<5000x32xf32>
    %logistic3A_35 = math.exp %logistic3A : vector<5000x32xf32>
    %logistic3A_36 = arith.constant 1.000000e+00 : f32
    %logistic3A_37 = vector.broadcast %logistic3A_36 : f32 to vector<5000x32xf32>
    %logistic3A_38 = arith.addf %logistic3A_37, %logistic3A_35 : vector<5000x32xf32>
    %logistic3A_39 = arith.divf %logistic3A_37, %logistic3A_38 : vector<5000x32xf32>
    %mul3A_40 = arith.mulf %add3A_34, %logistic3A_39 : vector<5000x32xf32>
    %get3A_41 = arith.constant 0 : index
    %get3A_42 = arith.constant 0 : index
    %get3A_43 = vector.load %arg6[%get3A_41, %get3A_42] : memref<32x16xf32, #tpu.memory_space<vmem>>, vector<32x16xf32>
    %get3A_44 = arith.constant 0 : index
    %get3A_45 = arith.constant 0 : index
    %get3A_46 = vector.load %arg7[%get3A_44, %get3A_45] : memref<1x16xf32, #tpu.memory_space<vmem>>, vector<1x16xf32>
    %get3A_47 = arith.constant 0 : index
    %get3A_48 = arith.constant 0 : index
    %get3A_49 = vector.load %arg8[%get3A_47, %get3A_48] : memref<1x16xf32, #tpu.memory_space<vmem>>, vector<1x16xf32>
    %get3A_50 = arith.constant 0 : index
    %get3A_51 = arith.constant 0 : index
    %get3A_52 = vector.load %arg9[%get3A_50, %get3A_51] : memref<1x16xf32, #tpu.memory_space<vmem>>, vector<1x16xf32>
    %dot_general3A_53 = arith.constant dense<0.000000e+00> : vector<5000x16xf32>
    %dot_general3A_54 = tpu.matmul %mul3A_40, %get3A_43, %dot_general3A_53 {dimension_numbers = #tpu.dot_dimension_numbers<[1], [0], [0], [1], [0, 0, 1, 1], [], []>, transpose_lhs_hint = false} : vector<5000x32xf32>, vector<32x16xf32>, vector<5000x16xf32> -> vector<5000x16xf32>
    %add3A_55 = vector.broadcast %get3A_46 : vector<1x16xf32> to vector<5000x16xf32>
    %add3A_56 = arith.addf %dot_general3A_54, %add3A_55 : vector<5000x16xf32>
    %reduce_sum3A_57 = arith.constant dense<0.000000e+00> : vector<5000xf32>
    %reduce_sum3A_58 = vector.multi_reduction <add>, %add3A_56, %reduce_sum3A_57 [1] : vector<5000x16xf32> to vector<5000xf32>
    %broadcast_in_dim3A_59 = vector.shape_cast %reduce_sum3A_58 : vector<5000xf32> to vector<5000x1xf32>
    %div3A_60 = arith.constant 1.600000e+01 : f32
    %div3A_61 = vector.broadcast %div3A_60 : f32 to vector<5000x1xf32>
    %div3A_62 = arith.divf %broadcast_in_dim3A_59, %div3A_61 : vector<5000x1xf32>
    %sub3A_63 = vector.broadcast %div3A_62 : vector<5000x1xf32> to vector<5000x16xf32>
    %sub3A_64 = arith.subf %add3A_56, %sub3A_63 : vector<5000x16xf32>
    %mul3A_65 = arith.mulf %sub3A_64, %sub3A_64 : vector<5000x16xf32>
    %reduce_sum3A_66 = arith.constant dense<0.000000e+00> : vector<5000xf32>
    %reduce_sum3A_67 = vector.multi_reduction <add>, %mul3A_65, %reduce_sum3A_66 [1] : vector<5000x16xf32> to vector<5000xf32>
    %broadcast_in_dim3A_68 = vector.shape_cast %reduce_sum3A_67 : vector<5000xf32> to vector<5000x1xf32>
    %div3A_69 = arith.constant 1.600000e+01 : f32
    %div3A_70 = vector.broadcast %div3A_69 : f32 to vector<5000x1xf32>
    %div3A_71 = arith.divf %broadcast_in_dim3A_68, %div3A_70 : vector<5000x1xf32>
    %add3A_72 = arith.constant 9.99999974E-6 : f32
    %add3A_73 = vector.broadcast %add3A_72 : f32 to vector<5000x1xf32>
    %add3A_74 = arith.addf %div3A_71, %add3A_73 : vector<5000x1xf32>
    %rsqrt3A_75 = math.rsqrt %add3A_74 : vector<5000x1xf32>
    %mul3A_76 = vector.broadcast %rsqrt3A_75 : vector<5000x1xf32> to vector<5000x16xf32>
    %mul3A_77 = arith.mulf %sub3A_64, %mul3A_76 : vector<5000x16xf32>
    %mul3A_78 = vector.broadcast %get3A_49 : vector<1x16xf32> to vector<5000x16xf32>
    %mul3A_79 = arith.mulf %mul3A_77, %mul3A_78 : vector<5000x16xf32>
    %add3A_80 = vector.broadcast %get3A_52 : vector<1x16xf32> to vector<5000x16xf32>
    %add3A_81 = arith.addf %mul3A_79, %add3A_80 : vector<5000x16xf32>
    %logistic3A_82 = arith.negf %add3A_81 : vector<5000x16xf32>
    %logistic3A_83 = math.exp %logistic3A_82 : vector<5000x16xf32>
    %logistic3A_84 = arith.constant 1.000000e+00 : f32
    %logistic3A_85 = vector.broadcast %logistic3A_84 : f32 to vector<5000x16xf32>
    %logistic3A_86 = arith.addf %logistic3A_85, %logistic3A_83 : vector<5000x16xf32>
    %logistic3A_87 = arith.divf %logistic3A_85, %logistic3A_86 : vector<5000x16xf32>
    %mul3A_88 = arith.mulf %add3A_81, %logistic3A_87 : vector<5000x16xf32>
    %swap3A = arith.constant 0 : index
    %swap3A_89 = arith.constant 0 : index
    %swap3A_90 = vector.load %arg10[%swap3A, %swap3A_89] : memref<5000x16xf32, #tpu.memory_space<vmem>>, vector<5000x16xf32>
    tpu.vector_store %arg10[%swap3A, %swap3A_89], %mul3A_88 {strides = array<i32>} : memref<5000x16xf32, #tpu.memory_space<vmem>>, vector<5000x16xf32>,
    return
  }
  func.func @transform_0(%arg0: i32) -> (i32, i32) {
    %c0_i32 = arith.constant 0 : i32
    %c0_i32_0 = arith.constant 0 : i32
    return %arg0, %c0_i32 : i32, i32
  }
  func.func @transform_1(%arg0: i32) -> (i32, i32) {
    %c0_i32 = arith.constant 0 : i32
    %c0_i32_0 = arith.constant 0 : i32
    %c0_i32_1 = arith.constant 0 : i32
    return %c0_i32, %c0_i32_0 : i32, i32
  }
  func.func @transform_2(%arg0: i32) -> (i32, i32) {
    %c0_i32 = arith.constant 0 : i32
    %c0_i32_0 = arith.constant 0 : i32
    %c0_i32_1 = arith.constant 0 : i32
    return %c0_i32, %c0_i32_0 : i32, i32
  }
  func.func @transform_3(%arg0: i32) -> (i32, i32) {
    %c0_i32 = arith.constant 0 : i32
    %c0_i32_0 = arith.constant 0 : i32
    %c0_i32_1 = arith.constant 0 : i32
    return %c0_i32, %c0_i32_0 : i32, i32
  }
  func.func @transform_4(%arg0: i32) -> (i32, i32) {
    %c0_i32 = arith.constant 0 : i32
    %c0_i32_0 = arith.constant 0 : i32
    %c0_i32_1 = arith.constant 0 : i32
    return %c0_i32, %c0_i32_0 : i32, i32
  }
  func.func @transform_5(%arg0: i32) -> (i32, i32) {
    %c0_i32 = arith.constant 0 : i32
    %c0_i32_0 = arith.constant 0 : i32
    %c0_i32_1 = arith.constant 0 : i32
    return %c0_i32, %c0_i32_0 : i32, i32
  }
  func.func @transform_6(%arg0: i32) -> (i32, i32) {
    %c0_i32 = arith.constant 0 : i32
    %c0_i32_0 = arith.constant 0 : i32
    %c0_i32_1 = arith.constant 0 : i32
    return %c0_i32, %c0_i32_0 : i32, i32
  }
  func.func @transform_7(%arg0: i32) -> (i32, i32) {
    %c0_i32 = arith.constant 0 : i32
    %c0_i32_0 = arith.constant 0 : i32
    %c0_i32_1 = arith.constant 0 : i32
    return %c0_i32, %c0_i32_0 : i32, i32
  }
  func.func @transform_8(%arg0: i32) -> (i32, i32) {
    %c0_i32 = arith.constant 0 : i32
    %c0_i32_0 = arith.constant 0 : i32
    %c0_i32_1 = arith.constant 0 : i32
    return %c0_i32, %c0_i32_0 : i32, i32
  }
  func.func @transform_9(%arg0: i32) -> (i32, i32) {
    %c0_i32 = arith.constant 0 : i32
    %c0_i32_0 = arith.constant 0 : i32
    return %arg0, %c0_i32 : i32, i32
  }
}

module attributes {stable_mosaic.version = 14 : i64} {
  func.func @_edge_body(%arg0: i32, %arg1: memref<2000x128xf32, #tpu.memory_space<vmem>>, %arg2: memref<2000x128xf32, #tpu.memory_space<vmem>>, %arg3: memref<128x256xf32, #tpu.memory_space<vmem>>, %arg4: memref<128x256xf32, #tpu.memory_space<vmem>>, %arg5: memref<1x256xf32, #tpu.memory_space<vmem>>, %arg6: memref<1x256xf32, #tpu.memory_space<vmem>>, %arg7: memref<1x256xf32, #tpu.memory_space<vmem>>, %arg8: memref<256x256xf32, #tpu.memory_space<vmem>>, %arg9: memref<1x256xf32, #tpu.memory_space<vmem>>, %arg10: memref<1x256xf32, #tpu.memory_space<vmem>>, %arg11: memref<1x256xf32, #tpu.memory_space<vmem>>, %arg12: memref<256x256xf32, #tpu.memory_space<vmem>>, %arg13: memref<256x256xf32, #tpu.memory_space<vmem>>, %arg14: memref<256x256xf32, #tpu.memory_space<vmem>>, %arg15: memref<1x256xf32, #tpu.memory_space<vmem>>, %arg16: memref<1x256xf32, #tpu.memory_space<vmem>>, %arg17: memref<2000x256xf32, #tpu.memory_space<vmem>>) attributes {dimension_semantics = [#tpu.dimension_semantics<arbitrary>], iteration_bounds = array<i64: 50>, scalar_prefetch = 0 : i64, scratch_operands = 0 : i64, tpu.core_type = #tpu.core_type<tc>, window_params = [{transform_indices = @transform_0, window_bounds = array<i64: 2000, 128>}, {transform_indices = @transform_1, window_bounds = array<i64: 2000, 128>}, {pipeline_mode = #tpu.pipeline_mode<synchronous>, transform_indices = @transform_2, window_bounds = array<i64: 128, 256>}, {pipeline_mode = #tpu.pipeline_mode<synchronous>, transform_indices = @transform_3, window_bounds = array<i64: 128, 256>}, {pipeline_mode = #tpu.pipeline_mode<synchronous>, transform_indices = @transform_4, window_bounds = array<i64: 1, 256>}, {pipeline_mode = #tpu.pipeline_mode<synchronous>, transform_indices = @transform_5, window_bounds = array<i64: 1, 256>}, {pipeline_mode = #tpu.pipeline_mode<synchronous>, transform_indices = @transform_6, window_bounds = array<i64: 1, 256>}, {pipeline_mode = #tpu.pipeline_mode<synchronous>, transform_indices = @transform_7, window_bounds = array<i64: 256, 256>}, {pipeline_mode = #tpu.pipeline_mode<synchronous>, transform_indices = @transform_8, window_bounds = array<i64: 1, 256>}, {pipeline_mode = #tpu.pipeline_mode<synchronous>, transform_indices = @transform_9, window_bounds = array<i64: 1, 256>}, {pipeline_mode = #tpu.pipeline_mode<synchronous>, transform_indices = @transform_10, window_bounds = array<i64: 1, 256>}, {pipeline_mode = #tpu.pipeline_mode<synchronous>, transform_indices = @transform_11, window_bounds = array<i64: 256, 256>}, {pipeline_mode = #tpu.pipeline_mode<synchronous>, transform_indices = @transform_12, window_bounds = array<i64: 256, 256>}, {pipeline_mode = #tpu.pipeline_mode<synchronous>, transform_indices = @transform_13, window_bounds = array<i64: 256, 256>}, {pipeline_mode = #tpu.pipeline_mode<synchronous>, transform_indices = @transform_14, window_bounds = array<i64: 1, 256>}, {pipeline_mode = #tpu.pipeline_mode<synchronous>, transform_indices = @transform_15, window_bounds = array<i64: 1, 256>}, {transform_indices = @transform_16, window_bounds = array<i64: 2000, 256>}]} {
    %get3A = arith.constant 0 : index
    %get3A_0 = arith.constant 0 : index
    %get3A_1 = vector.load %arg1[%get3A, %get3A_0] : memref<2000x128xf32, #tpu.memory_space<vmem>>, vector<2000x128xf32>
    %get3A_2 = arith.constant 0 : index
    %get3A_3 = arith.constant 0 : index
    %get3A_4 = vector.load %arg3[%get3A_2, %get3A_3] : memref<128x256xf32, #tpu.memory_space<vmem>>, vector<128x256xf32>
    %dot_general3A = arith.constant dense<0.000000e+00> : vector<2000x256xf32>
    %dot_general3A_5 = tpu.matmul %get3A_1, %get3A_4, %dot_general3A {dimension_numbers = #tpu.dot_dimension_numbers<[1], [0], [0], [1], [0, 0, 1, 1], [], []>, transpose_lhs_hint = false} : vector<2000x128xf32>, vector<128x256xf32>, vector<2000x256xf32> -> vector<2000x256xf32>
    %get3A_6 = arith.constant 0 : index
    %get3A_7 = arith.constant 0 : index
    %get3A_8 = vector.load %arg2[%get3A_6, %get3A_7] : memref<2000x128xf32, #tpu.memory_space<vmem>>, vector<2000x128xf32>
    %get3A_9 = arith.constant 0 : index
    %get3A_10 = arith.constant 0 : index
    %get3A_11 = vector.load %arg4[%get3A_9, %get3A_10] : memref<128x256xf32, #tpu.memory_space<vmem>>, vector<128x256xf32>
    %dot_general3A_12 = arith.constant dense<0.000000e+00> : vector<2000x256xf32>
    %dot_general3A_13 = tpu.matmul %get3A_8, %get3A_11, %dot_general3A_12 {dimension_numbers = #tpu.dot_dimension_numbers<[1], [0], [0], [1], [0, 0, 1, 1], [], []>, transpose_lhs_hint = false} : vector<2000x128xf32>, vector<128x256xf32>, vector<2000x256xf32> -> vector<2000x256xf32>
    %add3A = arith.addf %dot_general3A_5, %dot_general3A_13 : vector<2000x256xf32>
    %get3A_14 = arith.constant 0 : index
    %get3A_15 = arith.constant 0 : index
    %get3A_16 = vector.load %arg5[%get3A_14, %get3A_15] : memref<1x256xf32, #tpu.memory_space<vmem>>, vector<1x256xf32>
    %add3A_17 = vector.broadcast %get3A_16 : vector<1x256xf32> to vector<2000x256xf32>
    %add3A_18 = arith.addf %add3A, %add3A_17 : vector<2000x256xf32>
    %get3A_19 = arith.constant 0 : index
    %get3A_20 = arith.constant 0 : index
    %get3A_21 = vector.load %arg12[%get3A_19, %get3A_20] : memref<256x256xf32, #tpu.memory_space<vmem>>, vector<256x256xf32>
    %dot_general3A_22 = arith.constant dense<0.000000e+00> : vector<2000x256xf32>
    %dot_general3A_23 = tpu.matmul %add3A_18, %get3A_21, %dot_general3A_22 {dimension_numbers = #tpu.dot_dimension_numbers<[1], [0], [0], [1], [0, 0, 1, 1], [], []>, transpose_lhs_hint = false} : vector<2000x256xf32>, vector<256x256xf32>, vector<2000x256xf32> -> vector<2000x256xf32>
    %sub3A = arith.subf %add3A_18, %dot_general3A_23 : vector<2000x256xf32>
    %mul3A = arith.mulf %sub3A, %sub3A : vector<2000x256xf32>
    %get3A_24 = arith.constant 0 : index
    %get3A_25 = arith.constant 0 : index
    %get3A_26 = vector.load %arg12[%get3A_24, %get3A_25] : memref<256x256xf32, #tpu.memory_space<vmem>>, vector<256x256xf32>
    %dot_general3A_27 = arith.constant dense<0.000000e+00> : vector<2000x256xf32>
    %dot_general3A_28 = tpu.matmul %mul3A, %get3A_26, %dot_general3A_27 {dimension_numbers = #tpu.dot_dimension_numbers<[1], [0], [0], [1], [0, 0, 1, 1], [], []>, transpose_lhs_hint = false} : vector<2000x256xf32>, vector<256x256xf32>, vector<2000x256xf32> -> vector<2000x256xf32>
    %add3A_29 = arith.constant 9.99999974E-6 : f32
    %add3A_30 = vector.broadcast %add3A_29 : f32 to vector<2000x256xf32>
    %add3A_31 = arith.addf %dot_general3A_28, %add3A_30 : vector<2000x256xf32>
    %rsqrt3A = math.rsqrt %add3A_31 : vector<2000x256xf32>
    %mul3A_32 = arith.mulf %sub3A, %rsqrt3A : vector<2000x256xf32>
    %get3A_33 = arith.constant 0 : index
    %get3A_34 = arith.constant 0 : index
    %get3A_35 = vector.load %arg6[%get3A_33, %get3A_34] : memref<1x256xf32, #tpu.memory_space<vmem>>, vector<1x256xf32>
    %mul3A_36 = vector.broadcast %get3A_35 : vector<1x256xf32> to vector<2000x256xf32>
    %mul3A_37 = arith.mulf %mul3A_32, %mul3A_36 : vector<2000x256xf32>
    %get3A_38 = arith.constant 0 : index
    %get3A_39 = arith.constant 0 : index
    %get3A_40 = vector.load %arg7[%get3A_38, %get3A_39] : memref<1x256xf32, #tpu.memory_space<vmem>>, vector<1x256xf32>
    %add3A_41 = vector.broadcast %get3A_40 : vector<1x256xf32> to vector<2000x256xf32>
    %add3A_42 = arith.addf %mul3A_37, %add3A_41 : vector<2000x256xf32>
    %logistic3A = arith.negf %add3A_42 : vector<2000x256xf32>
    %logistic3A_43 = math.exp %logistic3A : vector<2000x256xf32>
    %logistic3A_44 = arith.constant 1.000000e+00 : f32
    %logistic3A_45 = vector.broadcast %logistic3A_44 : f32 to vector<2000x256xf32>
    %logistic3A_46 = arith.addf %logistic3A_45, %logistic3A_43 : vector<2000x256xf32>
    %logistic3A_47 = arith.divf %logistic3A_45, %logistic3A_46 : vector<2000x256xf32>
    %mul3A_48 = arith.mulf %add3A_42, %logistic3A_47 : vector<2000x256xf32>
    %get3A_49 = arith.constant 0 : index
    %get3A_50 = arith.constant 0 : index
    %get3A_51 = vector.load %arg8[%get3A_49, %get3A_50] : memref<256x256xf32, #tpu.memory_space<vmem>>, vector<256x256xf32>
    %dot_general3A_52 = arith.constant dense<0.000000e+00> : vector<2000x256xf32>
    %dot_general3A_53 = tpu.matmul %mul3A_48, %get3A_51, %dot_general3A_52 {dimension_numbers = #tpu.dot_dimension_numbers<[1], [0], [0], [1], [0, 0, 1, 1], [], []>, transpose_lhs_hint = false} : vector<2000x256xf32>, vector<256x256xf32>, vector<2000x256xf32> -> vector<2000x256xf32>
    %get3A_54 = arith.constant 0 : index
    %get3A_55 = arith.constant 0 : index
    %get3A_56 = vector.load %arg9[%get3A_54, %get3A_55] : memref<1x256xf32, #tpu.memory_space<vmem>>, vector<1x256xf32>
    %add3A_57 = vector.broadcast %get3A_56 : vector<1x256xf32> to vector<2000x256xf32>
    %add3A_58 = arith.addf %dot_general3A_53, %add3A_57 : vector<2000x256xf32>
    %get3A_59 = arith.constant 0 : index
    %get3A_60 = arith.constant 0 : index
    %get3A_61 = vector.load %arg13[%get3A_59, %get3A_60] : memref<256x256xf32, #tpu.memory_space<vmem>>, vector<256x256xf32>
    %dot_general3A_62 = arith.constant dense<0.000000e+00> : vector<2000x256xf32>
    %dot_general3A_63 = tpu.matmul %add3A_58, %get3A_61, %dot_general3A_62 {dimension_numbers = #tpu.dot_dimension_numbers<[1], [0], [0], [1], [0, 0, 1, 1], [], []>, transpose_lhs_hint = false} : vector<2000x256xf32>, vector<256x256xf32>, vector<2000x256xf32> -> vector<2000x256xf32>
    %sub3A_64 = arith.subf %add3A_58, %dot_general3A_63 : vector<2000x256xf32>
    %mul3A_65 = arith.mulf %sub3A_64, %sub3A_64 : vector<2000x256xf32>
    %get3A_66 = arith.constant 0 : index
    %get3A_67 = arith.constant 0 : index
    %get3A_68 = vector.load %arg13[%get3A_66, %get3A_67] : memref<256x256xf32, #tpu.memory_space<vmem>>, vector<256x256xf32>
    %dot_general3A_69 = arith.constant dense<0.000000e+00> : vector<2000x256xf32>
    %dot_general3A_70 = tpu.matmul %mul3A_65, %get3A_68, %dot_general3A_69 {dimension_numbers = #tpu.dot_dimension_numbers<[1], [0], [0], [1], [0, 0, 1, 1], [], []>, transpose_lhs_hint = false} : vector<2000x256xf32>, vector<256x256xf32>, vector<2000x256xf32> -> vector<2000x256xf32>
    %add3A_71 = arith.constant 9.99999974E-6 : f32
    %add3A_72 = vector.broadcast %add3A_71 : f32 to vector<2000x256xf32>
    %add3A_73 = arith.addf %dot_general3A_70, %add3A_72 : vector<2000x256xf32>
    %rsqrt3A_74 = math.rsqrt %add3A_73 : vector<2000x256xf32>
    %mul3A_75 = arith.mulf %sub3A_64, %rsqrt3A_74 : vector<2000x256xf32>
    %get3A_76 = arith.constant 0 : index
    %get3A_77 = arith.constant 0 : index
    %get3A_78 = vector.load %arg10[%get3A_76, %get3A_77] : memref<1x256xf32, #tpu.memory_space<vmem>>, vector<1x256xf32>
    %mul3A_79 = vector.broadcast %get3A_78 : vector<1x256xf32> to vector<2000x256xf32>
    %mul3A_80 = arith.mulf %mul3A_75, %mul3A_79 : vector<2000x256xf32>
    %get3A_81 = arith.constant 0 : index
    %get3A_82 = arith.constant 0 : index
    %get3A_83 = vector.load %arg11[%get3A_81, %get3A_82] : memref<1x256xf32, #tpu.memory_space<vmem>>, vector<1x256xf32>
    %add3A_84 = vector.broadcast %get3A_83 : vector<1x256xf32> to vector<2000x256xf32>
    %add3A_85 = arith.addf %mul3A_80, %add3A_84 : vector<2000x256xf32>
    %logistic3A_86 = arith.negf %add3A_85 : vector<2000x256xf32>
    %logistic3A_87 = math.exp %logistic3A_86 : vector<2000x256xf32>
    %logistic3A_88 = arith.constant 1.000000e+00 : f32
    %logistic3A_89 = vector.broadcast %logistic3A_88 : f32 to vector<2000x256xf32>
    %logistic3A_90 = arith.addf %logistic3A_89, %logistic3A_87 : vector<2000x256xf32>
    %logistic3A_91 = arith.divf %logistic3A_89, %logistic3A_90 : vector<2000x256xf32>
    %mul3A_92 = arith.mulf %add3A_85, %logistic3A_91 : vector<2000x256xf32>
    %get3A_93 = arith.constant 0 : index
    %get3A_94 = arith.constant 0 : index
    %get3A_95 = vector.load %arg14[%get3A_93, %get3A_94] : memref<256x256xf32, #tpu.memory_space<vmem>>, vector<256x256xf32>
    %dot_general3A_96 = arith.constant dense<0.000000e+00> : vector<2000x256xf32>
    %dot_general3A_97 = tpu.matmul %mul3A_92, %get3A_95, %dot_general3A_96 {dimension_numbers = #tpu.dot_dimension_numbers<[1], [0], [0], [1], [0, 0, 1, 1], [], []>, transpose_lhs_hint = false} : vector<2000x256xf32>, vector<256x256xf32>, vector<2000x256xf32> -> vector<2000x256xf32>
    %exp3A = math.exp %dot_general3A_97 : vector<2000x256xf32>
    %get3A_98 = arith.constant 0 : index
    %get3A_99 = arith.constant 0 : index
    %get3A_100 = vector.load %arg15[%get3A_98, %get3A_99] : memref<1x256xf32, #tpu.memory_space<vmem>>, vector<1x256xf32>
    %get3A_101 = vector.shape_cast %get3A_100 : vector<1x256xf32> to vector<1x256xf32>
    %mul3A_102 = vector.broadcast %get3A_101 : vector<1x256xf32> to vector<2000x256xf32>
    %mul3A_103 = arith.mulf %mul3A_92, %mul3A_102 : vector<2000x256xf32>
    %get3A_104 = arith.constant 0 : index
    %get3A_105 = arith.constant 0 : index
    %get3A_106 = vector.load %arg16[%get3A_104, %get3A_105] : memref<1x256xf32, #tpu.memory_space<vmem>>, vector<1x256xf32>
    %get3A_107 = vector.shape_cast %get3A_106 : vector<1x256xf32> to vector<1x256xf32>
    %add3A_108 = vector.broadcast %get3A_107 : vector<1x256xf32> to vector<2000x256xf32>
    %add3A_109 = arith.addf %mul3A_103, %add3A_108 : vector<2000x256xf32>
    %mul3A_110 = arith.mulf %add3A_109, %exp3A : vector<2000x256xf32>
    %swap3A = arith.constant 0 : index
    %swap3A_111 = arith.constant 0 : index
    %swap3A_112 = vector.load %arg17[%swap3A, %swap3A_111] : memref<2000x256xf32, #tpu.memory_space<vmem>>, vector<2000x256xf32>
    tpu.vector_store %arg17[%swap3A, %swap3A_111], %mul3A_110 {strides = array<i32>} : memref<2000x256xf32, #tpu.memory_space<vmem>>, vector<2000x256xf32>,
    return
  }
  func.func @transform_0(%arg0: i32) -> (i32, i32) {
    %c0_i32 = arith.constant 0 : i32
    %c0_i32_0 = arith.constant 0 : i32
    return %arg0, %c0_i32 : i32, i32
  }
  func.func @transform_1(%arg0: i32) -> (i32, i32) {
    %c0_i32 = arith.constant 0 : i32
    %c0_i32_0 = arith.constant 0 : i32
    return %arg0, %c0_i32 : i32, i32
  }
  func.func @transform_2(%arg0: i32) -> (i32, i32) {
    %c0_i32 = arith.constant 0 : i32
    %c0_i32_0 = arith.constant 0 : i32
    %c0_i32_1 = arith.constant 0 : i32
    return %c0_i32, %c0_i32_0 : i32, i32
  }
  func.func @transform_3(%arg0: i32) -> (i32, i32) {
    %c0_i32 = arith.constant 0 : i32
    %c0_i32_0 = arith.constant 0 : i32
    %c0_i32_1 = arith.constant 0 : i32
    return %c0_i32, %c0_i32_0 : i32, i32
  }
  func.func @transform_4(%arg0: i32) -> (i32, i32) {
    %c0_i32 = arith.constant 0 : i32
    %c0_i32_0 = arith.constant 0 : i32
    %c0_i32_1 = arith.constant 0 : i32
    return %c0_i32, %c0_i32_0 : i32, i32
  }
  func.func @transform_5(%arg0: i32) -> (i32, i32) {
    %c0_i32 = arith.constant 0 : i32
    %c0_i32_0 = arith.constant 0 : i32
    %c0_i32_1 = arith.constant 0 : i32
    return %c0_i32, %c0_i32_0 : i32, i32
  }
  func.func @transform_6(%arg0: i32) -> (i32, i32) {
    %c0_i32 = arith.constant 0 : i32
    %c0_i32_0 = arith.constant 0 : i32
    %c0_i32_1 = arith.constant 0 : i32
    return %c0_i32, %c0_i32_0 : i32, i32
  }
  func.func @transform_7(%arg0: i32) -> (i32, i32) {
    %c0_i32 = arith.constant 0 : i32
    %c0_i32_0 = arith.constant 0 : i32
    %c0_i32_1 = arith.constant 0 : i32
    return %c0_i32, %c0_i32_0 : i32, i32
  }
  func.func @transform_8(%arg0: i32) -> (i32, i32) {
    %c0_i32 = arith.constant 0 : i32
    %c0_i32_0 = arith.constant 0 : i32
    %c0_i32_1 = arith.constant 0 : i32
    return %c0_i32, %c0_i32_0 : i32, i32
  }
  func.func @transform_9(%arg0: i32) -> (i32, i32) {
    %c0_i32 = arith.constant 0 : i32
    %c0_i32_0 = arith.constant 0 : i32
    %c0_i32_1 = arith.constant 0 : i32
    return %c0_i32, %c0_i32_0 : i32, i32
  }
  func.func @transform_10(%arg0: i32) -> (i32, i32) {
    %c0_i32 = arith.constant 0 : i32
    %c0_i32_0 = arith.constant 0 : i32
    %c0_i32_1 = arith.constant 0 : i32
    return %c0_i32, %c0_i32_0 : i32, i32
  }
  func.func @transform_11(%arg0: i32) -> (i32, i32) {
    %c0_i32 = arith.constant 0 : i32
    %c0_i32_0 = arith.constant 0 : i32
    %c0_i32_1 = arith.constant 0 : i32
    return %c0_i32, %c0_i32_0 : i32, i32
  }
  func.func @transform_12(%arg0: i32) -> (i32, i32) {
    %c0_i32 = arith.constant 0 : i32
    %c0_i32_0 = arith.constant 0 : i32
    %c0_i32_1 = arith.constant 0 : i32
    return %c0_i32, %c0_i32_0 : i32, i32
  }
  func.func @transform_13(%arg0: i32) -> (i32, i32) {
    %c0_i32 = arith.constant 0 : i32
    %c0_i32_0 = arith.constant 0 : i32
    %c0_i32_1 = arith.constant 0 : i32
    return %c0_i32, %c0_i32_0 : i32, i32
  }
  func.func @transform_14(%arg0: i32) -> (i32, i32) {
    %c0_i32 = arith.constant 0 : i32
    %c0_i32_0 = arith.constant 0 : i32
    %c0_i32_1 = arith.constant 0 : i32
    return %c0_i32, %c0_i32_0 : i32, i32
  }
  func.func @transform_15(%arg0: i32) -> (i32, i32) {
    %c0_i32 = arith.constant 0 : i32
    %c0_i32_0 = arith.constant 0 : i32
    %c0_i32_1 = arith.constant 0 : i32
    return %c0_i32, %c0_i32_0 : i32, i32
  }
  func.func @transform_16(%arg0: i32) -> (i32, i32) {
    %c0_i32 = arith.constant 0 : i32
    %c0_i32_0 = arith.constant 0 : i32
    return %arg0, %c0_i32 : i32, i32
  }
}

module attributes {stable_mosaic.version = 14 : i64} {
  func.func @_node_body(%arg0: i32, %arg1: memref<5000x16xf32, #tpu.memory_space<vmem>>, %arg2: memref<2x5000x32xf32, #tpu.memory_space<vmem>>, %arg3: memref<16x32xf32, #tpu.memory_space<vmem>>, %arg4: memref<16x32xf32, #tpu.memory_space<vmem>>, %arg5: memref<1x32xf32, #tpu.memory_space<vmem>>, %arg6: memref<1x32xf32, #tpu.memory_space<vmem>>, %arg7: memref<1x32xf32, #tpu.memory_space<vmem>>, %arg8: memref<32x16xf32, #tpu.memory_space<vmem>>, %arg9: memref<1x16xf32, #tpu.memory_space<vmem>>, %arg10: memref<1x16xf32, #tpu.memory_space<vmem>>, %arg11: memref<1x16xf32, #tpu.memory_space<vmem>>, %arg12: memref<16x32xf32, #tpu.memory_space<vmem>>, %arg13: memref<1x32xf32, #tpu.memory_space<vmem>>, %arg14: memref<1x32xf32, #tpu.memory_space<vmem>>, %arg15: memref<1x32xf32, #tpu.memory_space<vmem>>, %arg16: memref<32x8xf32, #tpu.memory_space<vmem>>, %arg17: memref<1x8xf32, #tpu.memory_space<vmem>>, %arg18: memref<1x8xf32, #tpu.memory_space<vmem>>, %arg19: memref<1x8xf32, #tpu.memory_space<vmem>>, %arg20: memref<5000x8xf32, #tpu.memory_space<vmem>>) attributes {dimension_semantics = [#tpu.dimension_semantics<arbitrary>], iteration_bounds = array<i64: 10>, scalar_prefetch = 0 : i64, scratch_operands = 0 : i64, tpu.core_type = #tpu.core_type<tc>, window_params = [{transform_indices = @transform_0, window_bounds = array<i64: 5000, 16>}, {transform_indices = @transform_1, window_bounds = array<i64: 2, 5000, 32>}, {pipeline_mode = #tpu.pipeline_mode<synchronous>, transform_indices = @transform_2, window_bounds = array<i64: 16, 32>}, {pipeline_mode = #tpu.pipeline_mode<synchronous>, transform_indices = @transform_3, window_bounds = array<i64: 16, 32>}, {pipeline_mode = #tpu.pipeline_mode<synchronous>, transform_indices = @transform_4, window_bounds = array<i64: 1, 32>}, {pipeline_mode = #tpu.pipeline_mode<synchronous>, transform_indices = @transform_5, window_bounds = array<i64: 1, 32>}, {pipeline_mode = #tpu.pipeline_mode<synchronous>, transform_indices = @transform_6, window_bounds = array<i64: 1, 32>}, {pipeline_mode = #tpu.pipeline_mode<synchronous>, transform_indices = @transform_7, window_bounds = array<i64: 32, 16>}, {pipeline_mode = #tpu.pipeline_mode<synchronous>, transform_indices = @transform_8, window_bounds = array<i64: 1, 16>}, {pipeline_mode = #tpu.pipeline_mode<synchronous>, transform_indices = @transform_9, window_bounds = array<i64: 1, 16>}, {pipeline_mode = #tpu.pipeline_mode<synchronous>, transform_indices = @transform_10, window_bounds = array<i64: 1, 16>}, {pipeline_mode = #tpu.pipeline_mode<synchronous>, transform_indices = @transform_11, window_bounds = array<i64: 16, 32>}, {pipeline_mode = #tpu.pipeline_mode<synchronous>, transform_indices = @transform_12, window_bounds = array<i64: 1, 32>}, {pipeline_mode = #tpu.pipeline_mode<synchronous>, transform_indices = @transform_13, window_bounds = array<i64: 1, 32>}, {pipeline_mode = #tpu.pipeline_mode<synchronous>, transform_indices = @transform_14, window_bounds = array<i64: 1, 32>}, {pipeline_mode = #tpu.pipeline_mode<synchronous>, transform_indices = @transform_15, window_bounds = array<i64: 32, 8>}, {pipeline_mode = #tpu.pipeline_mode<synchronous>, transform_indices = @transform_16, window_bounds = array<i64: 1, 8>}, {pipeline_mode = #tpu.pipeline_mode<synchronous>, transform_indices = @transform_17, window_bounds = array<i64: 1, 8>}, {pipeline_mode = #tpu.pipeline_mode<synchronous>, transform_indices = @transform_18, window_bounds = array<i64: 1, 8>}, {transform_indices = @transform_19, window_bounds = array<i64: 5000, 8>}]} {
    %get3A = arith.constant 0 : index
    %get3A_0 = arith.constant 0 : index
    %get3A_1 = arith.constant 0 : index
    %get3A_2 = vector.load %arg2[%get3A, %get3A_0, %get3A_1] : memref<2x5000x32xf32, #tpu.memory_space<vmem>>, vector<1x5000x32xf32>
    %get3A_3 = vector.shape_cast %get3A_2 : vector<1x5000x32xf32> to vector<5000x32xf32>
    %get3A_4 = arith.constant 1 : index
    %get3A_5 = arith.constant 0 : index
    %get3A_6 = arith.constant 0 : index
    %get3A_7 = vector.load %arg2[%get3A_4, %get3A_5, %get3A_6] : memref<2x5000x32xf32, #tpu.memory_space<vmem>>, vector<1x5000x32xf32>
    %get3A_8 = vector.shape_cast %get3A_7 : vector<1x5000x32xf32> to vector<5000x32xf32>
    %add3A = arith.addf %get3A_3, %get3A_8 : vector<5000x32xf32>
    %slice3A = vector.extract_strided_slice %add3A {offsets = [0, 0], sizes = [5000, 16], strides = [1, 1]} : vector<5000x32xf32> to vector<5000x16xf32>
    %slice3A_9 = vector.extract_strided_slice %add3A {offsets = [0, 16], sizes = [5000, 1], strides = [1, 1]} : vector<5000x32xf32> to vector<5000x1xf32>
    %add3A_10 = arith.constant 1.000000e-16 : f32
    %add3A_11 = vector.broadcast %add3A_10 : f32 to vector<5000x1xf32>
    %add3A_12 = arith.addf %slice3A_9, %add3A_11 : vector<5000x1xf32>
    %div3A = vector.broadcast %add3A_12 : vector<5000x1xf32> to vector<5000x16xf32>
    %div3A_13 = arith.divf %slice3A, %div3A : vector<5000x16xf32>
    %get3A_14 = arith.constant 0 : index
    %get3A_15 = arith.constant 0 : index
    %get3A_16 = vector.load %arg1[%get3A_14, %get3A_15] : memref<5000x16xf32, #tpu.memory_space<vmem>>, vector<5000x16xf32>
    %get3A_17 = arith.constant 0 : index
    %get3A_18 = arith.constant 0 : index
    %get3A_19 = vector.load %arg3[%get3A_17, %get3A_18] : memref<16x32xf32, #tpu.memory_space<vmem>>, vector<16x32xf32>
    %dot_general3A = arith.constant dense<0.000000e+00> : vector<5000x32xf32>
    %dot_general3A_20 = tpu.matmul %get3A_16, %get3A_19, %dot_general3A {dimension_numbers = #tpu.dot_dimension_numbers<[1], [0], [0], [1], [0, 0, 1, 1], [], []>, transpose_lhs_hint = false} : vector<5000x16xf32>, vector<16x32xf32>, vector<5000x32xf32> -> vector<5000x32xf32>
    %get3A_21 = arith.constant 0 : index
    %get3A_22 = arith.constant 0 : index
    %get3A_23 = vector.load %arg4[%get3A_21, %get3A_22] : memref<16x32xf32, #tpu.memory_space<vmem>>, vector<16x32xf32>
    %dot_general3A_24 = arith.constant dense<0.000000e+00> : vector<5000x32xf32>
    %dot_general3A_25 = tpu.matmul %div3A_13, %get3A_23, %dot_general3A_24 {dimension_numbers = #tpu.dot_dimension_numbers<[1], [0], [0], [1], [0, 0, 1, 1], [], []>, transpose_lhs_hint = false} : vector<5000x16xf32>, vector<16x32xf32>, vector<5000x32xf32> -> vector<5000x32xf32>
    %add3A_26 = arith.addf %dot_general3A_20, %dot_general3A_25 : vector<5000x32xf32>
    %get3A_27 = arith.constant 0 : index
    %get3A_28 = arith.constant 0 : index
    %get3A_29 = vector.load %arg5[%get3A_27, %get3A_28] : memref<1x32xf32, #tpu.memory_space<vmem>>, vector<1x32xf32>
    %add3A_30 = vector.broadcast %get3A_29 : vector<1x32xf32> to vector<5000x32xf32>
    %add3A_31 = arith.addf %add3A_26, %add3A_30 : vector<5000x32xf32>
    %reduce_sum3A = arith.constant dense<0.000000e+00> : vector<5000xf32>
    %reduce_sum3A_32 = vector.multi_reduction <add>, %add3A_31, %reduce_sum3A [1] : vector<5000x32xf32> to vector<5000xf32>
    %broadcast_in_dim3A = vector.shape_cast %reduce_sum3A_32 : vector<5000xf32> to vector<5000x1xf32>
    %div3A_33 = arith.constant 3.200000e+01 : f32
    %div3A_34 = vector.broadcast %div3A_33 : f32 to vector<5000x1xf32>
    %div3A_35 = arith.divf %broadcast_in_dim3A, %div3A_34 : vector<5000x1xf32>
    %sub3A = vector.broadcast %div3A_35 : vector<5000x1xf32> to vector<5000x32xf32>
    %sub3A_36 = arith.subf %add3A_31, %sub3A : vector<5000x32xf32>
    %mul3A = arith.mulf %sub3A_36, %sub3A_36 : vector<5000x32xf32>
    %reduce_sum3A_37 = arith.constant dense<0.000000e+00> : vector<5000xf32>
    %reduce_sum3A_38 = vector.multi_reduction <add>, %mul3A, %reduce_sum3A_37 [1] : vector<5000x32xf32> to vector<5000xf32>
    %broadcast_in_dim3A_39 = vector.shape_cast %reduce_sum3A_38 : vector<5000xf32> to vector<5000x1xf32>
    %div3A_40 = arith.constant 3.200000e+01 : f32
    %div3A_41 = vector.broadcast %div3A_40 : f32 to vector<5000x1xf32>
    %div3A_42 = arith.divf %broadcast_in_dim3A_39, %div3A_41 : vector<5000x1xf32>
    %add3A_43 = arith.constant 9.99999974E-6 : f32
    %add3A_44 = vector.broadcast %add3A_43 : f32 to vector<5000x1xf32>
    %add3A_45 = arith.addf %div3A_42, %add3A_44 : vector<5000x1xf32>
    %rsqrt3A = math.rsqrt %add3A_45 : vector<5000x1xf32>
    %mul3A_46 = vector.broadcast %rsqrt3A : vector<5000x1xf32> to vector<5000x32xf32>
    %mul3A_47 = arith.mulf %sub3A_36, %mul3A_46 : vector<5000x32xf32>
    %get3A_48 = arith.constant 0 : index
    %get3A_49 = arith.constant 0 : index
    %get3A_50 = vector.load %arg6[%get3A_48, %get3A_49] : memref<1x32xf32, #tpu.memory_space<vmem>>, vector<1x32xf32>
    %mul3A_51 = vector.broadcast %get3A_50 : vector<1x32xf32> to vector<5000x32xf32>
    %mul3A_52 = arith.mulf %mul3A_47, %mul3A_51 : vector<5000x32xf32>
    %get3A_53 = arith.constant 0 : index
    %get3A_54 = arith.constant 0 : index
    %get3A_55 = vector.load %arg7[%get3A_53, %get3A_54] : memref<1x32xf32, #tpu.memory_space<vmem>>, vector<1x32xf32>
    %add3A_56 = vector.broadcast %get3A_55 : vector<1x32xf32> to vector<5000x32xf32>
    %add3A_57 = arith.addf %mul3A_52, %add3A_56 : vector<5000x32xf32>
    %logistic3A = arith.negf %add3A_57 : vector<5000x32xf32>
    %logistic3A_58 = math.exp %logistic3A : vector<5000x32xf32>
    %logistic3A_59 = arith.constant 1.000000e+00 : f32
    %logistic3A_60 = vector.broadcast %logistic3A_59 : f32 to vector<5000x32xf32>
    %logistic3A_61 = arith.addf %logistic3A_60, %logistic3A_58 : vector<5000x32xf32>
    %logistic3A_62 = arith.divf %logistic3A_60, %logistic3A_61 : vector<5000x32xf32>
    %mul3A_63 = arith.mulf %add3A_57, %logistic3A_62 : vector<5000x32xf32>
    %get3A_64 = arith.constant 0 : index
    %get3A_65 = arith.constant 0 : index
    %get3A_66 = vector.load %arg8[%get3A_64, %get3A_65] : memref<32x16xf32, #tpu.memory_space<vmem>>, vector<32x16xf32>
    %get3A_67 = arith.constant 0 : index
    %get3A_68 = arith.constant 0 : index
    %get3A_69 = vector.load %arg9[%get3A_67, %get3A_68] : memref<1x16xf32, #tpu.memory_space<vmem>>, vector<1x16xf32>
    %get3A_70 = arith.constant 0 : index
    %get3A_71 = arith.constant 0 : index
    %get3A_72 = vector.load %arg10[%get3A_70, %get3A_71] : memref<1x16xf32, #tpu.memory_space<vmem>>, vector<1x16xf32>
    %get3A_73 = arith.constant 0 : index
    %get3A_74 = arith.constant 0 : index
    %get3A_75 = vector.load %arg11[%get3A_73, %get3A_74] : memref<1x16xf32, #tpu.memory_space<vmem>>, vector<1x16xf32>
    %dot_general3A_76 = arith.constant dense<0.000000e+00> : vector<5000x16xf32>
    %dot_general3A_77 = tpu.matmul %mul3A_63, %get3A_66, %dot_general3A_76 {dimension_numbers = #tpu.dot_dimension_numbers<[1], [0], [0], [1], [0, 0, 1, 1], [], []>, transpose_lhs_hint = false} : vector<5000x32xf32>, vector<32x16xf32>, vector<5000x16xf32> -> vector<5000x16xf32>
    %add3A_78 = vector.broadcast %get3A_69 : vector<1x16xf32> to vector<5000x16xf32>
    %add3A_79 = arith.addf %dot_general3A_77, %add3A_78 : vector<5000x16xf32>
    %reduce_sum3A_80 = arith.constant dense<0.000000e+00> : vector<5000xf32>
    %reduce_sum3A_81 = vector.multi_reduction <add>, %add3A_79, %reduce_sum3A_80 [1] : vector<5000x16xf32> to vector<5000xf32>
    %broadcast_in_dim3A_82 = vector.shape_cast %reduce_sum3A_81 : vector<5000xf32> to vector<5000x1xf32>
    %div3A_83 = arith.constant 1.600000e+01 : f32
    %div3A_84 = vector.broadcast %div3A_83 : f32 to vector<5000x1xf32>
    %div3A_85 = arith.divf %broadcast_in_dim3A_82, %div3A_84 : vector<5000x1xf32>
    %sub3A_86 = vector.broadcast %div3A_85 : vector<5000x1xf32> to vector<5000x16xf32>
    %sub3A_87 = arith.subf %add3A_79, %sub3A_86 : vector<5000x16xf32>
    %mul3A_88 = arith.mulf %sub3A_87, %sub3A_87 : vector<5000x16xf32>
    %reduce_sum3A_89 = arith.constant dense<0.000000e+00> : vector<5000xf32>
    %reduce_sum3A_90 = vector.multi_reduction <add>, %mul3A_88, %reduce_sum3A_89 [1] : vector<5000x16xf32> to vector<5000xf32>
    %broadcast_in_dim3A_91 = vector.shape_cast %reduce_sum3A_90 : vector<5000xf32> to vector<5000x1xf32>
    %div3A_92 = arith.constant 1.600000e+01 : f32
    %div3A_93 = vector.broadcast %div3A_92 : f32 to vector<5000x1xf32>
    %div3A_94 = arith.divf %broadcast_in_dim3A_91, %div3A_93 : vector<5000x1xf32>
    %add3A_95 = arith.constant 9.99999974E-6 : f32
    %add3A_96 = vector.broadcast %add3A_95 : f32 to vector<5000x1xf32>
    %add3A_97 = arith.addf %div3A_94, %add3A_96 : vector<5000x1xf32>
    %rsqrt3A_98 = math.rsqrt %add3A_97 : vector<5000x1xf32>
    %mul3A_99 = vector.broadcast %rsqrt3A_98 : vector<5000x1xf32> to vector<5000x16xf32>
    %mul3A_100 = arith.mulf %sub3A_87, %mul3A_99 : vector<5000x16xf32>
    %mul3A_101 = vector.broadcast %get3A_72 : vector<1x16xf32> to vector<5000x16xf32>
    %mul3A_102 = arith.mulf %mul3A_100, %mul3A_101 : vector<5000x16xf32>
    %add3A_103 = vector.broadcast %get3A_75 : vector<1x16xf32> to vector<5000x16xf32>
    %add3A_104 = arith.addf %mul3A_102, %add3A_103 : vector<5000x16xf32>
    %logistic3A_105 = arith.negf %add3A_104 : vector<5000x16xf32>
    %logistic3A_106 = math.exp %logistic3A_105 : vector<5000x16xf32>
    %logistic3A_107 = arith.constant 1.000000e+00 : f32
    %logistic3A_108 = vector.broadcast %logistic3A_107 : f32 to vector<5000x16xf32>
    %logistic3A_109 = arith.addf %logistic3A_108, %logistic3A_106 : vector<5000x16xf32>
    %logistic3A_110 = arith.divf %logistic3A_108, %logistic3A_109 : vector<5000x16xf32>
    %mul3A_111 = arith.mulf %add3A_104, %logistic3A_110 : vector<5000x16xf32>
    %get3A_112 = arith.constant 0 : index
    %get3A_113 = arith.constant 0 : index
    %get3A_114 = vector.load %arg12[%get3A_112, %get3A_113] : memref<16x32xf32, #tpu.memory_space<vmem>>, vector<16x32xf32>
    %get3A_115 = arith.constant 0 : index
    %get3A_116 = arith.constant 0 : index
    %get3A_117 = vector.load %arg13[%get3A_115, %get3A_116] : memref<1x32xf32, #tpu.memory_space<vmem>>, vector<1x32xf32>
    %get3A_118 = arith.constant 0 : index
    %get3A_119 = arith.constant 0 : index
    %get3A_120 = vector.load %arg14[%get3A_118, %get3A_119] : memref<1x32xf32, #tpu.memory_space<vmem>>, vector<1x32xf32>
    %get3A_121 = arith.constant 0 : index
    %get3A_122 = arith.constant 0 : index
    %get3A_123 = vector.load %arg15[%get3A_121, %get3A_122] : memref<1x32xf32, #tpu.memory_space<vmem>>, vector<1x32xf32>
    %dot_general3A_124 = arith.constant dense<0.000000e+00> : vector<5000x32xf32>
    %dot_general3A_125 = tpu.matmul %mul3A_111, %get3A_114, %dot_general3A_124 {dimension_numbers = #tpu.dot_dimension_numbers<[1], [0], [0], [1], [0, 0, 1, 1], [], []>, transpose_lhs_hint = false} : vector<5000x16xf32>, vector<16x32xf32>, vector<5000x32xf32> -> vector<5000x32xf32>
    %add3A_126 = vector.broadcast %get3A_117 : vector<1x32xf32> to vector<5000x32xf32>
    %add3A_127 = arith.addf %dot_general3A_125, %add3A_126 : vector<5000x32xf32>
    %reduce_sum3A_128 = arith.constant dense<0.000000e+00> : vector<5000xf32>
    %reduce_sum3A_129 = vector.multi_reduction <add>, %add3A_127, %reduce_sum3A_128 [1] : vector<5000x32xf32> to vector<5000xf32>
    %broadcast_in_dim3A_130 = vector.shape_cast %reduce_sum3A_129 : vector<5000xf32> to vector<5000x1xf32>
    %div3A_131 = arith.constant 3.200000e+01 : f32
    %div3A_132 = vector.broadcast %div3A_131 : f32 to vector<5000x1xf32>
    %div3A_133 = arith.divf %broadcast_in_dim3A_130, %div3A_132 : vector<5000x1xf32>
    %sub3A_134 = vector.broadcast %div3A_133 : vector<5000x1xf32> to vector<5000x32xf32>
    %sub3A_135 = arith.subf %add3A_127, %sub3A_134 : vector<5000x32xf32>
    %mul3A_136 = arith.mulf %sub3A_135, %sub3A_135 : vector<5000x32xf32>
    %reduce_sum3A_137 = arith.constant dense<0.000000e+00> : vector<5000xf32>
    %reduce_sum3A_138 = vector.multi_reduction <add>, %mul3A_136, %reduce_sum3A_137 [1] : vector<5000x32xf32> to vector<5000xf32>
    %broadcast_in_dim3A_139 = vector.shape_cast %reduce_sum3A_138 : vector<5000xf32> to vector<5000x1xf32>
    %div3A_140 = arith.constant 3.200000e+01 : f32
    %div3A_141 = vector.broadcast %div3A_140 : f32 to vector<5000x1xf32>
    %div3A_142 = arith.divf %broadcast_in_dim3A_139, %div3A_141 : vector<5000x1xf32>
    %add3A_143 = arith.constant 9.99999974E-6 : f32
    %add3A_144 = vector.broadcast %add3A_143 : f32 to vector<5000x1xf32>
    %add3A_145 = arith.addf %div3A_142, %add3A_144 : vector<5000x1xf32>
    %rsqrt3A_146 = math.rsqrt %add3A_145 : vector<5000x1xf32>
    %mul3A_147 = vector.broadcast %rsqrt3A_146 : vector<5000x1xf32> to vector<5000x32xf32>
    %mul3A_148 = arith.mulf %sub3A_135, %mul3A_147 : vector<5000x32xf32>
    %mul3A_149 = vector.broadcast %get3A_120 : vector<1x32xf32> to vector<5000x32xf32>
    %mul3A_150 = arith.mulf %mul3A_148, %mul3A_149 : vector<5000x32xf32>
    %add3A_151 = vector.broadcast %get3A_123 : vector<1x32xf32> to vector<5000x32xf32>
    %add3A_152 = arith.addf %mul3A_150, %add3A_151 : vector<5000x32xf32>
    %logistic3A_153 = arith.negf %add3A_152 : vector<5000x32xf32>
    %logistic3A_154 = math.exp %logistic3A_153 : vector<5000x32xf32>
    %logistic3A_155 = arith.constant 1.000000e+00 : f32
    %logistic3A_156 = vector.broadcast %logistic3A_155 : f32 to vector<5000x32xf32>
    %logistic3A_157 = arith.addf %logistic3A_156, %logistic3A_154 : vector<5000x32xf32>
    %logistic3A_158 = arith.divf %logistic3A_156, %logistic3A_157 : vector<5000x32xf32>
    %mul3A_159 = arith.mulf %add3A_152, %logistic3A_158 : vector<5000x32xf32>
    %get3A_160 = arith.constant 0 : index
    %get3A_161 = arith.constant 0 : index
    %get3A_162 = vector.load %arg16[%get3A_160, %get3A_161] : memref<32x8xf32, #tpu.memory_space<vmem>>, vector<32x8xf32>
    %get3A_163 = arith.constant 0 : index
    %get3A_164 = arith.constant 0 : index
    %get3A_165 = vector.load %arg17[%get3A_163, %get3A_164] : memref<1x8xf32, #tpu.memory_space<vmem>>, vector<1x8xf32>
    %get3A_166 = arith.constant 0 : index
    %get3A_167 = arith.constant 0 : index
    %get3A_168 = vector.load %arg18[%get3A_166, %get3A_167] : memref<1x8xf32, #tpu.memory_space<vmem>>, vector<1x8xf32>
    %get3A_169 = arith.constant 0 : index
    %get3A_170 = arith.constant 0 : index
    %get3A_171 = vector.load %arg19[%get3A_169, %get3A_170] : memref<1x8xf32, #tpu.memory_space<vmem>>, vector<1x8xf32>
    %dot_general3A_172 = arith.constant dense<0.000000e+00> : vector<5000x8xf32>
    %dot_general3A_173 = tpu.matmul %mul3A_159, %get3A_162, %dot_general3A_172 {dimension_numbers = #tpu.dot_dimension_numbers<[1], [0], [0], [1], [0, 0, 1, 1], [], []>, transpose_lhs_hint = false} : vector<5000x32xf32>, vector<32x8xf32>, vector<5000x8xf32> -> vector<5000x8xf32>
    %add3A_174 = vector.broadcast %get3A_165 : vector<1x8xf32> to vector<5000x8xf32>
    %add3A_175 = arith.addf %dot_general3A_173, %add3A_174 : vector<5000x8xf32>
    %reduce_sum3A_176 = arith.constant dense<0.000000e+00> : vector<5000xf32>
    %reduce_sum3A_177 = vector.multi_reduction <add>, %add3A_175, %reduce_sum3A_176 [1] : vector<5000x8xf32> to vector<5000xf32>
    %broadcast_in_dim3A_178 = vector.shape_cast %reduce_sum3A_177 : vector<5000xf32> to vector<5000x1xf32>
    %div3A_179 = arith.constant 8.000000e+00 : f32
    %div3A_180 = vector.broadcast %div3A_179 : f32 to vector<5000x1xf32>
    %div3A_181 = arith.divf %broadcast_in_dim3A_178, %div3A_180 : vector<5000x1xf32>
    %sub3A_182 = vector.broadcast %div3A_181 : vector<5000x1xf32> to vector<5000x8xf32>
    %sub3A_183 = arith.subf %add3A_175, %sub3A_182 : vector<5000x8xf32>
    %mul3A_184 = arith.mulf %sub3A_183, %sub3A_183 : vector<5000x8xf32>
    %reduce_sum3A_185 = arith.constant dense<0.000000e+00> : vector<5000xf32>
    %reduce_sum3A_186 = vector.multi_reduction <add>, %mul3A_184, %reduce_sum3A_185 [1] : vector<5000x8xf32> to vector<5000xf32>
    %broadcast_in_dim3A_187 = vector.shape_cast %reduce_sum3A_186 : vector<5000xf32> to vector<5000x1xf32>
    %div3A_188 = arith.constant 8.000000e+00 : f32
    %div3A_189 = vector.broadcast %div3A_188 : f32 to vector<5000x1xf32>
    %div3A_190 = arith.divf %broadcast_in_dim3A_187, %div3A_189 : vector<5000x1xf32>
    %add3A_191 = arith.constant 9.99999974E-6 : f32
    %add3A_192 = vector.broadcast %add3A_191 : f32 to vector<5000x1xf32>
    %add3A_193 = arith.addf %div3A_190, %add3A_192 : vector<5000x1xf32>
    %rsqrt3A_194 = math.rsqrt %add3A_193 : vector<5000x1xf32>
    %mul3A_195 = vector.broadcast %rsqrt3A_194 : vector<5000x1xf32> to vector<5000x8xf32>
    %mul3A_196 = arith.mulf %sub3A_183, %mul3A_195 : vector<5000x8xf32>
    %mul3A_197 = vector.broadcast %get3A_168 : vector<1x8xf32> to vector<5000x8xf32>
    %mul3A_198 = arith.mulf %mul3A_196, %mul3A_197 : vector<5000x8xf32>
    %add3A_199 = vector.broadcast %get3A_171 : vector<1x8xf32> to vector<5000x8xf32>
    %add3A_200 = arith.addf %mul3A_198, %add3A_199 : vector<5000x8xf32>
    %tanh3A = math.tanh %add3A_200 : vector<5000x8xf32>
    %mul3A_201 = arith.mulf %tanh3A, %tanh3A : vector<5000x8xf32>
    %reduce_sum3A_202 = arith.constant dense<0.000000e+00> : vector<5000xf32>
    %reduce_sum3A_203 = vector.multi_reduction <add>, %mul3A_201, %reduce_sum3A_202 [1] : vector<5000x8xf32> to vector<5000xf32>
    %broadcast_in_dim3A_204 = vector.shape_cast %reduce_sum3A_203 : vector<5000xf32> to vector<5000x1xf32>
    %sqrt3A = math.sqrt %broadcast_in_dim3A_204 : vector<5000x1xf32>
    %add3A_205 = arith.constant 9.99999996E-13 : f32
    %add3A_206 = vector.broadcast %add3A_205 : f32 to vector<5000x1xf32>
    %add3A_207 = arith.addf %sqrt3A, %add3A_206 : vector<5000x1xf32>
    %div3A_208 = vector.broadcast %add3A_207 : vector<5000x1xf32> to vector<5000x8xf32>
    %div3A_209 = arith.divf %tanh3A, %div3A_208 : vector<5000x8xf32>
    %swap3A = arith.constant 0 : index
    %swap3A_210 = arith.constant 0 : index
    %swap3A_211 = vector.load %arg20[%swap3A, %swap3A_210] : memref<5000x8xf32, #tpu.memory_space<vmem>>, vector<5000x8xf32>
    tpu.vector_store %arg20[%swap3A, %swap3A_210], %div3A_209 {strides = array<i32>} : memref<5000x8xf32, #tpu.memory_space<vmem>>, vector<5000x8xf32>,
    return
  }
  func.func @transform_0(%arg0: i32) -> (i32, i32) {
    %c0_i32 = arith.constant 0 : i32
    %c0_i32_0 = arith.constant 0 : i32
    return %arg0, %c0_i32 : i32, i32
  }
  func.func @transform_1(%arg0: i32) -> (i32, i32, i32) {
    %c0_i32 = arith.constant 0 : i32
    %c0_i32_0 = arith.constant 0 : i32
    %c0_i32_1 = arith.constant 0 : i32
    return %c0_i32, %arg0, %c0_i32_0 : i32, i32, i32
  }
  func.func @transform_2(%arg0: i32) -> (i32, i32) {
    %c0_i32 = arith.constant 0 : i32
    %c0_i32_0 = arith.constant 0 : i32
    %c0_i32_1 = arith.constant 0 : i32
    return %c0_i32, %c0_i32_0 : i32, i32
  }
  func.func @transform_3(%arg0: i32) -> (i32, i32) {
    %c0_i32 = arith.constant 0 : i32
    %c0_i32_0 = arith.constant 0 : i32
    %c0_i32_1 = arith.constant 0 : i32
    return %c0_i32, %c0_i32_0 : i32, i32
  }
  func.func @transform_4(%arg0: i32) -> (i32, i32) {
    %c0_i32 = arith.constant 0 : i32
    %c0_i32_0 = arith.constant 0 : i32
    %c0_i32_1 = arith.constant 0 : i32
    return %c0_i32, %c0_i32_0 : i32, i32
  }
  func.func @transform_5(%arg0: i32) -> (i32, i32) {
    %c0_i32 = arith.constant 0 : i32
    %c0_i32_0 = arith.constant 0 : i32
    %c0_i32_1 = arith.constant 0 : i32
    return %c0_i32, %c0_i32_0 : i32, i32
  }
  func.func @transform_6(%arg0: i32) -> (i32, i32) {
    %c0_i32 = arith.constant 0 : i32
    %c0_i32_0 = arith.constant 0 : i32
    %c0_i32_1 = arith.constant 0 : i32
    return %c0_i32, %c0_i32_0 : i32, i32
  }
  func.func @transform_7(%arg0: i32) -> (i32, i32) {
    %c0_i32 = arith.constant 0 : i32
    %c0_i32_0 = arith.constant 0 : i32
    %c0_i32_1 = arith.constant 0 : i32
    return %c0_i32, %c0_i32_0 : i32, i32
  }
  func.func @transform_8(%arg0: i32) -> (i32, i32) {
    %c0_i32 = arith.constant 0 : i32
    %c0_i32_0 = arith.constant 0 : i32
    %c0_i32_1 = arith.constant 0 : i32
    return %c0_i32, %c0_i32_0 : i32, i32
  }
  func.func @transform_9(%arg0: i32) -> (i32, i32) {
    %c0_i32 = arith.constant 0 : i32
    %c0_i32_0 = arith.constant 0 : i32
    %c0_i32_1 = arith.constant 0 : i32
    return %c0_i32, %c0_i32_0 : i32, i32
  }
  func.func @transform_10(%arg0: i32) -> (i32, i32) {
    %c0_i32 = arith.constant 0 : i32
    %c0_i32_0 = arith.constant 0 : i32
    %c0_i32_1 = arith.constant 0 : i32
    return %c0_i32, %c0_i32_0 : i32, i32
  }
  func.func @transform_11(%arg0: i32) -> (i32, i32) {
    %c0_i32 = arith.constant 0 : i32
    %c0_i32_0 = arith.constant 0 : i32
    %c0_i32_1 = arith.constant 0 : i32
    return %c0_i32, %c0_i32_0 : i32, i32
  }
  func.func @transform_12(%arg0: i32) -> (i32, i32) {
    %c0_i32 = arith.constant 0 : i32
    %c0_i32_0 = arith.constant 0 : i32
    %c0_i32_1 = arith.constant 0 : i32
    return %c0_i32, %c0_i32_0 : i32, i32
  }
  func.func @transform_13(%arg0: i32) -> (i32, i32) {
    %c0_i32 = arith.constant 0 : i32
    %c0_i32_0 = arith.constant 0 : i32
    %c0_i32_1 = arith.constant 0 : i32
    return %c0_i32, %c0_i32_0 : i32, i32
  }
  func.func @transform_14(%arg0: i32) -> (i32, i32) {
    %c0_i32 = arith.constant 0 : i32
    %c0_i32_0 = arith.constant 0 : i32
    %c0_i32_1 = arith.constant 0 : i32
    return %c0_i32, %c0_i32_0 : i32, i32
  }
  func.func @transform_15(%arg0: i32) -> (i32, i32) {
    %c0_i32 = arith.constant 0 : i32
    %c0_i32_0 = arith.constant 0 : i32
    %c0_i32_1 = arith.constant 0 : i32
    return %c0_i32, %c0_i32_0 : i32, i32
  }
  func.func @transform_16(%arg0: i32) -> (i32, i32) {
    %c0_i32 = arith.constant 0 : i32
    %c0_i32_0 = arith.constant 0 : i32
    %c0_i32_1 = arith.constant 0 : i32
    return %c0_i32, %c0_i32_0 : i32, i32
  }
  func.func @transform_17(%arg0: i32) -> (i32, i32) {
    %c0_i32 = arith.constant 0 : i32
    %c0_i32_0 = arith.constant 0 : i32
    %c0_i32_1 = arith.constant 0 : i32
    return %c0_i32, %c0_i32_0 : i32, i32
  }
  func.func @transform_18(%arg0: i32) -> (i32, i32) {
    %c0_i32 = arith.constant 0 : i32
    %c0_i32_0 = arith.constant 0 : i32
    %c0_i32_1 = arith.constant 0 : i32
    return %c0_i32, %c0_i32_0 : i32, i32
  }
  func.func @transform_19(%arg0: i32) -> (i32, i32) {
    %c0_i32 = arith.constant 0 : i32
    %c0_i32_0 = arith.constant 0 : i32
    return %arg0, %c0_i32 : i32, i32
  }
}

</mosaic_0001>

<sc_bundles>
// kernel: kernel.12.cloned.1.call-start
scs
__scs_entry_jumppad:
0x0: {  	(pc) =	sbr.rel $0x88, $3  }
0x1: {  	(tag) =	ssettag $0x0;
	lr =	simm.s32 $0x1  }
0x2: {  	[smem:$0x3F7E] =	sst lr;
	_ =	strace $0xD0000000  }
0x3: {  	_ = 	snop  }
0x4: {  	_ = 	snop  }
0x5: {  	_ = 	snop  }
0x6: {  	_ = 	snop  }
0x7: {  	_ = 	snop  }
__scs_overlays_trampoline_lowered:
0x8: {  	[smem:$0x3F8D] =	sst s0  }
0x9: {  	[smem:$0x3F8E] =	sst s1  }
0xa: {  	[smem:$0x3F8F] =	sst s2  }
0xb: {  	[smem:$0x3F90] =	sst s3  }
0xc: {  	[smem:$0x3F91] =	sst s4  }
0xd: {  	[smem:$0x3F92] =	sst s5  }
0xe: {  	[smem:$0x3F93] =	sst s6  }
0xf: {  	[smem:$0x3F94] =	sst s7  }
0x10: {  	[smem:$0x3F95] =	sst s8  }
0x11: {  	[smem:$0x3F96] =	sst s9;
	s0 =	simm.s32 @!p0 $0x0  }
0x12: {  	s1 =	sld [smem:$0x3F7C];
	s0 =	simm.s32 @p0 $0x1  }
0x13: {  	[smem:$0x3F97] =	sst s0;
	s0 =	simm.s32 @!p1 $0x0  }
0x14: {  	s2 =	sld [smem:$0x3F7B];
	s0 =	simm.s32 @p1 $0x1  }
0x15: {  	[smem:$0x3F98] =	sst s0;
	s0 =	simm.s32 @!p2 $0x0  }
0x16: {  	s3 =	sld [smem:$0x3FDB];
	s0 =	simm.s32 @p2 $0x1  }
0x17: {  	s4 =	simm.s32 $0x1BF5;
	[smem:$0x3F9A] =	sst s0  }
0x18: {  	s0 =	sld [smem:$0x3F7D];
	_ =	swait.ge [sflag:s4], $0x0  }
0x19: {  	s7 =	sld [smem:$0x3F7E]  }
0x1a: {  	s8 =	sadd.s32 $0xFFFFE003, lr  }
0x1b: {  	s9 =	sadd.s32 $0xFFFFFEF7, lr;
	s5 =	simm.s32 $0xFFFFFFFF;
	p2 =	slt.u32 s8, $0xFFFFF086  }
0x1c: {  	p1 =	slt.u32 s9, $0xF7A;
	s5 =	simm.s32 @!p2 $0x0  }
0x1d: {  	s5 =	simm.s32 @p1 $0x1;
	p0 =	seq.s32 s7, s2  }
0x1e: {  	s7 =	smul.u32 @!p0 $0xF7A, s2;
	p2 =	seq.s32 @!p0 s5, $0x0  }
0x1f: {  	s9 =	smul.u32 $0xF7A, s1;
	s8 =	simm.s32 @!p0 $0x1BF5;
	p2 =	por !p2, p0  }
0x20: {  	[sflag:s8] =	ssyncset.s32 @!p0 $0xFFFFF086;
	s6 =	sadd.s32 @!p0 s3, s7;
	s7 =	simm.s32 @!p0 $0x108  }
0x21: {  	s3 =	sadd.s32 s3, s9;
	s6 =	sadd.s32 @!p0 $0x88, s6;
	s7 =	simm.s32 @p2 $0x1082  }
0x22: {  	[simem:s7], [sflag:s8] =	dma.local @!p0 [hbm:s6], $0xF7A  }
0x23: {  	s9 =	sor.u32 $0xD0000000, s2;
	s6 =	simm.s32 $0x108;
	_ =	swait.ge @!p0 [sflag:s8], $0x0  }
0x24: {  	s3 =	sadd.s32 $0x88, s3;
	s6 =	simm.s32 @!p1 $0x1082;
	[sflag:s4] =	ssyncset.s32 $0xFFFFF086  }
0x25: {  	[simem:s6], [sflag:s4] =	dma.local [hbm:s3], $0xF7A  }
0x26: {  	[smem:$0x3F7E] =	sst s1;
	(tag) =	ssettag s2;
	_ =	strace s9  }
0x27: {  	s1 =	sld [smem:$0x3F8E]  }
0x28: {  	s2 =	sld [smem:$0x3F8F]  }
0x29: {  	s4 =	sld [smem:$0x3F91]  }
0x2a: {  	p0 =	seq.s32 s5, $0x0;
	s5 =	sld [smem:$0x3F92]  }
0x2b: {  	s6 =	sld [smem:$0x3F93]  }
0x2c: {  	s7 =	sld [smem:$0x3F94]  }
0x2d: {  	s3 =	simm.s32 $0x108;
	s8 =	sld [smem:$0x3F95]  }
0x2e: {  	s3 =	simm.s32 @!p0 $0x1082;
	s9 =	sld [smem:$0x3F96]  }
0x2f: {  	lr =	sadd.s32 s0, s3;
	s0 =	sld [smem:$0x3F8D]  }
0x30: {  	s3 =	sld [smem:$0x3F90]  }
0x31: {  	[smem:$0x3F99] =	sst s10  }
0x32: {  	s10 =	sld [smem:$0x3F97];
	_ =	sdelay $0x3  }
0x33: {  	p0 =	seq.s32 s10, $0x1;
	s10 =	sld [smem:$0x3F99];
	_ =	sdelay $0x3  }
0x34: {  	[smem:$0x3F99] =	sst s10  }
0x35: {  	s10 =	sld [smem:$0x3F98];
	_ =	sdelay $0x3  }
0x36: {  	p1 =	seq.s32 s10, $0x1;
	s10 =	sld [smem:$0x3F99];
	_ =	sdelay $0x3  }
0x37: {  	[smem:$0x3F99] =	sst s10  }
0x38: {  	s10 =	sld [smem:$0x3F9A]  }
0x39: {  	_ = 	snop;
	(pc) =	sbr.ind lr, $3  }
0x3a: {  	_ = 	snop  }
0x3b: {  	_ = 	snop  }
0x3c: {  	p2 =	seq.s32 s10, $0x1;
	s10 =	sld [smem:$0x3F99]  }
0x3d: {  	_ =	shalt  }
0x3e: {  	_ =	shalt  }
0x3f: {  	_ =	shalt  }
0x40: {  	_ =	shalt  }
0x41: {  	_ =	shalt  }
0x42: {  	_ =	shalt  }
0x43: {  	_ =	shalt  }
0x44: {  	_ =	shalt  }
0x45: {  	_ =	shalt  }
0x46: {  	_ =	shalt  }
0x47: {  	_ =	shalt  }
0x48: {  	_ =	shalt  }
0x49: {  	_ =	shalt  }
0x4a: {  	_ =	shalt  }
0x4b: {  	_ =	shalt  }
0x4c: {  	_ =	shalt  }
0x4d: {  	_ =	shalt  }
0x4e: {  	_ =	shalt  }
0x4f: {  	_ =	shalt  }
0x50: {  	_ =	shalt  }
0x51: {  	_ =	shalt  }
0x52: {  	_ =	shalt  }
0x53: {  	_ =	shalt  }
0x54: {  	_ =	shalt  }
0x55: {  	_ =	shalt  }
0x56: {  	_ =	shalt  }
0x57: {  	_ =	shalt  }
0x58: {  	_ =	shalt  }
0x59: {  	_ =	shalt  }
0x5a: {  	_ =	shalt  }
0x5b: {  	_ =	shalt  }
0x5c: {  	_ =	shalt  }
0x5d: {  	_ =	shalt  }
0x5e: {  	_ =	shalt  }
0x5f: {  	_ =	shalt  }
0x60: {  	_ =	shalt  }
0x61: {  	_ =	shalt  }
0x62: {  	_ =	shalt  }
0x63: {  	_ =	shalt  }
0x64: {  	_ =	shalt  }
0x65: {  	_ =	shalt  }
0x66: {  	_ =	shalt  }
0x67: {  	_ =	shalt  }
0x68: {  	_ =	shalt  }
0x69: {  	_ =	shalt  }
0x6a: {  	_ =	shalt  }
0x6b: {  	_ =	shalt  }
0x6c: {  	_ =	shalt  }
0x6d: {  	_ =	shalt  }
0x6e: {  	_ =	shalt  }
0x6f: {  	_ =	shalt  }
0x70: {  	_ =	shalt  }
0x71: {  	_ =	shalt  }
0x72: {  	_ =	shalt  }
0x73: {  	_ =	shalt  }
0x74: {  	_ =	shalt  }
0x75: {  	_ =	shalt  }
0x76: {  	_ =	shalt  }
0x77: {  	_ =	shalt  }
0x78: {  	_ =	shalt  }
0x79: {  	_ =	shalt  }
0x7a: {  	_ =	shalt  }
0x7b: {  	_ =	shalt  }
0x7c: {  	_ =	shalt  }
0x7d: {  	_ =	shalt  }
0x7e: {  	_ =	shalt  }
0x7f: {  	_ =	shalt  }
0x80: {  	_ =	shalt  }
0x81: {  	_ =	shalt  }
0x82: {  	_ =	shalt  }
0x83: {  	_ =	shalt  }
0x84: {  	_ =	shalt  }
0x85: {  	_ =	shalt  }
0x86: {  	_ =	shalt  }
0x87: {  	_ =	shalt  }
.Lfunc_end0:
.L_simem_size_0:
called_computation.3_lowered:
.L_overlay_start_0:
0x88: {  	s2 =	sld [smem:$0x3FD9]  }
0x89: {  	s3 =	sld [smem:$0x3FFE];
	_ =	sdelay $0x1  }
0x8a: {  	s1 =	srdreg.scid  }
0x8b: {  	s0 =	sand.u32 $0x1, s1  }
0x8c: {  	s17 =	sshll.u32 s0, $0xA;
	s2 =	sadd.s32 s3, s2  }
0x8d: {  	s2 =	sadd.s32 s2, s17  }
0x8e: {  	[smem:$0x3FA5] =	sst s2  }
0x8f: {  	_ = 	snop  }
0x90: {  	s2 =	sld [smem:$0x3FC8]  }
0x91: {  	s18 =	sld [smem:$0x3FC7];
	(tm) =	ssettm $0x1  }
0x92: {  	s4 =	sld [smem:$0x3FFB];
	_ =	sdelay $0x3  }
0x93: {  	_ =	strace s4  }
0x94: {  	s4 =	sld [smem:$0x3FFC];
	_ =	sdelay $0x3  }
0x95: {  	_ =	strace s4  }
0x96: {  	s4 =	sld [smem:$0x3FFD];
	_ =	sdelay $0x3  }
0x97: {  	_ =	strace s4  }
0x98: {  	_ =	strace $0x8FFFFFFF  }
0x99: {  	s19 =	sld [smem:$0x3FDB];
	_ =	sdelay $0x1  }
0x9a: {  	s5 =	simm.s32 $_scs_section_size  }
0x9b: {  	s6 =	simm.s32 $_size__tile_overlayer_lowered;
	s7 =	simm.s32 $_tile_overlayer_lowered  }
0x9c: {  	s22 =	simm.s32 $0x1BFF;
	s21 =	sshll.u32 s7, $0x1;
	s4 =	sadd.s32 s5, s19  }
0x9d: {  	s8 =	simm.s32 $0x0;
	s20 =	sshll.u32 s6, $0x1;
	s6 =	sadd.s32 s21, s4  }
0x9e: {  	[timem:s8], [sflag:s22] =	dma.local [hbm:s6], s20  }
0x9f: {  	_ =	swait.ge [sflag:s22], s20  }
0xa0: {  	s5 =	ssub.s32 $0x0, s20;
	[sflag:s22] =	ssyncset.done $0x0  }
0xa1: {  	[sflag:s22] =	ssyncadd.s32 s5;
	_ =	sdelay $0x1  }
0xa2: {  	s23 =	simm.s32 $0x1B8B  }
0xa3: {  	_ =	swait.ge [sflag:s23], $0x1  }
0xa4: {  	[sflag:s23] =	ssyncset.done $0x0  }
0xa5: {  	s25 =	simm.s32 $0x1B8E;
	s24 =	sld [smem:$0x3FFE];
	[sflag:s23] =	ssyncadd.s32 $0xFFFFFFFF  }
0xa6: {  	s26 =	simm.s32 $execute0_lowered;
	[smem:$0x3FD2] =	sst s25  }
0xa7: {  	s6 =	sshll.u32 s26, $0x1;
	_ =	strace $0x80000046;
	[dreg:$0x1] =	wrdreg $0xFFFFFFFF  }
0xa8: {  	s28 =	simm.s32 $_size_execute0_lowered;
	s4 =	sadd.s32 s4, s6;
	[dreg:$0x0] =	wrdreg $0x0  }
0xa9: {  	s6 =	sshll.u32 s28, $0x1;
	[dreg:$0x2] =	wrdreg s4  }
0xaa: {  	[dreg:$0x3] =	wrdreg s6  }
0xab: {  	[dreg:$0x4] =	wrdreg $0xC0  }
0xac: {  	_ =	task [dreg:s8], $0x5FFFF  }
0xad: {  	[dreg:$0x1] =	wrdreg $0xFFFFFFFF  }
0xae: {  	[dreg:$0x0] =	wrdreg $0x60  }
0xaf: {  	[dreg:$0x2] =	wrdreg s24  }
0xb0: {  	[dreg:$0x3] =	wrdreg s2  }
0xb1: {  	[dreg:$0x4] =	wrdreg s18  }
0xb2: {  	[dreg:$0x5] =	wrdreg $0x9  }
0xb3: {  	_ =	task.clear_ibuf [dreg:s8], $0x6FFFF;
	_ =	strace $0x90000046  }
0xb4: {  	s29 =	simm.s32 $0x9;
	_ =	strace $0x80000048  }
0xb5: {  	_ =	swait.ge [sflag:s29], $0x1  }
0xb6: {  	[sflag:s29] =	ssyncadd.s32 $0xFFFFFFFF  }
0xb7: {  	_ =	strace $0x90000048  }
0xb8: {  	_ =	sfence  }
0xb9: {  	s30 =	sld [smem:$0x0];
	_ =	sdelay $0x2  }
0xba: {  	s31 =	sshll.u32 s1, $0xD;
	s1 =	sshrl.u32 s1, $0x2  }
0xbb: {  	s3 =	sand.u32 $0x4000, s31;
	s1 =	sadd.s32 s1, s30  }
0xbc: {  	s0 =	sor.u32 s3, s0;
	s1 =	sshll.u32 s1, $0x11  }
0xbd: {  	s0 =	sor.u32 s1, s0  }
0xbe: {  	s0 =	sadd.s32 $0x8F2B, s0  }
0xbf: {  	[sflag:s0] =	ssyncadd.remote.s32 $0x1  }
0xc0: {  	_ =	sfence.sel $0xFFFF  }
0xc1: {  	[dreg:$0x0] =	wrdreg $0xFFFFFFFF;
	(pc) =	sbr.abs _section_cstart, $3  }
0xc2: {  	[dreg:$0x1] =	wrdreg $0xFFFFFFFF  }
0xc3: {  	_ =	task.clear_ibuf [dreg:s8], $0x2FFFF;
	_ =	strace $0x9FFFFFFF  }
0xc4: {  	(tm) =	ssettm $0x7FFFFFFF  }
0xc5: {  	_ =	shalt  }
tec
execute0_lowered:
.L_overlay_start_1:
0x0: {  	(tag) =	ssettag $0x1  }
0x1: {  	s0 =	rddreg [dreg:$0x0]  }
0x2: {  	s1 =	rddreg [dreg:$0x1]  }
0x3: {  	s5 =	rddreg [dreg:$0x2];
	s12 =	stileid.u32  }
0x4: {  	s3 =	srdreg.scid;
	s2 =	simm.s32 $0x0;
	s15 =	simm.s32 $0x1  }
0x5: {  	s16 =	simm.s32 $0x80;
	s17 =	simm.s32 $0x1400;
	s14 =	simm.s32 $0x2  }
0x6: {  	s13 =	simm.s32 $0xB400;
	s20 =	simm.s32 $0x10400;
	s18 =	simm.s32 $0x1300  }
0x7: {  	s19 =	simm.s32 $0x14400;
	s21 =	simm.s32 $0x1380;
	s22 =	simm.s32 $0x14C00  }
0x8: {  	s23 =	simm.s32 $0x4;
	s6 =	sand.u32 $0x1, s3;
	s8 =	smul.u32 $0x17C00, s12  }
0x9: {  	s24 =	sshll.u32 s12, $0x1;
	[smem:$0x7FF] =	sst s2;
	s25 =	smul.u32 $0x26, s12  }
0xa: {  	s3 =	sadd.s32 $0x9A00, s0;
	s12 =	simm.s32 $0x13C00;
	s26 =	smul.u32 $0x13, s6  }
0xb: {  	s4 =	sor.u32 s6, s24;
	s9 =	ssub.s32 $0x2, s6;
	s6 =	smul.u32 $0xBE00, s6  }
0xc: {  	_ =	strace $0x80000047;
	s7 =	smul.u32 $0x13, s4;
	s10 =	smin.u32 s4, $0x11  }
0xd: {  	s11 =	sshrl.u32 s9, $0x1;
	p0 =	slt.u32 s4, $0x11;
	s4 =	simm.s32 $0x14  }
0xe: {  	s0 =	sadd.s32 s8, s0;
	s9 =	ssub.s32 s9, s11;
	s4 =	simm.s32 @!p0 $0x13  }
0xf: {  	s8 =	sadd.s32 s25, s10;
	s0 =	sadd.s32 s6, s0;
	s6 =	simm.s32 $0x3  }
0x10: {  	s7 =	sadd.s32 s10, s7;
	s10 =	smul.u32 $0xA00, s10;
	s8 =	sadd.s32 s26, s8  }
0x11: {  	s9 =	smax.u32 s9, $0x1;
	s26 =	simm.s32 $0x0;
	s7 =	smul.u32 $0x500, s7  }
0x12: {  	s29 =	smul.u32 $0xA0, s8;
	s8 =	sadd.s32 $0xFFFFFFFE, s4;
	[dreg:$0x6] =	wrdreg s9  }
0x13: {  	s9 =	simm.s32 $0x6400;
	s0 =	sadd.s32 s10, s0;
	s7 =	sshrl.u32 s7, $0x3  }
0x14: {  	s10 =	sadd.s32 $0x190600, s0;
	s11 =	sadd.s32 $0x317000, s0;
	s31 =	sadd.s32 s29, s1  }
.Ltmp0:
0x15: {  	s7 =	sadd.s32 $0x186A0, s7;
	s0 =	sadd.s32 $0x187E0, s31;
	(pc) =	sbr.rel .LBB2_1-.Ltmp0, $4  }
0x16: {  	s28 =	sadd.s32 s1, s7;
	s7 =	sadd.s32 s5, s7;
	[dreg:$0x8] =	wrdreg s0  }
0x17: {  	s5 =	sadd.s32 s29, s5;
	s0 =	simm.s32 $0x1200;
	[dreg:$0x4] =	wrdreg s28  }
0x18: {  	s1 =	simm.s32 $0x13400;
	[dreg:$0x5] =	wrdreg s7;
	s30 =	sadd.s32 $0x187E0, s5  }
0x19: {  	s7 =	sadd.s32 $0xFFFFFFFF, s4;
	s5 =	simm.s32 $0x1280;
	[dreg:$0x7] =	wrdreg s30  }
.LBB2_7:
0x1a: {  	s24 =	simm.s32 $0x5  }
0x1b: {  	_ =	swait.ge [sflag:s24], $0x5000  }
0x1c: {  	[sflag:s24] =	ssyncset.done $0x0  }
0x1d: {  	[sflag:s24] =	ssyncadd.s32 $0xFFFFB000  }
0x1e: {  	_ =	swait.ge [sflag:s24], $0x5000  }
0x1f: {  	[sflag:s24] =	ssyncset.done $0x0  }
0x20: {  	s25 =	simm.s32 $0x6;
	[sflag:s24] =	ssyncadd.s32 $0xFFFFB000  }
0x21: {  	_ =	swait.ge [sflag:s25], $0x5000  }
0x22: {  	[sflag:s25] =	ssyncset.done $0x0  }
0x23: {  	[sflag:s25] =	ssyncadd.s32 $0xFFFFB000  }
0x24: {  	_ =	swait.ge [sflag:s25], $0x5000  }
0x25: {  	s26 =	rddreg [dreg:$0x9]  }
0x26: {  	s31 =	rddreg [dreg:$0x6];
	s26 =	sadd.s32 $0x1, s26  }
0x27: {  	p0 =	sne.s32 s26, s31  }
.Ltmp1:
0x28: {  	_ = 	snop;
	(pc) =	sbr.rel @!p0 .LBB2_8-.Ltmp1, $3  }
0x29: {  	_ =	sdelay $0x1  }
0x2a: {  	[sflag:s25] =	ssyncset.done $0x0  }
0x2b: {  	[sflag:s25] =	ssyncadd.s32 $0xFFFFB000  }
.LBB2_1:
0x2c: {  	[dreg:$0x9] =	wrdreg s26  }
0x2d: {  	s24 =	rddreg [dreg:$0x4]  }
.Ltmp2:
0x2e: {  	s31 =	rddreg [dreg:$0x5];
	(pc) =	sbr.rel .LBB2_2-.Ltmp2, $4  }
0x2f: {  	[tilespmem:s2], [sflag:$0x1] =	stream.linear.gather [hbm4b:s24+s2], $0x500, $0x38;
	[tilespmem:$0x15400] =	vst v63  }
0x30: {  	s25 =	simm.s32 $0x500;
	s24 =	rddreg [dreg:$0x8]  }
0x31: {  	[tilespmem:s25], [sflag:$0x1] =	stream.linear.gather [hbm4b:s31+s2], $0x500, $0x38;
	[tilespmem:$0x15400] =	vst v63  }
0x32: {  	s26 =	simm.s32 $0x0;
	s28 =	simm.s32 $0x0;
	s25 =	rddreg [dreg:$0x7]  }
.LBB2_6:
0x33: {  	s28 =	sadd.s32 $0x1400, s28  }
0x34: {  	p0 =	sne.s32 s28, $0xC800  }
.Ltmp3:
0x35: {  	_ = 	snop;
	(pc) =	sbr.rel @!p0 .LBB2_7-.Ltmp3, $2  }
0x36: {  	_ =	sdelay $0x2  }
0x37: {  	s26 =	sadd.s32 $0x2, s26;
	s25 =	sadd.s32 $0x140, s25;
	s24 =	sadd.s32 $0x140, s24  }
.LBB2_2:
0x38: {  	p1 =	sge.u32 s26, s4  }
.Ltmp4:
0x39: {  	p0 =	sge.u32 s26, s7;
	(pc) =	sbr.rel @p1 .LBB2_4-.Ltmp4, $4  }
0x3a: {  	s29 =	sadd.s32 @!p0 $0xFFFFFF60, s24;
	s30 =	simm.s32 @!p0 $0x0;
	s31 =	simm.s32 @!p0 $0xA00  }
0x3b: {  	[tilespmem:s31], [sflag:$0x2] =	stream.linear.gather @!p0 [hbm4b:s29+s30], $0x500, $0x38;
	[tilespmem:$0x15400] =	vst v63  }
0x3c: {  	s29 =	sadd.s32 @!p0 $0xFFFFFF60, s25;
	s31 =	simm.s32 @!p0 $0xF00  }
0x3d: {  	[tilespmem:s31], [sflag:$0x2] =	stream.linear.gather @!p0 [hbm4b:s29+s30], $0x500, $0x38;
	[tilespmem:$0x15400] =	vst v63  }
0x3e: {  	_ =	swait.ge [sflag:s15], $0x500  }
0x3f: {  	[sflag:s15] =	ssyncset.done $0x0  }
0x40: {  	[sflag:s15] =	ssyncadd.s32 $0xFFFFFB00  }
0x41: {  	_ =	swait.ge [sflag:s15], $0x500  }
0x42: {  	p1 =	seq.s32 s28, $0x0;
	[sflag:s15] =	ssyncset.done $0x0  }
0x43: {  	s29 =	simm.s32 @!p1 $0x5;
	[sflag:s15] =	ssyncadd.s32 $0xFFFFFB00  }
0x44: {  	_ =	swait.ge @!p1 [sflag:s29], $0x5000  }
0x45: {  	[sflag:s29] =	ssyncset.done @!p1 $0x0  }
0x46: {  	[sflag:s29] =	ssyncadd.s32 @!p1 $0xFFFFB000  }
0x47: {  	_ =	swait.ge @!p1 [sflag:s29], $0x5000  }
0x48: {  	[sflag:s29] =	ssyncset.done @!p1 $0x0  }
0x49: {  	[sflag:s29] =	ssyncadd.s32 @!p1 $0xFFFFB000  }
0x4a: {  	[tilespmem:s17], [sflag:$0x3] =	stream.indirect.gather [hbm4b:s3+s16], $0x10, s2, s16, $0xb8;
	[tilespmem:$0x15400] =	vst v63  }
0x4b: {  	s30 =	simm.s32 $0x1C00  }
0x4c: {  	[tilespmem:s30], [sflag:$0x3] =	stream.indirect.gather [hbm4b:s3+s16], $0x10, s16, s16, $0xb8;
	[tilespmem:$0x15400] =	vst v63  }
0x4d: {  	s31 =	simm.s32 $0x100;
	s30 =	simm.s32 $0x2400  }
0x4e: {  	[tilespmem:s30], [sflag:$0x3] =	stream.indirect.gather [hbm4b:s3+s16], $0x10, s31, s16, $0xb8;
	[tilespmem:$0x15400] =	vst v63  }
0x4f: {  	s29 =	simm.s32 $0x180;
	s31 =	simm.s32 $0x2C00  }
0x50: {  	[tilespmem:s31], [sflag:$0x3] =	stream.indirect.gather [hbm4b:s3+s16], $0x10, s29, s16, $0xb8;
	[tilespmem:$0x15400] =	vst v63  }
0x51: {  	s29 =	simm.s32 $0x200;
	s31 =	simm.s32 $0x3400  }
0x52: {  	[tilespmem:s31], [sflag:$0x3] =	stream.indirect.gather [hbm4b:s3+s16], $0x10, s29, s16, $0xb8;
	[tilespmem:$0x15400] =	vst v63  }
0x53: {  	s29 =	simm.s32 $0x280;
	s31 =	simm.s32 $0x3C00  }
0x54: {  	[tilespmem:s31], [sflag:$0x3] =	stream.indirect.gather [hbm4b:s3+s16], $0x10, s29, s16, $0xb8;
	[tilespmem:$0x15400] =	vst v63  }
0x55: {  	s29 =	simm.s32 $0x300;
	s31 =	simm.s32 $0x4400  }
0x56: {  	[tilespmem:s31], [sflag:$0x3] =	stream.indirect.gather [hbm4b:s3+s16], $0x10, s29, s16, $0xb8;
	[tilespmem:$0x15400] =	vst v63  }
0x57: {  	s29 =	simm.s32 $0x380;
	s31 =	simm.s32 $0x4C00  }
0x58: {  	[tilespmem:s31], [sflag:$0x3] =	stream.indirect.gather [hbm4b:s3+s16], $0x10, s29, s16, $0xb8;
	[tilespmem:$0x15400] =	vst v63  }
0x59: {  	s29 =	simm.s32 $0x400;
	s31 =	simm.s32 $0x5400  }
0x5a: {  	[tilespmem:s31], [sflag:$0x3] =	stream.indirect.gather [hbm4b:s3+s16], $0x10, s29, s16, $0xb8;
	[tilespmem:$0x15400] =	vst v63  }
0x5b: {  	s29 =	simm.s32 $0x480;
	s31 =	simm.s32 $0x5C00  }
0x5c: {  	[tilespmem:s31], [sflag:$0x3] =	stream.indirect.gather [hbm4b:s3+s16], $0x10, s29, s16, $0xb8;
	[tilespmem:$0x15400] =	vst v63  }
0x5d: {  	s30 =	simm.s32 $0x500  }
0x5e: {  	[tilespmem:s9], [sflag:$0x3] =	stream.indirect.gather [hbm4b:s3+s16], $0x10, s30, s16, $0xb8;
	[tilespmem:$0x15400] =	vst v63  }
0x5f: {  	s29 =	simm.s32 $0x580;
	s31 =	simm.s32 $0x6C00  }
0x60: {  	[tilespmem:s31], [sflag:$0x3] =	stream.indirect.gather [hbm4b:s3+s16], $0x10, s29, s16, $0xb8;
	[tilespmem:$0x15400] =	vst v63  }
0x61: {  	s29 =	simm.s32 $0x600;
	s31 =	simm.s32 $0x7400  }
0x62: {  	[tilespmem:s31], [sflag:$0x3] =	stream.indirect.gather [hbm4b:s3+s16], $0x10, s29, s16, $0xb8;
	[tilespmem:$0x15400] =	vst v63  }
0x63: {  	s29 =	simm.s32 $0x680;
	s31 =	simm.s32 $0x7C00  }
0x64: {  	[tilespmem:s31], [sflag:$0x3] =	stream.indirect.gather [hbm4b:s3+s16], $0x10, s29, s16, $0xb8;
	[tilespmem:$0x15400] =	vst v63  }
0x65: {  	s29 =	simm.s32 $0x700;
	s31 =	simm.s32 $0x8400  }
0x66: {  	[tilespmem:s31], [sflag:$0x3] =	stream.indirect.gather [hbm4b:s3+s16], $0x10, s29, s16, $0xb8;
	[tilespmem:$0x15400] =	vst v63  }
0x67: {  	s29 =	simm.s32 $0x780;
	s31 =	simm.s32 $0x8C00  }
0x68: {  	[tilespmem:s31], [sflag:$0x3] =	stream.indirect.gather [hbm4b:s3+s16], $0x10, s29, s16, $0xb8;
	[tilespmem:$0x15400] =	vst v63  }
0x69: {  	s29 =	simm.s32 $0x800;
	s31 =	simm.s32 $0x9400  }
0x6a: {  	[tilespmem:s31], [sflag:$0x3] =	stream.indirect.gather [hbm4b:s3+s16], $0x10, s29, s16, $0xb8;
	[tilespmem:$0x15400] =	vst v63  }
0x6b: {  	s29 =	simm.s32 $0x880;
	s31 =	simm.s32 $0x9C00  }
0x6c: {  	[tilespmem:s31], [sflag:$0x3] =	stream.indirect.gather [hbm4b:s3+s16], $0x10, s29, s16, $0xb8;
	[tilespmem:$0x15400] =	vst v63  }
0x6d: {  	s29 =	simm.s32 $0x900;
	s31 =	simm.s32 $0xA400  }
0x6e: {  	[tilespmem:s31], [sflag:$0x3] =	stream.indirect.gather [hbm4b:s3+s16], $0x10, s29, s16, $0xb8;
	[tilespmem:$0x15400] =	vst v63  }
0x6f: {  	s29 =	simm.s32 $0x980;
	s31 =	simm.s32 $0xAC00  }
0x70: {  	[tilespmem:s31], [sflag:$0x3] =	stream.indirect.gather [hbm4b:s3+s16], $0x10, s29, s16, $0xb8;
	[tilespmem:$0x15400] =	vst v63  }
0x71: {  	_ =	swait.ge [sflag:s6], $0x800  }
0x72: {  	[sflag:s6] =	ssyncset.done $0x0  }
0x73: {  	[sflag:s6] =	ssyncadd.s32 $0xFFFFF800  }
0x74: {  	_ =	swait.ge [sflag:s6], $0x800  }
0x75: {  	[sflag:s6] =	ssyncset.done $0x0  }
0x76: {  	[sflag:s6] =	ssyncadd.s32 $0xFFFFF800  }
0x77: {  	_ =	swait.ge [sflag:s6], $0x800  }
0x78: {  	[sflag:s6] =	ssyncset.done $0x0  }
0x79: {  	[sflag:s6] =	ssyncadd.s32 $0xFFFFF800  }
0x7a: {  	_ =	swait.ge [sflag:s6], $0x800  }
0x7b: {  	[sflag:s6] =	ssyncset.done $0x0  }
0x7c: {  	[sflag:s6] =	ssyncadd.s32 $0xFFFFF800  }
0x7d: {  	_ =	swait.ge [sflag:s6], $0x800  }
0x7e: {  	[sflag:s6] =	ssyncset.done $0x0  }
0x7f: {  	[sflag:s6] =	ssyncadd.s32 $0xFFFFF800  }
0x80: {  	_ =	swait.ge [sflag:s6], $0x800  }
0x81: {  	[sflag:s6] =	ssyncset.done $0x0  }
0x82: {  	[sflag:s6] =	ssyncadd.s32 $0xFFFFF800  }
0x83: {  	_ =	swait.ge [sflag:s6], $0x800  }
0x84: {  	[sflag:s6] =	ssyncset.done $0x0  }
0x85: {  	[sflag:s6] =	ssyncadd.s32 $0xFFFFF800  }
0x86: {  	_ =	swait.ge [sflag:s6], $0x800  }
0x87: {  	[sflag:s6] =	ssyncset.done $0x0  }
0x88: {  	[sflag:s6] =	ssyncadd.s32 $0xFFFFF800  }
0x89: {  	_ =	swait.ge [sflag:s6], $0x800  }
0x8a: {  	[sflag:s6] =	ssyncset.done $0x0  }
0x8b: {  	[sflag:s6] =	ssyncadd.s32 $0xFFFFF800  }
0x8c: {  	_ =	swait.ge [sflag:s6], $0x800  }
0x8d: {  	[sflag:s6] =	ssyncset.done $0x0  }
0x8e: {  	[sflag:s6] =	ssyncadd.s32 $0xFFFFF800  }
0x8f: {  	_ =	swait.ge [sflag:s6], $0x800  }
0x90: {  	[sflag:s6] =	ssyncset.done $0x0  }
0x91: {  	[sflag:s6] =	ssyncadd.s32 $0xFFFFF800  }
0x92: {  	_ =	swait.ge [sflag:s6], $0x800  }
0x93: {  	[sflag:s6] =	ssyncset.done $0x0  }
0x94: {  	[sflag:s6] =	ssyncadd.s32 $0xFFFFF800  }
0x95: {  	_ =	swait.ge [sflag:s6], $0x800  }
0x96: {  	[sflag:s6] =	ssyncset.done $0x0  }
0x97: {  	[sflag:s6] =	ssyncadd.s32 $0xFFFFF800  }
0x98: {  	_ =	swait.ge [sflag:s6], $0x800  }
0x99: {  	[sflag:s6] =	ssyncset.done $0x0  }
0x9a: {  	[sflag:s6] =	ssyncadd.s32 $0xFFFFF800  }
0x9b: {  	_ =	swait.ge [sflag:s6], $0x800  }
0x9c: {  	[sflag:s6] =	ssyncset.done $0x0  }
0x9d: {  	[sflag:s6] =	ssyncadd.s32 $0xFFFFF800  }
0x9e: {  	_ =	swait.ge [sflag:s6], $0x800  }
0x9f: {  	[sflag:s6] =	ssyncset.done $0x0  }
0xa0: {  	[sflag:s6] =	ssyncadd.s32 $0xFFFFF800  }
0xa1: {  	_ =	swait.ge [sflag:s6], $0x800  }
0xa2: {  	[sflag:s6] =	ssyncset.done $0x0  }
0xa3: {  	[sflag:s6] =	ssyncadd.s32 $0xFFFFF800  }
0xa4: {  	_ =	swait.ge [sflag:s6], $0x800  }
0xa5: {  	[sflag:s6] =	ssyncset.done $0x0  }
0xa6: {  	[sflag:s6] =	ssyncadd.s32 $0xFFFFF800  }
0xa7: {  	_ =	swait.ge [sflag:s6], $0x800  }
0xa8: {  	[sflag:s6] =	ssyncset.done $0x0  }
0xa9: {  	[sflag:s6] =	ssyncadd.s32 $0xFFFFF800  }
0xaa: {  	_ =	swait.ge [sflag:s6], $0x800  }
0xab: {  	[sflag:s6] =	ssyncset.done $0x0  }
0xac: {  	s30 =	sadd.s32 s28, s10;
	[sflag:s6] =	ssyncadd.s32 $0xFFFFF800  }
0xad: {  	[hbm4b:s30+s2] =	stream.linear.scatter [tilespmem:s17], [sflag:$0x5], $0x5000, $0x38;
	[tilespmem:$0x15400] =	vst v63  }
0xae: {  	s31 =	sadd.s32 s28, s11  }
0xaf: {  	[hbm4b:s31+s2] =	stream.linear.scatter [tilespmem:s9], [sflag:$0x5], $0x5000, $0x38;
	[tilespmem:$0x15400] =	vst v63  }
.LBB2_4:
.Ltmp5:
0xb0: {  	p1 =	sge.u32 s26, s8;
	(pc) =	sbr.rel @p0 .LBB2_6-.Ltmp5, $4  }
0xb1: {  	s29 =	simm.s32 @!p1 $0x0  }
0xb2: {  	[tilespmem:s29], [sflag:$0x1] =	stream.linear.gather @!p1 [hbm4b:s24+s29], $0x500, $0x38;
	[tilespmem:$0x15400] =	vst v63  }
0xb3: {  	s30 =	simm.s32 @!p1 $0x500  }
0xb4: {  	[tilespmem:s30], [sflag:$0x1] =	stream.linear.gather @!p1 [hbm4b:s25+s29], $0x500, $0x38;
	[tilespmem:$0x15400] =	vst v63  }
0xb5: {  	_ =	swait.ge [sflag:s14], $0x500  }
0xb6: {  	[sflag:s14] =	ssyncset.done $0x0  }
0xb7: {  	[sflag:s14] =	ssyncadd.s32 $0xFFFFFB00  }
0xb8: {  	_ =	swait.ge [sflag:s14], $0x500  }
0xb9: {  	p0 =	seq.s32 s28, $0x0;
	[sflag:s14] =	ssyncset.done $0x0  }
0xba: {  	s29 =	simm.s32 @!p0 $0x6;
	[sflag:s14] =	ssyncadd.s32 $0xFFFFFB00  }
0xbb: {  	_ =	swait.ge @!p0 [sflag:s29], $0x5000  }
0xbc: {  	[sflag:s29] =	ssyncset.done @!p0 $0x0  }
0xbd: {  	[sflag:s29] =	ssyncadd.s32 @!p0 $0xFFFFB000  }
0xbe: {  	_ =	swait.ge @!p0 [sflag:s29], $0x5000  }
0xbf: {  	[sflag:s29] =	ssyncset.done @!p0 $0x0  }
0xc0: {  	s30 =	simm.s32 $0xA00;
	[sflag:s29] =	ssyncadd.s32 @!p0 $0xFFFFB000  }
0xc1: {  	[tilespmem:s13], [sflag:$0x4] =	stream.indirect.gather [hbm4b:s3+s16], $0x10, s30, s16, $0xb8;
	[tilespmem:$0x15400] =	vst v63  }
0xc2: {  	s31 =	simm.s32 $0xA80;
	s30 =	simm.s32 $0xBC00  }
0xc3: {  	[tilespmem:s30], [sflag:$0x4] =	stream.indirect.gather [hbm4b:s3+s16], $0x10, s31, s16, $0xb8;
	[tilespmem:$0x15400] =	vst v63  }
0xc4: {  	s29 =	simm.s32 $0xB00;
	s31 =	simm.s32 $0xC400  }
0xc5: {  	[tilespmem:s31], [sflag:$0x4] =	stream.indirect.gather [hbm4b:s3+s16], $0x10, s29, s16, $0xb8;
	[tilespmem:$0x15400] =	vst v63  }
0xc6: {  	s29 =	simm.s32 $0xB80;
	s31 =	simm.s32 $0xCC00  }
0xc7: {  	[tilespmem:s31], [sflag:$0x4] =	stream.indirect.gather [hbm4b:s3+s16], $0x10, s29, s16, $0xb8;
	[tilespmem:$0x15400] =	vst v63  }
0xc8: {  	s29 =	simm.s32 $0xC00;
	s31 =	simm.s32 $0xD400  }
0xc9: {  	[tilespmem:s31], [sflag:$0x4] =	stream.indirect.gather [hbm4b:s3+s16], $0x10, s29, s16, $0xb8;
	[tilespmem:$0x15400] =	vst v63  }
0xca: {  	s29 =	simm.s32 $0xC80;
	s31 =	simm.s32 $0xDC00  }
0xcb: {  	[tilespmem:s31], [sflag:$0x4] =	stream.indirect.gather [hbm4b:s3+s16], $0x10, s29, s16, $0xb8;
	[tilespmem:$0x15400] =	vst v63  }
0xcc: {  	s29 =	simm.s32 $0xD00;
	s31 =	simm.s32 $0xE400  }
0xcd: {  	[tilespmem:s31], [sflag:$0x4] =	stream.indirect.gather [hbm4b:s3+s16], $0x10, s29, s16, $0xb8;
	[tilespmem:$0x15400] =	vst v63  }
0xce: {  	s29 =	simm.s32 $0xD80;
	s31 =	simm.s32 $0xEC00  }
0xcf: {  	[tilespmem:s31], [sflag:$0x4] =	stream.indirect.gather [hbm4b:s3+s16], $0x10, s29, s16, $0xb8;
	[tilespmem:$0x15400] =	vst v63  }
0xd0: {  	s29 =	simm.s32 $0xE00;
	s31 =	simm.s32 $0xF400  }
0xd1: {  	[tilespmem:s31], [sflag:$0x4] =	stream.indirect.gather [hbm4b:s3+s16], $0x10, s29, s16, $0xb8;
	[tilespmem:$0x15400] =	vst v63  }
0xd2: {  	s29 =	simm.s32 $0xE80;
	s31 =	simm.s32 $0xFC00  }
0xd3: {  	[tilespmem:s31], [sflag:$0x4] =	stream.indirect.gather [hbm4b:s3+s16], $0x10, s29, s16, $0xb8;
	[tilespmem:$0x15400] =	vst v63  }
0xd4: {  	s30 =	simm.s32 $0xF00  }
0xd5: {  	[tilespmem:s20], [sflag:$0x4] =	stream.indirect.gather [hbm4b:s3+s16], $0x10, s30, s16, $0xb8;
	[tilespmem:$0x15400] =	vst v63  }
0xd6: {  	s29 =	simm.s32 $0xF80;
	s31 =	simm.s32 $0x10C00  }
0xd7: {  	[tilespmem:s31], [sflag:$0x4] =	stream.indirect.gather [hbm4b:s3+s16], $0x10, s29, s16, $0xb8;
	[tilespmem:$0x15400] =	vst v63  }
0xd8: {  	s29 =	simm.s32 $0x1000;
	s31 =	simm.s32 $0x11400  }
0xd9: {  	[tilespmem:s31], [sflag:$0x4] =	stream.indirect.gather [hbm4b:s3+s16], $0x10, s29, s16, $0xb8;
	[tilespmem:$0x15400] =	vst v63  }
0xda: {  	s29 =	simm.s32 $0x1080;
	s31 =	simm.s32 $0x11C00  }
0xdb: {  	[tilespmem:s31], [sflag:$0x4] =	stream.indirect.gather [hbm4b:s3+s16], $0x10, s29, s16, $0xb8;
	[tilespmem:$0x15400] =	vst v63  }
0xdc: {  	s29 =	simm.s32 $0x1100;
	s31 =	simm.s32 $0x12400  }
0xdd: {  	[tilespmem:s31], [sflag:$0x4] =	stream.indirect.gather [hbm4b:s3+s16], $0x10, s29, s16, $0xb8;
	[tilespmem:$0x15400] =	vst v63  }
0xde: {  	s29 =	simm.s32 $0x1180;
	s31 =	simm.s32 $0x12C00  }
0xdf: {  	[tilespmem:s31], [sflag:$0x4] =	stream.indirect.gather [hbm4b:s3+s16], $0x10, s29, s16, $0xb8;
	[tilespmem:$0x15400] =	vst v63  }
0xe0: {  	_ = 	snop  }
0xe1: {  	[tilespmem:s1], [sflag:$0x4] =	stream.indirect.gather [hbm4b:s3+s16], $0x10, s0, s16, $0xb8;
	[tilespmem:$0x15400] =	vst v63  }
0xe2: {  	_ = 	snop  }
0xe3: {  	[tilespmem:s12], [sflag:$0x4] =	stream.indirect.gather [hbm4b:s3+s16], $0x10, s5, s16, $0xb8;
	[tilespmem:$0x15400] =	vst v63  }
0xe4: {  	_ = 	snop  }
0xe5: {  	[tilespmem:s19], [sflag:$0x4] =	stream.indirect.gather [hbm4b:s3+s16], $0x10, s18, s16, $0xb8;
	[tilespmem:$0x15400] =	vst v63  }
0xe6: {  	_ = 	snop  }
0xe7: {  	[tilespmem:s22], [sflag:$0x4] =	stream.indirect.gather [hbm4b:s3+s16], $0x10, s21, s16, $0xb8;
	[tilespmem:$0x15400] =	vst v63  }
0xe8: {  	_ =	swait.ge [sflag:s23], $0x800  }
0xe9: {  	[sflag:s23] =	ssyncset.done $0x0  }
0xea: {  	[sflag:s23] =	ssyncadd.s32 $0xFFFFF800  }
0xeb: {  	_ =	swait.ge [sflag:s23], $0x800  }
0xec: {  	[sflag:s23] =	ssyncset.done $0x0  }
0xed: {  	[sflag:s23] =	ssyncadd.s32 $0xFFFFF800  }
0xee: {  	_ =	swait.ge [sflag:s23], $0x800  }
0xef: {  	[sflag:s23] =	ssyncset.done $0x0  }
0xf0: {  	[sflag:s23] =	ssyncadd.s32 $0xFFFFF800  }
0xf1: {  	_ =	swait.ge [sflag:s23], $0x800  }
0xf2: {  	[sflag:s23] =	ssyncset.done $0x0  }
0xf3: {  	[sflag:s23] =	ssyncadd.s32 $0xFFFFF800  }
0xf4: {  	_ =	swait.ge [sflag:s23], $0x800  }
0xf5: {  	[sflag:s23] =	ssyncset.done $0x0  }
0xf6: {  	[sflag:s23] =	ssyncadd.s32 $0xFFFFF800  }
0xf7: {  	_ =	swait.ge [sflag:s23], $0x800  }
0xf8: {  	[sflag:s23] =	ssyncset.done $0x0  }
0xf9: {  	[sflag:s23] =	ssyncadd.s32 $0xFFFFF800  }
0xfa: {  	_ =	swait.ge [sflag:s23], $0x800  }
0xfb: {  	[sflag:s23] =	ssyncset.done $0x0  }
0xfc: {  	[sflag:s23] =	ssyncadd.s32 $0xFFFFF800  }
0xfd: {  	_ =	swait.ge [sflag:s23], $0x800  }
0xfe: {  	[sflag:s23] =	ssyncset.done $0x0  }
0xff: {  	[sflag:s23] =	ssyncadd.s32 $0xFFFFF800  }
0x100: {  	_ =	swait.ge [sflag:s23], $0x800  }
0x101: {  	[sflag:s23] =	ssyncset.done $0x0  }
0x102: {  	[sflag:s23] =	ssyncadd.s32 $0xFFFFF800  }
0x103: {  	_ =	swait.ge [sflag:s23], $0x800  }
0x104: {  	[sflag:s23] =	ssyncset.done $0x0  }
0x105: {  	[sflag:s23] =	ssyncadd.s32 $0xFFFFF800  }
0x106: {  	_ =	swait.ge [sflag:s23], $0x800  }
0x107: {  	[sflag:s23] =	ssyncset.done $0x0  }
0x108: {  	[sflag:s23] =	ssyncadd.s32 $0xFFFFF800  }
0x109: {  	_ =	swait.ge [sflag:s23], $0x800  }
0x10a: {  	[sflag:s23] =	ssyncset.done $0x0  }
0x10b: {  	[sflag:s23] =	ssyncadd.s32 $0xFFFFF800  }
0x10c: {  	_ =	swait.ge [sflag:s23], $0x800  }
0x10d: {  	[sflag:s23] =	ssyncset.done $0x0  }
0x10e: {  	[sflag:s23] =	ssyncadd.s32 $0xFFFFF800  }
0x10f: {  	_ =	swait.ge [sflag:s23], $0x800  }
0x110: {  	[sflag:s23] =	ssyncset.done $0x0  }
0x111: {  	[sflag:s23] =	ssyncadd.s32 $0xFFFFF800  }
0x112: {  	_ =	swait.ge [sflag:s23], $0x800  }
0x113: {  	[sflag:s23] =	ssyncset.done $0x0  }
0x114: {  	[sflag:s23] =	ssyncadd.s32 $0xFFFFF800  }
0x115: {  	_ =	swait.ge [sflag:s23], $0x800  }
0x116: {  	[sflag:s23] =	ssyncset.done $0x0  }
0x117: {  	[sflag:s23] =	ssyncadd.s32 $0xFFFFF800  }
0x118: {  	_ =	swait.ge [sflag:s23], $0x800  }
0x119: {  	[sflag:s23] =	ssyncset.done $0x0  }
0x11a: {  	[sflag:s23] =	ssyncadd.s32 $0xFFFFF800  }
0x11b: {  	_ =	swait.ge [sflag:s23], $0x800  }
0x11c: {  	[sflag:s23] =	ssyncset.done $0x0  }
0x11d: {  	[sflag:s23] =	ssyncadd.s32 $0xFFFFF800  }
0x11e: {  	_ =	swait.ge [sflag:s23], $0x800  }
0x11f: {  	[sflag:s23] =	ssyncset.done $0x0  }
0x120: {  	[sflag:s23] =	ssyncadd.s32 $0xFFFFF800  }
0x121: {  	_ =	swait.ge [sflag:s23], $0x800  }
.Ltmp6:
0x122: {  	s30 =	sadd.s32 s28, s10;
	[sflag:s23] =	ssyncset.done $0x0;
	(pc) =	sbr.rel .LBB2_6-.Ltmp6, $4  }
0x123: {  	s29 =	sadd.s32 $0xA00, s30;
	s31 =	sadd.s32 s28, s11;
	[sflag:s23] =	ssyncadd.s32 $0xFFFFF800  }
0x124: {  	[hbm4b:s29+s2] =	stream.linear.scatter [tilespmem:s13], [sflag:$0x6], $0x5000, $0x38;
	[tilespmem:$0x15400] =	vst v63  }
0x125: {  	s29 =	sadd.s32 $0xA00, s31  }
0x126: {  	[hbm4b:s29+s2] =	stream.linear.scatter [tilespmem:s20], [sflag:$0x6], $0x5000, $0x38;
	[tilespmem:$0x15400] =	vst v63  }
.LBB2_8:
0x127: {  	_ =	sfence.sel $0x180000  }
0x128: {  	[bflag:$0x0] =	sbarrier.arrive $0xFFFF  }
0x129: {  	_ =	strace $0x90000047  }
0x12a: {  	s0 =	stileid.u32;
	[bflag:$0x2] =	sbarrier.arrive $0xFFFF  }
0x12b: {  	p0 =	sne.s32 s0, $0x0;
	s0 =	rddreg [dreg:$0x3]  }
0x12c: {  	s0 =	sadd.s32 @!p0 $0x100000, s0  }
0x12d: {  	[sflag:s0] =	ssyncadd.tile.s32 @!p0 $0x1;
	_ =	shalt  }
.Lfunc_end2:
_tile_overlayer_lowered:
.L_overlay_start_2:
0x12e: {  	(tag) =	ssettag $0x2  }
0x12f: {  	s0 =	rddreg [dreg:$0x0];
	s2 =	stileid.u32  }
0x130: {  	s1 =	rddreg [dreg:$0x1];
	p0 =	sne.s32 s2, $0x0  }
0x131: {  	s3 =	rddreg [dreg:$0x2];
	[bflag:$0x3] =	sbarrier.arrive $0xFFFF;
	s2 =	simm.s32 @!p0 $0x1C07  }
0x132: {  	[timem:s3], [sflag:s2] =	dma.local @!p0 [hbm:s0], s1  }
0x133: {  	s0 =	simm.s32 @!p0 $0x7  }
0x134: {  	_ =	swait.ge @!p0 [sflag:s0], s1  }
0x135: {  	s1 =	ssub.s32 @!p0 $0x0, s1;
	[sflag:s0] =	ssyncset.done @!p0 $0x0  }
0x136: {  	[sflag:s0] =	ssyncadd.s32 @!p0 s1  }
0x137: {  	[bflag:$0x3] =	sbarrier.arrive $0xFFFF  }
0x138: {  	_ =	shalt  }

// kernel: kernel.15.cloned.1.call-start
scs
__scs_entry_jumppad:
0x0: {  	(pc) =	sbr.rel $0x88, $3  }
0x1: {  	(tag) =	ssettag $0x0;
	lr =	simm.s32 $0x1  }
0x2: {  	[smem:$0x3F7E] =	sst lr;
	_ =	strace $0xD0000000  }
0x3: {  	_ = 	snop  }
0x4: {  	_ = 	snop  }
0x5: {  	_ = 	snop  }
0x6: {  	_ = 	snop  }
0x7: {  	_ = 	snop  }
__scs_overlays_trampoline_lowered:
0x8: {  	[smem:$0x3F8D] =	sst s0  }
0x9: {  	[smem:$0x3F8E] =	sst s1  }
0xa: {  	[smem:$0x3F8F] =	sst s2  }
0xb: {  	[smem:$0x3F90] =	sst s3  }
0xc: {  	[smem:$0x3F91] =	sst s4  }
0xd: {  	[smem:$0x3F92] =	sst s5  }
0xe: {  	[smem:$0x3F93] =	sst s6  }
0xf: {  	[smem:$0x3F94] =	sst s7  }
0x10: {  	[smem:$0x3F95] =	sst s8  }
0x11: {  	[smem:$0x3F96] =	sst s9;
	s0 =	simm.s32 @!p0 $0x0  }
0x12: {  	s1 =	sld [smem:$0x3F7C];
	s0 =	simm.s32 @p0 $0x1  }
0x13: {  	[smem:$0x3F97] =	sst s0;
	s0 =	simm.s32 @!p1 $0x0  }
0x14: {  	s2 =	sld [smem:$0x3F7B];
	s0 =	simm.s32 @p1 $0x1  }
0x15: {  	[smem:$0x3F98] =	sst s0;
	s0 =	simm.s32 @!p2 $0x0  }
0x16: {  	s3 =	sld [smem:$0x3FDB];
	s0 =	simm.s32 @p2 $0x1  }
0x17: {  	s4 =	simm.s32 $0x1BF5;
	[smem:$0x3F9A] =	sst s0  }
0x18: {  	s0 =	sld [smem:$0x3F7D];
	_ =	swait.ge [sflag:s4], $0x0  }
0x19: {  	s7 =	sld [smem:$0x3F7E]  }
0x1a: {  	s8 =	sadd.s32 $0xFFFFE003, lr  }
0x1b: {  	s9 =	sadd.s32 $0xFFFFFEF7, lr;
	s5 =	simm.s32 $0xFFFFFFFF;
	p2 =	slt.u32 s8, $0xFFFFF086  }
0x1c: {  	p1 =	slt.u32 s9, $0xF7A;
	s5 =	simm.s32 @!p2 $0x0  }
0x1d: {  	s5 =	simm.s32 @p1 $0x1;
	p0 =	seq.s32 s7, s2  }
0x1e: {  	s7 =	smul.u32 @!p0 $0xF7A, s2;
	p2 =	seq.s32 @!p0 s5, $0x0  }
0x1f: {  	s9 =	smul.u32 $0xF7A, s1;
	s8 =	simm.s32 @!p0 $0x1BF5;
	p2 =	por !p2, p0  }
0x20: {  	[sflag:s8] =	ssyncset.s32 @!p0 $0xFFFFF086;
	s6 =	sadd.s32 @!p0 s3, s7;
	s7 =	simm.s32 @!p0 $0x108  }
0x21: {  	s3 =	sadd.s32 s3, s9;
	s6 =	sadd.s32 @!p0 $0x88, s6;
	s7 =	simm.s32 @p2 $0x1082  }
0x22: {  	[simem:s7], [sflag:s8] =	dma.local @!p0 [hbm:s6], $0xF7A  }
0x23: {  	s9 =	sor.u32 $0xD0000000, s2;
	s6 =	simm.s32 $0x108;
	_ =	swait.ge @!p0 [sflag:s8], $0x0  }
0x24: {  	s3 =	sadd.s32 $0x88, s3;
	s6 =	simm.s32 @!p1 $0x1082;
	[sflag:s4] =	ssyncset.s32 $0xFFFFF086  }
0x25: {  	[simem:s6], [sflag:s4] =	dma.local [hbm:s3], $0xF7A  }
0x26: {  	[smem:$0x3F7E] =	sst s1;
	(tag) =	ssettag s2;
	_ =	strace s9  }
0x27: {  	s1 =	sld [smem:$0x3F8E]  }
0x28: {  	s2 =	sld [smem:$0x3F8F]  }
0x29: {  	s4 =	sld [smem:$0x3F91]  }
0x2a: {  	p0 =	seq.s32 s5, $0x0;
	s5 =	sld [smem:$0x3F92]  }
0x2b: {  	s6 =	sld [smem:$0x3F93]  }
0x2c: {  	s7 =	sld [smem:$0x3F94]  }
0x2d: {  	s3 =	simm.s32 $0x108;
	s8 =	sld [smem:$0x3F95]  }
0x2e: {  	s3 =	simm.s32 @!p0 $0x1082;
	s9 =	sld [smem:$0x3F96]  }
0x2f: {  	lr =	sadd.s32 s0, s3;
	s0 =	sld [smem:$0x3F8D]  }
0x30: {  	s3 =	sld [smem:$0x3F90]  }
0x31: {  	[smem:$0x3F99] =	sst s10  }
0x32: {  	s10 =	sld [smem:$0x3F97];
	_ =	sdelay $0x3  }
0x33: {  	p0 =	seq.s32 s10, $0x1;
	s10 =	sld [smem:$0x3F99];
	_ =	sdelay $0x3  }
0x34: {  	[smem:$0x3F99] =	sst s10  }
0x35: {  	s10 =	sld [smem:$0x3F98];
	_ =	sdelay $0x3  }
0x36: {  	p1 =	seq.s32 s10, $0x1;
	s10 =	sld [smem:$0x3F99];
	_ =	sdelay $0x3  }
0x37: {  	[smem:$0x3F99] =	sst s10  }
0x38: {  	s10 =	sld [smem:$0x3F9A]  }
0x39: {  	_ = 	snop;
	(pc) =	sbr.ind lr, $3  }
0x3a: {  	_ = 	snop  }
0x3b: {  	_ = 	snop  }
0x3c: {  	p2 =	seq.s32 s10, $0x1;
	s10 =	sld [smem:$0x3F99]  }
0x3d: {  	_ =	shalt  }
0x3e: {  	_ =	shalt  }
0x3f: {  	_ =	shalt  }
0x40: {  	_ =	shalt  }
0x41: {  	_ =	shalt  }
0x42: {  	_ =	shalt  }
0x43: {  	_ =	shalt  }
0x44: {  	_ =	shalt  }
0x45: {  	_ =	shalt  }
0x46: {  	_ =	shalt  }
0x47: {  	_ =	shalt  }
0x48: {  	_ =	shalt  }
0x49: {  	_ =	shalt  }
0x4a: {  	_ =	shalt  }
0x4b: {  	_ =	shalt  }
0x4c: {  	_ =	shalt  }
0x4d: {  	_ =	shalt  }
0x4e: {  	_ =	shalt  }
0x4f: {  	_ =	shalt  }
0x50: {  	_ =	shalt  }
0x51: {  	_ =	shalt  }
0x52: {  	_ =	shalt  }
0x53: {  	_ =	shalt  }
0x54: {  	_ =	shalt  }
0x55: {  	_ =	shalt  }
0x56: {  	_ =	shalt  }
0x57: {  	_ =	shalt  }
0x58: {  	_ =	shalt  }
0x59: {  	_ =	shalt  }
0x5a: {  	_ =	shalt  }
0x5b: {  	_ =	shalt  }
0x5c: {  	_ =	shalt  }
0x5d: {  	_ =	shalt  }
0x5e: {  	_ =	shalt  }
0x5f: {  	_ =	shalt  }
0x60: {  	_ =	shalt  }
0x61: {  	_ =	shalt  }
0x62: {  	_ =	shalt  }
0x63: {  	_ =	shalt  }
0x64: {  	_ =	shalt  }
0x65: {  	_ =	shalt  }
0x66: {  	_ =	shalt  }
0x67: {  	_ =	shalt  }
0x68: {  	_ =	shalt  }
0x69: {  	_ =	shalt  }
0x6a: {  	_ =	shalt  }
0x6b: {  	_ =	shalt  }
0x6c: {  	_ =	shalt  }
0x6d: {  	_ =	shalt  }
0x6e: {  	_ =	shalt  }
0x6f: {  	_ =	shalt  }
0x70: {  	_ =	shalt  }
0x71: {  	_ =	shalt  }
0x72: {  	_ =	shalt  }
0x73: {  	_ =	shalt  }
0x74: {  	_ =	shalt  }
0x75: {  	_ =	shalt  }
0x76: {  	_ =	shalt  }
0x77: {  	_ =	shalt  }
0x78: {  	_ =	shalt  }
0x79: {  	_ =	shalt  }
0x7a: {  	_ =	shalt  }
0x7b: {  	_ =	shalt  }
0x7c: {  	_ =	shalt  }
0x7d: {  	_ =	shalt  }
0x7e: {  	_ =	shalt  }
0x7f: {  	_ =	shalt  }
0x80: {  	_ =	shalt  }
0x81: {  	_ =	shalt  }
0x82: {  	_ =	shalt  }
0x83: {  	_ =	shalt  }
0x84: {  	_ =	shalt  }
0x85: {  	_ =	shalt  }
0x86: {  	_ =	shalt  }
0x87: {  	_ =	shalt  }
.Lfunc_end0:
.L_simem_size_0:
called_computation.4_lowered:
.L_overlay_start_0:
0x88: {  	s2 =	sld [smem:$0x3FD9]  }
0x89: {  	s3 =	sld [smem:$0x3FFE];
	_ =	sdelay $0x1  }
0x8a: {  	s1 =	srdreg.scid  }
0x8b: {  	s0 =	sand.u32 $0x1, s1  }
0x8c: {  	s17 =	sshll.u32 s0, $0xA;
	s2 =	sadd.s32 s3, s2  }
0x8d: {  	s2 =	sadd.s32 s2, s17  }
0x8e: {  	[smem:$0x3FA5] =	sst s2  }
0x8f: {  	_ = 	snop  }
0x90: {  	s2 =	sld [smem:$0x3FC7];
	(tm) =	ssettm $0x1  }
0x91: {  	s18 =	sld [smem:$0x3FFB];
	_ =	sdelay $0x3  }
0x92: {  	_ =	strace s18  }
0x93: {  	s3 =	sld [smem:$0x3FFC];
	_ =	sdelay $0x3  }
0x94: {  	_ =	strace s3  }
0x95: {  	s3 =	sld [smem:$0x3FFD];
	_ =	sdelay $0x3  }
0x96: {  	_ =	strace s3  }
0x97: {  	_ =	strace $0x8FFFFFFF  }
0x98: {  	s19 =	sld [smem:$0x3FDB];
	_ =	sdelay $0x1  }
0x99: {  	s4 =	simm.s32 $_scs_section_size  }
0x9a: {  	s5 =	simm.s32 $_size__tile_overlayer_lowered;
	s6 =	simm.s32 $_tile_overlayer_lowered  }
0x9b: {  	s22 =	simm.s32 $0x1BFF;
	s21 =	sshll.u32 s6, $0x1;
	s3 =	sadd.s32 s4, s19  }
0x9c: {  	s7 =	simm.s32 $0x0;
	s20 =	sshll.u32 s5, $0x1;
	s5 =	sadd.s32 s21, s3  }
0x9d: {  	[timem:s7], [sflag:s22] =	dma.local [hbm:s5], s20  }
0x9e: {  	_ =	swait.ge [sflag:s22], s20  }
0x9f: {  	s4 =	ssub.s32 $0x0, s20;
	[sflag:s22] =	ssyncset.done $0x0  }
0xa0: {  	[sflag:s22] =	ssyncadd.s32 s4;
	_ =	sdelay $0x1  }
0xa1: {  	s23 =	simm.s32 $0x1B8B  }
0xa2: {  	_ =	swait.ge [sflag:s23], $0x1  }
0xa3: {  	[sflag:s23] =	ssyncset.done $0x0  }
0xa4: {  	s25 =	simm.s32 $0x1B8E;
	s24 =	sld [smem:$0x3FFE];
	[sflag:s23] =	ssyncadd.s32 $0xFFFFFFFF  }
0xa5: {  	s26 =	simm.s32 $execute0_lowered;
	[smem:$0x3FD2] =	sst s25  }
0xa6: {  	s5 =	sshll.u32 s26, $0x1;
	_ =	strace $0x80000052;
	[dreg:$0x1] =	wrdreg $0xFFFFFFFF  }
0xa7: {  	s28 =	simm.s32 $_size_execute0_lowered;
	s3 =	sadd.s32 s3, s5;
	[dreg:$0x0] =	wrdreg $0x0  }
0xa8: {  	s5 =	sshll.u32 s28, $0x1;
	[dreg:$0x2] =	wrdreg s3  }
0xa9: {  	[dreg:$0x3] =	wrdreg s5  }
0xaa: {  	[dreg:$0x4] =	wrdreg $0xC0  }
0xab: {  	_ =	task [dreg:s7], $0x5FFFF  }
0xac: {  	[dreg:$0x1] =	wrdreg $0xFFFFFFFF  }
0xad: {  	[dreg:$0x0] =	wrdreg $0x60  }
0xae: {  	[dreg:$0x2] =	wrdreg s24  }
0xaf: {  	[dreg:$0x3] =	wrdreg s2  }
0xb0: {  	[dreg:$0x4] =	wrdreg $0x42000  }
0xb1: {  	[dreg:$0x5] =	wrdreg $0x9  }
0xb2: {  	_ =	task.clear_ibuf [dreg:s7], $0x6FFFF;
	_ =	strace $0x90000052  }
0xb3: {  	s29 =	simm.s32 $0x9;
	_ =	strace $0x80000054  }
0xb4: {  	_ =	swait.ge [sflag:s29], $0x1  }
0xb5: {  	[sflag:s29] =	ssyncadd.s32 $0xFFFFFFFF  }
0xb6: {  	_ =	strace $0x90000054  }
0xb7: {  	_ =	sfence  }
0xb8: {  	s30 =	sld [smem:$0x0];
	_ =	sdelay $0x2  }
0xb9: {  	s31 =	sshll.u32 s1, $0xD;
	s1 =	sshrl.u32 s1, $0x2  }
0xba: {  	s3 =	sand.u32 $0x4000, s31;
	s1 =	sadd.s32 s1, s30  }
0xbb: {  	s0 =	sor.u32 s3, s0;
	s1 =	sshll.u32 s1, $0x11  }
0xbc: {  	s0 =	sor.u32 s1, s0  }
0xbd: {  	s0 =	sadd.s32 $0x8F2B, s0  }
0xbe: {  	[sflag:s0] =	ssyncadd.remote.s32 $0x1  }
0xbf: {  	_ =	sfence.sel $0xFFFF  }
0xc0: {  	[dreg:$0x0] =	wrdreg $0xFFFFFFFF;
	(pc) =	sbr.abs _section_cstart, $3  }
0xc1: {  	[dreg:$0x1] =	wrdreg $0xFFFFFFFF  }
0xc2: {  	_ =	task.clear_ibuf [dreg:s7], $0x2FFFF;
	_ =	strace $0x9FFFFFFF  }
0xc3: {  	(tm) =	ssettm $0x7FFFFFFF  }
tec
execute0_lowered:
.L_overlay_start_1:
0x0: {  	(tag) =	ssettag $0x1  }
0x1: {  	s1 =	rddreg [dreg:$0x0]  }
0x2: {  	s2 =	rddreg [dreg:$0x1]  }
0x3: {  	s3 =	rddreg [dreg:$0x2];
	s4 =	simm.s32 $0x0  }
0x4: {  	s26 =	stileid.u32;
	s0 =	srdreg.scid;
	s11 =	simm.s32 $0xC4  }
0x5: {  	s28 =	simm.s32 $0x3;
	s30 =	simm.s32 $0x4;
	[smem:$0x7FF] =	sst s4  }
0x6: {  	s6 =	smul.u32 $0x186A0, s26;
	s12 =	sand.u32 $0x1, s0;
	s0 =	sadd.s32 $0x49DA00, s1  }
0x7: {  	s5 =	sadd.s32 $0x190600, s1;
	s9 =	sshll.u32 s26, $0x1;
	s25 =	sshll.u32 s26, $0x6  }
0x8: {  	_ =	strace $0x80000053;
	s7 =	smul.u32 $0x186A00, s12;
	s10 =	ssub.s32 $0x2, s12  }
0x9: {  	s13 =	sor.u32 s12, s9;
	[dreg:$0x5] =	wrdreg s25;
	s9 =	smul.u32 $0x30C000, s26  }
0xa: {  	s20 =	smul.u32 $0x186000, s12;
	s8 =	sshrl.u32 s6, $0x3;
	s24 =	sshrl.u32 s10, $0x1  }
0xb: {  	s16 =	sadd.s32 $0xFFFFFFF0, s13;
	s15 =	smul.u32 $0xC3, s13;
	s29 =	sadd.s32 s6, s3  }
0xc: {  	s21 =	smin.u32 s13, $0x5;
	s8 =	sadd.s32 s8, s1;
	s7 =	sadd.s32 s6, s7  }
0xd: {  	s17 =	ssub.s32 s10, s24;
	p0 =	slt.s32 s16, $0x5;
	s24 =	smul.u32 $0x18600, s26  }
0xe: {  	s6 =	sor.u32 $0x1C03, s25;
	s10 =	simm.s32 $0xC4;
	s25 =	smul.u32 $0xC300, s12  }
0xf: {  	s12 =	smul.u32 $0xC3, s12;
	s7 =	sshrl.u32 s7, $0x3;
	s16 =	simm.s32 @!p0 $0x5  }
0x10: {  	s31 =	sadd.s32 $0x9A00, s8;
	[dreg:$0x7] =	wrdreg s6;
	p0 =	slt.u32 s13, $0x15  }
0x11: {  	s22 =	sadd.s32 s21, s15;
	s1 =	sadd.s32 s7, s1;
	[dreg:$0x6] =	wrdreg s31  }
0x12: {  	s7 =	sadd.s32 s16, s15;
	s11 =	simm.s32 @!p0 $0xC3;
	p0 =	slt.u32 s13, $0x5  }
0x13: {  	s31 =	sadd.s32 s20, s9;
	s6 =	sshll.u32 s16, $0xD;
	s13 =	sadd.s32 s25, s24  }
0x14: {  	s9 =	sshll.u32 s22, $0x5;
	s14 =	sadd.s32 $0xFFFFF3D0, s7;
	s19 =	sadd.s32 $0xFFFFFFFE, s11  }
0x15: {  	s15 =	sadd.s32 s6, s31;
	s7 =	smul.u32 $0x186, s26;
	s10 =	simm.s32 @!p0 $0xC3  }
0x16: {  	p0 =	sgt.u32 s26, $0x7;
	s18 =	sshll.u32 s14, $0xA;
	s14 =	sshll.u32 s14, $0x5  }
0x17: {  	[dreg:$0x4] =	wrdreg s19;
	s26 =	sadd.s32 $0xFFFFFFFE, s10;
	s18 =	sand.u32 $0x1FFFFC00, s18  }
0x18: {  	s14 =	sand.u32 $0x1FFFFFE0, s14;
	s12 =	sadd.s32 s12, s7;
	s8 =	sadd.s32 s5, s18  }
0x19: {  	s14 =	sadd.s32 s2, s14;
	s18 =	sadd.s32 $0xFFFFFFFF, s10;
	s12 =	sadd.s32 s21, s12  }
0x1a: {  	[dreg:$0x8] =	wrdreg s8;
	s23 =	sadd.s32 $0x186A0, s14;
	s14 =	sadd.s32 $0xFFFFFFFF, s11  }
0x1b: {  	s8 =	sshll.u32 s22, $0xA;
	s22 =	sadd.s32 s2, s9;
	s24 =	sshll.u32 s12, $0x5  }
0x1c: {  	s12 =	sshll.u32 s12, $0xA;
	[dreg:$0x9] =	wrdreg s23;
	s19 =	sadd.s32 s0, s8  }
.Ltmp0:
0x1d: {  	[dreg:$0xb] =	wrdreg s22;
	s22 =	smax.u32 s17, $0x1;
	(pc) =	sbr.rel .LBB2_1-.Ltmp0, $4  }
0x1e: {  	s23 =	sshll.u32 s16, $0x8;
	s25 =	sadd.s32 s24, s2;
	s0 =	sadd.s32 s12, s0  }
0x1f: {  	[dreg:$0xa] =	wrdreg s19;
	s19 =	sadd.s32 $0x3A800, s1;
	s1 =	sadd.s32 s23, s13  }
0x20: {  	s31 =	sadd.s32 $0x40, s25;
	s23 =	sadd.s32 $0x800, s0;
	s24 =	sadd.s32 $0x20, s25  }
0x21: {  	s25 =	sadd.s32 $0x400, s0;
	s21 =	sadd.s32 $0x700, s1;
	[dreg:$0xc] =	wrdreg s31  }
.LBB2_7:
0x22: {  	p1 =	sge.u32 s0, s11;
	[sflag:s17] =	ssyncset.done @!p2 $0x0  }
0x23: {  	s6 =	simm.s32 @!p1 $0x1;
	[sflag:s17] =	ssyncadd.s32 @!p2 $0xFFFFF000  }
0x24: {  	p2 =	sge.u32 @!p1 s0, s14;
	_ =	swait.ge @!p1 [sflag:s6], $0x2000  }
0x25: {  	p2 =	por p2, p1;
	[sflag:s6] =	ssyncset.done @!p1 $0x0  }
0x26: {  	s7 =	sadd.s32 @!p2 $0xFFFFFF00, s12;
	s8 =	sadd.s32 @!p2 s1, s15;
	[sflag:s6] =	ssyncadd.s32 @!p1 $0xFFFFE000  }
0x27: {  	s9 =	simm.s32 @!p2 $0x2200;
	s8 =	sadd.s32 @!p2 $0xFE7A2000, s8;
	_ =	swait.ge @!p1 [sflag:s6], $0x100  }
0x28: {  	s7 =	sshrl.u32 @!p2 s7, $0x3;
	s8 =	sshrl.u32 @!p2 s8, $0x3;
	[sflag:s6] =	ssyncset.done @!p1 $0x0  }
0x29: {  	[sflag:s6] =	ssyncadd.s32 @!p1 $0xFFFFFF00;
	s6 =	sadd.s32 @!p2 s5, s8;
	s8 =	simm.s32 @!p2 $0x0  }
0x2a: {  	[tilespmem:s9], [sflag:$0x2] =	stream.linear.gather @!p2 [hbm4b:s6+s8], $0x2000, $0x38;
	[tilespmem:$0x1C8A0] =	vst v63  }
0x2b: {  	s6 =	sadd.s32 @!p2 s2, s7;
	s7 =	simm.s32 @!p2 $0x100;
	s9 =	simm.s32 @!p1 $0x5  }
0x2c: {  	[tilespmem:s7], [sflag:$0x2] =	stream.linear.gather @!p2 [hbm4b:s6+s8], $0x100, $0x38;
	[tilespmem:$0x1C8A0] =	vst v63  }
0x2d: {  	s6 =	simm.s32 @!p1 $0x80;
	s7 =	simm.s32 @!p1 $0x0;
	s8 =	simm.s32 @!p1 $0x200  }
0x2e: {  	[spmem:s3] =	stream.indirect.scatter.add.f32 @!p1 [tilespmem:s8], [sflag:$0x5], $0x20, s7, s6, $0xb8;
	[tilespmem:$0x1C8A0] =	vst v63  }
0x2f: {  	_ =	swait.ge @!p1 [sflag:s9], $0x1000  }
0x30: {  	[sflag:s9] =	ssyncset.done @!p1 $0x0  }
0x31: {  	s7 =	simm.s32 @!p1 $0x1200;
	[sflag:s9] =	ssyncadd.s32 @!p1 $0xFFFFF000  }
0x32: {  	[spmem:s3] =	stream.indirect.scatter.add.f32 @!p1 [tilespmem:s7], [sflag:$0x5], $0x20, s6, s6, $0xb8;
	[tilespmem:$0x1C8A0] =	vst v63  }
0x33: {  	_ =	swait.ge @!p1 [sflag:s9], $0x1000  }
0x34: {  	s6 =	rddreg [dreg:$0x4]  }
0x35: {  	p2 =	sge.u32 @!p1 s0, s6  }
0x36: {  	p2 =	por p2, p1  }
0x37: {  	[sflag:s9] =	ssyncset.done @!p1 $0x0;
	s1 =	sadd.s32 @!p2 s1, s15  }
0x38: {  	[sflag:s9] =	ssyncadd.s32 @!p1 $0xFFFFF000;
	s1 =	sadd.s32 @!p2 $0xFE7A4000, s1  }
0x39: {  	p1 =	sge.u32 s0, s14;
	s6 =	sshrl.u32 @!p2 s12, $0x3;
	s1 =	sshrl.u32 @!p2 s1, $0x3  }
0x3a: {  	s7 =	simm.s32 @!p2 $0x200;
	s8 =	simm.s32 @!p2 $0x0;
	s1 =	sadd.s32 @!p2 s5, s1  }
0x3b: {  	[tilespmem:s7], [sflag:$0x1] =	stream.linear.gather @!p2 [hbm4b:s1+s8], $0x2000, $0x38;
	[tilespmem:$0x1C8A0] =	vst v63  }
0x3c: {  	s0 =	simm.s32 @!p1 $0x2;
	s1 =	sadd.s32 @!p2 s2, s6  }
0x3d: {  	[tilespmem:s8], [sflag:$0x1] =	stream.linear.gather @!p2 [hbm4b:s1+s8], $0x100, $0x38;
	[tilespmem:$0x1C8A0] =	vst v63  }
0x3e: {  	_ =	swait.ge @!p1 [sflag:s0], $0x2000  }
0x3f: {  	[sflag:s0] =	ssyncset.done @!p1 $0x0  }
0x40: {  	[sflag:s0] =	ssyncadd.s32 @!p1 $0xFFFFE000  }
0x41: {  	_ =	swait.ge @!p1 [sflag:s0], $0x100  }
0x42: {  	s6 =	simm.s32 @!p1 $0x80;
	s7 =	simm.s32 @!p1 $0x100;
	[sflag:s0] =	ssyncset.done @!p1 $0x0  }
0x43: {  	s1 =	simm.s32 @!p1 $0x2200;
	[sflag:s0] =	ssyncadd.s32 @!p1 $0xFFFFFF00;
	s0 =	simm.s32 @!p1 $0x5  }
0x44: {  	[spmem:s3] =	stream.indirect.scatter.add.f32 @!p1 [tilespmem:s1], [sflag:$0x5], $0x20, s7, s6, $0xb8;
	[tilespmem:$0x1C8A0] =	vst v63  }
0x45: {  	_ =	swait.ge @!p1 [sflag:s0], $0x1000  }
0x46: {  	s1 =	simm.s32 @!p1 $0x180;
	[sflag:s0] =	ssyncset.done @!p1 $0x0  }
0x47: {  	s7 =	simm.s32 @!p1 $0x3200;
	[sflag:s0] =	ssyncadd.s32 @!p1 $0xFFFFF000;
	s0 =	simm.s32 @!p1 $0x4  }
0x48: {  	[spmem:s3] =	stream.indirect.scatter.add.f32 @!p1 [tilespmem:s7], [sflag:$0x4], $0x20, s1, s6, $0xb8;
	[tilespmem:$0x1C8A0] =	vst v63  }
0x49: {  	_ =	swait.ge @!p1 [sflag:s0], $0x1000  }
0x4a: {  	[sflag:s0] =	ssyncset.done @!p1 $0x0  }
0x4b: {  	[sflag:s0] =	ssyncadd.s32 @!p1 $0xFFFFF000  }
.LBB2_8:
0x4c: {  	[bflag:$0x0] =	sbarrier.arrive $0xFFFF;
	s4 =	sadd.s32 $0x1, s4  }
0x4d: {  	s0 =	rddreg [dreg:$0x5];
	p1 =	sne.s32 s4, s22  }
.Ltmp1:
0x4e: {  	s0 =	sor.u32 $0x1C04, s0;
	(pc) =	sbr.rel @!p1 .LBB2_9-.Ltmp1, $4  }
0x4f: {  	[hbm:s19], [sflag:s0] =	dma.local [spmem:s31], $0x30D4  }
0x50: {  	_ =	swait.ge [sflag:s30], $0x30D4  }
0x51: {  	[sflag:s30] =	ssyncset.done $0x0  }
0x52: {  	[sflag:s30] =	ssyncadd.s32 $0xFFFFCF2C  }
.LBB2_1:
0x53: {  	s0 =	rddreg [dreg:$0x6]  }
0x54: {  	s31 =	sshrl.u32 s29, $0x3;
	s1 =	rddreg [dreg:$0x7]  }
0x55: {  	[spmem:s31], [sflag:s1] =	dma.local [hbm:s0], $0x30D4  }
.Ltmp2:
0x56: {  	_ =	swait.ge [sflag:s28], $0x30D4;
	(pc) =	sbr.rel @p0 .LBB2_5-.Ltmp2, $3  }
0x57: {  	[sflag:s28] =	ssyncset.done $0x0  }
0x58: {  	[sflag:s28] =	ssyncadd.s32 $0xFFFFCF2C  }
0x59: {  	[bflag:$0x0] =	sbarrier.arrive $0xFFFF;
	_ =	sdelay $0x1  }
0x5a: {  	s0 =	simm.s32 $0x0;
	s1 =	rddreg [dreg:$0xa];
	s6 =	simm.s32 $0x200  }
0x5b: {  	[tilespmem:s6], [sflag:$0x1] =	stream.linear.gather [hbm4b:s1+s0], $0x2000, $0x38;
	[tilespmem:$0x1C8A0] =	vst v63  }
0x5c: {  	s17 =	rddreg [dreg:$0xb];
	p1 =	sle.u32 s10, $0x0  }
0x5d: {  	[tilespmem:s0], [sflag:$0x1] =	stream.linear.gather [hbm4b:s17+s0], $0x100, $0x38;
	[tilespmem:$0x1C8A0] =	vst v63  }
0x5e: {  	s0 =	simm.s32 @!p1 $0x1  }
0x5f: {  	_ =	swait.ge @!p1 [sflag:s0], $0x2000  }
0x60: {  	[sflag:s0] =	ssyncset.done @!p1 $0x0  }
0x61: {  	[sflag:s0] =	ssyncadd.s32 @!p1 $0xFFFFE000  }
0x62: {  	p2 =	sle.u32 @!p1 s18, $0x0;
	_ =	swait.ge @!p1 [sflag:s0], $0x100  }
0x63: {  	p2 =	por p2, p1;
	[sflag:s0] =	ssyncset.done @!p1 $0x0  }
0x64: {  	s1 =	simm.s32 @!p2 $0x2200;
	[sflag:s0] =	ssyncadd.s32 @!p1 $0xFFFFFF00;
	s0 =	simm.s32 @!p2 $0x0  }
0x65: {  	[tilespmem:s1], [sflag:$0x2] =	stream.linear.gather @!p2 [hbm4b:s25+s0], $0x2000, $0x38;
	[tilespmem:$0x1C8A0] =	vst v63  }
0x66: {  	s12 =	simm.s32 @!p1 $0x5;
	s1 =	simm.s32 @!p2 $0x100  }
0x67: {  	[tilespmem:s1], [sflag:$0x2] =	stream.linear.gather @!p2 [hbm4b:s24+s0], $0x100, $0x38;
	[tilespmem:$0x1C8A0] =	vst v63  }
0x68: {  	s13 =	simm.s32 @!p1 $0x200;
	s0 =	simm.s32 @!p1 $0x80;
	s1 =	simm.s32 @!p1 $0x0  }
0x69: {  	[spmem:s3] =	stream.indirect.scatter.add.f32 @!p1 [tilespmem:s13], [sflag:$0x5], $0x20, s1, s0, $0xb8;
	[tilespmem:$0x1C8A0] =	vst v63  }
0x6a: {  	_ =	swait.ge @!p1 [sflag:s12], $0x1000  }
0x6b: {  	[sflag:s12] =	ssyncset.done @!p1 $0x0  }
0x6c: {  	s1 =	simm.s32 @!p1 $0x1200;
	[sflag:s12] =	ssyncadd.s32 @!p1 $0xFFFFF000  }
0x6d: {  	[spmem:s3] =	stream.indirect.scatter.add.f32 @!p1 [tilespmem:s1], [sflag:$0x5], $0x20, s0, s0, $0xb8;
	[tilespmem:$0x1C8A0] =	vst v63  }
0x6e: {  	p2 =	sle.u32 @!p1 s26, $0x0;
	_ =	swait.ge @!p1 [sflag:s12], $0x1000  }
0x6f: {  	p3 =	por p2, p1;
	[sflag:s12] =	ssyncset.done @!p1 $0x0  }
0x70: {  	s0 =	simm.s32 @!p3 $0x0;
	s1 =	simm.s32 @!p3 $0x200;
	[sflag:s12] =	ssyncadd.s32 @!p1 $0xFFFFF000  }
0x71: {  	[tilespmem:s1], [sflag:$0x1] =	stream.linear.gather @!p3 [hbm4b:s23+s0], $0x2000, $0x38;
	[tilespmem:$0x1C8A0] =	vst v63  }
0x72: {  	p2 =	sle.u32 s18, $0x0;
	s6 =	rddreg [dreg:$0xc]  }
0x73: {  	[tilespmem:s0], [sflag:$0x1] =	stream.linear.gather @!p3 [hbm4b:s6+s0], $0x100, $0x38;
	[tilespmem:$0x1C8A0] =	vst v63  }
0x74: {  	s0 =	simm.s32 @!p2 $0x2  }
0x75: {  	_ =	swait.ge @!p2 [sflag:s0], $0x2000  }
0x76: {  	[sflag:s0] =	ssyncset.done @!p2 $0x0  }
0x77: {  	[sflag:s0] =	ssyncadd.s32 @!p2 $0xFFFFE000  }
0x78: {  	_ =	swait.ge @!p2 [sflag:s0], $0x100  }
0x79: {  	s13 =	simm.s32 @!p2 $0x100;
	s16 =	simm.s32 @!p2 $0x5;
	[sflag:s0] =	ssyncset.done @!p2 $0x0  }
0x7a: {  	s12 =	simm.s32 @!p2 $0x80;
	s1 =	simm.s32 @!p2 $0x2200;
	[sflag:s0] =	ssyncadd.s32 @!p2 $0xFFFFFF00  }
0x7b: {  	[spmem:s3] =	stream.indirect.scatter.add.f32 @!p2 [tilespmem:s1], [sflag:$0x5], $0x20, s13, s12, $0xb8;
	[tilespmem:$0x1C8A0] =	vst v63  }
0x7c: {  	s20 =	smov.u32 s19;
	s19 =	smov.u32 s29;
	_ =	swait.ge @!p2 [sflag:s16], $0x1000  }
0x7d: {  	s17 =	simm.s32 $0x4;
	s29 =	simm.s32 @!p2 $0x4;
	[sflag:s16] =	ssyncset.done @!p2 $0x0  }
0x7e: {  	s1 =	simm.s32 @!p2 $0x180;
	s13 =	simm.s32 @!p2 $0x3200;
	[sflag:s16] =	ssyncadd.s32 @!p2 $0xFFFFF000  }
0x7f: {  	[spmem:s3] =	stream.indirect.scatter.add.f32 @!p2 [tilespmem:s13], [sflag:$0x4], $0x20, s1, s12, $0xb8;
	[tilespmem:$0x1C8A0] =	vst v63  }
0x80: {  	s0 =	simm.s32 $0x2;
	s16 =	sadd.s32 $0x800, s25;
	s13 =	sadd.s32 $0x40, s24  }
0x81: {  	s1 =	sadd.s32 $0x40, s6;
	s12 =	sadd.s32 $0x800, s23;
	_ =	swait.ge @!p2 [sflag:s29], $0x1000  }
.LBB2_3:
0x82: {  	p3 =	sge.u32 s0, s10  }
0x83: {  	[sflag:s29] =	ssyncset.done @!p2 $0x0;
	s6 =	smov.u32 s17;
	s17 =	sadd.s32 $0x2, s17  }
0x84: {  	s8 =	simm.s32 @!p3 $0x1;
	p4 =	sge.u32 @!p3 s0, s18;
	[sflag:s29] =	ssyncadd.s32 @!p2 $0xFFFFF000  }
0x85: {  	p1 =	seq.s32 s17, $0xC4;
	_ =	swait.ge @!p3 [sflag:s8], $0x2000  }
0x86: {  	[sflag:s8] =	ssyncset.done @!p3 $0x0  }
0x87: {  	[sflag:s8] =	ssyncadd.s32 @!p3 $0xFFFFE000  }
0x88: {  	_ =	swait.ge @!p3 [sflag:s8], $0x100  }
0x89: {  	p2 =	por p4, p3;
	[sflag:s8] =	ssyncset.done @!p3 $0x0  }
0x8a: {  	s29 =	simm.s32 @!p2 $0x2200;
	[sflag:s8] =	ssyncadd.s32 @!p3 $0xFFFFFF00;
	s8 =	simm.s32 @!p2 $0x0  }
0x8b: {  	[tilespmem:s29], [sflag:$0x2] =	stream.linear.gather @!p2 [hbm4b:s16+s8], $0x2000, $0x38;
	[tilespmem:$0x1C8A0] =	vst v63  }
0x8c: {  	s9 =	simm.s32 @!p3 $0x5;
	s29 =	simm.s32 @!p2 $0x100  }
0x8d: {  	[tilespmem:s29], [sflag:$0x2] =	stream.linear.gather @!p2 [hbm4b:s13+s8], $0x100, $0x38;
	[tilespmem:$0x1C8A0] =	vst v63  }
0x8e: {  	s7 =	simm.s32 @!p3 $0x200;
	s8 =	simm.s32 @!p3 $0x80;
	s29 =	simm.s32 @!p3 $0x0  }
0x8f: {  	[spmem:s3] =	stream.indirect.scatter.add.f32 @!p3 [tilespmem:s7], [sflag:$0x5], $0x20, s29, s8, $0xb8;
	[tilespmem:$0x1C8A0] =	vst v63  }
0x90: {  	_ =	swait.ge @!p3 [sflag:s9], $0x1000  }
0x91: {  	[sflag:s9] =	ssyncset.done @!p3 $0x0  }
0x92: {  	s7 =	simm.s32 @!p3 $0x1200;
	[sflag:s9] =	ssyncadd.s32 @!p3 $0xFFFFF000  }
0x93: {  	[spmem:s3] =	stream.indirect.scatter.add.f32 @!p3 [tilespmem:s7], [sflag:$0x5], $0x20, s8, s8, $0xb8;
	[tilespmem:$0x1C8A0] =	vst v63  }
0x94: {  	p2 =	sge.u32 @!p3 s0, s26;
	_ =	swait.ge @!p3 [sflag:s9], $0x1000  }
0x95: {  	p4 =	por p2, p3;
	[sflag:s9] =	ssyncset.done @!p3 $0x0  }
0x96: {  	s7 =	simm.s32 @!p4 $0x0;
	s8 =	simm.s32 @!p4 $0x200;
	[sflag:s9] =	ssyncadd.s32 @!p3 $0xFFFFF000  }
0x97: {  	[tilespmem:s8], [sflag:$0x1] =	stream.linear.gather @!p4 [hbm4b:s12+s7], $0x2000, $0x38;
	[tilespmem:$0x1C8A0] =	vst v63  }
0x98: {  	p2 =	sge.u32 s0, s18;
	s0 =	smov.u32 s6  }
0x99: {  	[tilespmem:s7], [sflag:$0x1] =	stream.linear.gather @!p4 [hbm4b:s1+s7], $0x100, $0x38;
	[tilespmem:$0x1C8A0] =	vst v63  }
0x9a: {  	s6 =	simm.s32 @!p2 $0x2  }
0x9b: {  	_ =	swait.ge @!p2 [sflag:s6], $0x2000  }
0x9c: {  	[sflag:s6] =	ssyncset.done @!p2 $0x0  }
0x9d: {  	[sflag:s6] =	ssyncadd.s32 @!p2 $0xFFFFE000  }
0x9e: {  	s7 =	simm.s32 @!p2 $0x2200;
	_ =	swait.ge @!p2 [sflag:s6], $0x100  }
0x9f: {  	s9 =	simm.s32 @!p2 $0x100;
	s8 =	simm.s32 @!p2 $0x80;
	[sflag:s6] =	ssyncset.done @!p2 $0x0  }
0xa0: {  	[sflag:s6] =	ssyncadd.s32 @!p2 $0xFFFFFF00;
	s6 =	simm.s32 @!p2 $0x5  }
0xa1: {  	[spmem:s3] =	stream.indirect.scatter.add.f32 @!p2 [tilespmem:s7], [sflag:$0x5], $0x20, s9, s8, $0xb8;
	[tilespmem:$0x1C8A0] =	vst v63  }
.Ltmp3:
0xa2: {  	s16 =	sadd.s32 $0x800, s16;
	_ =	swait.ge @!p2 [sflag:s6], $0x1000;
	(pc) =	sbr.rel @!p1 .LBB2_3-.Ltmp3, $4  }
0xa3: {  	s7 =	simm.s32 @!p2 $0x180;
	s9 =	simm.s32 @!p2 $0x3200;
	[sflag:s6] =	ssyncset.done @!p2 $0x0  }
0xa4: {  	s13 =	sadd.s32 $0x40, s13;
	s29 =	simm.s32 @!p2 $0x4;
	[sflag:s6] =	ssyncadd.s32 @!p2 $0xFFFFF000  }
0xa5: {  	[spmem:s3] =	stream.indirect.scatter.add.f32 @!p2 [tilespmem:s9], [sflag:$0x4], $0x20, s7, s8, $0xb8;
	[tilespmem:$0x1C8A0] =	vst v63  }
0xa6: {  	s12 =	sadd.s32 $0x800, s12;
	s1 =	sadd.s32 $0x40, s1;
	_ =	swait.ge @!p2 [sflag:s29], $0x1000  }
0xa7: {  	p1 =	sge.u32 s0, s10;
	[sflag:s29] =	ssyncset.done @!p2 $0x0  }
0xa8: {  	s6 =	simm.s32 @!p1 $0x1;
	[sflag:s29] =	ssyncadd.s32 @!p2 $0xFFFFF000  }
0xa9: {  	_ =	swait.ge @!p1 [sflag:s6], $0x2000  }
0xaa: {  	[sflag:s6] =	ssyncset.done @!p1 $0x0  }
0xab: {  	[sflag:s6] =	ssyncadd.s32 @!p1 $0xFFFFE000  }
0xac: {  	p2 =	sge.u32 @!p1 s0, s18;
	_ =	swait.ge @!p1 [sflag:s6], $0x100  }
0xad: {  	p2 =	por p2, p1;
	[sflag:s6] =	ssyncset.done @!p1 $0x0  }
0xae: {  	s7 =	simm.s32 @!p2 $0x2200;
	[sflag:s6] =	ssyncadd.s32 @!p1 $0xFFFFFF00;
	s6 =	simm.s32 @!p2 $0x0  }
0xaf: {  	[tilespmem:s7], [sflag:$0x2] =	stream.linear.gather @!p2 [hbm4b:s16+s6], $0x2000, $0x38;
	[tilespmem:$0x1C8A0] =	vst v63  }
0xb0: {  	s8 =	simm.s32 @!p1 $0x5;
	s7 =	simm.s32 @!p2 $0x100  }
0xb1: {  	[tilespmem:s7], [sflag:$0x2] =	stream.linear.gather @!p2 [hbm4b:s13+s6], $0x100, $0x38;
	[tilespmem:$0x1C8A0] =	vst v63  }
0xb2: {  	s9 =	simm.s32 @!p1 $0x200;
	s6 =	simm.s32 @!p1 $0x80;
	s7 =	simm.s32 @!p1 $0x0  }
0xb3: {  	[spmem:s3] =	stream.indirect.scatter.add.f32 @!p1 [tilespmem:s9], [sflag:$0x5], $0x20, s7, s6, $0xb8;
	[tilespmem:$0x1C8A0] =	vst v63  }
0xb4: {  	_ =	swait.ge @!p1 [sflag:s8], $0x1000  }
0xb5: {  	[sflag:s8] =	ssyncset.done @!p1 $0x0  }
0xb6: {  	p2 =	sge.u32 @!p1 s0, s26;
	s7 =	simm.s32 @!p1 $0x1200;
	[sflag:s8] =	ssyncadd.s32 @!p1 $0xFFFFF000  }
0xb7: {  	[spmem:s3] =	stream.indirect.scatter.add.f32 @!p1 [tilespmem:s7], [sflag:$0x5], $0x20, s6, s6, $0xb8;
	[tilespmem:$0x1C8A0] =	vst v63  }
0xb8: {  	p2 =	por p2, p1;
	_ =	swait.ge @!p1 [sflag:s8], $0x1000  }
0xb9: {  	s6 =	simm.s32 @!p2 $0x0;
	[sflag:s8] =	ssyncset.done @!p1 $0x0  }
0xba: {  	s7 =	simm.s32 @!p2 $0x200;
	[sflag:s8] =	ssyncadd.s32 @!p1 $0xFFFFF000;
	p1 =	sge.u32 s0, s18  }
0xbb: {  	[tilespmem:s7], [sflag:$0x1] =	stream.linear.gather @!p2 [hbm4b:s12+s6], $0x2000, $0x38;
	[tilespmem:$0x1C8A0] =	vst v63  }
0xbc: {  	s0 =	simm.s32 @!p1 $0x2  }
0xbd: {  	[tilespmem:s6], [sflag:$0x1] =	stream.linear.gather @!p2 [hbm4b:s1+s6], $0x100, $0x38;
	[tilespmem:$0x1C8A0] =	vst v63  }
0xbe: {  	_ =	swait.ge @!p1 [sflag:s0], $0x2000  }
0xbf: {  	[sflag:s0] =	ssyncset.done @!p1 $0x0  }
0xc0: {  	[sflag:s0] =	ssyncadd.s32 @!p1 $0xFFFFE000  }
0xc1: {  	_ =	swait.ge @!p1 [sflag:s0], $0x100  }
0xc2: {  	s7 =	simm.s32 @!p1 $0x100;
	s1 =	simm.s32 @!p1 $0x2200;
	[sflag:s0] =	ssyncset.done @!p1 $0x0  }
0xc3: {  	s6 =	simm.s32 @!p1 $0x80;
	[sflag:s0] =	ssyncadd.s32 @!p1 $0xFFFFFF00;
	s0 =	simm.s32 @!p1 $0x5  }
0xc4: {  	[spmem:s3] =	stream.indirect.scatter.add.f32 @!p1 [tilespmem:s1], [sflag:$0x5], $0x20, s7, s6, $0xb8;
	[tilespmem:$0x1C8A0] =	vst v63  }
0xc5: {  	_ =	swait.ge @!p1 [sflag:s0], $0x1000  }
0xc6: {  	s1 =	simm.s32 @!p1 $0x180;
	s7 =	simm.s32 @!p1 $0x3200;
	[sflag:s0] =	ssyncset.done @!p1 $0x0  }
.Ltmp4:
0xc7: {  	[sflag:s0] =	ssyncadd.s32 @!p1 $0xFFFFF000;
	s0 =	simm.s32 @!p1 $0x4;
	(pc) =	sbr.rel .LBB2_8-.Ltmp4, $4  }
0xc8: {  	[spmem:s3] =	stream.indirect.scatter.add.f32 @!p1 [tilespmem:s7], [sflag:$0x4], $0x20, s1, s6, $0xb8;
	[tilespmem:$0x1C8A0] =	vst v63  }
0xc9: {  	_ =	swait.ge @!p1 [sflag:s0], $0x1000  }
0xca: {  	[sflag:s0] =	ssyncset.done @!p1 $0x0  }
0xcb: {  	s29 =	smov.u32 s19;
	s19 =	smov.u32 s20;
	[sflag:s0] =	ssyncadd.s32 @!p1 $0xFFFFF000  }
.LBB2_5:
0xcc: {  	s0 =	simm.s32 $0x0;
	s1 =	rddreg [dreg:$0x8];
	s6 =	simm.s32 $0x200  }
0xcd: {  	[tilespmem:s6], [sflag:$0x1] =	stream.linear.gather [hbm4b:s1+s0], $0x2000, $0x38;
	[tilespmem:$0x1C8A0] =	vst v63  }
0xce: {  	s20 =	rddreg [dreg:$0x9];
	p1 =	sle.u32 s11, $0x0  }
0xcf: {  	[tilespmem:s0], [sflag:$0x1] =	stream.linear.gather [hbm4b:s20+s0], $0x100, $0x38;
	[tilespmem:$0x1C8A0] =	vst v63  }
0xd0: {  	s0 =	simm.s32 @!p1 $0x1  }
0xd1: {  	p2 =	sle.u32 @!p1 s14, $0x0;
	_ =	swait.ge @!p1 [sflag:s0], $0x2000  }
0xd2: {  	p2 =	por p2, p1;
	[sflag:s0] =	ssyncset.done @!p1 $0x0  }
0xd3: {  	s1 =	sadd.s32 @!p2 $0xFFFFFF00, s21;
	s6 =	sadd.s32 @!p2 $0x0, s15;
	[sflag:s0] =	ssyncadd.s32 @!p1 $0xFFFFE000  }
0xd4: {  	s7 =	simm.s32 @!p2 $0x2200;
	s6 =	sadd.s32 @!p2 $0xFE7A2000, s6;
	_ =	swait.ge @!p1 [sflag:s0], $0x100  }
0xd5: {  	s1 =	sshrl.u32 @!p2 s1, $0x3;
	s6 =	sshrl.u32 @!p2 s6, $0x3;
	[sflag:s0] =	ssyncset.done @!p1 $0x0  }
0xd6: {  	[sflag:s0] =	ssyncadd.s32 @!p1 $0xFFFFFF00;
	s0 =	sadd.s32 @!p2 s5, s6;
	s6 =	simm.s32 @!p2 $0x0  }
0xd7: {  	[tilespmem:s7], [sflag:$0x2] =	stream.linear.gather @!p2 [hbm4b:s0+s6], $0x2000, $0x38;
	[tilespmem:$0x1C8A0] =	vst v63  }
0xd8: {  	s0 =	sadd.s32 @!p2 s2, s1;
	s1 =	simm.s32 @!p2 $0x100;
	s7 =	simm.s32 @!p1 $0x5  }
0xd9: {  	[tilespmem:s1], [sflag:$0x2] =	stream.linear.gather @!p2 [hbm4b:s0+s6], $0x100, $0x38;
	[tilespmem:$0x1C8A0] =	vst v63  }
0xda: {  	s0 =	simm.s32 @!p1 $0x80;
	s1 =	simm.s32 @!p1 $0x0;
	s6 =	simm.s32 @!p1 $0x200  }
0xdb: {  	[spmem:s3] =	stream.indirect.scatter.add.f32 @!p1 [tilespmem:s6], [sflag:$0x5], $0x20, s1, s0, $0xb8;
	[tilespmem:$0x1C8A0] =	vst v63  }
0xdc: {  	_ =	swait.ge @!p1 [sflag:s7], $0x1000  }
0xdd: {  	[sflag:s7] =	ssyncset.done @!p1 $0x0  }
0xde: {  	s1 =	simm.s32 @!p1 $0x1200;
	[sflag:s7] =	ssyncadd.s32 @!p1 $0xFFFFF000  }
0xdf: {  	[spmem:s3] =	stream.indirect.scatter.add.f32 @!p1 [tilespmem:s1], [sflag:$0x5], $0x20, s0, s0, $0xb8;
	[tilespmem:$0x1C8A0] =	vst v63  }
0xe0: {  	_ =	swait.ge @!p1 [sflag:s7], $0x1000  }
0xe1: {  	s0 =	rddreg [dreg:$0x4]  }
0xe2: {  	p2 =	sle.u32 @!p1 s0, $0x0  }
0xe3: {  	p3 =	por p2, p1  }
0xe4: {  	s0 =	sadd.s32 @!p3 $0x0, s15  }
0xe5: {  	[sflag:s7] =	ssyncset.done @!p1 $0x0;
	s0 =	sadd.s32 @!p3 $0xFE7A4000, s0  }
0xe6: {  	[sflag:s7] =	ssyncadd.s32 @!p1 $0xFFFFF000;
	s1 =	sshrl.u32 @!p3 s21, $0x3;
	s0 =	sshrl.u32 @!p3 s0, $0x3  }
0xe7: {  	s6 =	simm.s32 @!p3 $0x200;
	s7 =	simm.s32 @!p3 $0x0;
	s0 =	sadd.s32 @!p3 s5, s0  }
0xe8: {  	[tilespmem:s6], [sflag:$0x1] =	stream.linear.gather @!p3 [hbm4b:s0+s7], $0x2000, $0x38;
	[tilespmem:$0x1C8A0] =	vst v63  }
0xe9: {  	p2 =	sle.u32 s14, $0x0;
	s0 =	sadd.s32 @!p3 s2, s1  }
0xea: {  	[tilespmem:s7], [sflag:$0x1] =	stream.linear.gather @!p3 [hbm4b:s0+s7], $0x100, $0x38;
	[tilespmem:$0x1C8A0] =	vst v63  }
0xeb: {  	s0 =	simm.s32 @!p2 $0x2  }
0xec: {  	_ =	swait.ge @!p2 [sflag:s0], $0x2000  }
0xed: {  	[sflag:s0] =	ssyncset.done @!p2 $0x0  }
0xee: {  	[sflag:s0] =	ssyncadd.s32 @!p2 $0xFFFFE000  }
0xef: {  	_ =	swait.ge @!p2 [sflag:s0], $0x100  }
0xf0: {  	s1 =	simm.s32 @!p2 $0x2200;
	s6 =	simm.s32 @!p2 $0x80;
	[sflag:s0] =	ssyncset.done @!p2 $0x0  }
0xf1: {  	s7 =	simm.s32 @!p2 $0x100;
	[sflag:s0] =	ssyncadd.s32 @!p2 $0xFFFFFF00;
	s0 =	simm.s32 @!p2 $0x5  }
0xf2: {  	[spmem:s3] =	stream.indirect.scatter.add.f32 @!p2 [tilespmem:s1], [sflag:$0x5], $0x20, s7, s6, $0xb8;
	[tilespmem:$0x1C8A0] =	vst v63  }
0xf3: {  	s13 =	simm.s32 $0x8000;
	_ =	swait.ge @!p2 [sflag:s0], $0x1000  }
0xf4: {  	s12 =	sadd.s32 $0x200, s21;
	s17 =	simm.s32 @!p2 $0x4;
	[sflag:s0] =	ssyncset.done @!p2 $0x0  }
0xf5: {  	s1 =	simm.s32 @!p2 $0x180;
	s7 =	simm.s32 @!p2 $0x3200;
	[sflag:s0] =	ssyncadd.s32 @!p2 $0xFFFFF000  }
0xf6: {  	[spmem:s3] =	stream.indirect.scatter.add.f32 @!p2 [tilespmem:s7], [sflag:$0x4], $0x20, s1, s6, $0xb8;
	[tilespmem:$0x1C8A0] =	vst v63  }
0xf7: {  	s0 =	simm.s32 $0x2;
	s1 =	simm.s32 $0x4000;
	_ =	swait.ge @!p2 [sflag:s17], $0x1000  }
.LBB2_6:
0xf8: {  	p3 =	sge.u32 s0, s11;
	[sflag:s17] =	ssyncset.done @!p2 $0x0  }
0xf9: {  	s6 =	simm.s32 @!p3 $0x1;
	[sflag:s17] =	ssyncadd.s32 @!p2 $0xFFFFF000  }
0xfa: {  	p4 =	sge.u32 @!p3 s0, s14;
	_ =	swait.ge @!p3 [sflag:s6], $0x2000  }
0xfb: {  	p2 =	por p4, p3;
	[sflag:s6] =	ssyncset.done @!p3 $0x0  }
0xfc: {  	s7 =	sadd.s32 @!p2 $0xFFFFFF00, s12;
	s8 =	sadd.s32 @!p2 s1, s15;
	[sflag:s6] =	ssyncadd.s32 @!p3 $0xFFFFE000  }
0xfd: {  	s9 =	simm.s32 @!p2 $0x2200;
	s8 =	sadd.s32 @!p2 $0xFE7A2000, s8;
	_ =	swait.ge @!p3 [sflag:s6], $0x100  }
0xfe: {  	s7 =	sshrl.u32 @!p2 s7, $0x3;
	s8 =	sshrl.u32 @!p2 s8, $0x3;
	[sflag:s6] =	ssyncset.done @!p3 $0x0  }
0xff: {  	[sflag:s6] =	ssyncadd.s32 @!p3 $0xFFFFFF00;
	s6 =	sadd.s32 @!p2 s5, s8;
	s8 =	simm.s32 @!p2 $0x0  }
0x100: {  	[tilespmem:s9], [sflag:$0x2] =	stream.linear.gather @!p2 [hbm4b:s6+s8], $0x2000, $0x38;
	[tilespmem:$0x1C8A0] =	vst v63  }
0x101: {  	s6 =	sadd.s32 @!p2 s2, s7;
	s7 =	simm.s32 @!p2 $0x100;
	s9 =	simm.s32 @!p3 $0x5  }
0x102: {  	[tilespmem:s7], [sflag:$0x2] =	stream.linear.gather @!p2 [hbm4b:s6+s8], $0x100, $0x38;
	[tilespmem:$0x1C8A0] =	vst v63  }
0x103: {  	s6 =	simm.s32 @!p3 $0x80;
	s7 =	simm.s32 @!p3 $0x0;
	s8 =	simm.s32 @!p3 $0x200  }
0x104: {  	[spmem:s3] =	stream.indirect.scatter.add.f32 @!p3 [tilespmem:s8], [sflag:$0x5], $0x20, s7, s6, $0xb8;
	[tilespmem:$0x1C8A0] =	vst v63  }
0x105: {  	_ =	swait.ge @!p3 [sflag:s9], $0x1000  }
0x106: {  	[sflag:s9] =	ssyncset.done @!p3 $0x0  }
0x107: {  	s7 =	simm.s32 @!p3 $0x1200;
	[sflag:s9] =	ssyncadd.s32 @!p3 $0xFFFFF000  }
0x108: {  	[spmem:s3] =	stream.indirect.scatter.add.f32 @!p3 [tilespmem:s7], [sflag:$0x5], $0x20, s6, s6, $0xb8;
	[tilespmem:$0x1C8A0] =	vst v63  }
0x109: {  	_ =	swait.ge @!p3 [sflag:s9], $0x1000  }
0x10a: {  	s6 =	rddreg [dreg:$0x4]  }
0x10b: {  	p2 =	sge.u32 @!p3 s0, s6  }
0x10c: {  	p4 =	por p2, p3  }
0x10d: {  	[sflag:s9] =	ssyncset.done @!p3 $0x0;
	s6 =	sadd.s32 @!p4 s1, s15  }
0x10e: {  	[sflag:s9] =	ssyncadd.s32 @!p3 $0xFFFFF000;
	s6 =	sadd.s32 @!p4 $0xFE7A4000, s6  }
0x10f: {  	p2 =	sge.u32 s0, s14;
	s7 =	sshrl.u32 @!p4 s12, $0x3;
	s6 =	sshrl.u32 @!p4 s6, $0x3  }
0x110: {  	s8 =	simm.s32 @!p4 $0x200;
	s9 =	simm.s32 @!p4 $0x0;
	s6 =	sadd.s32 @!p4 s5, s6  }
0x111: {  	[tilespmem:s8], [sflag:$0x1] =	stream.linear.gather @!p4 [hbm4b:s6+s9], $0x2000, $0x38;
	[tilespmem:$0x1C8A0] =	vst v63  }
0x112: {  	s7 =	sadd.s32 @!p4 s2, s7;
	s6 =	simm.s32 @!p2 $0x2  }
0x113: {  	[tilespmem:s9], [sflag:$0x1] =	stream.linear.gather @!p4 [hbm4b:s7+s9], $0x100, $0x38;
	[tilespmem:$0x1C8A0] =	vst v63  }
0x114: {  	_ =	swait.ge @!p2 [sflag:s6], $0x2000  }
0x115: {  	[sflag:s6] =	ssyncset.done @!p2 $0x0  }
0x116: {  	s16 =	smov.u32 s13;
	s13 =	sadd.s32 $0x4000, s13;
	[sflag:s6] =	ssyncadd.s32 @!p2 $0xFFFFE000  }
0x117: {  	p1 =	sne.s32 s13, $0x188000;
	_ =	swait.ge @!p2 [sflag:s6], $0x100  }
0x118: {  	s8 =	simm.s32 @!p2 $0x80;
	s7 =	simm.s32 @!p2 $0x2200;
	[sflag:s6] =	ssyncset.done @!p2 $0x0  }
0x119: {  	s9 =	simm.s32 @!p2 $0x100;
	[sflag:s6] =	ssyncadd.s32 @!p2 $0xFFFFFF00;
	s6 =	simm.s32 @!p2 $0x5  }
0x11a: {  	[spmem:s3] =	stream.indirect.scatter.add.f32 @!p2 [tilespmem:s7], [sflag:$0x5], $0x20, s9, s8, $0xb8;
	[tilespmem:$0x1C8A0] =	vst v63  }
.Ltmp5:
0x11b: {  	_ =	swait.ge @!p2 [sflag:s6], $0x1000;
	(pc) =	sbr.rel @p1 .LBB2_6-.Ltmp5, $4  }
0x11c: {  	s0 =	sadd.s32 $0x2, s0;
	s17 =	simm.s32 @!p2 $0x4;
	[sflag:s6] =	ssyncset.done @!p2 $0x0  }
0x11d: {  	s7 =	simm.s32 @!p2 $0x180;
	s9 =	simm.s32 @!p2 $0x3200;
	[sflag:s6] =	ssyncadd.s32 @!p2 $0xFFFFF000  }
0x11e: {  	[spmem:s3] =	stream.indirect.scatter.add.f32 @!p2 [tilespmem:s9], [sflag:$0x4], $0x20, s7, s8, $0xb8;
	[tilespmem:$0x1C8A0] =	vst v63  }
0x11f: {  	s1 =	smov.u32 s16;
	s12 =	sadd.s32 $0x200, s12;
	_ =	swait.ge @!p2 [sflag:s17], $0x1000  }
.Ltmp6:
0x120: {  	_ = 	snop;
	(pc) =	sbr.rel .LBB2_7-.Ltmp6, $1  }
0x121: {  	_ =	sdelay $0x3  }
.LBB2_9:
0x122: {  	_ =	sfence.sel $0x180000  }
0x123: {  	[bflag:$0x0] =	sbarrier.arrive $0xFFFF  }
0x124: {  	_ =	strace $0x90000053  }
0x125: {  	s0 =	stileid.u32;
	[bflag:$0x2] =	sbarrier.arrive $0xFFFF  }
0x126: {  	p0 =	sne.s32 s0, $0x0;
	s0 =	rddreg [dreg:$0x3]  }
0x127: {  	s0 =	sadd.s32 @!p0 $0x100000, s0  }
0x128: {  	[sflag:s0] =	ssyncadd.tile.s32 @!p0 $0x1;
	_ =	shalt  }
.Lfunc_end2:
_tile_overlayer_lowered:
.L_overlay_start_2:
0x129: {  	(tag) =	ssettag $0x2  }
0x12a: {  	s0 =	rddreg [dreg:$0x0];
	s2 =	stileid.u32  }
0x12b: {  	s1 =	rddreg [dreg:$0x1];
	p0 =	sne.s32 s2, $0x0  }
0x12c: {  	s3 =	rddreg [dreg:$0x2];
	[bflag:$0x3] =	sbarrier.arrive $0xFFFF;
	s2 =	simm.s32 @!p0 $0x1C04  }
0x12d: {  	[timem:s3], [sflag:s2] =	dma.local @!p0 [hbm:s0], s1  }
0x12e: {  	s0 =	simm.s32 @!p0 $0x4  }
0x12f: {  	_ =	swait.ge @!p0 [sflag:s0], s1  }
0x130: {  	s1 =	ssub.s32 @!p0 $0x0, s1;
	[sflag:s0] =	ssyncset.done @!p0 $0x0  }
0x131: {  	[sflag:s0] =	ssyncadd.s32 @!p0 s1  }
0x132: {  	[bflag:$0x3] =	sbarrier.arrive $0xFFFF  }
0x133: {  	_ =	shalt  }

// kernel: kernel.9.cloned.1.call-start
scs
__scs_entry_jumppad:
0x0: {  	(pc) =	sbr.rel $0x88, $3  }
0x1: {  	(tag) =	ssettag $0x0;
	lr =	simm.s32 $0x1  }
0x2: {  	[smem:$0x3F7E] =	sst lr;
	_ =	strace $0xD0000000  }
0x3: {  	_ = 	snop  }
0x4: {  	_ = 	snop  }
0x5: {  	_ = 	snop  }
0x6: {  	_ = 	snop  }
0x7: {  	_ = 	snop  }
__scs_overlays_trampoline_lowered:
0x8: {  	[smem:$0x3F8D] =	sst s0  }
0x9: {  	[smem:$0x3F8E] =	sst s1  }
0xa: {  	[smem:$0x3F8F] =	sst s2  }
0xb: {  	[smem:$0x3F90] =	sst s3  }
0xc: {  	[smem:$0x3F91] =	sst s4  }
0xd: {  	[smem:$0x3F92] =	sst s5  }
0xe: {  	[smem:$0x3F93] =	sst s6  }
0xf: {  	[smem:$0x3F94] =	sst s7  }
0x10: {  	[smem:$0x3F95] =	sst s8  }
0x11: {  	[smem:$0x3F96] =	sst s9;
	s0 =	simm.s32 @!p0 $0x0  }
0x12: {  	s1 =	sld [smem:$0x3F7C];
	s0 =	simm.s32 @p0 $0x1  }
0x13: {  	[smem:$0x3F97] =	sst s0;
	s0 =	simm.s32 @!p1 $0x0  }
0x14: {  	s2 =	sld [smem:$0x3F7B];
	s0 =	simm.s32 @p1 $0x1  }
0x15: {  	[smem:$0x3F98] =	sst s0;
	s0 =	simm.s32 @!p2 $0x0  }
0x16: {  	s3 =	sld [smem:$0x3FDB];
	s0 =	simm.s32 @p2 $0x1  }
0x17: {  	s4 =	simm.s32 $0x1BF5;
	[smem:$0x3F9A] =	sst s0  }
0x18: {  	s0 =	sld [smem:$0x3F7D];
	_ =	swait.ge [sflag:s4], $0x0  }
0x19: {  	s7 =	sld [smem:$0x3F7E]  }
0x1a: {  	s8 =	sadd.s32 $0xFFFFE003, lr  }
0x1b: {  	s9 =	sadd.s32 $0xFFFFFEF7, lr;
	s5 =	simm.s32 $0xFFFFFFFF;
	p2 =	slt.u32 s8, $0xFFFFF086  }
0x1c: {  	p1 =	slt.u32 s9, $0xF7A;
	s5 =	simm.s32 @!p2 $0x0  }
0x1d: {  	s5 =	simm.s32 @p1 $0x1;
	p0 =	seq.s32 s7, s2  }
0x1e: {  	s7 =	smul.u32 @!p0 $0xF7A, s2;
	p2 =	seq.s32 @!p0 s5, $0x0  }
0x1f: {  	s9 =	smul.u32 $0xF7A, s1;
	s8 =	simm.s32 @!p0 $0x1BF5;
	p2 =	por !p2, p0  }
0x20: {  	[sflag:s8] =	ssyncset.s32 @!p0 $0xFFFFF086;
	s6 =	sadd.s32 @!p0 s3, s7;
	s7 =	simm.s32 @!p0 $0x108  }
0x21: {  	s3 =	sadd.s32 s3, s9;
	s6 =	sadd.s32 @!p0 $0x88, s6;
	s7 =	simm.s32 @p2 $0x1082  }
0x22: {  	[simem:s7], [sflag:s8] =	dma.local @!p0 [hbm:s6], $0xF7A  }
0x23: {  	s9 =	sor.u32 $0xD0000000, s2;
	s6 =	simm.s32 $0x108;
	_ =	swait.ge @!p0 [sflag:s8], $0x0  }
0x24: {  	s3 =	sadd.s32 $0x88, s3;
	s6 =	simm.s32 @!p1 $0x1082;
	[sflag:s4] =	ssyncset.s32 $0xFFFFF086  }
0x25: {  	[simem:s6], [sflag:s4] =	dma.local [hbm:s3], $0xF7A  }
0x26: {  	[smem:$0x3F7E] =	sst s1;
	(tag) =	ssettag s2;
	_ =	strace s9  }
0x27: {  	s1 =	sld [smem:$0x3F8E]  }
0x28: {  	s2 =	sld [smem:$0x3F8F]  }
0x29: {  	s4 =	sld [smem:$0x3F91]  }
0x2a: {  	p0 =	seq.s32 s5, $0x0;
	s5 =	sld [smem:$0x3F92]  }
0x2b: {  	s6 =	sld [smem:$0x3F93]  }
0x2c: {  	s7 =	sld [smem:$0x3F94]  }
0x2d: {  	s3 =	simm.s32 $0x108;
	s8 =	sld [smem:$0x3F95]  }
0x2e: {  	s3 =	simm.s32 @!p0 $0x1082;
	s9 =	sld [smem:$0x3F96]  }
0x2f: {  	lr =	sadd.s32 s0, s3;
	s0 =	sld [smem:$0x3F8D]  }
0x30: {  	s3 =	sld [smem:$0x3F90]  }
0x31: {  	[smem:$0x3F99] =	sst s10  }
0x32: {  	s10 =	sld [smem:$0x3F97];
	_ =	sdelay $0x3  }
0x33: {  	p0 =	seq.s32 s10, $0x1;
	s10 =	sld [smem:$0x3F99];
	_ =	sdelay $0x3  }
0x34: {  	[smem:$0x3F99] =	sst s10  }
0x35: {  	s10 =	sld [smem:$0x3F98];
	_ =	sdelay $0x3  }
0x36: {  	p1 =	seq.s32 s10, $0x1;
	s10 =	sld [smem:$0x3F99];
	_ =	sdelay $0x3  }
0x37: {  	[smem:$0x3F99] =	sst s10  }
0x38: {  	s10 =	sld [smem:$0x3F9A]  }
0x39: {  	_ = 	snop;
	(pc) =	sbr.ind lr, $3  }
0x3a: {  	_ = 	snop  }
0x3b: {  	_ = 	snop  }
0x3c: {  	p2 =	seq.s32 s10, $0x1;
	s10 =	sld [smem:$0x3F99]  }
0x3d: {  	_ =	shalt  }
0x3e: {  	_ =	shalt  }
0x3f: {  	_ =	shalt  }
0x40: {  	_ =	shalt  }
0x41: {  	_ =	shalt  }
0x42: {  	_ =	shalt  }
0x43: {  	_ =	shalt  }
0x44: {  	_ =	shalt  }
0x45: {  	_ =	shalt  }
0x46: {  	_ =	shalt  }
0x47: {  	_ =	shalt  }
0x48: {  	_ =	shalt  }
0x49: {  	_ =	shalt  }
0x4a: {  	_ =	shalt  }
0x4b: {  	_ =	shalt  }
0x4c: {  	_ =	shalt  }
0x4d: {  	_ =	shalt  }
0x4e: {  	_ =	shalt  }
0x4f: {  	_ =	shalt  }
0x50: {  	_ =	shalt  }
0x51: {  	_ =	shalt  }
0x52: {  	_ =	shalt  }
0x53: {  	_ =	shalt  }
0x54: {  	_ =	shalt  }
0x55: {  	_ =	shalt  }
0x56: {  	_ =	shalt  }
0x57: {  	_ =	shalt  }
0x58: {  	_ =	shalt  }
0x59: {  	_ =	shalt  }
0x5a: {  	_ =	shalt  }
0x5b: {  	_ =	shalt  }
0x5c: {  	_ =	shalt  }
0x5d: {  	_ =	shalt  }
0x5e: {  	_ =	shalt  }
0x5f: {  	_ =	shalt  }
0x60: {  	_ =	shalt  }
0x61: {  	_ =	shalt  }
0x62: {  	_ =	shalt  }
0x63: {  	_ =	shalt  }
0x64: {  	_ =	shalt  }
0x65: {  	_ =	shalt  }
0x66: {  	_ =	shalt  }
0x67: {  	_ =	shalt  }
0x68: {  	_ =	shalt  }
0x69: {  	_ =	shalt  }
0x6a: {  	_ =	shalt  }
0x6b: {  	_ =	shalt  }
0x6c: {  	_ =	shalt  }
0x6d: {  	_ =	shalt  }
0x6e: {  	_ =	shalt  }
0x6f: {  	_ =	shalt  }
0x70: {  	_ =	shalt  }
0x71: {  	_ =	shalt  }
0x72: {  	_ =	shalt  }
0x73: {  	_ =	shalt  }
0x74: {  	_ =	shalt  }
0x75: {  	_ =	shalt  }
0x76: {  	_ =	shalt  }
0x77: {  	_ =	shalt  }
0x78: {  	_ =	shalt  }
0x79: {  	_ =	shalt  }
0x7a: {  	_ =	shalt  }
0x7b: {  	_ =	shalt  }
0x7c: {  	_ =	shalt  }
0x7d: {  	_ =	shalt  }
0x7e: {  	_ =	shalt  }
0x7f: {  	_ =	shalt  }
0x80: {  	_ =	shalt  }
0x81: {  	_ =	shalt  }
0x82: {  	_ =	shalt  }
0x83: {  	_ =	shalt  }
0x84: {  	_ =	shalt  }
0x85: {  	_ =	shalt  }
0x86: {  	_ =	shalt  }
0x87: {  	_ =	shalt  }
.Lfunc_end0:
.L_simem_size_0:
called_computation.2_lowered:
.L_overlay_start_0:
0x88: {  	s2 =	sld [smem:$0x3FD9]  }
0x89: {  	s3 =	sld [smem:$0x3FFE];
	_ =	sdelay $0x1  }
0x8a: {  	s1 =	srdreg.scid  }
0x8b: {  	s0 =	sand.u32 $0x1, s1  }
0x8c: {  	s17 =	sshll.u32 s0, $0xA;
	s2 =	sadd.s32 s3, s2  }
0x8d: {  	s2 =	sadd.s32 s2, s17  }
0x8e: {  	[smem:$0x3FA5] =	sst s2  }
0x8f: {  	_ = 	snop  }
0x90: {  	s18 =	sld [smem:$0x3FC8]  }
0x91: {  	s4 =	sld [smem:$0x3FC7];
	(tm) =	ssettm $0x1  }
0x92: {  	s19 =	sld [smem:$0x3FFB];
	_ =	sdelay $0x3  }
0x93: {  	_ =	strace s19  }
0x94: {  	s2 =	sld [smem:$0x3FFC];
	_ =	sdelay $0x3  }
0x95: {  	_ =	strace s2  }
0x96: {  	s2 =	sld [smem:$0x3FFD];
	_ =	sdelay $0x3  }
0x97: {  	_ =	strace s2  }
0x98: {  	_ =	strace $0x8FFFFFFF  }
0x99: {  	s20 =	sld [smem:$0x3FDB];
	_ =	sdelay $0x1  }
0x9a: {  	s5 =	simm.s32 $_scs_section_size  }
0x9b: {  	s6 =	simm.s32 $_size__tile_overlayer_lowered;
	s7 =	simm.s32 $_tile_overlayer_lowered  }
0x9c: {  	s8 =	simm.s32 $0x1BFF;
	s21 =	sshll.u32 s7, $0x1;
	s5 =	sadd.s32 s5, s20  }
0x9d: {  	s22 =	simm.s32 $0x0;
	s6 =	sshll.u32 s6, $0x1;
	s7 =	sadd.s32 s21, s5  }
0x9e: {  	[timem:s22], [sflag:s8] =	dma.local [hbm:s7], s6  }
0x9f: {  	_ =	swait.ge [sflag:s8], s6  }
0xa0: {  	s6 =	ssub.s32 $0x0, s6;
	[sflag:s8] =	ssyncset.done $0x0  }
0xa1: {  	[sflag:s8] =	ssyncadd.s32 s6;
	_ =	sdelay $0x1  }
0xa2: {  	s23 =	simm.s32 $0x1B8B  }
0xa3: {  	_ =	swait.ge [sflag:s23], $0x1  }
0xa4: {  	[sflag:s23] =	ssyncset.done $0x0  }
0xa5: {  	[sflag:s23] =	ssyncadd.s32 $0xFFFFFFFF  }
0xa6: {  	s6 =	sld [smem:$0x0]  }
0xa7: {  	s7 =	sand.u32 $0xFFFFFFFE, s1  }
0xa8: {  	p0 =	sne.s32 s1, s7  }
0xa9: {  	s7 =	sshll.u32 @p0 s7, $0xE  }
0xaa: {  	s7 =	sadd.s32 @p0 $0x11B8D, s7;
	s8 =	sshll.u32 @p0 s6, $0x11  }
0xab: {  	s7 =	sor.u32 @p0 s8, s7  }
0xac: {  	[sflag:s7] =	ssyncadd.remote.s32 @p0 $0x1;
	_ =	sdelay $0x1  }
0xad: {  	s7 =	simm.s32 @p0 $0x1B8D  }
0xae: {  	_ =	swait.eq @p0 [sflag:s7], $0x1  }
0xaf: {  	[sflag:s7] =	ssyncadd.s32 @p0 $0xFFFFFFFF  }
0xb0: {  	s8 =	sshll.u32 @!p0 s1, $0xE  }
0xb1: {  	s8 =	sor.u32 @!p0 $0x4000, s8;
	s7 =	simm.s32 @!p0 $0x1B8D  }
0xb2: {  	s6 =	sshll.u32 @!p0 s6, $0x11;
	s8 =	sadd.s32 @!p0 $0x11B8D, s8;
	_ =	swait.eq @!p0 [sflag:s7], $0x1  }
0xb3: {  	s6 =	sor.u32 @!p0 s6, s8;
	[sflag:s7] =	ssyncadd.s32 @!p0 $0xFFFFFFFF  }
0xb4: {  	s25 =	simm.s32 $0x1B8E;
	s24 =	sld [smem:$0x3FFE];
	[sflag:s6] =	ssyncadd.remote.s32 @!p0 $0x1  }
0xb5: {  	s26 =	simm.s32 $execute0_lowered;
	[smem:$0x3FD2] =	sst s25  }
0xb6: {  	s7 =	sshll.u32 s26, $0x1;
	_ =	strace $0x80000049;
	[dreg:$0x1] =	wrdreg $0xFFFFFFFF  }
0xb7: {  	s28 =	simm.s32 $_size_execute0_lowered;
	s5 =	sadd.s32 s5, s7;
	[dreg:$0x0] =	wrdreg $0x0  }
0xb8: {  	s7 =	sshll.u32 s28, $0x1;
	[dreg:$0x2] =	wrdreg s5  }
0xb9: {  	[dreg:$0x3] =	wrdreg s7  }
0xba: {  	[dreg:$0x4] =	wrdreg $0xC0  }
0xbb: {  	_ =	task [dreg:s22], $0x5FFFF  }
0xbc: {  	[dreg:$0x1] =	wrdreg $0xFFFFFFFF  }
0xbd: {  	[dreg:$0x0] =	wrdreg $0x60  }
0xbe: {  	[dreg:$0x2] =	wrdreg s24  }
0xbf: {  	[dreg:$0x3] =	wrdreg s18  }
0xc0: {  	[dreg:$0x4] =	wrdreg s4  }
0xc1: {  	[dreg:$0x5] =	wrdreg $0xA  }
0xc2: {  	_ =	task.clear_ibuf [dreg:s22], $0x6FFFF;
	_ =	strace $0x90000049  }
0xc3: {  	s29 =	simm.s32 $0xA;
	_ =	strace $0x8000004B  }
0xc4: {  	_ =	swait.ge [sflag:s29], $0x1  }
0xc5: {  	[sflag:s29] =	ssyncadd.s32 $0xFFFFFFFF  }
0xc6: {  	_ =	strace $0x9000004B  }
0xc7: {  	_ =	sfence  }
0xc8: {  	s30 =	sld [smem:$0x0];
	_ =	sdelay $0x2  }
0xc9: {  	s31 =	sshll.u32 s1, $0xD;
	s1 =	sshrl.u32 s1, $0x2  }
0xca: {  	s4 =	sand.u32 $0x4000, s31;
	s1 =	sadd.s32 s1, s30  }
0xcb: {  	s0 =	sor.u32 s4, s0;
	s1 =	sshll.u32 s1, $0x11  }
0xcc: {  	s0 =	sor.u32 s1, s0  }
0xcd: {  	s0 =	sadd.s32 $0x8F2B, s0  }
0xce: {  	[sflag:s0] =	ssyncadd.remote.s32 $0x1  }
0xcf: {  	_ =	sfence.sel $0xFFFF  }
0xd0: {  	[dreg:$0x0] =	wrdreg $0xFFFFFFFF;
	(pc) =	sbr.abs _section_cstart, $3  }
0xd1: {  	[dreg:$0x1] =	wrdreg $0xFFFFFFFF  }
0xd2: {  	_ =	task.clear_ibuf [dreg:s22], $0x2FFFF;
	_ =	strace $0x9FFFFFFF  }
0xd3: {  	(tm) =	ssettm $0x7FFFFFFF  }
tec
execute0_lowered:
.L_overlay_start_1:
0x0: {  	(tag) =	ssettag $0x1  }
0x1: {  	s0 =	rddreg [dreg:$0x0]  }
0x2: {  	s1 =	rddreg [dreg:$0x1]  }
0x3: {  	s5 =	rddreg [dreg:$0x2]  }
0x4: {  	s13 =	stileid.u32;
	s3 =	srdreg.scid  }
0x5: {  	s2 =	simm.s32 $0x0;
	s15 =	simm.s32 $0x1;
	s16 =	simm.s32 $0x80  }
0x6: {  	s17 =	simm.s32 $0x1400;
	s18 =	simm.s32 $0x3;
	s21 =	simm.s32 $0xB400  }
0x7: {  	s28 =	simm.s32 $0x1300;
	s29 =	simm.s32 $0x14400;
	s30 =	simm.s32 $0x1380  }
0x8: {  	s31 =	simm.s32 $0x14C00;
	s6 =	sand.u32 $0x1, s3;
	s4 =	smul.u32 $0x17C00, s13  }
0x9: {  	s22 =	sshll.u32 s13, $0x1;
	[smem:$0x7FF] =	sst s2;
	s13 =	smul.u32 $0x17C0, s13  }
0xa: {  	s3 =	sadd.s32 $0x9A00, s0;
	s7 =	sor.u32 s6, s22;
	s24 =	smul.u32 $0xBE00, s6  }
0xb: {  	_ =	strace $0x8000004A;
	s9 =	ssub.s32 $0x2, s6;
	s6 =	smul.u32 $0xBE0, s6  }
0xc: {  	s8 =	smul.u32 $0x13, s7;
	s10 =	smin.u32 s7, $0x11;
	s0 =	sadd.s32 s4, s0  }
0xd: {  	s11 =	sshrl.u32 s9, $0x1;
	p0 =	slt.u32 s7, $0x11;
	s4 =	simm.s32 $0x14  }
0xe: {  	s9 =	ssub.s32 s9, s11;
	s4 =	simm.s32 @!p0 $0x13;
	s12 =	smul.u32 $0xA00, s10  }
0xf: {  	s0 =	sadd.s32 s24, s0;
	s25 =	smul.u32 $0xA0, s10;
	s8 =	sadd.s32 s10, s8  }
0x10: {  	s24 =	simm.s32 $0x1280;
	s9 =	smax.u32 s9, $0x1;
	s23 =	smul.u32 $0xA0, s8  }
0x11: {  	[dreg:$0x6] =	wrdreg s9;
	s0 =	sadd.s32 s12, s0;
	s9 =	simm.s32 $0x6400  }
0x12: {  	s19 =	simm.s32 $0x2;
	s10 =	sadd.s32 $0x49DA00, s0;
	s11 =	sadd.s32 $0x624400, s0  }
0x13: {  	s0 =	simm.s32 $0x4;
	s8 =	sadd.s32 s1, s23;
	s7 =	sadd.s32 s5, s23  }
.Ltmp0:
0x14: {  	s5 =	sadd.s32 s13, s5;
	[dreg:$0x4] =	wrdreg s8;
	(pc) =	sbr.rel .LBB2_1-.Ltmp0, $4  }
0x15: {  	s1 =	sadd.s32 s13, s1;
	s23 =	simm.s32 $0x13400;
	[dreg:$0x5] =	wrdreg s7  }
0x16: {  	s7 =	sadd.s32 $0xFFFFFFFF, s4;
	s8 =	sadd.s32 $0xFFFFFFFE, s4;
	s5 =	sadd.s32 s6, s5  }
0x17: {  	s26 =	sadd.s32 s6, s1;
	s6 =	simm.s32 $0x0;
	s12 =	sadd.s32 s25, s5  }
0x18: {  	s13 =	sadd.s32 s25, s26;
	s26 =	simm.s32 $0x10400;
	s25 =	simm.s32 $0x13C00  }
.LBB2_7:
0x19: {  	s1 =	simm.s32 $0x5  }
0x1a: {  	_ =	swait.ge [sflag:s1], $0x5000  }
0x1b: {  	[sflag:s1] =	ssyncset.done $0x0  }
0x1c: {  	[sflag:s1] =	ssyncadd.s32 $0xFFFFB000  }
0x1d: {  	_ =	swait.ge [sflag:s1], $0x5000  }
0x1e: {  	[sflag:s1] =	ssyncset.done $0x0  }
0x1f: {  	s5 =	simm.s32 $0x6;
	[sflag:s1] =	ssyncadd.s32 $0xFFFFB000  }
0x20: {  	_ =	swait.ge [sflag:s5], $0x5000  }
0x21: {  	[sflag:s5] =	ssyncset.done $0x0  }
0x22: {  	[sflag:s5] =	ssyncadd.s32 $0xFFFFB000  }
0x23: {  	_ =	swait.ge [sflag:s5], $0x5000  }
0x24: {  	s6 =	rddreg [dreg:$0x7]  }
0x25: {  	s22 =	rddreg [dreg:$0x6];
	s6 =	sadd.s32 $0x1, s6  }
0x26: {  	p0 =	sne.s32 s6, s22  }
.Ltmp1:
0x27: {  	_ = 	snop;
	(pc) =	sbr.rel @!p0 .LBB2_8-.Ltmp1, $3  }
0x28: {  	_ =	sdelay $0x1  }
0x29: {  	[sflag:s5] =	ssyncset.done $0x0  }
0x2a: {  	[sflag:s5] =	ssyncadd.s32 $0xFFFFB000  }
.LBB2_1:
0x2b: {  	[dreg:$0x7] =	wrdreg s6  }
.Ltmp2:
0x2c: {  	s1 =	rddreg [dreg:$0x4];
	(pc) =	sbr.rel .LBB2_2-.Ltmp2, $4  }
0x2d: {  	[tilespmem:s2], [sflag:$0x1] =	stream.linear.gather [hbm4b:s1+s2], $0x500, $0x38;
	[tilespmem:$0x15400] =	vst v63  }
0x2e: {  	s22 =	rddreg [dreg:$0x5];
	s5 =	simm.s32 $0x500  }
0x2f: {  	[tilespmem:s5], [sflag:$0x1] =	stream.linear.gather [hbm4b:s22+s2], $0x500, $0x38;
	[tilespmem:$0x15400] =	vst v63  }
0x30: {  	s6 =	simm.s32 $0x0;
	s1 =	simm.s32 $0x0;
	s5 =	simm.s32 $0x0  }
.LBB2_6:
0x31: {  	s6 =	sadd.s32 $0x1400, s6  }
0x32: {  	p0 =	sne.s32 s6, $0xC800  }
.Ltmp3:
0x33: {  	_ = 	snop;
	(pc) =	sbr.rel @!p0 .LBB2_7-.Ltmp3, $2  }
0x34: {  	_ =	sdelay $0x2  }
0x35: {  	s5 =	sadd.s32 $0x2, s5;
	s1 =	sadd.s32 $0x140, s1  }
.LBB2_2:
0x36: {  	p0 =	sge.u32 s5, s7  }
0x37: {  	p1 =	sge.u32 s5, s4;
	s14 =	sadd.s32 @!p0 s1, s13;
	s20 =	simm.s32 @!p0 $0x0  }
.Ltmp4:
0x38: {  	s22 =	simm.s32 @!p0 $0xA00;
	s14 =	sadd.s32 @!p0 $0xA0, s14;
	(pc) =	sbr.rel @p1 .LBB2_4-.Ltmp4, $4  }
0x39: {  	[tilespmem:s22], [sflag:$0x2] =	stream.linear.gather @!p0 [hbm4b:s14+s20], $0x500, $0x38;
	[tilespmem:$0x15400] =	vst v63  }
0x3a: {  	s14 =	sadd.s32 @!p0 s1, s12  }
0x3b: {  	s22 =	simm.s32 @!p0 $0xF00;
	s14 =	sadd.s32 @!p0 $0xA0, s14  }
0x3c: {  	[tilespmem:s22], [sflag:$0x2] =	stream.linear.gather @!p0 [hbm4b:s14+s20], $0x500, $0x38;
	[tilespmem:$0x15400] =	vst v63  }
0x3d: {  	_ =	swait.ge [sflag:s15], $0x500  }
0x3e: {  	[sflag:s15] =	ssyncset.done $0x0  }
0x3f: {  	[sflag:s15] =	ssyncadd.s32 $0xFFFFFB00  }
0x40: {  	_ =	swait.ge [sflag:s15], $0x500  }
0x41: {  	p1 =	seq.s32 s6, $0x0;
	[sflag:s15] =	ssyncset.done $0x0  }
0x42: {  	s14 =	simm.s32 @!p1 $0x5;
	[sflag:s15] =	ssyncadd.s32 $0xFFFFFB00  }
0x43: {  	_ =	swait.ge @!p1 [sflag:s14], $0x5000  }
0x44: {  	[sflag:s14] =	ssyncset.done @!p1 $0x0  }
0x45: {  	[sflag:s14] =	ssyncadd.s32 @!p1 $0xFFFFB000  }
0x46: {  	_ =	swait.ge @!p1 [sflag:s14], $0x5000  }
0x47: {  	[sflag:s14] =	ssyncset.done @!p1 $0x0  }
0x48: {  	[sflag:s14] =	ssyncadd.s32 @!p1 $0xFFFFB000  }
0x49: {  	[tilespmem:s17], [sflag:$0x3] =	stream.indirect.gather [hbm4b:s3+s16], $0x10, s2, s16, $0xb8;
	[tilespmem:$0x15400] =	vst v63  }
0x4a: {  	s20 =	simm.s32 $0x1C00  }
0x4b: {  	[tilespmem:s20], [sflag:$0x3] =	stream.indirect.gather [hbm4b:s3+s16], $0x10, s16, s16, $0xb8;
	[tilespmem:$0x15400] =	vst v63  }
0x4c: {  	s22 =	simm.s32 $0x100;
	s20 =	simm.s32 $0x2400  }
0x4d: {  	[tilespmem:s20], [sflag:$0x3] =	stream.indirect.gather [hbm4b:s3+s16], $0x10, s22, s16, $0xb8;
	[tilespmem:$0x15400] =	vst v63  }
0x4e: {  	s20 =	simm.s32 $0x180;
	s22 =	simm.s32 $0x2C00  }
0x4f: {  	[tilespmem:s22], [sflag:$0x3] =	stream.indirect.gather [hbm4b:s3+s16], $0x10, s20, s16, $0xb8;
	[tilespmem:$0x15400] =	vst v63  }
0x50: {  	s20 =	simm.s32 $0x200;
	s22 =	simm.s32 $0x3400  }
0x51: {  	[tilespmem:s22], [sflag:$0x3] =	stream.indirect.gather [hbm4b:s3+s16], $0x10, s20, s16, $0xb8;
	[tilespmem:$0x15400] =	vst v63  }
0x52: {  	s20 =	simm.s32 $0x280;
	s22 =	simm.s32 $0x3C00  }
0x53: {  	[tilespmem:s22], [sflag:$0x3] =	stream.indirect.gather [hbm4b:s3+s16], $0x10, s20, s16, $0xb8;
	[tilespmem:$0x15400] =	vst v63  }
0x54: {  	s20 =	simm.s32 $0x300;
	s22 =	simm.s32 $0x4400  }
0x55: {  	[tilespmem:s22], [sflag:$0x3] =	stream.indirect.gather [hbm4b:s3+s16], $0x10, s20, s16, $0xb8;
	[tilespmem:$0x15400] =	vst v63  }
0x56: {  	s20 =	simm.s32 $0x380;
	s22 =	simm.s32 $0x4C00  }
0x57: {  	[tilespmem:s22], [sflag:$0x3] =	stream.indirect.gather [hbm4b:s3+s16], $0x10, s20, s16, $0xb8;
	[tilespmem:$0x15400] =	vst v63  }
0x58: {  	s20 =	simm.s32 $0x400;
	s22 =	simm.s32 $0x5400  }
0x59: {  	[tilespmem:s22], [sflag:$0x3] =	stream.indirect.gather [hbm4b:s3+s16], $0x10, s20, s16, $0xb8;
	[tilespmem:$0x15400] =	vst v63  }
0x5a: {  	s20 =	simm.s32 $0x480;
	s22 =	simm.s32 $0x5C00  }
0x5b: {  	[tilespmem:s22], [sflag:$0x3] =	stream.indirect.gather [hbm4b:s3+s16], $0x10, s20, s16, $0xb8;
	[tilespmem:$0x15400] =	vst v63  }
0x5c: {  	s22 =	simm.s32 $0x500  }
0x5d: {  	[tilespmem:s9], [sflag:$0x3] =	stream.indirect.gather [hbm4b:s3+s16], $0x10, s22, s16, $0xb8;
	[tilespmem:$0x15400] =	vst v63  }
0x5e: {  	s20 =	simm.s32 $0x580;
	s22 =	simm.s32 $0x6C00  }
0x5f: {  	[tilespmem:s22], [sflag:$0x3] =	stream.indirect.gather [hbm4b:s3+s16], $0x10, s20, s16, $0xb8;
	[tilespmem:$0x15400] =	vst v63  }
0x60: {  	s20 =	simm.s32 $0x600;
	s22 =	simm.s32 $0x7400  }
0x61: {  	[tilespmem:s22], [sflag:$0x3] =	stream.indirect.gather [hbm4b:s3+s16], $0x10, s20, s16, $0xb8;
	[tilespmem:$0x15400] =	vst v63  }
0x62: {  	s20 =	simm.s32 $0x680;
	s22 =	simm.s32 $0x7C00  }
0x63: {  	[tilespmem:s22], [sflag:$0x3] =	stream.indirect.gather [hbm4b:s3+s16], $0x10, s20, s16, $0xb8;
	[tilespmem:$0x15400] =	vst v63  }
0x64: {  	s20 =	simm.s32 $0x700;
	s22 =	simm.s32 $0x8400  }
0x65: {  	[tilespmem:s22], [sflag:$0x3] =	stream.indirect.gather [hbm4b:s3+s16], $0x10, s20, s16, $0xb8;
	[tilespmem:$0x15400] =	vst v63  }
0x66: {  	s20 =	simm.s32 $0x780;
	s22 =	simm.s32 $0x8C00  }
0x67: {  	[tilespmem:s22], [sflag:$0x3] =	stream.indirect.gather [hbm4b:s3+s16], $0x10, s20, s16, $0xb8;
	[tilespmem:$0x15400] =	vst v63  }
0x68: {  	s20 =	simm.s32 $0x800;
	s22 =	simm.s32 $0x9400  }
0x69: {  	[tilespmem:s22], [sflag:$0x3] =	stream.indirect.gather [hbm4b:s3+s16], $0x10, s20, s16, $0xb8;
	[tilespmem:$0x15400] =	vst v63  }
0x6a: {  	s20 =	simm.s32 $0x880;
	s22 =	simm.s32 $0x9C00  }
0x6b: {  	[tilespmem:s22], [sflag:$0x3] =	stream.indirect.gather [hbm4b:s3+s16], $0x10, s20, s16, $0xb8;
	[tilespmem:$0x15400] =	vst v63  }
0x6c: {  	s20 =	simm.s32 $0x900;
	s22 =	simm.s32 $0xA400  }
0x6d: {  	[tilespmem:s22], [sflag:$0x3] =	stream.indirect.gather [hbm4b:s3+s16], $0x10, s20, s16, $0xb8;
	[tilespmem:$0x15400] =	vst v63  }
0x6e: {  	s20 =	simm.s32 $0x980;
	s22 =	simm.s32 $0xAC00  }
0x6f: {  	[tilespmem:s22], [sflag:$0x3] =	stream.indirect.gather [hbm4b:s3+s16], $0x10, s20, s16, $0xb8;
	[tilespmem:$0x15400] =	vst v63  }
0x70: {  	_ =	swait.ge [sflag:s18], $0x800  }
0x71: {  	[sflag:s18] =	ssyncset.done $0x0  }
0x72: {  	[sflag:s18] =	ssyncadd.s32 $0xFFFFF800  }
0x73: {  	_ =	swait.ge [sflag:s18], $0x800  }
0x74: {  	[sflag:s18] =	ssyncset.done $0x0  }
0x75: {  	[sflag:s18] =	ssyncadd.s32 $0xFFFFF800  }
0x76: {  	_ =	swait.ge [sflag:s18], $0x800  }
0x77: {  	[sflag:s18] =	ssyncset.done $0x0  }
0x78: {  	[sflag:s18] =	ssyncadd.s32 $0xFFFFF800  }
0x79: {  	_ =	swait.ge [sflag:s18], $0x800  }
0x7a: {  	[sflag:s18] =	ssyncset.done $0x0  }
0x7b: {  	[sflag:s18] =	ssyncadd.s32 $0xFFFFF800  }
0x7c: {  	_ =	swait.ge [sflag:s18], $0x800  }
0x7d: {  	[sflag:s18] =	ssyncset.done $0x0  }
0x7e: {  	[sflag:s18] =	ssyncadd.s32 $0xFFFFF800  }
0x7f: {  	_ =	swait.ge [sflag:s18], $0x800  }
0x80: {  	[sflag:s18] =	ssyncset.done $0x0  }
0x81: {  	[sflag:s18] =	ssyncadd.s32 $0xFFFFF800  }
0x82: {  	_ =	swait.ge [sflag:s18], $0x800  }
0x83: {  	[sflag:s18] =	ssyncset.done $0x0  }
0x84: {  	[sflag:s18] =	ssyncadd.s32 $0xFFFFF800  }
0x85: {  	_ =	swait.ge [sflag:s18], $0x800  }
0x86: {  	[sflag:s18] =	ssyncset.done $0x0  }
0x87: {  	[sflag:s18] =	ssyncadd.s32 $0xFFFFF800  }
0x88: {  	_ =	swait.ge [sflag:s18], $0x800  }
0x89: {  	[sflag:s18] =	ssyncset.done $0x0  }
0x8a: {  	[sflag:s18] =	ssyncadd.s32 $0xFFFFF800  }
0x8b: {  	_ =	swait.ge [sflag:s18], $0x800  }
0x8c: {  	[sflag:s18] =	ssyncset.done $0x0  }
0x8d: {  	[sflag:s18] =	ssyncadd.s32 $0xFFFFF800  }
0x8e: {  	_ =	swait.ge [sflag:s18], $0x800  }
0x8f: {  	[sflag:s18] =	ssyncset.done $0x0  }
0x90: {  	[sflag:s18] =	ssyncadd.s32 $0xFFFFF800  }
0x91: {  	_ =	swait.ge [sflag:s18], $0x800  }
0x92: {  	[sflag:s18] =	ssyncset.done $0x0  }
0x93: {  	[sflag:s18] =	ssyncadd.s32 $0xFFFFF800  }
0x94: {  	_ =	swait.ge [sflag:s18], $0x800  }
0x95: {  	[sflag:s18] =	ssyncset.done $0x0  }
0x96: {  	[sflag:s18] =	ssyncadd.s32 $0xFFFFF800  }
0x97: {  	_ =	swait.ge [sflag:s18], $0x800  }
0x98: {  	[sflag:s18] =	ssyncset.done $0x0  }
0x99: {  	[sflag:s18] =	ssyncadd.s32 $0xFFFFF800  }
0x9a: {  	_ =	swait.ge [sflag:s18], $0x800  }
0x9b: {  	[sflag:s18] =	ssyncset.done $0x0  }
0x9c: {  	[sflag:s18] =	ssyncadd.s32 $0xFFFFF800  }
0x9d: {  	_ =	swait.ge [sflag:s18], $0x800  }
0x9e: {  	[sflag:s18] =	ssyncset.done $0x0  }
0x9f: {  	[sflag:s18] =	ssyncadd.s32 $0xFFFFF800  }
0xa0: {  	_ =	swait.ge [sflag:s18], $0x800  }
0xa1: {  	[sflag:s18] =	ssyncset.done $0x0  }
0xa2: {  	[sflag:s18] =	ssyncadd.s32 $0xFFFFF800  }
0xa3: {  	_ =	swait.ge [sflag:s18], $0x800  }
0xa4: {  	[sflag:s18] =	ssyncset.done $0x0  }
0xa5: {  	[sflag:s18] =	ssyncadd.s32 $0xFFFFF800  }
0xa6: {  	_ =	swait.ge [sflag:s18], $0x800  }
0xa7: {  	[sflag:s18] =	ssyncset.done $0x0  }
0xa8: {  	[sflag:s18] =	ssyncadd.s32 $0xFFFFF800  }
0xa9: {  	_ =	swait.ge [sflag:s18], $0x800  }
0xaa: {  	[sflag:s18] =	ssyncset.done $0x0  }
0xab: {  	s20 =	sadd.s32 s6, s10;
	[sflag:s18] =	ssyncadd.s32 $0xFFFFF800  }
0xac: {  	[hbm4b:s20+s2] =	stream.linear.scatter [tilespmem:s17], [sflag:$0x5], $0x5000, $0x38;
	[tilespmem:$0x15400] =	vst v63  }
0xad: {  	s22 =	sadd.s32 s6, s11  }
0xae: {  	[hbm4b:s22+s2] =	stream.linear.scatter [tilespmem:s9], [sflag:$0x5], $0x5000, $0x38;
	[tilespmem:$0x15400] =	vst v63  }
.LBB2_4:
0xaf: {  	p1 =	sge.u32 s5, s8  }
0xb0: {  	s14 =	sadd.s32 @!p1 s1, s13  }
.Ltmp5:
0xb1: {  	s20 =	simm.s32 @!p1 $0x0;
	s14 =	sadd.s32 @!p1 $0x140, s14;
	(pc) =	sbr.rel @p0 .LBB2_6-.Ltmp5, $4  }
0xb2: {  	[tilespmem:s20], [sflag:$0x1] =	stream.linear.gather @!p1 [hbm4b:s14+s20], $0x500, $0x38;
	[tilespmem:$0x15400] =	vst v63  }
0xb3: {  	s14 =	sadd.s32 @!p1 s1, s12  }
0xb4: {  	s22 =	simm.s32 @!p1 $0x500;
	s14 =	sadd.s32 @!p1 $0x140, s14  }
0xb5: {  	[tilespmem:s22], [sflag:$0x1] =	stream.linear.gather @!p1 [hbm4b:s14+s20], $0x500, $0x38;
	[tilespmem:$0x15400] =	vst v63  }
0xb6: {  	_ =	swait.ge [sflag:s19], $0x500  }
0xb7: {  	[sflag:s19] =	ssyncset.done $0x0  }
0xb8: {  	[sflag:s19] =	ssyncadd.s32 $0xFFFFFB00  }
0xb9: {  	_ =	swait.ge [sflag:s19], $0x500  }
0xba: {  	p0 =	seq.s32 s6, $0x0;
	[sflag:s19] =	ssyncset.done $0x0  }
0xbb: {  	s14 =	simm.s32 @!p0 $0x6;
	[sflag:s19] =	ssyncadd.s32 $0xFFFFFB00  }
0xbc: {  	_ =	swait.ge @!p0 [sflag:s14], $0x5000  }
0xbd: {  	[sflag:s14] =	ssyncset.done @!p0 $0x0  }
0xbe: {  	[sflag:s14] =	ssyncadd.s32 @!p0 $0xFFFFB000  }
0xbf: {  	_ =	swait.ge @!p0 [sflag:s14], $0x5000  }
0xc0: {  	[sflag:s14] =	ssyncset.done @!p0 $0x0  }
0xc1: {  	s20 =	simm.s32 $0xA00;
	[sflag:s14] =	ssyncadd.s32 @!p0 $0xFFFFB000  }
0xc2: {  	[tilespmem:s21], [sflag:$0x4] =	stream.indirect.gather [hbm4b:s3+s16], $0x10, s20, s16, $0xb8;
	[tilespmem:$0x15400] =	vst v63  }
0xc3: {  	s22 =	simm.s32 $0xA80;
	s20 =	simm.s32 $0xBC00  }
0xc4: {  	[tilespmem:s20], [sflag:$0x4] =	stream.indirect.gather [hbm4b:s3+s16], $0x10, s22, s16, $0xb8;
	[tilespmem:$0x15400] =	vst v63  }
0xc5: {  	s20 =	simm.s32 $0xB00;
	s22 =	simm.s32 $0xC400  }
0xc6: {  	[tilespmem:s22], [sflag:$0x4] =	stream.indirect.gather [hbm4b:s3+s16], $0x10, s20, s16, $0xb8;
	[tilespmem:$0x15400] =	vst v63  }
0xc7: {  	s20 =	simm.s32 $0xB80;
	s22 =	simm.s32 $0xCC00  }
0xc8: {  	[tilespmem:s22], [sflag:$0x4] =	stream.indirect.gather [hbm4b:s3+s16], $0x10, s20, s16, $0xb8;
	[tilespmem:$0x15400] =	vst v63  }
0xc9: {  	s20 =	simm.s32 $0xC00;
	s22 =	simm.s32 $0xD400  }
0xca: {  	[tilespmem:s22], [sflag:$0x4] =	stream.indirect.gather [hbm4b:s3+s16], $0x10, s20, s16, $0xb8;
	[tilespmem:$0x15400] =	vst v63  }
0xcb: {  	s20 =	simm.s32 $0xC80;
	s22 =	simm.s32 $0xDC00  }
0xcc: {  	[tilespmem:s22], [sflag:$0x4] =	stream.indirect.gather [hbm4b:s3+s16], $0x10, s20, s16, $0xb8;
	[tilespmem:$0x15400] =	vst v63  }
0xcd: {  	s20 =	simm.s32 $0xD00;
	s22 =	simm.s32 $0xE400  }
0xce: {  	[tilespmem:s22], [sflag:$0x4] =	stream.indirect.gather [hbm4b:s3+s16], $0x10, s20, s16, $0xb8;
	[tilespmem:$0x15400] =	vst v63  }
0xcf: {  	s20 =	simm.s32 $0xD80;
	s22 =	simm.s32 $0xEC00  }
0xd0: {  	[tilespmem:s22], [sflag:$0x4] =	stream.indirect.gather [hbm4b:s3+s16], $0x10, s20, s16, $0xb8;
	[tilespmem:$0x15400] =	vst v63  }
0xd1: {  	s20 =	simm.s32 $0xE00;
	s22 =	simm.s32 $0xF400  }
0xd2: {  	[tilespmem:s22], [sflag:$0x4] =	stream.indirect.gather [hbm4b:s3+s16], $0x10, s20, s16, $0xb8;
	[tilespmem:$0x15400] =	vst v63  }
0xd3: {  	s20 =	simm.s32 $0xE80;
	s22 =	simm.s32 $0xFC00  }
0xd4: {  	[tilespmem:s22], [sflag:$0x4] =	stream.indirect.gather [hbm4b:s3+s16], $0x10, s20, s16, $0xb8;
	[tilespmem:$0x15400] =	vst v63  }
0xd5: {  	s22 =	simm.s32 $0xF00  }
0xd6: {  	[tilespmem:s26], [sflag:$0x4] =	stream.indirect.gather [hbm4b:s3+s16], $0x10, s22, s16, $0xb8;
	[tilespmem:$0x15400] =	vst v63  }
0xd7: {  	s20 =	simm.s32 $0xF80;
	s22 =	simm.s32 $0x10C00  }
0xd8: {  	[tilespmem:s22], [sflag:$0x4] =	stream.indirect.gather [hbm4b:s3+s16], $0x10, s20, s16, $0xb8;
	[tilespmem:$0x15400] =	vst v63  }
0xd9: {  	s20 =	simm.s32 $0x1000;
	s22 =	simm.s32 $0x11400  }
0xda: {  	[tilespmem:s22], [sflag:$0x4] =	stream.indirect.gather [hbm4b:s3+s16], $0x10, s20, s16, $0xb8;
	[tilespmem:$0x15400] =	vst v63  }
0xdb: {  	s20 =	simm.s32 $0x1080;
	s22 =	simm.s32 $0x11C00  }
0xdc: {  	[tilespmem:s22], [sflag:$0x4] =	stream.indirect.gather [hbm4b:s3+s16], $0x10, s20, s16, $0xb8;
	[tilespmem:$0x15400] =	vst v63  }
0xdd: {  	s20 =	simm.s32 $0x1100;
	s22 =	simm.s32 $0x12400  }
0xde: {  	[tilespmem:s22], [sflag:$0x4] =	stream.indirect.gather [hbm4b:s3+s16], $0x10, s20, s16, $0xb8;
	[tilespmem:$0x15400] =	vst v63  }
0xdf: {  	s20 =	simm.s32 $0x1180;
	s22 =	simm.s32 $0x12C00  }
0xe0: {  	[tilespmem:s22], [sflag:$0x4] =	stream.indirect.gather [hbm4b:s3+s16], $0x10, s20, s16, $0xb8;
	[tilespmem:$0x15400] =	vst v63  }
0xe1: {  	s22 =	simm.s32 $0x1200  }
0xe2: {  	[tilespmem:s23], [sflag:$0x4] =	stream.indirect.gather [hbm4b:s3+s16], $0x10, s22, s16, $0xb8;
	[tilespmem:$0x15400] =	vst v63  }
0xe3: {  	_ = 	snop  }
0xe4: {  	[tilespmem:s25], [sflag:$0x4] =	stream.indirect.gather [hbm4b:s3+s16], $0x10, s24, s16, $0xb8;
	[tilespmem:$0x15400] =	vst v63  }
0xe5: {  	_ = 	snop  }
0xe6: {  	[tilespmem:s29], [sflag:$0x4] =	stream.indirect.gather [hbm4b:s3+s16], $0x10, s28, s16, $0xb8;
	[tilespmem:$0x15400] =	vst v63  }
0xe7: {  	_ = 	snop  }
0xe8: {  	[tilespmem:s31], [sflag:$0x4] =	stream.indirect.gather [hbm4b:s3+s16], $0x10, s30, s16, $0xb8;
	[tilespmem:$0x15400] =	vst v63  }
0xe9: {  	_ =	swait.ge [sflag:s0], $0x800  }
0xea: {  	[sflag:s0] =	ssyncset.done $0x0  }
0xeb: {  	[sflag:s0] =	ssyncadd.s32 $0xFFFFF800  }
0xec: {  	_ =	swait.ge [sflag:s0], $0x800  }
0xed: {  	[sflag:s0] =	ssyncset.done $0x0  }
0xee: {  	[sflag:s0] =	ssyncadd.s32 $0xFFFFF800  }
0xef: {  	_ =	swait.ge [sflag:s0], $0x800  }
0xf0: {  	[sflag:s0] =	ssyncset.done $0x0  }
0xf1: {  	[sflag:s0] =	ssyncadd.s32 $0xFFFFF800  }
0xf2: {  	_ =	swait.ge [sflag:s0], $0x800  }
0xf3: {  	[sflag:s0] =	ssyncset.done $0x0  }
0xf4: {  	[sflag:s0] =	ssyncadd.s32 $0xFFFFF800  }
0xf5: {  	_ =	swait.ge [sflag:s0], $0x800  }
0xf6: {  	[sflag:s0] =	ssyncset.done $0x0  }
0xf7: {  	[sflag:s0] =	ssyncadd.s32 $0xFFFFF800  }
0xf8: {  	_ =	swait.ge [sflag:s0], $0x800  }
0xf9: {  	[sflag:s0] =	ssyncset.done $0x0  }
0xfa: {  	[sflag:s0] =	ssyncadd.s32 $0xFFFFF800  }
0xfb: {  	_ =	swait.ge [sflag:s0], $0x800  }
0xfc: {  	[sflag:s0] =	ssyncset.done $0x0  }
0xfd: {  	[sflag:s0] =	ssyncadd.s32 $0xFFFFF800  }
0xfe: {  	_ =	swait.ge [sflag:s0], $0x800  }
0xff: {  	[sflag:s0] =	ssyncset.done $0x0  }
0x100: {  	[sflag:s0] =	ssyncadd.s32 $0xFFFFF800  }
0x101: {  	_ =	swait.ge [sflag:s0], $0x800  }
0x102: {  	[sflag:s0] =	ssyncset.done $0x0  }
0x103: {  	[sflag:s0] =	ssyncadd.s32 $0xFFFFF800  }
0x104: {  	_ =	swait.ge [sflag:s0], $0x800  }
0x105: {  	[sflag:s0] =	ssyncset.done $0x0  }
0x106: {  	[sflag:s0] =	ssyncadd.s32 $0xFFFFF800  }
0x107: {  	_ =	swait.ge [sflag:s0], $0x800  }
0x108: {  	[sflag:s0] =	ssyncset.done $0x0  }
0x109: {  	[sflag:s0] =	ssyncadd.s32 $0xFFFFF800  }
0x10a: {  	_ =	swait.ge [sflag:s0], $0x800  }
0x10b: {  	[sflag:s0] =	ssyncset.done $0x0  }
0x10c: {  	[sflag:s0] =	ssyncadd.s32 $0xFFFFF800  }
0x10d: {  	_ =	swait.ge [sflag:s0], $0x800  }
0x10e: {  	[sflag:s0] =	ssyncset.done $0x0  }
0x10f: {  	[sflag:s0] =	ssyncadd.s32 $0xFFFFF800  }
0x110: {  	_ =	swait.ge [sflag:s0], $0x800  }
0x111: {  	[sflag:s0] =	ssyncset.done $0x0  }
0x112: {  	[sflag:s0] =	ssyncadd.s32 $0xFFFFF800  }
0x113: {  	_ =	swait.ge [sflag:s0], $0x800  }
0x114: {  	[sflag:s0] =	ssyncset.done $0x0  }
0x115: {  	[sflag:s0] =	ssyncadd.s32 $0xFFFFF800  }
0x116: {  	_ =	swait.ge [sflag:s0], $0x800  }
0x117: {  	[sflag:s0] =	ssyncset.done $0x0  }
0x118: {  	[sflag:s0] =	ssyncadd.s32 $0xFFFFF800  }
0x119: {  	_ =	swait.ge [sflag:s0], $0x800  }
0x11a: {  	[sflag:s0] =	ssyncset.done $0x0  }
0x11b: {  	[sflag:s0] =	ssyncadd.s32 $0xFFFFF800  }
0x11c: {  	_ =	swait.ge [sflag:s0], $0x800  }
0x11d: {  	[sflag:s0] =	ssyncset.done $0x0  }
0x11e: {  	[sflag:s0] =	ssyncadd.s32 $0xFFFFF800  }
0x11f: {  	_ =	swait.ge [sflag:s0], $0x800  }
0x120: {  	[sflag:s0] =	ssyncset.done $0x0  }
0x121: {  	[sflag:s0] =	ssyncadd.s32 $0xFFFFF800  }
0x122: {  	_ =	swait.ge [sflag:s0], $0x800  }
.Ltmp6:
0x123: {  	s20 =	sadd.s32 s6, s10;
	[sflag:s0] =	ssyncset.done $0x0;
	(pc) =	sbr.rel .LBB2_6-.Ltmp6, $4  }
0x124: {  	s14 =	sadd.s32 $0xA00, s20;
	s22 =	sadd.s32 s6, s11;
	[sflag:s0] =	ssyncadd.s32 $0xFFFFF800  }
0x125: {  	[hbm4b:s14+s2] =	stream.linear.scatter [tilespmem:s21], [sflag:$0x6], $0x5000, $0x38;
	[tilespmem:$0x15400] =	vst v63  }
0x126: {  	s14 =	sadd.s32 $0xA00, s22  }
0x127: {  	[hbm4b:s14+s2] =	stream.linear.scatter [tilespmem:s26], [sflag:$0x6], $0x5000, $0x38;
	[tilespmem:$0x15400] =	vst v63  }
.LBB2_8:
0x128: {  	_ =	sfence.sel $0x180000  }
0x129: {  	[bflag:$0x0] =	sbarrier.arrive $0xFFFF  }
0x12a: {  	_ =	strace $0x9000004A  }
0x12b: {  	s0 =	stileid.u32;
	[bflag:$0x2] =	sbarrier.arrive $0xFFFF  }
0x12c: {  	p0 =	sne.s32 s0, $0x0;
	s0 =	rddreg [dreg:$0x3]  }
0x12d: {  	s0 =	sadd.s32 @!p0 $0x100000, s0  }
0x12e: {  	[sflag:s0] =	ssyncadd.tile.s32 @!p0 $0x1;
	_ =	shalt  }
.Lfunc_end2:
_tile_overlayer_lowered:
.L_overlay_start_2:
0x12f: {  	(tag) =	ssettag $0x2  }
0x130: {  	s0 =	rddreg [dreg:$0x0];
	s2 =	stileid.u32  }
0x131: {  	s1 =	rddreg [dreg:$0x1];
	p0 =	sne.s32 s2, $0x0  }
0x132: {  	s3 =	rddreg [dreg:$0x2];
	[bflag:$0x3] =	sbarrier.arrive $0xFFFF;
	s2 =	simm.s32 @!p0 $0x1C07  }
0x133: {  	[timem:s3], [sflag:s2] =	dma.local @!p0 [hbm:s0], s1  }
0x134: {  	s0 =	simm.s32 @!p0 $0x7  }
0x135: {  	_ =	swait.ge @!p0 [sflag:s0], s1  }
0x136: {  	s1 =	ssub.s32 @!p0 $0x0, s1;
	[sflag:s0] =	ssyncset.done @!p0 $0x0  }
0x137: {  	[sflag:s0] =	ssyncadd.s32 @!p0 s1  }
0x138: {  	[bflag:$0x3] =	sbarrier.arrive $0xFFFF  }
0x139: {  	_ =	shalt  }

// kernel: sparse-core-data-format-call.1.cloned.1.call-start
scs
called_computation.1_lowered:
.L_overlay_start_0:
0x0: {  	s2 =	sld [smem:$0x3FD9]  }
0x1: {  	s3 =	sld [smem:$0x3FFE];
	_ =	sdelay $0x1  }
0x2: {  	s1 =	srdreg.scid  }
0x3: {  	s0 =	sand.u32 $0x1, s1  }
0x4: {  	s18 =	sshll.u32 s0, $0xA;
	s2 =	sadd.s32 s3, s2  }
0x5: {  	s2 =	sadd.s32 s2, s18  }
0x6: {  	[smem:$0x3FA5] =	sst s2  }
0x7: {  	_ = 	snop  }
0x8: {  	(tm) =	ssettm $0x1  }
0x9: {  	s19 =	sld [smem:$0x3FFB];
	_ =	sdelay $0x3  }
0xa: {  	_ =	strace s19  }
0xb: {  	s2 =	sld [smem:$0x3FFC];
	_ =	sdelay $0x3  }
0xc: {  	_ =	strace s2  }
0xd: {  	s2 =	sld [smem:$0x3FFD];
	_ =	sdelay $0x3  }
0xe: {  	_ =	strace s2  }
0xf: {  	_ =	strace $0x8FFFFFFF  }
0x10: {  	s20 =	sld [smem:$0x3FDB];
	_ =	sdelay $0x1  }
0x11: {  	s21 =	simm.s32 $_scs_section_size  }
0x12: {  	s4 =	simm.s32 $_size__tile_overlayer_lowered;
	s5 =	simm.s32 $_tile_overlayer_lowered  }
0x13: {  	s6 =	simm.s32 $0x1BFF;
	s22 =	sshll.u32 s5, $0x1;
	s3 =	sadd.s32 s21, s20  }
0x14: {  	s23 =	simm.s32 $0x0;
	s4 =	sshll.u32 s4, $0x1;
	s5 =	sadd.s32 s22, s3  }
0x15: {  	[timem:s23], [sflag:s6] =	dma.local [hbm:s5], s4  }
0x16: {  	_ =	swait.ge [sflag:s6], s4  }
0x17: {  	s4 =	ssub.s32 $0x0, s4;
	[sflag:s6] =	ssyncset.done $0x0  }
0x18: {  	[sflag:s6] =	ssyncadd.s32 s4;
	_ =	sdelay $0x1  }
0x19: {  	s24 =	simm.s32 $0x1B8B  }
0x1a: {  	_ =	swait.ge [sflag:s24], $0x1  }
0x1b: {  	[sflag:s24] =	ssyncset.done $0x0  }
0x1c: {  	[sflag:s24] =	ssyncadd.s32 $0xFFFFFFFF  }
0x1d: {  	s4 =	sld [smem:$0x0]  }
0x1e: {  	s5 =	sand.u32 $0xFFFFFFFE, s1  }
0x1f: {  	p0 =	sne.s32 s1, s5  }
0x20: {  	s5 =	sshll.u32 @p0 s5, $0xE  }
0x21: {  	s5 =	sadd.s32 @p0 $0x11B8D, s5;
	s6 =	sshll.u32 @p0 s4, $0x11  }
0x22: {  	s5 =	sor.u32 @p0 s6, s5  }
0x23: {  	[sflag:s5] =	ssyncadd.remote.s32 @p0 $0x1;
	_ =	sdelay $0x1  }
0x24: {  	s5 =	simm.s32 @p0 $0x1B8D  }
0x25: {  	_ =	swait.eq @p0 [sflag:s5], $0x1  }
0x26: {  	[sflag:s5] =	ssyncadd.s32 @p0 $0xFFFFFFFF  }
0x27: {  	s6 =	sshll.u32 @!p0 s1, $0xE  }
0x28: {  	s6 =	sor.u32 @!p0 $0x4000, s6;
	s5 =	simm.s32 @!p0 $0x1B8D  }
0x29: {  	s4 =	sshll.u32 @!p0 s4, $0x11;
	s6 =	sadd.s32 @!p0 $0x11B8D, s6;
	_ =	swait.eq @!p0 [sflag:s5], $0x1  }
0x2a: {  	s4 =	sor.u32 @!p0 s4, s6;
	[sflag:s5] =	ssyncadd.s32 @!p0 $0xFFFFFFFF  }
0x2b: {  	s26 =	simm.s32 $0x1B8E;
	s25 =	sld [smem:$0x3FFE];
	[sflag:s4] =	ssyncadd.remote.s32 @!p0 $0x1  }
0x2c: {  	s27 =	simm.s32 $execute0_lowered;
	[smem:$0x3FD2] =	sst s26  }
0x2d: {  	s5 =	sshll.u32 s27, $0x1;
	_ =	strace $0x8000004F;
	[dreg:$0x1] =	wrdreg $0xFFFFFFFF  }
0x2e: {  	s28 =	simm.s32 $_size_execute0_lowered;
	s3 =	sadd.s32 s3, s5;
	[dreg:$0x0] =	wrdreg $0x0  }
0x2f: {  	s5 =	sshll.u32 s28, $0x1;
	[dreg:$0x2] =	wrdreg s3  }
0x30: {  	[dreg:$0x3] =	wrdreg s5  }
0x31: {  	[dreg:$0x4] =	wrdreg $0xC0  }
0x32: {  	_ =	task [dreg:s23], $0x5FFFF  }
0x33: {  	[dreg:$0x1] =	wrdreg $0xFFFFFFFF  }
0x34: {  	[dreg:$0x0] =	wrdreg $0x60  }
0x35: {  	[dreg:$0x2] =	wrdreg s25  }
0x36: {  	[dreg:$0x3] =	wrdreg $0xA  }
0x37: {  	_ =	task.clear_ibuf [dreg:s23], $0x4FFFF;
	_ =	strace $0x9000004F  }
0x38: {  	s29 =	simm.s32 $0xA;
	_ =	strace $0x80000051  }
0x39: {  	_ =	swait.ge [sflag:s29], $0x1  }
0x3a: {  	[sflag:s29] =	ssyncadd.s32 $0xFFFFFFFF  }
0x3b: {  	_ =	strace $0x90000051  }
0x3c: {  	_ =	sfence  }
0x3d: {  	s30 =	sld [smem:$0x0];
	_ =	sdelay $0x2  }
0x3e: {  	s31 =	sshll.u32 s1, $0xD;
	s1 =	sshrl.u32 s1, $0x2  }
0x3f: {  	s4 =	sand.u32 $0x4000, s31;
	s1 =	sadd.s32 s1, s30  }
0x40: {  	s0 =	sor.u32 s4, s0;
	s1 =	sshll.u32 s1, $0x11  }
0x41: {  	s0 =	sor.u32 s1, s0  }
0x42: {  	s0 =	sadd.s32 $0x8F2B, s0  }
0x43: {  	[sflag:s0] =	ssyncadd.remote.s32 $0x1  }
0x44: {  	_ =	sfence.sel $0xFFFF  }
0x45: {  	[dreg:$0x0] =	wrdreg $0xFFFFFFFF;
	(pc) =	sbr.abs _section_cstart, $3  }
0x46: {  	[dreg:$0x1] =	wrdreg $0xFFFFFFFF  }
0x47: {  	_ =	task.clear_ibuf [dreg:s23], $0x2FFFF;
	_ =	strace $0x9FFFFFFF  }
0x48: {  	(tm) =	ssettm $0x7FFFFFFF  }
0x49: {  	_ =	shalt  }
tec
execute0_lowered:
.L_overlay_start_1:
0x0: {  	(tag) =	ssettag $0x1  }
0x1: {  	s0 =	srdreg.scid  }
0x2: {  	s5 =	rddreg [dreg:$0x0];
	s1 =	stileid.u32;
	s4 =	simm.s32 $0x1  }
0x3: {  	s6 =	simm.s32 $0x2;
	s8 =	simm.s32 $0x0;
	s2 =	sshll.u32 s0, $0x4  }
0x4: {  	s9 =	simm.s32 $0x0;
	s13 =	simm.s32 $0x0;
	s2 =	sand.u32 $0x10, s2  }
.Ltmp0:
0x5: {  	s10 =	simm.s32 $0x0;
	s3 =	sor.u32 s1, s2;
	(pc) =	sbr.rel .LBB1_1-.Ltmp0, $4  }
0x6: {  	s0 =	rddreg [dreg:$0x1];
	_ =	strace $0x80000050;
	s3 =	sshll.u32 s3, $0x3  }
0x7: {  	s12 =	simm.s32 $0x0;
	[sflag:s4] =	ssyncpa.u1 $0x0;
	s7 =	ssub.s32 $0x30D0, s3  }
0x8: {  	s2 =	sadd.s32 $0xAB8200, s5;
	[sflag:s6] =	ssyncpa.u1 $0x0;
	s6 =	sshrl.u32 s7, $0x8  }
0x9: {  	s5 =	sadd.s32 $0x49DA00, s5;
	s11 =	smov.u32 s3;
	s7 =	sadd.s32 $0x2, s6  }
.LBB1_9:
0xa: {  	s15 =	sshll.u32 s12, $0xE  }
0xb: {  	s16 =	sshll.u32 s10, $0x8;
	s15 =	sand.u32 $0x4000, s15  }
0xc: {  	s16 =	sadd.s32 s5, s16;
	s15 =	sor.u32 $0x8000, s15  }
0xd: {  	[hbm4b:s16+s8] =	stream.linear.scatter [tilespmem:s15], [sflag:$0x2], s14, $0x38;
	[tilespmem:$0x10000] =	vst v63  }
.LBB1_10:
0xe: {  	p0 =	slt.u32 s12, $0x2  }
0xf: {  	p1 =	sgt.s32 @!p0 s13, $0x30CC  }
0x10: {  	s14 =	smov.u32 s13;
	s15 =	sshra.s32 @!p0 s13, $0x1F;
	p1 =	por !p1, p0  }
0x11: {  	s13 =	sand.u32 @!p0 s15, s13;
	s14 =	simm.s32 @p1 $0x30CC  }
0x12: {  	s13 =	ssub.s32 @!p0 s14, s13  }
0x13: {  	s13 =	sadd.s32 @!p0 $0xFFFFCF34, s13  }
0x14: {  	s14 =	sshll.u32 @!p0 s13, $0xD  }
0x15: {  	p1 =	sgt.s32 @!p0 s13, $0x7;
	s13 =	ssub.s32 @!p0 $0x10000, s14  }
0x16: {  	s15 =	sadd.s32 $0x100, s11;
	p1 =	por !p1, p0;
	s13 =	sshrl.u32 @!p0 s13, $0x2  }
0x17: {  	s13 =	simm.s32 @!p1 $0x0;
	p1 =	sgt.s32 s15, $0x30D3  }
0x18: {  	s15 =	smov.u32 @p1 s3;
	p1 =	sne.s32 s12, s7  }
.Ltmp1:
0x19: {  	_ = 	snop;
	(pc) =	sbr.rel @!p1 .LBB1_11-.Ltmp1, $4  }
0x1a: {  	s14 =	simm.s32 @!p0 $0x2  }
0x1b: {  	s9 =	sadd.s32 $0x4000, s9;
	_ =	swait.ge @!p0 [sflag:s14], s13;
	s16 =	ssub.s32 @!p0 $0x0, s13  }
0x1c: {  	s13 =	smov.u32 s10;
	s12 =	sadd.s32 $0x1, s12;
	[sflag:s14] =	ssyncset.done @!p0 $0x0  }
0x1d: {  	s10 =	smov.u32 s11;
	s11 =	smov.u32 s15;
	[sflag:s14] =	ssyncadd.s32 @!p0 s16  }
.LBB1_1:
0x1e: {  	p0 =	sgt.u32 s12, s6  }
0x1f: {  	p1 =	sgt.s32 @!p0 s11, $0x30CC  }
0x20: {  	s14 =	smov.u32 s11;
	s15 =	sshra.s32 @!p0 s11, $0x1F;
	p1 =	por !p1, p0  }
0x21: {  	s15 =	sand.u32 @!p0 s15, s11;
	s14 =	simm.s32 @p1 $0x30CC  }
0x22: {  	s14 =	ssub.s32 @!p0 s14, s15  }
0x23: {  	s14 =	sadd.s32 @!p0 $0xFFFFCF34, s14  }
0x24: {  	s17 =	simm.s32 @!p0 $0x0;
	s15 =	sxor.u32 @!p0 $0xFFFFFFFF, s12;
	s16 =	sshll.u32 @!p0 s14, $0xD  }
0x25: {  	s15 =	sshll.u32 @!p0 s15, $0xE;
	p1 =	sgt.s32 @!p0 s14, $0x7;
	s14 =	ssub.s32 @!p0 $0x10000, s16  }
0x26: {  	p1 =	por !p1, p0;
	s16 =	sshll.u32 @!p0 s11, $0x8;
	s14 =	sshrl.u32 @!p0 s14, $0x2  }
0x27: {  	s15 =	sand.u32 @!p0 $0x4000, s15;
	s16 =	sadd.s32 @!p0 s2, s16;
	s14 =	simm.s32 @!p1 $0x0  }
0x28: {  	[tilespmem:s15], [sflag:$0x1] =	stream.linear.gather @!p0 [hbm4b:s16+s17], s14, $0x38;
	[tilespmem:$0x10000] =	vst v63  }
0x29: {  	p0 =	seq.s32 s12, $0x0  }
0x2a: {  	p1 =	sge.u32 @!p0 s12, s7  }
0x2b: {  	p0 =	por p0, p1  }
.Ltmp2:
0x2c: {  	_ = 	snop;
	(pc) =	sbr.rel @p0 .LBB1_10-.Ltmp2, $1  }
0x2d: {  	_ =	sdelay $0x3  }
0x2e: {  	p0 =	sgt.s32 s10, $0x30CC;
	s14 =	smov.u32 s10;
	s15 =	sshra.s32 s10, $0x1F  }
0x2f: {  	s14 =	simm.s32 @!p0 $0x30CC;
	s15 =	sand.u32 s15, s10  }
0x30: {  	s14 =	ssub.s32 s14, s15  }
0x31: {  	s16 =	sadd.s32 $0x8, s10;
	s14 =	sadd.s32 $0xFFFFCF34, s14  }
0x32: {  	p1 =	slt.s32 s16, $0x30D4;
	s30 =	sshll.u32 s14, $0xD  }
0x33: {  	s16 =	simm.s32 @!p1 $0x30D4;
	s15 =	ssub.s32 $0x10000, s30  }
0x34: {  	p0 =	sgt.s32 s14, $0x7;
	s14 =	sshrl.u32 s15, $0x2;
	s15 =	ssub.s32 s16, s10  }
0x35: {  	s14 =	simm.s32 @p0 $0x0;
	p0 =	slt.s32 s15, $0x1  }
.Ltmp3:
0x36: {  	_ = 	snop;
	(pc) =	sbr.rel @p0 .LBB1_9-.Ltmp3, $4  }
0x37: {  	_ = 	snop  }
0x38: {  	_ =	swait.ge [sflag:s4], s14  }
0x39: {  	s31 =	ssub.s32 $0x0, s14;
	[sflag:s4] =	ssyncset.done $0x0  }
0x3a: {  	[sflag:s4] =	ssyncadd.s32 s31  }
0x3b: {  	s16 =	sshll.u32 s9, $0x2  }
0x3c: {  	s16 =	sand.u32 $0x10000, s16  }
0x3d: {  	s16 =	sshrl.u32 s16, $0x2  }
0x3e: {  	s18 =	simm.s32 $0x0;
	s19 =	simm.s32 $0x0;
	s17 =	sor.u32 $0x8000, s16  }
.LBB1_4:
0x3f: {  	s20 =	sshra.s32 s18, $0x2  }
0x40: {  	v0 =	vmov s20;
	_ =	sdelay $0x3  }
0x41: {  	p1 =	por $0x1, $0x1;
	s20 =	simm.s32 $0x0  }
.LBB1_5:
0x42: {  	_ = 	snop  }
0x43: {  	s21 =	sshll.u32 s20, $0xA  }
0x44: {  	s21 =	sand.u32 $0x3FFFFC00, s21  }
0x45: {  	s21 =	sadd.s32 s21, s16  }
0x46: {  	v5 =	vld.idx.msk [tilespmem:v0+s21+$0x70 ss:$0x1], $0xffff  }
0x47: {  	v6 =	vld.idx.msk [tilespmem:v0+s21+$0x10 ss:$0x1], $0xffff  }
0x48: {  	v7 =	vld.idx.msk [tilespmem:v0+s21+$0x20 ss:$0x1], $0xffff  }
0x49: {  	s31 =	sshll.u32 s20, $0x7;
	v1 =	vld.idx.msk [tilespmem:v0+s21+$0x30 ss:$0x1], $0xffff  }
0x4a: {  	s20 =	sand.u32 $0x3FFFFF80, s31;
	v2 =	vld.idx.msk [tilespmem:v0+s21+$0x40 ss:$0x1], $0xffff  }
0x4b: {  	s20 =	sadd.s32 s20, s17;
	v3 =	vld.idx.msk [tilespmem:v0+s21+$0x50 ss:$0x1], $0xffff  }
0x4c: {  	v4 =	vld.idx.msk [tilespmem:v0+s21+$0x60 ss:$0x1], $0xffff;
	[tilespmem:v0+s20+$0x70 ss:$0x1] =	vst.idx.msk $0xffff, v5  }
0x4d: {  	v5 =	vld.idx.msk [tilespmem:v0+s21+$0x0 ss:$0x1], $0xffff;
	[tilespmem:v0+s20+$0x10 ss:$0x1] =	vst.idx.msk $0xffff, v6;
	s21 =	sadd.s32 $0x80, s21  }
0x4e: {  	p0 =	por p1, p1;
	s22 =	simm.s32 $0x6;
	[tilespmem:v0+s20+$0x20 ss:$0x1] =	vst.idx.msk $0xffff, v7;
	v6 =	vld.idx.msk [tilespmem:v0+s21+$0x70 ss:$0x1], $0xffff  }
.LBB1_6:
0x4f: {  	p1 =	sne.s32 s22, $0x1;
	v7 =	vld.idx.msk [tilespmem:v0+s21+$0x10 ss:$0x1], $0xffff;
	[tilespmem:v0+s20+$0x30 ss:$0x1] =	vst.idx.msk $0xffff, v1  }
0x50: {  	v8 =	vld.idx.msk [tilespmem:v0+s21+$0x20 ss:$0x1], $0xffff;
	[tilespmem:v0+s20+$0x40 ss:$0x1] =	vst.idx.msk $0xffff, v2  }
0x51: {  	v1 =	vld.idx.msk [tilespmem:v0+s21+$0x30 ss:$0x1], $0xffff;
	[tilespmem:v0+s20+$0x50 ss:$0x1] =	vst.idx.msk $0xffff, v3  }
.Ltmp4:
0x52: {  	v2 =	vld.idx.msk [tilespmem:v0+s21+$0x40 ss:$0x1], $0xffff;
	[tilespmem:v0+s20+$0x60 ss:$0x1] =	vst.idx.msk $0xffff, v4;
	(pc) =	sbr.rel @p1 .LBB1_6-.Ltmp4, $4  }
0x53: {  	v3 =	vld.idx.msk [tilespmem:v0+s21+$0x50 ss:$0x1], $0xffff;
	[tilespmem:v0+s20+$0x0 ss:$0x1] =	vst.idx.msk $0xffff, v5;
	s20 =	sadd.s32 $0x100, s20  }
0x54: {  	v4 =	vld.idx.msk [tilespmem:v0+s21+$0x60 ss:$0x1], $0xffff;
	[tilespmem:v0+s20+$0x70 ss:$0x1] =	vst.idx.msk $0xffff, v6  }
0x55: {  	v5 =	vld.idx.msk [tilespmem:v0+s21+$0x0 ss:$0x1], $0xffff;
	[tilespmem:v0+s20+$0x10 ss:$0x1] =	vst.idx.msk $0xffff, v7;
	s21 =	sadd.s32 $0x80, s21  }
0x56: {  	s22 =	sadd.s32 $0xFFFFFFFF, s22;
	v6 =	vld.idx.msk [tilespmem:v0+s21+$0x70 ss:$0x1], $0xffff;
	[tilespmem:v0+s20+$0x20 ss:$0x1] =	vst.idx.msk $0xffff, v8  }
0x57: {  	_ =	sdelay $0x3  }
0x58: {  	[tilespmem:v0+s20+$0x30 ss:$0x1] =	vst.idx.msk $0xffff, v1  }
0x59: {  	v1 =	vld.idx.msk [tilespmem:v0+s21+$0x10 ss:$0x1], $0xffff;
	[tilespmem:v0+s20+$0x40 ss:$0x1] =	vst.idx.msk $0xffff, v2  }
0x5a: {  	v2 =	vld.idx.msk [tilespmem:v0+s21+$0x20 ss:$0x1], $0xffff;
	[tilespmem:v0+s20+$0x50 ss:$0x1] =	vst.idx.msk $0xffff, v3  }
0x5b: {  	v61 =	vld.idx.msk [tilespmem:v0+s21+$0x40 ss:$0x1], $0xffff;
	[tilespmem:v0+s20+$0x60 ss:$0x1] =	vst.idx.msk $0xffff, v4  }
0x5c: {  	s31 =	sadd.s32 $0x100, s20;
	v62 =	vld.idx.msk [tilespmem:v0+s21+$0x50 ss:$0x1], $0xffff;
	[tilespmem:v0+s20+$0x0 ss:$0x1] =	vst.idx.msk $0xffff, v5  }
0x5d: {  	v63 =	vld.idx.msk [tilespmem:v0+s21+$0x60 ss:$0x1], $0xffff;
	[tilespmem:v0+s31+$0x70 ss:$0x1] =	vst.idx.msk $0xffff, v6  }
0x5e: {  	v3 =	vld.idx.msk [tilespmem:v0+s21+$0x30 ss:$0x1], $0xffff;
	[tilespmem:v0+s31+$0x10 ss:$0x1] =	vst.idx.msk $0xffff, v1  }
0x5f: {  	v1 =	vld.idx.msk [tilespmem:v0+s21+$0x0 ss:$0x1], $0xffff;
	[tilespmem:v0+s31+$0x20 ss:$0x1] =	vst.idx.msk $0xffff, v2  }
.Ltmp5:
0x60: {  	[tilespmem:v0+s31+$0x40 ss:$0x1] =	vst.idx.msk $0xffff, v61;
	(pc) =	sbr.rel @p0 .LBB1_5-.Ltmp5, $4  }
0x61: {  	[tilespmem:v0+s31+$0x50 ss:$0x1] =	vst.idx.msk $0xffff, v62  }
0x62: {  	[tilespmem:v0+s31+$0x60 ss:$0x1] =	vst.idx.msk $0xffff, v63  }
0x63: {  	[tilespmem:v0+s31+$0x30 ss:$0x1] =	vst.idx.msk $0xffff, v3  }
0x64: {  	p1 =	por $0x0, $0x0;
	s20 =	simm.s32 $0x1;
	[tilespmem:v0+s31+$0x0 ss:$0x1] =	vst.idx.msk $0xffff, v1  }
0x65: {  	s19 =	sadd.s32 $0x1, s19  }
0x66: {  	p0 =	sne.s32 s19, s15  }
.Ltmp6:
0x67: {  	_ = 	snop;
	(pc) =	sbr.rel @p0 .LBB1_4-.Ltmp6, $4  }
.Ltmp7:
0x68: {  	_ = 	snop;
	(pc) =	sbr.rel @!p0 .LBB1_9-.Ltmp7, $4  }
0x69: {  	_ = 	snop  }
0x6a: {  	_ = 	snop  }
0x6b: {  	s18 =	sadd.s32 $0x2000, s18  }
0x6c: {  	_ = 	snop  }
.LBB1_11:
0x6d: {  	_ =	sfence.sel $0x180000  }
0x6e: {  	s2 =	simm.s32 $0x1;
	[bflag:$0x0] =	sbarrier.arrive $0xFFFF  }
0x6f: {  	s31 =	simm.s32 $0x2;
	[sflag:s2] =	ssyncpa.u1 $0x1  }
0x70: {  	[sflag:s31] =	ssyncpa.u1 $0x1  }
0x71: {  	p0 =	sne.s32 s1, $0x0;
	_ =	strace $0x90000050  }
0x72: {  	s0 =	sadd.s32 @!p0 $0x100000, s0;
	[bflag:$0x2] =	sbarrier.arrive $0xFFFF  }
0x73: {  	[sflag:s0] =	ssyncadd.tile.s32 @!p0 $0x1;
	_ =	shalt  }
.Lfunc_end1:
_tile_overlayer_lowered:
.L_overlay_start_2:
0x74: {  	(tag) =	ssettag $0x2  }
0x75: {  	s0 =	rddreg [dreg:$0x0];
	s2 =	stileid.u32  }
0x76: {  	s1 =	rddreg [dreg:$0x1];
	p0 =	sne.s32 s2, $0x0  }
0x77: {  	s3 =	rddreg [dreg:$0x2];
	[bflag:$0x3] =	sbarrier.arrive $0xFFFF;
	s2 =	simm.s32 @!p0 $0x1C01  }
0x78: {  	[timem:s3], [sflag:s2] =	dma.local @!p0 [hbm:s0], s1  }
0x79: {  	s0 =	simm.s32 @!p0 $0x1  }
0x7a: {  	_ =	swait.ge @!p0 [sflag:s0], s1  }
0x7b: {  	s1 =	ssub.s32 @!p0 $0x0, s1;
	[sflag:s0] =	ssyncset.done @!p0 $0x0  }
0x7c: {  	[sflag:s0] =	ssyncadd.s32 @!p0 s1  }
0x7d: {  	[bflag:$0x3] =	sbarrier.arrive $0xFFFF  }
0x7e: {  	_ =	shalt  }

// kernel: sparse-core-data-format-call.cloned.1.call-start
scs
called_computation_lowered:
.L_overlay_start_0:
0x0: {  	s2 =	sld [smem:$0x3FD9]  }
0x1: {  	s3 =	sld [smem:$0x3FFE];
	_ =	sdelay $0x1  }
0x2: {  	s1 =	srdreg.scid  }
0x3: {  	s0 =	sand.u32 $0x1, s1  }
0x4: {  	s18 =	sshll.u32 s0, $0xA;
	s2 =	sadd.s32 s3, s2  }
0x5: {  	s2 =	sadd.s32 s2, s18  }
0x6: {  	[smem:$0x3FA5] =	sst s2  }
0x7: {  	_ = 	snop  }
0x8: {  	(tm) =	ssettm $0x1  }
0x9: {  	s19 =	sld [smem:$0x3FFB];
	_ =	sdelay $0x3  }
0xa: {  	_ =	strace s19  }
0xb: {  	s2 =	sld [smem:$0x3FFC];
	_ =	sdelay $0x3  }
0xc: {  	_ =	strace s2  }
0xd: {  	s2 =	sld [smem:$0x3FFD];
	_ =	sdelay $0x3  }
0xe: {  	_ =	strace s2  }
0xf: {  	_ =	strace $0x8FFFFFFF  }
0x10: {  	s20 =	sld [smem:$0x3FDB];
	_ =	sdelay $0x1  }
0x11: {  	s21 =	simm.s32 $_scs_section_size  }
0x12: {  	s4 =	simm.s32 $_size__tile_overlayer_lowered;
	s5 =	simm.s32 $_tile_overlayer_lowered  }
0x13: {  	s6 =	simm.s32 $0x1BFF;
	s22 =	sshll.u32 s5, $0x1;
	s3 =	sadd.s32 s21, s20  }
0x14: {  	s23 =	simm.s32 $0x0;
	s4 =	sshll.u32 s4, $0x1;
	s5 =	sadd.s32 s22, s3  }
0x15: {  	[timem:s23], [sflag:s6] =	dma.local [hbm:s5], s4  }
0x16: {  	_ =	swait.ge [sflag:s6], s4  }
0x17: {  	s4 =	ssub.s32 $0x0, s4;
	[sflag:s6] =	ssyncset.done $0x0  }
0x18: {  	[sflag:s6] =	ssyncadd.s32 s4;
	_ =	sdelay $0x1  }
0x19: {  	s24 =	simm.s32 $0x1B8B  }
0x1a: {  	_ =	swait.ge [sflag:s24], $0x1  }
0x1b: {  	[sflag:s24] =	ssyncset.done $0x0  }
0x1c: {  	[sflag:s24] =	ssyncadd.s32 $0xFFFFFFFF  }
0x1d: {  	s4 =	sld [smem:$0x0]  }
0x1e: {  	s5 =	sand.u32 $0xFFFFFFFE, s1  }
0x1f: {  	p0 =	sne.s32 s1, s5  }
0x20: {  	s5 =	sshll.u32 @p0 s5, $0xE  }
0x21: {  	s5 =	sadd.s32 @p0 $0x11B8D, s5;
	s6 =	sshll.u32 @p0 s4, $0x11  }
0x22: {  	s5 =	sor.u32 @p0 s6, s5  }
0x23: {  	[sflag:s5] =	ssyncadd.remote.s32 @p0 $0x1;
	_ =	sdelay $0x1  }
0x24: {  	s5 =	simm.s32 @p0 $0x1B8D  }
0x25: {  	_ =	swait.eq @p0 [sflag:s5], $0x1  }
0x26: {  	[sflag:s5] =	ssyncadd.s32 @p0 $0xFFFFFFFF  }
0x27: {  	s6 =	sshll.u32 @!p0 s1, $0xE  }
0x28: {  	s6 =	sor.u32 @!p0 $0x4000, s6;
	s5 =	simm.s32 @!p0 $0x1B8D  }
0x29: {  	s4 =	sshll.u32 @!p0 s4, $0x11;
	s6 =	sadd.s32 @!p0 $0x11B8D, s6;
	_ =	swait.eq @!p0 [sflag:s5], $0x1  }
0x2a: {  	s4 =	sor.u32 @!p0 s4, s6;
	[sflag:s5] =	ssyncadd.s32 @!p0 $0xFFFFFFFF  }
0x2b: {  	s26 =	simm.s32 $0x1B8E;
	s25 =	sld [smem:$0x3FFE];
	[sflag:s4] =	ssyncadd.remote.s32 @!p0 $0x1  }
0x2c: {  	s27 =	simm.s32 $execute0_lowered;
	[smem:$0x3FD2] =	sst s26  }
0x2d: {  	s5 =	sshll.u32 s27, $0x1;
	_ =	strace $0x8000004C;
	[dreg:$0x1] =	wrdreg $0xFFFFFFFF  }
0x2e: {  	s28 =	simm.s32 $_size_execute0_lowered;
	s3 =	sadd.s32 s3, s5;
	[dreg:$0x0] =	wrdreg $0x0  }
0x2f: {  	s5 =	sshll.u32 s28, $0x1;
	[dreg:$0x2] =	wrdreg s3  }
0x30: {  	[dreg:$0x3] =	wrdreg s5  }
0x31: {  	[dreg:$0x4] =	wrdreg $0xC0  }
0x32: {  	_ =	task [dreg:s23], $0x5FFFF  }
0x33: {  	[dreg:$0x1] =	wrdreg $0xFFFFFFFF  }
0x34: {  	[dreg:$0x0] =	wrdreg $0x60  }
0x35: {  	[dreg:$0x2] =	wrdreg s25  }
0x36: {  	[dreg:$0x3] =	wrdreg $0x9  }
0x37: {  	_ =	task.clear_ibuf [dreg:s23], $0x4FFFF;
	_ =	strace $0x9000004C  }
0x38: {  	s29 =	simm.s32 $0x9;
	_ =	strace $0x8000004E  }
0x39: {  	_ =	swait.ge [sflag:s29], $0x1  }
0x3a: {  	[sflag:s29] =	ssyncadd.s32 $0xFFFFFFFF  }
0x3b: {  	_ =	strace $0x9000004E  }
0x3c: {  	_ =	sfence  }
0x3d: {  	s30 =	sld [smem:$0x0];
	_ =	sdelay $0x2  }
0x3e: {  	s31 =	sshll.u32 s1, $0xD;
	s1 =	sshrl.u32 s1, $0x2  }
0x3f: {  	s4 =	sand.u32 $0x4000, s31;
	s1 =	sadd.s32 s1, s30  }
0x40: {  	s0 =	sor.u32 s4, s0;
	s1 =	sshll.u32 s1, $0x11  }
0x41: {  	s0 =	sor.u32 s1, s0  }
0x42: {  	s0 =	sadd.s32 $0x8F2B, s0  }
0x43: {  	[sflag:s0] =	ssyncadd.remote.s32 $0x1  }
0x44: {  	_ =	sfence.sel $0xFFFF  }
0x45: {  	[dreg:$0x0] =	wrdreg $0xFFFFFFFF;
	(pc) =	sbr.abs _section_cstart, $3  }
0x46: {  	[dreg:$0x1] =	wrdreg $0xFFFFFFFF  }
0x47: {  	_ =	task.clear_ibuf [dreg:s23], $0x2FFFF;
	_ =	strace $0x9FFFFFFF  }
0x48: {  	(tm) =	ssettm $0x7FFFFFFF  }
0x49: {  	_ =	shalt  }
tec
execute0_lowered:
.L_overlay_start_1:
0x0: {  	(tag) =	ssettag $0x1  }
0x1: {  	s0 =	srdreg.scid  }
0x2: {  	s5 =	rddreg [dreg:$0x0];
	s1 =	stileid.u32;
	s4 =	simm.s32 $0x1  }
0x3: {  	s6 =	simm.s32 $0x2;
	s8 =	simm.s32 $0x0;
	s2 =	sshll.u32 s0, $0x4  }
0x4: {  	s9 =	simm.s32 $0x0;
	s13 =	simm.s32 $0x0;
	s2 =	sand.u32 $0x10, s2  }
.Ltmp0:
0x5: {  	s10 =	simm.s32 $0x0;
	s3 =	sor.u32 s1, s2;
	(pc) =	sbr.rel .LBB1_1-.Ltmp0, $4  }
0x6: {  	s0 =	rddreg [dreg:$0x1];
	_ =	strace $0x8000004D;
	s3 =	sshll.u32 s3, $0x3  }
0x7: {  	s12 =	simm.s32 $0x0;
	[sflag:s4] =	ssyncpa.u1 $0x0;
	s7 =	ssub.s32 $0x30D0, s3  }
0x8: {  	s2 =	sadd.s32 $0x7AAE00, s5;
	[sflag:s6] =	ssyncpa.u1 $0x0;
	s6 =	sshrl.u32 s7, $0x8  }
0x9: {  	s5 =	sadd.s32 $0x190600, s5;
	s11 =	smov.u32 s3;
	s7 =	sadd.s32 $0x2, s6  }
.LBB1_9:
0xa: {  	s15 =	sshll.u32 s12, $0xE  }
0xb: {  	s16 =	sshll.u32 s10, $0x8;
	s15 =	sand.u32 $0x4000, s15  }
0xc: {  	s16 =	sadd.s32 s5, s16;
	s15 =	sor.u32 $0x8000, s15  }
0xd: {  	[hbm4b:s16+s8] =	stream.linear.scatter [tilespmem:s15], [sflag:$0x2], s14, $0x38;
	[tilespmem:$0x10000] =	vst v63  }
.LBB1_10:
0xe: {  	p0 =	slt.u32 s12, $0x2  }
0xf: {  	p1 =	sgt.s32 @!p0 s13, $0x30CC  }
0x10: {  	s14 =	smov.u32 s13;
	s15 =	sshra.s32 @!p0 s13, $0x1F;
	p1 =	por !p1, p0  }
0x11: {  	s13 =	sand.u32 @!p0 s15, s13;
	s14 =	simm.s32 @p1 $0x30CC  }
0x12: {  	s13 =	ssub.s32 @!p0 s14, s13  }
0x13: {  	s13 =	sadd.s32 @!p0 $0xFFFFCF34, s13  }
0x14: {  	s14 =	sshll.u32 @!p0 s13, $0xD  }
0x15: {  	p1 =	sgt.s32 @!p0 s13, $0x7;
	s13 =	ssub.s32 @!p0 $0x10000, s14  }
0x16: {  	s15 =	sadd.s32 $0x100, s11;
	p1 =	por !p1, p0;
	s13 =	sshrl.u32 @!p0 s13, $0x2  }
0x17: {  	s13 =	simm.s32 @!p1 $0x0;
	p1 =	sgt.s32 s15, $0x30D3  }
0x18: {  	s15 =	smov.u32 @p1 s3;
	p1 =	sne.s32 s12, s7  }
.Ltmp1:
0x19: {  	_ = 	snop;
	(pc) =	sbr.rel @!p1 .LBB1_11-.Ltmp1, $4  }
0x1a: {  	s14 =	simm.s32 @!p0 $0x2  }
0x1b: {  	s9 =	sadd.s32 $0x4000, s9;
	_ =	swait.ge @!p0 [sflag:s14], s13;
	s16 =	ssub.s32 @!p0 $0x0, s13  }
0x1c: {  	s13 =	smov.u32 s10;
	s12 =	sadd.s32 $0x1, s12;
	[sflag:s14] =	ssyncset.done @!p0 $0x0  }
0x1d: {  	s10 =	smov.u32 s11;
	s11 =	smov.u32 s15;
	[sflag:s14] =	ssyncadd.s32 @!p0 s16  }
.LBB1_1:
0x1e: {  	p0 =	sgt.u32 s12, s6  }
0x1f: {  	p1 =	sgt.s32 @!p0 s11, $0x30CC  }
0x20: {  	s14 =	smov.u32 s11;
	s15 =	sshra.s32 @!p0 s11, $0x1F;
	p1 =	por !p1, p0  }
0x21: {  	s15 =	sand.u32 @!p0 s15, s11;
	s14 =	simm.s32 @p1 $0x30CC  }
0x22: {  	s14 =	ssub.s32 @!p0 s14, s15  }
0x23: {  	s14 =	sadd.s32 @!p0 $0xFFFFCF34, s14  }
0x24: {  	s17 =	simm.s32 @!p0 $0x0;
	s15 =	sxor.u32 @!p0 $0xFFFFFFFF, s12;
	s16 =	sshll.u32 @!p0 s14, $0xD  }
0x25: {  	s15 =	sshll.u32 @!p0 s15, $0xE;
	p1 =	sgt.s32 @!p0 s14, $0x7;
	s14 =	ssub.s32 @!p0 $0x10000, s16  }
0x26: {  	p1 =	por !p1, p0;
	s16 =	sshll.u32 @!p0 s11, $0x8;
	s14 =	sshrl.u32 @!p0 s14, $0x2  }
0x27: {  	s15 =	sand.u32 @!p0 $0x4000, s15;
	s16 =	sadd.s32 @!p0 s2, s16;
	s14 =	simm.s32 @!p1 $0x0  }
0x28: {  	[tilespmem:s15], [sflag:$0x1] =	stream.linear.gather @!p0 [hbm4b:s16+s17], s14, $0x38;
	[tilespmem:$0x10000] =	vst v63  }
0x29: {  	p0 =	seq.s32 s12, $0x0  }
0x2a: {  	p1 =	sge.u32 @!p0 s12, s7  }
0x2b: {  	p0 =	por p0, p1  }
.Ltmp2:
0x2c: {  	_ = 	snop;
	(pc) =	sbr.rel @p0 .LBB1_10-.Ltmp2, $1  }
0x2d: {  	_ =	sdelay $0x3  }
0x2e: {  	p0 =	sgt.s32 s10, $0x30CC;
	s14 =	smov.u32 s10;
	s15 =	sshra.s32 s10, $0x1F  }
0x2f: {  	s14 =	simm.s32 @!p0 $0x30CC;
	s15 =	sand.u32 s15, s10  }
0x30: {  	s14 =	ssub.s32 s14, s15  }
0x31: {  	s16 =	sadd.s32 $0x8, s10;
	s14 =	sadd.s32 $0xFFFFCF34, s14  }
0x32: {  	p1 =	slt.s32 s16, $0x30D4;
	s30 =	sshll.u32 s14, $0xD  }
0x33: {  	s16 =	simm.s32 @!p1 $0x30D4;
	s15 =	ssub.s32 $0x10000, s30  }
0x34: {  	p0 =	sgt.s32 s14, $0x7;
	s14 =	sshrl.u32 s15, $0x2;
	s15 =	ssub.s32 s16, s10  }
0x35: {  	s14 =	simm.s32 @p0 $0x0;
	p0 =	slt.s32 s15, $0x1  }
.Ltmp3:
0x36: {  	_ = 	snop;
	(pc) =	sbr.rel @p0 .LBB1_9-.Ltmp3, $4  }
0x37: {  	_ = 	snop  }
0x38: {  	_ =	swait.ge [sflag:s4], s14  }
0x39: {  	s31 =	ssub.s32 $0x0, s14;
	[sflag:s4] =	ssyncset.done $0x0  }
0x3a: {  	[sflag:s4] =	ssyncadd.s32 s31  }
0x3b: {  	s16 =	sshll.u32 s9, $0x2  }
0x3c: {  	s16 =	sand.u32 $0x10000, s16  }
0x3d: {  	s16 =	sshrl.u32 s16, $0x2  }
0x3e: {  	s18 =	simm.s32 $0x0;
	s19 =	simm.s32 $0x0;
	s17 =	sor.u32 $0x8000, s16  }
.LBB1_4:
0x3f: {  	s20 =	sshra.s32 s18, $0x2  }
0x40: {  	v0 =	vmov s20;
	_ =	sdelay $0x3  }
0x41: {  	p1 =	por $0x1, $0x1;
	s20 =	simm.s32 $0x0  }
.LBB1_5:
0x42: {  	_ = 	snop  }
0x43: {  	s21 =	sshll.u32 s20, $0xA  }
0x44: {  	s21 =	sand.u32 $0x3FFFFC00, s21  }
0x45: {  	s21 =	sadd.s32 s21, s16  }
0x46: {  	v5 =	vld.idx.msk [tilespmem:v0+s21+$0x70 ss:$0x1], $0xffff  }
0x47: {  	v6 =	vld.idx.msk [tilespmem:v0+s21+$0x10 ss:$0x1], $0xffff  }
0x48: {  	v7 =	vld.idx.msk [tilespmem:v0+s21+$0x20 ss:$0x1], $0xffff  }
0x49: {  	s31 =	sshll.u32 s20, $0x7;
	v1 =	vld.idx.msk [tilespmem:v0+s21+$0x30 ss:$0x1], $0xffff  }
0x4a: {  	s20 =	sand.u32 $0x3FFFFF80, s31;
	v2 =	vld.idx.msk [tilespmem:v0+s21+$0x40 ss:$0x1], $0xffff  }
0x4b: {  	s20 =	sadd.s32 s20, s17;
	v3 =	vld.idx.msk [tilespmem:v0+s21+$0x50 ss:$0x1], $0xffff  }
0x4c: {  	v4 =	vld.idx.msk [tilespmem:v0+s21+$0x60 ss:$0x1], $0xffff;
	[tilespmem:v0+s20+$0x70 ss:$0x1] =	vst.idx.msk $0xffff, v5  }
0x4d: {  	v5 =	vld.idx.msk [tilespmem:v0+s21+$0x0 ss:$0x1], $0xffff;
	[tilespmem:v0+s20+$0x10 ss:$0x1] =	vst.idx.msk $0xffff, v6;
	s21 =	sadd.s32 $0x80, s21  }
0x4e: {  	p0 =	por p1, p1;
	s22 =	simm.s32 $0x6;
	[tilespmem:v0+s20+$0x20 ss:$0x1] =	vst.idx.msk $0xffff, v7;
	v6 =	vld.idx.msk [tilespmem:v0+s21+$0x70 ss:$0x1], $0xffff  }
.LBB1_6:
0x4f: {  	p1 =	sne.s32 s22, $0x1;
	v7 =	vld.idx.msk [tilespmem:v0+s21+$0x10 ss:$0x1], $0xffff;
	[tilespmem:v0+s20+$0x30 ss:$0x1] =	vst.idx.msk $0xffff, v1  }
0x50: {  	v8 =	vld.idx.msk [tilespmem:v0+s21+$0x20 ss:$0x1], $0xffff;
	[tilespmem:v0+s20+$0x40 ss:$0x1] =	vst.idx.msk $0xffff, v2  }
0x51: {  	v1 =	vld.idx.msk [tilespmem:v0+s21+$0x30 ss:$0x1], $0xffff;
	[tilespmem:v0+s20+$0x50 ss:$0x1] =	vst.idx.msk $0xffff, v3  }
.Ltmp4:
0x52: {  	v2 =	vld.idx.msk [tilespmem:v0+s21+$0x40 ss:$0x1], $0xffff;
	[tilespmem:v0+s20+$0x60 ss:$0x1] =	vst.idx.msk $0xffff, v4;
	(pc) =	sbr.rel @p1 .LBB1_6-.Ltmp4, $4  }
0x53: {  	v3 =	vld.idx.msk [tilespmem:v0+s21+$0x50 ss:$0x1], $0xffff;
	[tilespmem:v0+s20+$0x0 ss:$0x1] =	vst.idx.msk $0xffff, v5;
	s20 =	sadd.s32 $0x100, s20  }
0x54: {  	v4 =	vld.idx.msk [tilespmem:v0+s21+$0x60 ss:$0x1], $0xffff;
	[tilespmem:v0+s20+$0x70 ss:$0x1] =	vst.idx.msk $0xffff, v6  }
0x55: {  	v5 =	vld.idx.msk [tilespmem:v0+s21+$0x0 ss:$0x1], $0xffff;
	[tilespmem:v0+s20+$0x10 ss:$0x1] =	vst.idx.msk $0xffff, v7;
	s21 =	sadd.s32 $0x80, s21  }
0x56: {  	s22 =	sadd.s32 $0xFFFFFFFF, s22;
	v6 =	vld.idx.msk [tilespmem:v0+s21+$0x70 ss:$0x1], $0xffff;
	[tilespmem:v0+s20+$0x20 ss:$0x1] =	vst.idx.msk $0xffff, v8  }
0x57: {  	_ =	sdelay $0x3  }
0x58: {  	[tilespmem:v0+s20+$0x30 ss:$0x1] =	vst.idx.msk $0xffff, v1  }
0x59: {  	v1 =	vld.idx.msk [tilespmem:v0+s21+$0x10 ss:$0x1], $0xffff;
	[tilespmem:v0+s20+$0x40 ss:$0x1] =	vst.idx.msk $0xffff, v2  }
0x5a: {  	v2 =	vld.idx.msk [tilespmem:v0+s21+$0x20 ss:$0x1], $0xffff;
	[tilespmem:v0+s20+$0x50 ss:$0x1] =	vst.idx.msk $0xffff, v3  }
0x5b: {  	v61 =	vld.idx.msk [tilespmem:v0+s21+$0x40 ss:$0x1], $0xffff;
	[tilespmem:v0+s20+$0x60 ss:$0x1] =	vst.idx.msk $0xffff, v4  }
0x5c: {  	s31 =	sadd.s32 $0x100, s20;
	v62 =	vld.idx.msk [tilespmem:v0+s21+$0x50 ss:$0x1], $0xffff;
	[tilespmem:v0+s20+$0x0 ss:$0x1] =	vst.idx.msk $0xffff, v5  }
0x5d: {  	v63 =	vld.idx.msk [tilespmem:v0+s21+$0x60 ss:$0x1], $0xffff;
	[tilespmem:v0+s31+$0x70 ss:$0x1] =	vst.idx.msk $0xffff, v6  }
0x5e: {  	v3 =	vld.idx.msk [tilespmem:v0+s21+$0x30 ss:$0x1], $0xffff;
	[tilespmem:v0+s31+$0x10 ss:$0x1] =	vst.idx.msk $0xffff, v1  }
0x5f: {  	v1 =	vld.idx.msk [tilespmem:v0+s21+$0x0 ss:$0x1], $0xffff;
	[tilespmem:v0+s31+$0x20 ss:$0x1] =	vst.idx.msk $0xffff, v2  }
.Ltmp5:
0x60: {  	[tilespmem:v0+s31+$0x40 ss:$0x1] =	vst.idx.msk $0xffff, v61;
	(pc) =	sbr.rel @p0 .LBB1_5-.Ltmp5, $4  }
0x61: {  	[tilespmem:v0+s31+$0x50 ss:$0x1] =	vst.idx.msk $0xffff, v62  }
0x62: {  	[tilespmem:v0+s31+$0x60 ss:$0x1] =	vst.idx.msk $0xffff, v63  }
0x63: {  	[tilespmem:v0+s31+$0x30 ss:$0x1] =	vst.idx.msk $0xffff, v3  }
0x64: {  	p1 =	por $0x0, $0x0;
	s20 =	simm.s32 $0x1;
	[tilespmem:v0+s31+$0x0 ss:$0x1] =	vst.idx.msk $0xffff, v1  }
0x65: {  	s19 =	sadd.s32 $0x1, s19  }
0x66: {  	p0 =	sne.s32 s19, s15  }
.Ltmp6:
0x67: {  	_ = 	snop;
	(pc) =	sbr.rel @p0 .LBB1_4-.Ltmp6, $4  }
.Ltmp7:
0x68: {  	_ = 	snop;
	(pc) =	sbr.rel @!p0 .LBB1_9-.Ltmp7, $4  }
0x69: {  	_ = 	snop  }
0x6a: {  	_ = 	snop  }
0x6b: {  	s18 =	sadd.s32 $0x2000, s18  }
0x6c: {  	_ = 	snop  }
.LBB1_11:
0x6d: {  	_ =	sfence.sel $0x180000  }
0x6e: {  	s2 =	simm.s32 $0x1;
	[bflag:$0x0] =	sbarrier.arrive $0xFFFF  }
0x6f: {  	s31 =	simm.s32 $0x2;
	[sflag:s2] =	ssyncpa.u1 $0x1  }
0x70: {  	[sflag:s31] =	ssyncpa.u1 $0x1  }
0x71: {  	p0 =	sne.s32 s1, $0x0;
	_ =	strace $0x9000004D  }
0x72: {  	s0 =	sadd.s32 @!p0 $0x100000, s0;
	[bflag:$0x2] =	sbarrier.arrive $0xFFFF  }
0x73: {  	[sflag:s0] =	ssyncadd.tile.s32 @!p0 $0x1;
	_ =	shalt  }
.Lfunc_end1:
_tile_overlayer_lowered:
.L_overlay_start_2:
0x74: {  	(tag) =	ssettag $0x2  }
0x75: {  	s0 =	rddreg [dreg:$0x0];
	s2 =	stileid.u32  }
0x76: {  	s1 =	rddreg [dreg:$0x1];
	p0 =	sne.s32 s2, $0x0  }
0x77: {  	s3 =	rddreg [dreg:$0x2];
	[bflag:$0x3] =	sbarrier.arrive $0xFFFF;
	s2 =	simm.s32 @!p0 $0x1C01  }
0x78: {  	[timem:s3], [sflag:s2] =	dma.local @!p0 [hbm:s0], s1  }
0x79: {  	s0 =	simm.s32 @!p0 $0x1  }
0x7a: {  	_ =	swait.ge @!p0 [sflag:s0], s1  }
0x7b: {  	s1 =	ssub.s32 @!p0 $0x0, s1;
	[sflag:s0] =	ssyncset.done @!p0 $0x0  }
0x7c: {  	[sflag:s0] =	ssyncadd.s32 @!p0 s1  }
0x7d: {  	[bflag:$0x3] =	sbarrier.arrive $0xFFFF  }
0x7e: {  	_ =	shalt  }

</sc_bundles>
